<compile_context>
chip_gen: v7x
topology: tpu7x:2x2x1
jax: 0.10.2.dev20260603
libtpu: 0.0.44.dev20260713+nightly
codegen_flags: <defaults>
</compile_context>

<pallas_src>
import functools

import jax
import jax.numpy as jnp
from jax import lax
from jax.experimental import pallas as pl
from jax.experimental.pallas import tpu as pltpu
from jax.experimental.pallas import tpu_sc as plsc

N = 16777216
THRESHOLD = 0.5
NC = 2
NS = 16
NW = NC * NS
L = 16
W = N // NW
S = 16384
NSUB = W // S
VECS = S // L
FS = 2 * S
NF = W // FS
CS = 32768
CNSUB = W // CS
CVECS = CS // L
U = 8
ZS = 16384

_mesh = plsc.VectorSubcoreMesh(
    core_axis_name="c", subcore_axis_name="s", num_cores=NC, num_subcores=NS
)
_params = pltpu.CompilerParams(needs_layout_passes=False)


def _worker_id():
    return lax.axis_index("s") * NC + lax.axis_index("c")


@functools.partial(
    pl.kernel,
    out_type=jax.ShapeDtypeStruct((NW * 8,), jnp.int32),
    mesh=_mesh,
    scratch_types=[
        pltpu.VMEM((CS,), jnp.float32),
        pltpu.VMEM((CS,), jnp.float32),
        pltpu.VMEM((L,), jnp.int32),
        pltpu.SemaphoreType.DMA,
        pltpu.SemaphoreType.DMA,
    ],
    compiler_params=_params,
)
def _count_kernel(x_hbm, counts_hbm, in0, in1, stage_v, sem0, sem1):
    w = _worker_id()
    base = pl.multiple_of(w * W, 8)

    def chunk_src(j):
        return x_hbm.at[pl.ds(base + j * CS, CS)]

    def scan_buf(buf, acc):
        def inner(k, acc):
            for u in range(U):
                off = pl.multiple_of(k * (U * L), 8) + u * L
                xv = buf[pl.ds(off, L)]
                acc = acc + jnp.where(xv >= THRESHOLD, 1, 0)
            return acc

        return lax.fori_loop(0, CVECS // U, inner, acc)

    pltpu.async_copy(chunk_src(0), in0, sem0)
    pltpu.async_copy(chunk_src(1), in1, sem1)

    def sub2(jj, acc):
        j0 = 2 * jj
        pltpu.make_async_copy(chunk_src(j0), in0, sem0).wait()
        acc = scan_buf(in0, acc)

        @pl.when(j0 + 2 < CNSUB)
        def _():
            pltpu.async_copy(chunk_src(j0 + 2), in0, sem0)

        pltpu.make_async_copy(chunk_src(j0 + 1), in1, sem1).wait()
        acc = scan_buf(in1, acc)

        @pl.when(j0 + 3 < CNSUB)
        def _():
            pltpu.async_copy(chunk_src(j0 + 3), in1, sem1)

        return acc

    acc = lax.fori_loop(0, CNSUB // 2, sub2, jnp.zeros((L,), jnp.int32))
    stage_v[...] = jnp.full((L,), jnp.sum(acc), jnp.int32)
    pltpu.sync_copy(
        stage_v.at[pl.ds(0, 8)], counts_hbm.at[pl.ds(pl.multiple_of(w * 8, 8), 8)]
    )


@functools.partial(
    pl.kernel,
    out_type=(
        jax.ShapeDtypeStruct((N,), jnp.float32),
        jax.ShapeDtypeStruct((8,), jnp.int32),
    ),
    mesh=_mesh,
    scratch_types=[
        pltpu.VMEM((S,), jnp.float32),
        pltpu.VMEM((S,), jnp.float32),
        pltpu.VMEM((FS + 32,), jnp.float32),
        pltpu.VMEM((FS + 32,), jnp.float32),
        pltpu.VMEM((ZS,), jnp.float32),
        pltpu.VMEM((NW * 8,), jnp.int32),
        pltpu.VMEM((L,), jnp.int32),
        pltpu.VMEM((L,), jnp.float32),
        pltpu.VMEM((L,), jnp.int32),
        pltpu.VMEM((L,), jnp.float32),
        pltpu.VMEM((L,), jnp.int32),
        pltpu.SemaphoreType.DMA,
        pltpu.SemaphoreType.DMA,
        pltpu.SemaphoreType.DMA,
        pltpu.SemaphoreType.DMA,
    ],
    compiler_params=_params,
)
def _compact_kernel(
    x_hbm,
    counts_hbm,
    out_hbm,
    cnt_hbm,
    in0,
    in1,
    cmp0,
    cmp1,
    zero_v,
    cnts_v,
    idx_v,
    val_v,
    idx_w,
    val_w,
    st_v,
    sem0,
    sem1,
    csem0,
    csem1,
):
    w = _worker_id()
    base = pl.multiple_of(w * W, 8)
    lane = lax.iota(jnp.int32, L)

    def chunk_src(j):
        return x_hbm.at[pl.ds(base + j * S, S)]

    pltpu.async_copy(chunk_src(0), in0, sem0)
    pltpu.async_copy(chunk_src(1), in1, sem1)

    pltpu.sync_copy(counts_hbm, cnts_v)

    def red(k, accs):
        ao, at = accs
        v = cnts_v[pl.ds(k * L, L)]
        gi = 2 * k + jnp.where(lane >= 8, 1, 0)
        ok = (lane & 7) == 0
        ao = ao + jnp.where(ok & (gi < w), v, 0)
        at = at + jnp.where(ok, v, 0)
        return ao, at

    z16 = jnp.zeros((L,), jnp.int32)
    ao, at = lax.fori_loop(0, NW // 2, red, (z16, z16))
    off = jnp.sum(ao)
    total = jnp.sum(at)

    def zfill(k, _):
        zero_v[pl.ds(k * L, L)] = jnp.zeros((L,), jnp.float32)
        return 0

    lax.fori_loop(0, ZS // L, zfill, 0)

    def scatter16(idx, vals):
        idx_v[...] = idx
        val_v[...] = vals
        pltpu.sync_copy(val_v, out_hbm.at[idx_v])

    def lane0(vals):
        return jnp.sum(jnp.where(lane == 0, vals, 0.0))

    def flush_dmas(cmpb, sem, idxb, valb, mid, la, a, c, fire):
        @pl.when(c > 0)
        def _():
            d = pltpu.make_async_copy(valb, out_hbm.at[idxb], sem)
            d.start() if fire else d.wait()

        ch = FS
        while ch >= 8:
            hi = mid & (~(2 * ch - 1))

            @pl.when((mid & ch) != 0)
            def _(ch=ch, hi=hi):
                src = cmpb.at[pl.ds(pl.multiple_of(la + hi, 8), ch)]
                dst = out_hbm.at[pl.ds(pl.multiple_of(a + hi, 8), ch)]
                if fire:
                    pltpu.async_copy(src, dst, sem)
                else:
                    pltpu.make_async_copy(src, dst, sem).wait()

            ch //= 2

    def process(j, cmpb, sem, idxb, valb, cur):
        ptr0 = cur & 7

        def compact_buf(buf, ptrv):
            def inner(k, ptrv):
                o = pl.multiple_of(k * L, 8)
                xv = buf[pl.ds(o, L)]
                m = xv >= THRESHOLD
                mi = jnp.where(m, 1, 0)
                rank = plsc.cumsum(mi) - mi
                plsc.store_scatter(cmpb, [ptrv + rank], xv, mask=m)
                return ptrv + plsc.all_reduce_population_count(m)

            return plsc.parallel_loop(0, VECS, 1, unroll=U, carry=ptrv)(inner)

        pltpu.make_async_copy(chunk_src(j), in0, sem0).wait()
        ptrv = compact_buf(in0, jnp.full((L,), ptr0, jnp.int32))

        @pl.when(j + 2 < NSUB)
        def _():
            pltpu.async_copy(chunk_src(j + 2), in0, sem0)

        pltpu.make_async_copy(chunk_src(j + 1), in1, sem1).wait()
        ptrv = compact_buf(in1, ptrv)

        @pl.when(j + 3 < NSUB)
        def _():
            pltpu.async_copy(chunk_src(j + 3), in1, sem1)

        c = jnp.max(ptrv) - ptr0

        e = cur + c
        a = jnp.minimum(cur + ((-cur) & 7), e)
        b = jnp.maximum(e - (e & 7), a)
        fl8 = cur - ptr0

        hl = a - cur
        tl = e - b
        lb = b - fl8

        @pl.when(c > 0)
        def _():
            li = jnp.where(
                lane < hl,
                ptr0 + lane,
                jnp.where(lane < hl + tl, lb + (lane - hl), ptr0),
            )
            gi = jnp.where(
                lane < hl,
                cur + lane,
                jnp.where(lane < hl + tl, b + (lane - hl), cur),
            )
            idxb[...] = gi
            valb[...] = plsc.load_gather(cmpb, [li])

        mid = b - a
        la = a - fl8
        flush_dmas(cmpb, sem, idxb, valb, mid, la, a, c, fire=True)
        return e, mid, la, a, c

    zero4 = (jnp.int32(0),) * 4

    def sub2(ff, st):
        cur, f0, f1 = st
        j0 = 4 * ff
        flush_dmas(cmp0, csem0, idx_v, val_v, *f0, fire=False)
        cur, *f0 = process(j0, cmp0, csem0, idx_v, val_v, cur)
        f0 = tuple(f0)
        flush_dmas(cmp1, csem1, idx_w, val_w, *f1, fire=False)
        cur, *f1 = process(j0 + 2, cmp1, csem1, idx_w, val_w, cur)
        f1 = tuple(f1)
        return cur, f0, f1

    _, f0, f1 = lax.fori_loop(0, NF // 2, sub2, (off, zero4, zero4))
    flush_dmas(cmp0, csem0, idx_v, val_v, *f0, fire=False)
    flush_dmas(cmp1, csem1, idx_w, val_w, *f1, fire=False)

    endw = base + W
    z0 = jnp.maximum(total, base)

    @pl.when(endw - z0 > 0)
    def _():
        h8 = (-z0) & 7
        scatter16(
            jnp.where(lane < h8, z0 + lane, z0), jnp.zeros((L,), jnp.float32)
        )
        za = z0 + h8
        zal = endw - za
        nfull = zal // ZS

        def zdma(i, _):
            pltpu.sync_copy(
                zero_v, out_hbm.at[pl.ds(pl.multiple_of(za + i * ZS, 8), ZS)]
            )
            return 0

        lax.fori_loop(0, nfull, zdma, 0)
        rem = zal & (ZS - 1)
        rbase = za + nfull * ZS
        ch = ZS // 2
        while ch >= 8:
            hi = rem & (~(2 * ch - 1))

            @pl.when((rem & ch) != 0)
            def _(ch=ch, hi=hi):
                pltpu.sync_copy(
                    zero_v.at[pl.ds(0, ch)],
                    out_hbm.at[pl.ds(pl.multiple_of(rbase + hi, 8), ch)],
                )

            ch //= 2

    @pl.when(w == 0)
    def _():
        st_v[...] = jnp.full((L,), total, jnp.int32)
        pltpu.sync_copy(st_v.at[pl.ds(0, 8)], cnt_hbm)


@jax.jit
def kernel(input):
    counts = _count_kernel(input)
    out, cnt = _compact_kernel(input, counts)
    return out, cnt[0]

# --- scband reference (transcript-rebuilt; emitter-appended) ---
"""Pipeline reference for scband-model-24232205484608 (READ-ONLY COPY).

The authoritative reference and input builder live on the scoring server;
editing this copy changes nothing except your own understanding.
"""

import jax, jax.numpy as jnp
import numpy as np

THRESHOLD = 0.5
N = 16777216

def setup_inputs(seed: int = 0) -> dict:
    key = jax.random.key(seed)
    x = jax.random.uniform(key, (N,), dtype=jnp.float32)
    return {"input": x}

def reference(input):
    # Stream compaction: keep elements >= threshold, packed to the front
    # in original order; tail padded with zeros (JAX requires static shapes).
    mask = input >= THRESHOLD
    count = mask.sum()
    # Stable argsort of the negated mask: True (kept) elements come first,
    # preserving their original relative order -> faithful stream compaction.
    order = jnp.argsort(jnp.logical_not(mask), stable=True)
    gathered = jnp.take(input, order)
    valid = jnp.arange(input.shape[0]) < count
    output = jnp.where(valid, gathered, jnp.zeros_like(gathered))
    return (output, count)

if __name__ == "__main__":
    import jax
    _d = setup_inputs()
    print(jax.jit(kernel)(*tuple(_d.values())))

</pallas_src>

<mosaic_0001>
#map = affine_map<(d0, d1) -> (0)>
module attributes {stable_mosaic.version = 14 : i64} {
  func.func @_count_kernel(%arg0: i32, %arg1: i32, %arg2: memref<16777216xf32, #tpu.memory_space<hbm>>, %arg3: memref<256xi32, #tpu.memory_space<hbm>>, %arg4: memref<32768xf32, #tpu.memory_space<vmem>>, %arg5: memref<32768xf32, #tpu.memory_space<vmem>>, %arg6: memref<16xi32, #tpu.memory_space<vmem>>, %arg7: memref<!tpu.dma_semaphore, #tpu.memory_space<semaphore_mem>>, %arg8: memref<!tpu.dma_semaphore, #tpu.memory_space<semaphore_mem>>) attributes {dimension_semantics = [#tpu.dimension_semantics<core_parallel>, #tpu.dimension_semantics<subcore_parallel>], iteration_bounds = array<i64: 2, 16>, scalar_prefetch = 0 : i64, scratch_operands = 5 : i64, tpu.core_type = #tpu.core_type<sc_vector_subcore>, window_params = [{transform_indices = #map}, {transform_indices = #map}]} {
    %mul3A = arith.constant 2 : i32
    %mul3A_0 = arith.muli %arg1, %mul3A : i32
    %add3A = arith.addi %mul3A_0, %arg0 : i32
    %mul3A_1 = arith.constant 524288 : i32
    %mul3A_2 = arith.muli %add3A, %mul3A_1 : i32
    %multiple_of3A = tpu.assume_multiple %mul3A_2, 8 : i32
    %add3A_3 = arith.constant 0 : i32
    %add3A_4 = arith.addi %multiple_of3A, %add3A_3 : i32
    %dma_start3A = tpu.memref_slice %arg2[%add3A_4] : memref<16777216xf32, #tpu.memory_space<hbm>> -> memref<32768xf32, #tpu.memory_space<hbm>>
    %dma_start3A_5 = tpu.memref_slice %arg2[%add3A_4] : memref<16777216xf32, #tpu.memory_space<hbm>> -> memref<32768xf32, #tpu.memory_space<hbm>>
    tpu.enqueue_dma source(%dma_start3A_5 : memref<32768xf32, #tpu.memory_space<hbm>>) target(%arg4 : memref<32768xf32, #tpu.memory_space<vmem>>) target_semaphore(%arg7 : memref<!tpu.dma_semaphore, #tpu.memory_space<semaphore_mem>>)
    %add3A_6 = arith.constant 32768 : i32
    %add3A_7 = arith.addi %multiple_of3A, %add3A_6 : i32
    %dma_start3A_8 = tpu.memref_slice %arg2[%add3A_7] : memref<16777216xf32, #tpu.memory_space<hbm>> -> memref<32768xf32, #tpu.memory_space<hbm>>
    %dma_start3A_9 = tpu.memref_slice %arg2[%add3A_7] : memref<16777216xf32, #tpu.memory_space<hbm>> -> memref<32768xf32, #tpu.memory_space<hbm>>
    tpu.enqueue_dma source(%dma_start3A_9 : memref<32768xf32, #tpu.memory_space<hbm>>) target(%arg5 : memref<32768xf32, #tpu.memory_space<vmem>>) target_semaphore(%arg8 : memref<!tpu.dma_semaphore, #tpu.memory_space<semaphore_mem>>)
    %broadcast_in_dim3A = arith.constant 0 : i32
    %broadcast_in_dim3A_10 = vector.broadcast %broadcast_in_dim3A : i32 to vector<16xi32>
    %scan3A = arith.constant 0 : i32
    %scan3A_11 = arith.constant 8 : i32
    %scan3A_12 = arith.addi %scan3A, %scan3A_11 : i32
    %scan3A_13 = arith.constant 1 : i32
    %scan3A_14 = scf.for %scan3A_24 = %scan3A to %scan3A_12 step %scan3A_13 iter_args(%scan3A_25 = %broadcast_in_dim3A_10) -> (vector<16xi32>)  : i32 {
      %mul3A_26 = arith.constant 2 : i32
      %mul3A_27 = arith.muli %mul3A_26, %scan3A_24 : i32
      %mul3A_28 = arith.constant 32768 : i32
      %mul3A_29 = arith.muli %mul3A_27, %mul3A_28 : i32
      %add3A_30 = arith.addi %multiple_of3A, %mul3A_29 : i32
      %dma_wait3A = tpu.memref_slice %arg2[%add3A_30] : memref<16777216xf32, #tpu.memory_space<hbm>> -> memref<32768xf32, #tpu.memory_space<hbm>>
      %dma_wait3A_31 = tpu.memref_slice %arg2[%add3A_30] : memref<16777216xf32, #tpu.memory_space<hbm>> -> memref<32768xf32, #tpu.memory_space<hbm>>
      tpu.wait_dma2 semaphore(%arg7 : memref<!tpu.dma_semaphore, #tpu.memory_space<semaphore_mem>>) src(%dma_wait3A_31 : memref<32768xf32, #tpu.memory_space<hbm>>) dst(%arg4 : memref<32768xf32, #tpu.memory_space<vmem>>)
      %scan3A_32 = arith.constant 0 : i32
      %scan3A_33 = arith.constant 256 : i32
      %scan3A_34 = arith.addi %scan3A_32, %scan3A_33 : i32
      %scan3A_35 = arith.constant 1 : i32
      %scan3A_36 = scf.for %scan3A_62 = %scan3A_32 to %scan3A_34 step %scan3A_35 iter_args(%scan3A_63 = %scan3A_25) -> (vector<16xi32>)  : i32 {
        %mul3A_64 = arith.constant 128 : i32
        %mul3A_65 = arith.muli %scan3A_62, %mul3A_64 : i32
        %multiple_of3A_66 = tpu.assume_multiple %mul3A_65, 8 : i32
        %add3A_67 = arith.constant 0 : i32
        %add3A_68 = arith.addi %multiple_of3A_66, %add3A_67 : i32
        %get3A = arith.index_cast %add3A_68 : i32 to index
        %get3A_69 = tpu.vector_load %arg4[%get3A] {strides = array<i32>} : memref<32768xf32, #tpu.memory_space<vmem>>, vector<16xf32>,
        %ge3A = arith.constant 5.000000e-01 : f32
        %ge3A_70 = vector.broadcast %ge3A : f32 to vector<16xf32>
        %ge3A_71 = arith.cmpf oge, %get3A_69, %ge3A_70 : vector<16xf32>
        %jit3A = arith.constant 1 : i32
        %jit3A_72 = arith.constant 0 : i32
        %broadcast_in_dim3A_73 = vector.broadcast %jit3A : i32 to vector<16xi32>
        %broadcast_in_dim3A_74 = vector.broadcast %jit3A_72 : i32 to vector<16xi32>
        %select_n3A = arith.select %ge3A_71, %broadcast_in_dim3A_73, %broadcast_in_dim3A_74 : vector<16xi1>, vector<16xi32>
        %add3A_75 = arith.addi %scan3A_63, %select_n3A : vector<16xi32>
        %mul3A_76 = arith.constant 128 : i32
        %mul3A_77 = arith.muli %scan3A_62, %mul3A_76 : i32
        %multiple_of3A_78 = tpu.assume_multiple %mul3A_77, 8 : i32
        %add3A_79 = arith.constant 16 : i32
        %add3A_80 = arith.addi %multiple_of3A_78, %add3A_79 : i32
        %get3A_81 = arith.index_cast %add3A_80 : i32 to index
        %get3A_82 = tpu.vector_load %arg4[%get3A_81] {strides = array<i32>} : memref<32768xf32, #tpu.memory_space<vmem>>, vector<16xf32>,
        %ge3A_83 = arith.constant 5.000000e-01 : f32
        %ge3A_84 = vector.broadcast %ge3A_83 : f32 to vector<16xf32>
        %ge3A_85 = arith.cmpf oge, %get3A_82, %ge3A_84 : vector<16xf32>
        %jit3A_86 = arith.constant 1 : i32
        %jit3A_87 = arith.constant 0 : i32
        %broadcast_in_dim3A_88 = vector.broadcast %jit3A_86 : i32 to vector<16xi32>
        %broadcast_in_dim3A_89 = vector.broadcast %jit3A_87 : i32 to vector<16xi32>
        %select_n3A_90 = arith.select %ge3A_85, %broadcast_in_dim3A_88, %broadcast_in_dim3A_89 : vector<16xi1>, vector<16xi32>
        %add3A_91 = arith.addi %add3A_75, %select_n3A_90 : vector<16xi32>
        %mul3A_92 = arith.constant 128 : i32
        %mul3A_93 = arith.muli %scan3A_62, %mul3A_92 : i32
        %multiple_of3A_94 = tpu.assume_multiple %mul3A_93, 8 : i32
        %add3A_95 = arith.constant 32 : i32
        %add3A_96 = arith.addi %multiple_of3A_94, %add3A_95 : i32
        %get3A_97 = arith.index_cast %add3A_96 : i32 to index
        %get3A_98 = tpu.vector_load %arg4[%get3A_97] {strides = array<i32>} : memref<32768xf32, #tpu.memory_space<vmem>>, vector<16xf32>,
        %ge3A_99 = arith.constant 5.000000e-01 : f32
        %ge3A_100 = vector.broadcast %ge3A_99 : f32 to vector<16xf32>
        %ge3A_101 = arith.cmpf oge, %get3A_98, %ge3A_100 : vector<16xf32>
        %jit3A_102 = arith.constant 1 : i32
        %jit3A_103 = arith.constant 0 : i32
        %broadcast_in_dim3A_104 = vector.broadcast %jit3A_102 : i32 to vector<16xi32>
        %broadcast_in_dim3A_105 = vector.broadcast %jit3A_103 : i32 to vector<16xi32>
        %select_n3A_106 = arith.select %ge3A_101, %broadcast_in_dim3A_104, %broadcast_in_dim3A_105 : vector<16xi1>, vector<16xi32>
        %add3A_107 = arith.addi %add3A_91, %select_n3A_106 : vector<16xi32>
        %mul3A_108 = arith.constant 128 : i32
        %mul3A_109 = arith.muli %scan3A_62, %mul3A_108 : i32
        %multiple_of3A_110 = tpu.assume_multiple %mul3A_109, 8 : i32
        %add3A_111 = arith.constant 48 : i32
        %add3A_112 = arith.addi %multiple_of3A_110, %add3A_111 : i32
        %get3A_113 = arith.index_cast %add3A_112 : i32 to index
        %get3A_114 = tpu.vector_load %arg4[%get3A_113] {strides = array<i32>} : memref<32768xf32, #tpu.memory_space<vmem>>, vector<16xf32>,
        %ge3A_115 = arith.constant 5.000000e-01 : f32
        %ge3A_116 = vector.broadcast %ge3A_115 : f32 to vector<16xf32>
        %ge3A_117 = arith.cmpf oge, %get3A_114, %ge3A_116 : vector<16xf32>
        %jit3A_118 = arith.constant 1 : i32
        %jit3A_119 = arith.constant 0 : i32
        %broadcast_in_dim3A_120 = vector.broadcast %jit3A_118 : i32 to vector<16xi32>
        %broadcast_in_dim3A_121 = vector.broadcast %jit3A_119 : i32 to vector<16xi32>
        %select_n3A_122 = arith.select %ge3A_117, %broadcast_in_dim3A_120, %broadcast_in_dim3A_121 : vector<16xi1>, vector<16xi32>
        %add3A_123 = arith.addi %add3A_107, %select_n3A_122 : vector<16xi32>
        %mul3A_124 = arith.constant 128 : i32
        %mul3A_125 = arith.muli %scan3A_62, %mul3A_124 : i32
        %multiple_of3A_126 = tpu.assume_multiple %mul3A_125, 8 : i32
        %add3A_127 = arith.constant 64 : i32
        %add3A_128 = arith.addi %multiple_of3A_126, %add3A_127 : i32
        %get3A_129 = arith.index_cast %add3A_128 : i32 to index
        %get3A_130 = tpu.vector_load %arg4[%get3A_129] {strides = array<i32>} : memref<32768xf32, #tpu.memory_space<vmem>>, vector<16xf32>,
        %ge3A_131 = arith.constant 5.000000e-01 : f32
        %ge3A_132 = vector.broadcast %ge3A_131 : f32 to vector<16xf32>
        %ge3A_133 = arith.cmpf oge, %get3A_130, %ge3A_132 : vector<16xf32>
        %jit3A_134 = arith.constant 1 : i32
        %jit3A_135 = arith.constant 0 : i32
        %broadcast_in_dim3A_136 = vector.broadcast %jit3A_134 : i32 to vector<16xi32>
        %broadcast_in_dim3A_137 = vector.broadcast %jit3A_135 : i32 to vector<16xi32>
        %select_n3A_138 = arith.select %ge3A_133, %broadcast_in_dim3A_136, %broadcast_in_dim3A_137 : vector<16xi1>, vector<16xi32>
        %add3A_139 = arith.addi %add3A_123, %select_n3A_138 : vector<16xi32>
        %mul3A_140 = arith.constant 128 : i32
        %mul3A_141 = arith.muli %scan3A_62, %mul3A_140 : i32
        %multiple_of3A_142 = tpu.assume_multiple %mul3A_141, 8 : i32
        %add3A_143 = arith.constant 80 : i32
        %add3A_144 = arith.addi %multiple_of3A_142, %add3A_143 : i32
        %get3A_145 = arith.index_cast %add3A_144 : i32 to index
        %get3A_146 = tpu.vector_load %arg4[%get3A_145] {strides = array<i32>} : memref<32768xf32, #tpu.memory_space<vmem>>, vector<16xf32>,
        %ge3A_147 = arith.constant 5.000000e-01 : f32
        %ge3A_148 = vector.broadcast %ge3A_147 : f32 to vector<16xf32>
        %ge3A_149 = arith.cmpf oge, %get3A_146, %ge3A_148 : vector<16xf32>
        %jit3A_150 = arith.constant 1 : i32
        %jit3A_151 = arith.constant 0 : i32
        %broadcast_in_dim3A_152 = vector.broadcast %jit3A_150 : i32 to vector<16xi32>
        %broadcast_in_dim3A_153 = vector.broadcast %jit3A_151 : i32 to vector<16xi32>
        %select_n3A_154 = arith.select %ge3A_149, %broadcast_in_dim3A_152, %broadcast_in_dim3A_153 : vector<16xi1>, vector<16xi32>
        %add3A_155 = arith.addi %add3A_139, %select_n3A_154 : vector<16xi32>
        %mul3A_156 = arith.constant 128 : i32
        %mul3A_157 = arith.muli %scan3A_62, %mul3A_156 : i32
        %multiple_of3A_158 = tpu.assume_multiple %mul3A_157, 8 : i32
        %add3A_159 = arith.constant 96 : i32
        %add3A_160 = arith.addi %multiple_of3A_158, %add3A_159 : i32
        %get3A_161 = arith.index_cast %add3A_160 : i32 to index
        %get3A_162 = tpu.vector_load %arg4[%get3A_161] {strides = array<i32>} : memref<32768xf32, #tpu.memory_space<vmem>>, vector<16xf32>,
        %ge3A_163 = arith.constant 5.000000e-01 : f32
        %ge3A_164 = vector.broadcast %ge3A_163 : f32 to vector<16xf32>
        %ge3A_165 = arith.cmpf oge, %get3A_162, %ge3A_164 : vector<16xf32>
        %jit3A_166 = arith.constant 1 : i32
        %jit3A_167 = arith.constant 0 : i32
        %broadcast_in_dim3A_168 = vector.broadcast %jit3A_166 : i32 to vector<16xi32>
        %broadcast_in_dim3A_169 = vector.broadcast %jit3A_167 : i32 to vector<16xi32>
        %select_n3A_170 = arith.select %ge3A_165, %broadcast_in_dim3A_168, %broadcast_in_dim3A_169 : vector<16xi1>, vector<16xi32>
        %add3A_171 = arith.addi %add3A_155, %select_n3A_170 : vector<16xi32>
        %mul3A_172 = arith.constant 128 : i32
        %mul3A_173 = arith.muli %scan3A_62, %mul3A_172 : i32
        %multiple_of3A_174 = tpu.assume_multiple %mul3A_173, 8 : i32
        %add3A_175 = arith.constant 112 : i32
        %add3A_176 = arith.addi %multiple_of3A_174, %add3A_175 : i32
        %get3A_177 = arith.index_cast %add3A_176 : i32 to index
        %get3A_178 = tpu.vector_load %arg4[%get3A_177] {strides = array<i32>} : memref<32768xf32, #tpu.memory_space<vmem>>, vector<16xf32>,
        %ge3A_179 = arith.constant 5.000000e-01 : f32
        %ge3A_180 = vector.broadcast %ge3A_179 : f32 to vector<16xf32>
        %ge3A_181 = arith.cmpf oge, %get3A_178, %ge3A_180 : vector<16xf32>
        %jit3A_182 = arith.constant 1 : i32
        %jit3A_183 = arith.constant 0 : i32
        %broadcast_in_dim3A_184 = vector.broadcast %jit3A_182 : i32 to vector<16xi32>
        %broadcast_in_dim3A_185 = vector.broadcast %jit3A_183 : i32 to vector<16xi32>
        %select_n3A_186 = arith.select %ge3A_181, %broadcast_in_dim3A_184, %broadcast_in_dim3A_185 : vector<16xi1>, vector<16xi32>
        %add3A_187 = arith.addi %add3A_171, %select_n3A_186 : vector<16xi32>
        scf.yield %add3A_187 : vector<16xi32>
      }
      %scan3A_37 = arith.constant 256 : i32
      %add3A_38 = arith.constant 2 : i32
      %add3A_39 = arith.addi %mul3A_27, %add3A_38 : i32
      %lt3A = arith.constant 16 : i32
      %lt3A_40 = arith.cmpi slt, %add3A_39, %lt3A : i32
      %convert_element_type3A = arith.extui %lt3A_40 : i1 to i32
      %cond3A = arith.constant 0 : i32
      %cond3A_41 = arith.cmpi ne, %convert_element_type3A, %cond3A : i32
      scf.if %cond3A_41 {
        %add3A_62 = arith.constant 2 : i32
        %add3A_63 = arith.addi %mul3A_27, %add3A_62 : i32
        %mul3A_64 = arith.constant 32768 : i32
        %mul3A_65 = arith.muli %add3A_63, %mul3A_64 : i32
        %add3A_66 = arith.addi %multiple_of3A, %mul3A_65 : i32
        %dma_start3A_67 = tpu.memref_slice %arg2[%add3A_66] : memref<16777216xf32, #tpu.memory_space<hbm>> -> memref<32768xf32, #tpu.memory_space<hbm>>
        %dma_start3A_68 = tpu.memref_slice %arg2[%add3A_66] : memref<16777216xf32, #tpu.memory_space<hbm>> -> memref<32768xf32, #tpu.memory_space<hbm>>
        tpu.enqueue_dma source(%dma_start3A_68 : memref<32768xf32, #tpu.memory_space<hbm>>) target(%arg4 : memref<32768xf32, #tpu.memory_space<vmem>>) target_semaphore(%arg7 : memref<!tpu.dma_semaphore, #tpu.memory_space<semaphore_mem>>)
      } else {
      }
      %add3A_42 = arith.constant 1 : i32
      %add3A_43 = arith.addi %mul3A_27, %add3A_42 : i32
      %mul3A_44 = arith.constant 32768 : i32
      %mul3A_45 = arith.muli %add3A_43, %mul3A_44 : i32
      %add3A_46 = arith.addi %multiple_of3A, %mul3A_45 : i32
      %dma_wait3A_47 = tpu.memref_slice %arg2[%add3A_46] : memref<16777216xf32, #tpu.memory_space<hbm>> -> memref<32768xf32, #tpu.memory_space<hbm>>
      %dma_wait3A_48 = tpu.memref_slice %arg2[%add3A_46] : memref<16777216xf32, #tpu.memory_space<hbm>> -> memref<32768xf32, #tpu.memory_space<hbm>>
      tpu.wait_dma2 semaphore(%arg8 : memref<!tpu.dma_semaphore, #tpu.memory_space<semaphore_mem>>) src(%dma_wait3A_48 : memref<32768xf32, #tpu.memory_space<hbm>>) dst(%arg5 : memref<32768xf32, #tpu.memory_space<vmem>>)
      %scan3A_49 = arith.constant 0 : i32
      %scan3A_50 = arith.constant 256 : i32
      %scan3A_51 = arith.addi %scan3A_49, %scan3A_50 : i32
      %scan3A_52 = arith.constant 1 : i32
      %scan3A_53 = scf.for %scan3A_62 = %scan3A_49 to %scan3A_51 step %scan3A_52 iter_args(%scan3A_63 = %scan3A_36) -> (vector<16xi32>)  : i32 {
        %mul3A_64 = arith.constant 128 : i32
        %mul3A_65 = arith.muli %scan3A_62, %mul3A_64 : i32
        %multiple_of3A_66 = tpu.assume_multiple %mul3A_65, 8 : i32
        %add3A_67 = arith.constant 0 : i32
        %add3A_68 = arith.addi %multiple_of3A_66, %add3A_67 : i32
        %get3A = arith.index_cast %add3A_68 : i32 to index
        %get3A_69 = tpu.vector_load %arg5[%get3A] {strides = array<i32>} : memref<32768xf32, #tpu.memory_space<vmem>>, vector<16xf32>,
        %ge3A = arith.constant 5.000000e-01 : f32
        %ge3A_70 = vector.broadcast %ge3A : f32 to vector<16xf32>
        %ge3A_71 = arith.cmpf oge, %get3A_69, %ge3A_70 : vector<16xf32>
        %jit3A = arith.constant 1 : i32
        %jit3A_72 = arith.constant 0 : i32
        %broadcast_in_dim3A_73 = vector.broadcast %jit3A : i32 to vector<16xi32>
        %broadcast_in_dim3A_74 = vector.broadcast %jit3A_72 : i32 to vector<16xi32>
        %select_n3A = arith.select %ge3A_71, %broadcast_in_dim3A_73, %broadcast_in_dim3A_74 : vector<16xi1>, vector<16xi32>
        %add3A_75 = arith.addi %scan3A_63, %select_n3A : vector<16xi32>
        %mul3A_76 = arith.constant 128 : i32
        %mul3A_77 = arith.muli %scan3A_62, %mul3A_76 : i32
        %multiple_of3A_78 = tpu.assume_multiple %mul3A_77, 8 : i32
        %add3A_79 = arith.constant 16 : i32
        %add3A_80 = arith.addi %multiple_of3A_78, %add3A_79 : i32
        %get3A_81 = arith.index_cast %add3A_80 : i32 to index
        %get3A_82 = tpu.vector_load %arg5[%get3A_81] {strides = array<i32>} : memref<32768xf32, #tpu.memory_space<vmem>>, vector<16xf32>,
        %ge3A_83 = arith.constant 5.000000e-01 : f32
        %ge3A_84 = vector.broadcast %ge3A_83 : f32 to vector<16xf32>
        %ge3A_85 = arith.cmpf oge, %get3A_82, %ge3A_84 : vector<16xf32>
        %jit3A_86 = arith.constant 1 : i32
        %jit3A_87 = arith.constant 0 : i32
        %broadcast_in_dim3A_88 = vector.broadcast %jit3A_86 : i32 to vector<16xi32>
        %broadcast_in_dim3A_89 = vector.broadcast %jit3A_87 : i32 to vector<16xi32>
        %select_n3A_90 = arith.select %ge3A_85, %broadcast_in_dim3A_88, %broadcast_in_dim3A_89 : vector<16xi1>, vector<16xi32>
        %add3A_91 = arith.addi %add3A_75, %select_n3A_90 : vector<16xi32>
        %mul3A_92 = arith.constant 128 : i32
        %mul3A_93 = arith.muli %scan3A_62, %mul3A_92 : i32
        %multiple_of3A_94 = tpu.assume_multiple %mul3A_93, 8 : i32
        %add3A_95 = arith.constant 32 : i32
        %add3A_96 = arith.addi %multiple_of3A_94, %add3A_95 : i32
        %get3A_97 = arith.index_cast %add3A_96 : i32 to index
        %get3A_98 = tpu.vector_load %arg5[%get3A_97] {strides = array<i32>} : memref<32768xf32, #tpu.memory_space<vmem>>, vector<16xf32>,
        %ge3A_99 = arith.constant 5.000000e-01 : f32
        %ge3A_100 = vector.broadcast %ge3A_99 : f32 to vector<16xf32>
        %ge3A_101 = arith.cmpf oge, %get3A_98, %ge3A_100 : vector<16xf32>
        %jit3A_102 = arith.constant 1 : i32
        %jit3A_103 = arith.constant 0 : i32
        %broadcast_in_dim3A_104 = vector.broadcast %jit3A_102 : i32 to vector<16xi32>
        %broadcast_in_dim3A_105 = vector.broadcast %jit3A_103 : i32 to vector<16xi32>
        %select_n3A_106 = arith.select %ge3A_101, %broadcast_in_dim3A_104, %broadcast_in_dim3A_105 : vector<16xi1>, vector<16xi32>
        %add3A_107 = arith.addi %add3A_91, %select_n3A_106 : vector<16xi32>
        %mul3A_108 = arith.constant 128 : i32
        %mul3A_109 = arith.muli %scan3A_62, %mul3A_108 : i32
        %multiple_of3A_110 = tpu.assume_multiple %mul3A_109, 8 : i32
        %add3A_111 = arith.constant 48 : i32
        %add3A_112 = arith.addi %multiple_of3A_110, %add3A_111 : i32
        %get3A_113 = arith.index_cast %add3A_112 : i32 to index
        %get3A_114 = tpu.vector_load %arg5[%get3A_113] {strides = array<i32>} : memref<32768xf32, #tpu.memory_space<vmem>>, vector<16xf32>,
        %ge3A_115 = arith.constant 5.000000e-01 : f32
        %ge3A_116 = vector.broadcast %ge3A_115 : f32 to vector<16xf32>
        %ge3A_117 = arith.cmpf oge, %get3A_114, %ge3A_116 : vector<16xf32>
        %jit3A_118 = arith.constant 1 : i32
        %jit3A_119 = arith.constant 0 : i32
        %broadcast_in_dim3A_120 = vector.broadcast %jit3A_118 : i32 to vector<16xi32>
        %broadcast_in_dim3A_121 = vector.broadcast %jit3A_119 : i32 to vector<16xi32>
        %select_n3A_122 = arith.select %ge3A_117, %broadcast_in_dim3A_120, %broadcast_in_dim3A_121 : vector<16xi1>, vector<16xi32>
        %add3A_123 = arith.addi %add3A_107, %select_n3A_122 : vector<16xi32>
        %mul3A_124 = arith.constant 128 : i32
        %mul3A_125 = arith.muli %scan3A_62, %mul3A_124 : i32
        %multiple_of3A_126 = tpu.assume_multiple %mul3A_125, 8 : i32
        %add3A_127 = arith.constant 64 : i32
        %add3A_128 = arith.addi %multiple_of3A_126, %add3A_127 : i32
        %get3A_129 = arith.index_cast %add3A_128 : i32 to index
        %get3A_130 = tpu.vector_load %arg5[%get3A_129] {strides = array<i32>} : memref<32768xf32, #tpu.memory_space<vmem>>, vector<16xf32>,
        %ge3A_131 = arith.constant 5.000000e-01 : f32
        %ge3A_132 = vector.broadcast %ge3A_131 : f32 to vector<16xf32>
        %ge3A_133 = arith.cmpf oge, %get3A_130, %ge3A_132 : vector<16xf32>
        %jit3A_134 = arith.constant 1 : i32
        %jit3A_135 = arith.constant 0 : i32
        %broadcast_in_dim3A_136 = vector.broadcast %jit3A_134 : i32 to vector<16xi32>
        %broadcast_in_dim3A_137 = vector.broadcast %jit3A_135 : i32 to vector<16xi32>
        %select_n3A_138 = arith.select %ge3A_133, %broadcast_in_dim3A_136, %broadcast_in_dim3A_137 : vector<16xi1>, vector<16xi32>
        %add3A_139 = arith.addi %add3A_123, %select_n3A_138 : vector<16xi32>
        %mul3A_140 = arith.constant 128 : i32
        %mul3A_141 = arith.muli %scan3A_62, %mul3A_140 : i32
        %multiple_of3A_142 = tpu.assume_multiple %mul3A_141, 8 : i32
        %add3A_143 = arith.constant 80 : i32
        %add3A_144 = arith.addi %multiple_of3A_142, %add3A_143 : i32
        %get3A_145 = arith.index_cast %add3A_144 : i32 to index
        %get3A_146 = tpu.vector_load %arg5[%get3A_145] {strides = array<i32>} : memref<32768xf32, #tpu.memory_space<vmem>>, vector<16xf32>,
        %ge3A_147 = arith.constant 5.000000e-01 : f32
        %ge3A_148 = vector.broadcast %ge3A_147 : f32 to vector<16xf32>
        %ge3A_149 = arith.cmpf oge, %get3A_146, %ge3A_148 : vector<16xf32>
        %jit3A_150 = arith.constant 1 : i32
        %jit3A_151 = arith.constant 0 : i32
        %broadcast_in_dim3A_152 = vector.broadcast %jit3A_150 : i32 to vector<16xi32>
        %broadcast_in_dim3A_153 = vector.broadcast %jit3A_151 : i32 to vector<16xi32>
        %select_n3A_154 = arith.select %ge3A_149, %broadcast_in_dim3A_152, %broadcast_in_dim3A_153 : vector<16xi1>, vector<16xi32>
        %add3A_155 = arith.addi %add3A_139, %select_n3A_154 : vector<16xi32>
        %mul3A_156 = arith.constant 128 : i32
        %mul3A_157 = arith.muli %scan3A_62, %mul3A_156 : i32
        %multiple_of3A_158 = tpu.assume_multiple %mul3A_157, 8 : i32
        %add3A_159 = arith.constant 96 : i32
        %add3A_160 = arith.addi %multiple_of3A_158, %add3A_159 : i32
        %get3A_161 = arith.index_cast %add3A_160 : i32 to index
        %get3A_162 = tpu.vector_load %arg5[%get3A_161] {strides = array<i32>} : memref<32768xf32, #tpu.memory_space<vmem>>, vector<16xf32>,
        %ge3A_163 = arith.constant 5.000000e-01 : f32
        %ge3A_164 = vector.broadcast %ge3A_163 : f32 to vector<16xf32>
        %ge3A_165 = arith.cmpf oge, %get3A_162, %ge3A_164 : vector<16xf32>
        %jit3A_166 = arith.constant 1 : i32
        %jit3A_167 = arith.constant 0 : i32
        %broadcast_in_dim3A_168 = vector.broadcast %jit3A_166 : i32 to vector<16xi32>
        %broadcast_in_dim3A_169 = vector.broadcast %jit3A_167 : i32 to vector<16xi32>
        %select_n3A_170 = arith.select %ge3A_165, %broadcast_in_dim3A_168, %broadcast_in_dim3A_169 : vector<16xi1>, vector<16xi32>
        %add3A_171 = arith.addi %add3A_155, %select_n3A_170 : vector<16xi32>
        %mul3A_172 = arith.constant 128 : i32
        %mul3A_173 = arith.muli %scan3A_62, %mul3A_172 : i32
        %multiple_of3A_174 = tpu.assume_multiple %mul3A_173, 8 : i32
        %add3A_175 = arith.constant 112 : i32
        %add3A_176 = arith.addi %multiple_of3A_174, %add3A_175 : i32
        %get3A_177 = arith.index_cast %add3A_176 : i32 to index
        %get3A_178 = tpu.vector_load %arg5[%get3A_177] {strides = array<i32>} : memref<32768xf32, #tpu.memory_space<vmem>>, vector<16xf32>,
        %ge3A_179 = arith.constant 5.000000e-01 : f32
        %ge3A_180 = vector.broadcast %ge3A_179 : f32 to vector<16xf32>
        %ge3A_181 = arith.cmpf oge, %get3A_178, %ge3A_180 : vector<16xf32>
        %jit3A_182 = arith.constant 1 : i32
        %jit3A_183 = arith.constant 0 : i32
        %broadcast_in_dim3A_184 = vector.broadcast %jit3A_182 : i32 to vector<16xi32>
        %broadcast_in_dim3A_185 = vector.broadcast %jit3A_183 : i32 to vector<16xi32>
        %select_n3A_186 = arith.select %ge3A_181, %broadcast_in_dim3A_184, %broadcast_in_dim3A_185 : vector<16xi1>, vector<16xi32>
        %add3A_187 = arith.addi %add3A_171, %select_n3A_186 : vector<16xi32>
        scf.yield %add3A_187 : vector<16xi32>
      }
      %scan3A_54 = arith.constant 256 : i32
      %add3A_55 = arith.constant 3 : i32
      %add3A_56 = arith.addi %mul3A_27, %add3A_55 : i32
      %lt3A_57 = arith.constant 16 : i32
      %lt3A_58 = arith.cmpi slt, %add3A_56, %lt3A_57 : i32
      %convert_element_type3A_59 = arith.extui %lt3A_58 : i1 to i32
      %cond3A_60 = arith.constant 0 : i32
      %cond3A_61 = arith.cmpi ne, %convert_element_type3A_59, %cond3A_60 : i32
      scf.if %cond3A_61 {
        %add3A_62 = arith.constant 3 : i32
        %add3A_63 = arith.addi %mul3A_27, %add3A_62 : i32
        %mul3A_64 = arith.constant 32768 : i32
        %mul3A_65 = arith.muli %add3A_63, %mul3A_64 : i32
        %add3A_66 = arith.addi %multiple_of3A, %mul3A_65 : i32
        %dma_start3A_67 = tpu.memref_slice %arg2[%add3A_66] : memref<16777216xf32, #tpu.memory_space<hbm>> -> memref<32768xf32, #tpu.memory_space<hbm>>
        %dma_start3A_68 = tpu.memref_slice %arg2[%add3A_66] : memref<16777216xf32, #tpu.memory_space<hbm>> -> memref<32768xf32, #tpu.memory_space<hbm>>
        tpu.enqueue_dma source(%dma_start3A_68 : memref<32768xf32, #tpu.memory_space<hbm>>) target(%arg5 : memref<32768xf32, #tpu.memory_space<vmem>>) target_semaphore(%arg8 : memref<!tpu.dma_semaphore, #tpu.memory_space<semaphore_mem>>)
      } else {
      }
      scf.yield %scan3A_53 : vector<16xi32>
    }
    %scan3A_15 = arith.constant 8 : i32
    %reduce_sum3A = arith.constant true
    %reduce_sum3A_16 = vector.broadcast %reduce_sum3A : i1 to vector<16xi1>
    %reduce_sum3A_17 = tpu.scan <sum>, %scan3A_14 masked %reduce_sum3A_16 : vector<16xi32>, vector<16xi1> -> vector<16xi32>
    %reduce_sum3A_18 = vector.extract %reduce_sum3A_17[15] : i32 from vector<16xi32>
    %broadcast_in_dim3A_19 = vector.broadcast %reduce_sum3A_18 : i32 to vector<16xi32>
    %swap3A = arith.constant 0 : index
    %swap3A_20 = tpu.vector_load %arg6[%swap3A] {strides = array<i32>} : memref<16xi32, #tpu.memory_space<vmem>>, vector<16xi32>,
    tpu.vector_store %arg6[%swap3A], %broadcast_in_dim3A_19 {strides = array<i32>} : memref<16xi32, #tpu.memory_space<vmem>>, vector<16xi32>,
    %mul3A_21 = arith.constant 8 : i32
    %mul3A_22 = arith.muli %add3A, %mul3A_21 : i32
    %multiple_of3A_23 = tpu.assume_multiple %mul3A_22, 8 : i32
    "tpu.region"() ({
      %run_scoped3A = tpu.sem_alloc : memref<!tpu.dma_semaphore, #tpu.memory_space<semaphore_mem>>
      %dma_start3A_24 = arith.constant 0 : i32
      %dma_start3A_25 = tpu.memref_slice %arg6[%dma_start3A_24] : memref<16xi32, #tpu.memory_space<vmem>> -> memref<8xi32, #tpu.memory_space<vmem>>
      %dma_start3A_26 = tpu.memref_slice %arg3[%multiple_of3A_23] : memref<256xi32, #tpu.memory_space<hbm>> -> memref<8xi32, #tpu.memory_space<hbm>>
      %dma_start3A_27 = tpu.memref_slice %arg3[%multiple_of3A_23] : memref<256xi32, #tpu.memory_space<hbm>> -> memref<8xi32, #tpu.memory_space<hbm>>
      %dma_start3A_28 = arith.constant 0 : i32
      %dma_start3A_29 = tpu.memref_slice %arg6[%dma_start3A_28] : memref<16xi32, #tpu.memory_space<vmem>> -> memref<8xi32, #tpu.memory_space<vmem>>
      tpu.enqueue_dma source(%dma_start3A_29 : memref<8xi32, #tpu.memory_space<vmem>>) target(%dma_start3A_27 : memref<8xi32, #tpu.memory_space<hbm>>) target_semaphore(%run_scoped3A : memref<!tpu.dma_semaphore, #tpu.memory_space<semaphore_mem>>)
      %dma_wait3A = arith.constant 0 : i32
      %dma_wait3A_30 = tpu.memref_slice %arg6[%dma_wait3A] : memref<16xi32, #tpu.memory_space<vmem>> -> memref<8xi32, #tpu.memory_space<vmem>>
      %dma_wait3A_31 = tpu.memref_slice %arg3[%multiple_of3A_23] : memref<256xi32, #tpu.memory_space<hbm>> -> memref<8xi32, #tpu.memory_space<hbm>>
      %dma_wait3A_32 = tpu.memref_slice %arg3[%multiple_of3A_23] : memref<256xi32, #tpu.memory_space<hbm>> -> memref<8xi32, #tpu.memory_space<hbm>>
      %dma_wait3A_33 = arith.constant 0 : i32
      %dma_wait3A_34 = tpu.memref_slice %arg6[%dma_wait3A_33] : memref<16xi32, #tpu.memory_space<vmem>> -> memref<8xi32, #tpu.memory_space<vmem>>
      tpu.wait_dma2 semaphore(%run_scoped3A : memref<!tpu.dma_semaphore, #tpu.memory_space<semaphore_mem>>) src(%dma_wait3A_34 : memref<8xi32, #tpu.memory_space<vmem>>) dst(%dma_wait3A_32 : memref<8xi32, #tpu.memory_space<hbm>>)
      tpu.yield
    }) : () -> ()
    return
  }
}

#map = affine_map<(d0, d1) -> (0)>
module attributes {stable_mosaic.version = 14 : i64} {
  func.func @_compact_kernel(%arg0: i32, %arg1: i32, %arg2: memref<16777216xf32, #tpu.memory_space<hbm>>, %arg3: memref<256xi32, #tpu.memory_space<hbm>>, %arg4: memref<16777216xf32, #tpu.memory_space<hbm>>, %arg5: memref<8xi32, #tpu.memory_space<hbm>>, %arg6: memref<16384xf32, #tpu.memory_space<vmem>>, %arg7: memref<16384xf32, #tpu.memory_space<vmem>>, %arg8: memref<32800xf32, #tpu.memory_space<vmem>>, %arg9: memref<32800xf32, #tpu.memory_space<vmem>>, %arg10: memref<16384xf32, #tpu.memory_space<vmem>>, %arg11: memref<256xi32, #tpu.memory_space<vmem>>, %arg12: memref<16xi32, #tpu.memory_space<vmem>>, %arg13: memref<16xf32, #tpu.memory_space<vmem>>, %arg14: memref<16xi32, #tpu.memory_space<vmem>>, %arg15: memref<16xf32, #tpu.memory_space<vmem>>, %arg16: memref<16xi32, #tpu.memory_space<vmem>>, %arg17: memref<!tpu.dma_semaphore, #tpu.memory_space<semaphore_mem>>, %arg18: memref<!tpu.dma_semaphore, #tpu.memory_space<semaphore_mem>>, %arg19: memref<!tpu.dma_semaphore, #tpu.memory_space<semaphore_mem>>, %arg20: memref<!tpu.dma_semaphore, #tpu.memory_space<semaphore_mem>>) attributes {dimension_semantics = [#tpu.dimension_semantics<core_parallel>, #tpu.dimension_semantics<subcore_parallel>], iteration_bounds = array<i64: 2, 16>, scalar_prefetch = 0 : i64, scratch_operands = 15 : i64, tpu.core_type = #tpu.core_type<sc_vector_subcore>, window_params = [{transform_indices = #map}, {transform_indices = #map}, {transform_indices = #map}, {transform_indices = #map}]} {
    %mul3A = arith.constant 2 : i32
    %mul3A_0 = arith.muli %arg1, %mul3A : i32
    %add3A = arith.addi %mul3A_0, %arg0 : i32
    %mul3A_1 = arith.constant 524288 : i32
    %mul3A_2 = arith.muli %add3A, %mul3A_1 : i32
    %multiple_of3A = tpu.assume_multiple %mul3A_2, 8 : i32
    %iota3A = tpu.iota {dimensions = array<i32: 0>} : vector<16xi32>
    %add3A_3 = arith.constant 0 : i32
    %add3A_4 = arith.addi %multiple_of3A, %add3A_3 : i32
    %dma_start3A = tpu.memref_slice %arg2[%add3A_4] : memref<16777216xf32, #tpu.memory_space<hbm>> -> memref<16384xf32, #tpu.memory_space<hbm>>
    %dma_start3A_5 = tpu.memref_slice %arg2[%add3A_4] : memref<16777216xf32, #tpu.memory_space<hbm>> -> memref<16384xf32, #tpu.memory_space<hbm>>
    tpu.enqueue_dma source(%dma_start3A_5 : memref<16384xf32, #tpu.memory_space<hbm>>) target(%arg6 : memref<16384xf32, #tpu.memory_space<vmem>>) target_semaphore(%arg17 : memref<!tpu.dma_semaphore, #tpu.memory_space<semaphore_mem>>)
    %add3A_6 = arith.constant 16384 : i32
    %add3A_7 = arith.addi %multiple_of3A, %add3A_6 : i32
    %dma_start3A_8 = tpu.memref_slice %arg2[%add3A_7] : memref<16777216xf32, #tpu.memory_space<hbm>> -> memref<16384xf32, #tpu.memory_space<hbm>>
    %dma_start3A_9 = tpu.memref_slice %arg2[%add3A_7] : memref<16777216xf32, #tpu.memory_space<hbm>> -> memref<16384xf32, #tpu.memory_space<hbm>>
    tpu.enqueue_dma source(%dma_start3A_9 : memref<16384xf32, #tpu.memory_space<hbm>>) target(%arg7 : memref<16384xf32, #tpu.memory_space<vmem>>) target_semaphore(%arg18 : memref<!tpu.dma_semaphore, #tpu.memory_space<semaphore_mem>>)
    "tpu.region"() ({
      %run_scoped3A = tpu.sem_alloc : memref<!tpu.dma_semaphore, #tpu.memory_space<semaphore_mem>>
      tpu.enqueue_dma source(%arg3 : memref<256xi32, #tpu.memory_space<hbm>>) target(%arg11 : memref<256xi32, #tpu.memory_space<vmem>>) target_semaphore(%run_scoped3A : memref<!tpu.dma_semaphore, #tpu.memory_space<semaphore_mem>>)
      tpu.wait_dma2 semaphore(%run_scoped3A : memref<!tpu.dma_semaphore, #tpu.memory_space<semaphore_mem>>) src(%arg3 : memref<256xi32, #tpu.memory_space<hbm>>) dst(%arg11 : memref<256xi32, #tpu.memory_space<vmem>>)
      tpu.yield
    }) : () -> ()
    %broadcast_in_dim3A = arith.constant 0 : i32
    %broadcast_in_dim3A_10 = vector.broadcast %broadcast_in_dim3A : i32 to vector<16xi32>
    %scan3A = arith.constant 0 : i32
    %scan3A_11 = arith.constant 16 : i32
    %scan3A_12 = arith.addi %scan3A, %scan3A_11 : i32
    %scan3A_13 = arith.constant 1 : i32
    %scan3A_14:2 = scf.for %scan3A_294 = %scan3A to %scan3A_12 step %scan3A_13 iter_args(%scan3A_295 = %broadcast_in_dim3A_10, %scan3A_296 = %broadcast_in_dim3A_10) -> (vector<16xi32>, vector<16xi32>)  : i32 {
      %mul3A_297 = arith.constant 16 : i32
      %mul3A_298 = arith.muli %scan3A_294, %mul3A_297 : i32
      %get3A = arith.index_cast %mul3A_298 : i32 to index
      %get3A_299 = tpu.vector_load %arg11[%get3A] {strides = array<i32>} : memref<256xi32, #tpu.memory_space<vmem>>, vector<16xi32>,
      %mul3A_300 = arith.constant 2 : i32
      %mul3A_301 = arith.muli %mul3A_300, %scan3A_294 : i32
      %ge3A = arith.constant 8 : i32
      %ge3A_302 = vector.broadcast %ge3A : i32 to vector<16xi32>
      %ge3A_303 = arith.cmpi sge, %iota3A, %ge3A_302 : vector<16xi32>
      %jit3A = arith.constant 1 : i32
      %jit3A_304 = arith.constant 0 : i32
      %broadcast_in_dim3A_305 = vector.broadcast %jit3A : i32 to vector<16xi32>
      %broadcast_in_dim3A_306 = vector.broadcast %jit3A_304 : i32 to vector<16xi32>
      %select_n3A = arith.select %ge3A_303, %broadcast_in_dim3A_305, %broadcast_in_dim3A_306 : vector<16xi1>, vector<16xi32>
      %add3A_307 = vector.broadcast %mul3A_301 : i32 to vector<16xi32>
      %add3A_308 = arith.addi %add3A_307, %select_n3A : vector<16xi32>
      %and3A_309 = arith.constant 7 : i32
      %and3A_310 = vector.broadcast %and3A_309 : i32 to vector<16xi32>
      %and3A_311 = arith.andi %iota3A, %and3A_310 : vector<16xi32>
      %eq3A_312 = arith.constant 0 : i32
      %eq3A_313 = vector.broadcast %eq3A_312 : i32 to vector<16xi32>
      %eq3A_314 = arith.cmpi eq, %and3A_311, %eq3A_313 : vector<16xi32>
      %lt3A = vector.broadcast %add3A : i32 to vector<16xi32>
      %lt3A_315 = arith.cmpi slt, %add3A_308, %lt3A : vector<16xi32>
      %and3A_316 = arith.andi %eq3A_314, %lt3A_315 : vector<16xi1>
      %jit3A_317 = arith.constant 0 : i32
      %broadcast_in_dim3A_318 = vector.broadcast %jit3A_317 : i32 to vector<16xi32>
      %select_n3A_319 = arith.select %and3A_316, %get3A_299, %broadcast_in_dim3A_318 : vector<16xi1>, vector<16xi32>
      %add3A_320 = arith.addi %scan3A_295, %select_n3A_319 : vector<16xi32>
      %jit3A_321 = arith.constant 0 : i32
      %broadcast_in_dim3A_322 = vector.broadcast %jit3A_321 : i32 to vector<16xi32>
      %select_n3A_323 = arith.select %eq3A_314, %get3A_299, %broadcast_in_dim3A_322 : vector<16xi1>, vector<16xi32>
      %add3A_324 = arith.addi %scan3A_296, %select_n3A_323 : vector<16xi32>
      scf.yield %add3A_320, %add3A_324 : vector<16xi32>, vector<16xi32>
    }
    %scan3A_15 = arith.constant 16 : i32
    %reduce_sum3A = arith.constant true
    %reduce_sum3A_16 = vector.broadcast %reduce_sum3A : i1 to vector<16xi1>
    %reduce_sum3A_17 = tpu.scan <sum>, %scan3A_14#0 masked %reduce_sum3A_16 : vector<16xi32>, vector<16xi1> -> vector<16xi32>
    %reduce_sum3A_18 = vector.extract %reduce_sum3A_17[15] : i32 from vector<16xi32>
    %reduce_sum3A_19 = arith.constant true
    %reduce_sum3A_20 = vector.broadcast %reduce_sum3A_19 : i1 to vector<16xi1>
    %reduce_sum3A_21 = tpu.scan <sum>, %scan3A_14#1 masked %reduce_sum3A_20 : vector<16xi32>, vector<16xi1> -> vector<16xi32>
    %reduce_sum3A_22 = vector.extract %reduce_sum3A_21[15] : i32 from vector<16xi32>
    %scan3A_23 = arith.constant 0 : i32
    %scan3A_24 = arith.constant 0 : i32
    %scan3A_25 = arith.constant 1024 : i32
    %scan3A_26 = arith.addi %scan3A_24, %scan3A_25 : i32
    %scan3A_27 = arith.constant 1 : i32
    %scan3A_28 = scf.for %scan3A_294 = %scan3A_24 to %scan3A_26 step %scan3A_27 iter_args(%scan3A_295 = %scan3A_23) -> (i32)  : i32 {
      %broadcast_in_dim3A_296 = arith.constant 0.000000e+00 : f32
      %broadcast_in_dim3A_297 = vector.broadcast %broadcast_in_dim3A_296 : f32 to vector<16xf32>
      %mul3A_298 = arith.constant 16 : i32
      %mul3A_299 = arith.muli %scan3A_294, %mul3A_298 : i32
      %swap3A = arith.index_cast %mul3A_299 : i32 to index
      %swap3A_300 = tpu.vector_load %arg10[%swap3A] {strides = array<i32>} : memref<16384xf32, #tpu.memory_space<vmem>>, vector<16xf32>,
      tpu.vector_store %arg10[%swap3A], %broadcast_in_dim3A_297 {strides = array<i32>} : memref<16384xf32, #tpu.memory_space<vmem>>, vector<16xf32>,
      %scan3A_301 = arith.constant 0 : i32
      scf.yield %scan3A_301 : i32
    }
    %scan3A_29 = arith.constant 1024 : i32
    %scan3A_30 = arith.constant 0 : i32
    %scan3A_31 = arith.constant 0 : i32
    %scan3A_32 = arith.constant 0 : i32
    %scan3A_33 = arith.constant 0 : i32
    %scan3A_34 = arith.constant 0 : i32
    %scan3A_35 = arith.constant 0 : i32
    %scan3A_36 = arith.constant 0 : i32
    %scan3A_37 = arith.constant 0 : i32
    %scan3A_38 = arith.constant 0 : i32
    %scan3A_39 = arith.constant 8 : i32
    %scan3A_40 = arith.addi %scan3A_38, %scan3A_39 : i32
    %scan3A_41 = arith.constant 1 : i32
    %scan3A_42:9 = scf.for %scan3A_294 = %scan3A_38 to %scan3A_40 step %scan3A_41 iter_args(%scan3A_295 = %reduce_sum3A_18, %scan3A_296 = %scan3A_30, %scan3A_297 = %scan3A_31, %scan3A_298 = %scan3A_32, %scan3A_299 = %scan3A_33, %scan3A_300 = %scan3A_34, %scan3A_301 = %scan3A_35, %scan3A_302 = %scan3A_36, %scan3A_303 = %scan3A_37) -> (i32, i32, i32, i32, i32, i32, i32, i32, i32)  : i32 {
      %mul3A_304 = arith.constant 4 : i32
      %mul3A_305 = arith.muli %mul3A_304, %scan3A_294 : i32
      %gt3A_306 = arith.constant 0 : i32
      %gt3A_307 = arith.cmpi sgt, %scan3A_299, %gt3A_306 : i32
      %convert_element_type3A_308 = arith.extui %gt3A_307 : i1 to i32
      %cond3A_309 = arith.constant 0 : i32
      %cond3A_310 = arith.cmpi ne, %convert_element_type3A_308, %cond3A_309 : i32
      scf.if %cond3A_310 {
        %dma_wait3A_926 = arith.constant 0 : i32
        %dma_wait3A_927 = tpu.memref_slice %arg4[%dma_wait3A_926] : memref<16777216xf32, #tpu.memory_space<hbm>> -> memref<16777216xf32, #tpu.memory_space<hbm>>
        tpu.wait_indirect_dma semaphore(%arg19 : memref<!tpu.dma_semaphore, #tpu.memory_space<semaphore_mem>>) src(%arg13 : memref<16xf32, #tpu.memory_space<vmem>>) dst(%dma_wait3A_927 : memref<16777216xf32, #tpu.memory_space<hbm>>)
      } else {
      }
      %and3A_311 = arith.constant -65536 : i32
      %and3A_312 = arith.andi %scan3A_296, %and3A_311 : i32
      %and3A_313 = arith.constant 32768 : i32
      %and3A_314 = arith.andi %scan3A_296, %and3A_313 : i32
      %ne3A_315 = arith.constant 0 : i32
      %ne3A_316 = arith.cmpi ne, %and3A_314, %ne3A_315 : i32
      %convert_element_type3A_317 = arith.extui %ne3A_316 : i1 to i32
      %cond3A_318 = arith.constant 0 : i32
      %cond3A_319 = arith.cmpi ne, %convert_element_type3A_317, %cond3A_318 : i32
      scf.if %cond3A_319 {
        %add3A_926 = arith.addi %scan3A_297, %and3A_312 : i32
        %multiple_of3A_927 = tpu.assume_multiple %add3A_926, 8 : i32
        %add3A_928 = arith.addi %scan3A_298, %and3A_312 : i32
        %multiple_of3A_929 = tpu.assume_multiple %add3A_928, 8 : i32
        %dma_wait3A_930 = tpu.memref_slice %arg8[%multiple_of3A_927] : memref<32800xf32, #tpu.memory_space<vmem>> -> memref<32768xf32, #tpu.memory_space<vmem>>
        %dma_wait3A_931 = tpu.memref_slice %arg4[%multiple_of3A_929] : memref<16777216xf32, #tpu.memory_space<hbm>> -> memref<32768xf32, #tpu.memory_space<hbm>>
        %dma_wait3A_932 = tpu.memref_slice %arg4[%multiple_of3A_929] : memref<16777216xf32, #tpu.memory_space<hbm>> -> memref<32768xf32, #tpu.memory_space<hbm>>
        %dma_wait3A_933 = tpu.memref_slice %arg8[%multiple_of3A_927] : memref<32800xf32, #tpu.memory_space<vmem>> -> memref<32768xf32, #tpu.memory_space<vmem>>
        tpu.wait_dma2 semaphore(%arg19 : memref<!tpu.dma_semaphore, #tpu.memory_space<semaphore_mem>>) src(%dma_wait3A_933 : memref<32768xf32, #tpu.memory_space<vmem>>) dst(%dma_wait3A_932 : memref<32768xf32, #tpu.memory_space<hbm>>)
      } else {
      }
      %and3A_320 = arith.constant -32768 : i32
      %and3A_321 = arith.andi %scan3A_296, %and3A_320 : i32
      %and3A_322 = arith.constant 16384 : i32
      %and3A_323 = arith.andi %scan3A_296, %and3A_322 : i32
      %ne3A_324 = arith.constant 0 : i32
      %ne3A_325 = arith.cmpi ne, %and3A_323, %ne3A_324 : i32
      %convert_element_type3A_326 = arith.extui %ne3A_325 : i1 to i32
      %cond3A_327 = arith.constant 0 : i32
      %cond3A_328 = arith.cmpi ne, %convert_element_type3A_326, %cond3A_327 : i32
      scf.if %cond3A_328 {
        %add3A_926 = arith.addi %scan3A_297, %and3A_321 : i32
        %multiple_of3A_927 = tpu.assume_multiple %add3A_926, 8 : i32
        %add3A_928 = arith.addi %scan3A_298, %and3A_321 : i32
        %multiple_of3A_929 = tpu.assume_multiple %add3A_928, 8 : i32
        %dma_wait3A_930 = tpu.memref_slice %arg8[%multiple_of3A_927] : memref<32800xf32, #tpu.memory_space<vmem>> -> memref<16384xf32, #tpu.memory_space<vmem>>
        %dma_wait3A_931 = tpu.memref_slice %arg4[%multiple_of3A_929] : memref<16777216xf32, #tpu.memory_space<hbm>> -> memref<16384xf32, #tpu.memory_space<hbm>>
        %dma_wait3A_932 = tpu.memref_slice %arg4[%multiple_of3A_929] : memref<16777216xf32, #tpu.memory_space<hbm>> -> memref<16384xf32, #tpu.memory_space<hbm>>
        %dma_wait3A_933 = tpu.memref_slice %arg8[%multiple_of3A_927] : memref<32800xf32, #tpu.memory_space<vmem>> -> memref<16384xf32, #tpu.memory_space<vmem>>
        tpu.wait_dma2 semaphore(%arg19 : memref<!tpu.dma_semaphore, #tpu.memory_space<semaphore_mem>>) src(%dma_wait3A_933 : memref<16384xf32, #tpu.memory_space<vmem>>) dst(%dma_wait3A_932 : memref<16384xf32, #tpu.memory_space<hbm>>)
      } else {
      }
      %and3A_329 = arith.constant -16384 : i32
      %and3A_330 = arith.andi %scan3A_296, %and3A_329 : i32
      %and3A_331 = arith.constant 8192 : i32
      %and3A_332 = arith.andi %scan3A_296, %and3A_331 : i32
      %ne3A_333 = arith.constant 0 : i32
      %ne3A_334 = arith.cmpi ne, %and3A_332, %ne3A_333 : i32
      %convert_element_type3A_335 = arith.extui %ne3A_334 : i1 to i32
      %cond3A_336 = arith.constant 0 : i32
      %cond3A_337 = arith.cmpi ne, %convert_element_type3A_335, %cond3A_336 : i32
      scf.if %cond3A_337 {
        %add3A_926 = arith.addi %scan3A_297, %and3A_330 : i32
        %multiple_of3A_927 = tpu.assume_multiple %add3A_926, 8 : i32
        %add3A_928 = arith.addi %scan3A_298, %and3A_330 : i32
        %multiple_of3A_929 = tpu.assume_multiple %add3A_928, 8 : i32
        %dma_wait3A_930 = tpu.memref_slice %arg8[%multiple_of3A_927] : memref<32800xf32, #tpu.memory_space<vmem>> -> memref<8192xf32, #tpu.memory_space<vmem>>
        %dma_wait3A_931 = tpu.memref_slice %arg4[%multiple_of3A_929] : memref<16777216xf32, #tpu.memory_space<hbm>> -> memref<8192xf32, #tpu.memory_space<hbm>>
        %dma_wait3A_932 = tpu.memref_slice %arg4[%multiple_of3A_929] : memref<16777216xf32, #tpu.memory_space<hbm>> -> memref<8192xf32, #tpu.memory_space<hbm>>
        %dma_wait3A_933 = tpu.memref_slice %arg8[%multiple_of3A_927] : memref<32800xf32, #tpu.memory_space<vmem>> -> memref<8192xf32, #tpu.memory_space<vmem>>
        tpu.wait_dma2 semaphore(%arg19 : memref<!tpu.dma_semaphore, #tpu.memory_space<semaphore_mem>>) src(%dma_wait3A_933 : memref<8192xf32, #tpu.memory_space<vmem>>) dst(%dma_wait3A_932 : memref<8192xf32, #tpu.memory_space<hbm>>)
      } else {
      }
      %and3A_338 = arith.constant -8192 : i32
      %and3A_339 = arith.andi %scan3A_296, %and3A_338 : i32
      %and3A_340 = arith.constant 4096 : i32
      %and3A_341 = arith.andi %scan3A_296, %and3A_340 : i32
      %ne3A_342 = arith.constant 0 : i32
      %ne3A_343 = arith.cmpi ne, %and3A_341, %ne3A_342 : i32
      %convert_element_type3A_344 = arith.extui %ne3A_343 : i1 to i32
      %cond3A_345 = arith.constant 0 : i32
      %cond3A_346 = arith.cmpi ne, %convert_element_type3A_344, %cond3A_345 : i32
      scf.if %cond3A_346 {
        %add3A_926 = arith.addi %scan3A_297, %and3A_339 : i32
        %multiple_of3A_927 = tpu.assume_multiple %add3A_926, 8 : i32
        %add3A_928 = arith.addi %scan3A_298, %and3A_339 : i32
        %multiple_of3A_929 = tpu.assume_multiple %add3A_928, 8 : i32
        %dma_wait3A_930 = tpu.memref_slice %arg8[%multiple_of3A_927] : memref<32800xf32, #tpu.memory_space<vmem>> -> memref<4096xf32, #tpu.memory_space<vmem>>
        %dma_wait3A_931 = tpu.memref_slice %arg4[%multiple_of3A_929] : memref<16777216xf32, #tpu.memory_space<hbm>> -> memref<4096xf32, #tpu.memory_space<hbm>>
        %dma_wait3A_932 = tpu.memref_slice %arg4[%multiple_of3A_929] : memref<16777216xf32, #tpu.memory_space<hbm>> -> memref<4096xf32, #tpu.memory_space<hbm>>
        %dma_wait3A_933 = tpu.memref_slice %arg8[%multiple_of3A_927] : memref<32800xf32, #tpu.memory_space<vmem>> -> memref<4096xf32, #tpu.memory_space<vmem>>
        tpu.wait_dma2 semaphore(%arg19 : memref<!tpu.dma_semaphore, #tpu.memory_space<semaphore_mem>>) src(%dma_wait3A_933 : memref<4096xf32, #tpu.memory_space<vmem>>) dst(%dma_wait3A_932 : memref<4096xf32, #tpu.memory_space<hbm>>)
      } else {
      }
      %and3A_347 = arith.constant -4096 : i32
      %and3A_348 = arith.andi %scan3A_296, %and3A_347 : i32
      %and3A_349 = arith.constant 2048 : i32
      %and3A_350 = arith.andi %scan3A_296, %and3A_349 : i32
      %ne3A_351 = arith.constant 0 : i32
      %ne3A_352 = arith.cmpi ne, %and3A_350, %ne3A_351 : i32
      %convert_element_type3A_353 = arith.extui %ne3A_352 : i1 to i32
      %cond3A_354 = arith.constant 0 : i32
      %cond3A_355 = arith.cmpi ne, %convert_element_type3A_353, %cond3A_354 : i32
      scf.if %cond3A_355 {
        %add3A_926 = arith.addi %scan3A_297, %and3A_348 : i32
        %multiple_of3A_927 = tpu.assume_multiple %add3A_926, 8 : i32
        %add3A_928 = arith.addi %scan3A_298, %and3A_348 : i32
        %multiple_of3A_929 = tpu.assume_multiple %add3A_928, 8 : i32
        %dma_wait3A_930 = tpu.memref_slice %arg8[%multiple_of3A_927] : memref<32800xf32, #tpu.memory_space<vmem>> -> memref<2048xf32, #tpu.memory_space<vmem>>
        %dma_wait3A_931 = tpu.memref_slice %arg4[%multiple_of3A_929] : memref<16777216xf32, #tpu.memory_space<hbm>> -> memref<2048xf32, #tpu.memory_space<hbm>>
        %dma_wait3A_932 = tpu.memref_slice %arg4[%multiple_of3A_929] : memref<16777216xf32, #tpu.memory_space<hbm>> -> memref<2048xf32, #tpu.memory_space<hbm>>
        %dma_wait3A_933 = tpu.memref_slice %arg8[%multiple_of3A_927] : memref<32800xf32, #tpu.memory_space<vmem>> -> memref<2048xf32, #tpu.memory_space<vmem>>
        tpu.wait_dma2 semaphore(%arg19 : memref<!tpu.dma_semaphore, #tpu.memory_space<semaphore_mem>>) src(%dma_wait3A_933 : memref<2048xf32, #tpu.memory_space<vmem>>) dst(%dma_wait3A_932 : memref<2048xf32, #tpu.memory_space<hbm>>)
      } else {
      }
      %and3A_356 = arith.constant -2048 : i32
      %and3A_357 = arith.andi %scan3A_296, %and3A_356 : i32
      %and3A_358 = arith.constant 1024 : i32
      %and3A_359 = arith.andi %scan3A_296, %and3A_358 : i32
      %ne3A_360 = arith.constant 0 : i32
      %ne3A_361 = arith.cmpi ne, %and3A_359, %ne3A_360 : i32
      %convert_element_type3A_362 = arith.extui %ne3A_361 : i1 to i32
      %cond3A_363 = arith.constant 0 : i32
      %cond3A_364 = arith.cmpi ne, %convert_element_type3A_362, %cond3A_363 : i32
      scf.if %cond3A_364 {
        %add3A_926 = arith.addi %scan3A_297, %and3A_357 : i32
        %multiple_of3A_927 = tpu.assume_multiple %add3A_926, 8 : i32
        %add3A_928 = arith.addi %scan3A_298, %and3A_357 : i32
        %multiple_of3A_929 = tpu.assume_multiple %add3A_928, 8 : i32
        %dma_wait3A_930 = tpu.memref_slice %arg8[%multiple_of3A_927] : memref<32800xf32, #tpu.memory_space<vmem>> -> memref<1024xf32, #tpu.memory_space<vmem>>
        %dma_wait3A_931 = tpu.memref_slice %arg4[%multiple_of3A_929] : memref<16777216xf32, #tpu.memory_space<hbm>> -> memref<1024xf32, #tpu.memory_space<hbm>>
        %dma_wait3A_932 = tpu.memref_slice %arg4[%multiple_of3A_929] : memref<16777216xf32, #tpu.memory_space<hbm>> -> memref<1024xf32, #tpu.memory_space<hbm>>
        %dma_wait3A_933 = tpu.memref_slice %arg8[%multiple_of3A_927] : memref<32800xf32, #tpu.memory_space<vmem>> -> memref<1024xf32, #tpu.memory_space<vmem>>
        tpu.wait_dma2 semaphore(%arg19 : memref<!tpu.dma_semaphore, #tpu.memory_space<semaphore_mem>>) src(%dma_wait3A_933 : memref<1024xf32, #tpu.memory_space<vmem>>) dst(%dma_wait3A_932 : memref<1024xf32, #tpu.memory_space<hbm>>)
      } else {
      }
      %and3A_365 = arith.constant -1024 : i32
      %and3A_366 = arith.andi %scan3A_296, %and3A_365 : i32
      %and3A_367 = arith.constant 512 : i32
      %and3A_368 = arith.andi %scan3A_296, %and3A_367 : i32
      %ne3A_369 = arith.constant 0 : i32
      %ne3A_370 = arith.cmpi ne, %and3A_368, %ne3A_369 : i32
      %convert_element_type3A_371 = arith.extui %ne3A_370 : i1 to i32
      %cond3A_372 = arith.constant 0 : i32
      %cond3A_373 = arith.cmpi ne, %convert_element_type3A_371, %cond3A_372 : i32
      scf.if %cond3A_373 {
        %add3A_926 = arith.addi %scan3A_297, %and3A_366 : i32
        %multiple_of3A_927 = tpu.assume_multiple %add3A_926, 8 : i32
        %add3A_928 = arith.addi %scan3A_298, %and3A_366 : i32
        %multiple_of3A_929 = tpu.assume_multiple %add3A_928, 8 : i32
        %dma_wait3A_930 = tpu.memref_slice %arg8[%multiple_of3A_927] : memref<32800xf32, #tpu.memory_space<vmem>> -> memref<512xf32, #tpu.memory_space<vmem>>
        %dma_wait3A_931 = tpu.memref_slice %arg4[%multiple_of3A_929] : memref<16777216xf32, #tpu.memory_space<hbm>> -> memref<512xf32, #tpu.memory_space<hbm>>
        %dma_wait3A_932 = tpu.memref_slice %arg4[%multiple_of3A_929] : memref<16777216xf32, #tpu.memory_space<hbm>> -> memref<512xf32, #tpu.memory_space<hbm>>
        %dma_wait3A_933 = tpu.memref_slice %arg8[%multiple_of3A_927] : memref<32800xf32, #tpu.memory_space<vmem>> -> memref<512xf32, #tpu.memory_space<vmem>>
        tpu.wait_dma2 semaphore(%arg19 : memref<!tpu.dma_semaphore, #tpu.memory_space<semaphore_mem>>) src(%dma_wait3A_933 : memref<512xf32, #tpu.memory_space<vmem>>) dst(%dma_wait3A_932 : memref<512xf32, #tpu.memory_space<hbm>>)
      } else {
      }
      %and3A_374 = arith.constant -512 : i32
      %and3A_375 = arith.andi %scan3A_296, %and3A_374 : i32
      %and3A_376 = arith.constant 256 : i32
      %and3A_377 = arith.andi %scan3A_296, %and3A_376 : i32
      %ne3A_378 = arith.constant 0 : i32
      %ne3A_379 = arith.cmpi ne, %and3A_377, %ne3A_378 : i32
      %convert_element_type3A_380 = arith.extui %ne3A_379 : i1 to i32
      %cond3A_381 = arith.constant 0 : i32
      %cond3A_382 = arith.cmpi ne, %convert_element_type3A_380, %cond3A_381 : i32
      scf.if %cond3A_382 {
        %add3A_926 = arith.addi %scan3A_297, %and3A_375 : i32
        %multiple_of3A_927 = tpu.assume_multiple %add3A_926, 8 : i32
        %add3A_928 = arith.addi %scan3A_298, %and3A_375 : i32
        %multiple_of3A_929 = tpu.assume_multiple %add3A_928, 8 : i32
        %dma_wait3A_930 = tpu.memref_slice %arg8[%multiple_of3A_927] : memref<32800xf32, #tpu.memory_space<vmem>> -> memref<256xf32, #tpu.memory_space<vmem>>
        %dma_wait3A_931 = tpu.memref_slice %arg4[%multiple_of3A_929] : memref<16777216xf32, #tpu.memory_space<hbm>> -> memref<256xf32, #tpu.memory_space<hbm>>
        %dma_wait3A_932 = tpu.memref_slice %arg4[%multiple_of3A_929] : memref<16777216xf32, #tpu.memory_space<hbm>> -> memref<256xf32, #tpu.memory_space<hbm>>
        %dma_wait3A_933 = tpu.memref_slice %arg8[%multiple_of3A_927] : memref<32800xf32, #tpu.memory_space<vmem>> -> memref<256xf32, #tpu.memory_space<vmem>>
        tpu.wait_dma2 semaphore(%arg19 : memref<!tpu.dma_semaphore, #tpu.memory_space<semaphore_mem>>) src(%dma_wait3A_933 : memref<256xf32, #tpu.memory_space<vmem>>) dst(%dma_wait3A_932 : memref<256xf32, #tpu.memory_space<hbm>>)
      } else {
      }
      %and3A_383 = arith.constant -256 : i32
      %and3A_384 = arith.andi %scan3A_296, %and3A_383 : i32
      %and3A_385 = arith.constant 128 : i32
      %and3A_386 = arith.andi %scan3A_296, %and3A_385 : i32
      %ne3A_387 = arith.constant 0 : i32
      %ne3A_388 = arith.cmpi ne, %and3A_386, %ne3A_387 : i32
      %convert_element_type3A_389 = arith.extui %ne3A_388 : i1 to i32
      %cond3A_390 = arith.constant 0 : i32
      %cond3A_391 = arith.cmpi ne, %convert_element_type3A_389, %cond3A_390 : i32
      scf.if %cond3A_391 {
        %add3A_926 = arith.addi %scan3A_297, %and3A_384 : i32
        %multiple_of3A_927 = tpu.assume_multiple %add3A_926, 8 : i32
        %add3A_928 = arith.addi %scan3A_298, %and3A_384 : i32
        %multiple_of3A_929 = tpu.assume_multiple %add3A_928, 8 : i32
        %dma_wait3A_930 = tpu.memref_slice %arg8[%multiple_of3A_927] : memref<32800xf32, #tpu.memory_space<vmem>> -> memref<128xf32, #tpu.memory_space<vmem>>
        %dma_wait3A_931 = tpu.memref_slice %arg4[%multiple_of3A_929] : memref<16777216xf32, #tpu.memory_space<hbm>> -> memref<128xf32, #tpu.memory_space<hbm>>
        %dma_wait3A_932 = tpu.memref_slice %arg4[%multiple_of3A_929] : memref<16777216xf32, #tpu.memory_space<hbm>> -> memref<128xf32, #tpu.memory_space<hbm>>
        %dma_wait3A_933 = tpu.memref_slice %arg8[%multiple_of3A_927] : memref<32800xf32, #tpu.memory_space<vmem>> -> memref<128xf32, #tpu.memory_space<vmem>>
        tpu.wait_dma2 semaphore(%arg19 : memref<!tpu.dma_semaphore, #tpu.memory_space<semaphore_mem>>) src(%dma_wait3A_933 : memref<128xf32, #tpu.memory_space<vmem>>) dst(%dma_wait3A_932 : memref<128xf32, #tpu.memory_space<hbm>>)
      } else {
      }
      %and3A_392 = arith.constant -128 : i32
      %and3A_393 = arith.andi %scan3A_296, %and3A_392 : i32
      %and3A_394 = arith.constant 64 : i32
      %and3A_395 = arith.andi %scan3A_296, %and3A_394 : i32
      %ne3A_396 = arith.constant 0 : i32
      %ne3A_397 = arith.cmpi ne, %and3A_395, %ne3A_396 : i32
      %convert_element_type3A_398 = arith.extui %ne3A_397 : i1 to i32
      %cond3A_399 = arith.constant 0 : i32
      %cond3A_400 = arith.cmpi ne, %convert_element_type3A_398, %cond3A_399 : i32
      scf.if %cond3A_400 {
        %add3A_926 = arith.addi %scan3A_297, %and3A_393 : i32
        %multiple_of3A_927 = tpu.assume_multiple %add3A_926, 8 : i32
        %add3A_928 = arith.addi %scan3A_298, %and3A_393 : i32
        %multiple_of3A_929 = tpu.assume_multiple %add3A_928, 8 : i32
        %dma_wait3A_930 = tpu.memref_slice %arg8[%multiple_of3A_927] : memref<32800xf32, #tpu.memory_space<vmem>> -> memref<64xf32, #tpu.memory_space<vmem>>
        %dma_wait3A_931 = tpu.memref_slice %arg4[%multiple_of3A_929] : memref<16777216xf32, #tpu.memory_space<hbm>> -> memref<64xf32, #tpu.memory_space<hbm>>
        %dma_wait3A_932 = tpu.memref_slice %arg4[%multiple_of3A_929] : memref<16777216xf32, #tpu.memory_space<hbm>> -> memref<64xf32, #tpu.memory_space<hbm>>
        %dma_wait3A_933 = tpu.memref_slice %arg8[%multiple_of3A_927] : memref<32800xf32, #tpu.memory_space<vmem>> -> memref<64xf32, #tpu.memory_space<vmem>>
        tpu.wait_dma2 semaphore(%arg19 : memref<!tpu.dma_semaphore, #tpu.memory_space<semaphore_mem>>) src(%dma_wait3A_933 : memref<64xf32, #tpu.memory_space<vmem>>) dst(%dma_wait3A_932 : memref<64xf32, #tpu.memory_space<hbm>>)
      } else {
      }
      %and3A_401 = arith.constant -64 : i32
      %and3A_402 = arith.andi %scan3A_296, %and3A_401 : i32
      %and3A_403 = arith.constant 32 : i32
      %and3A_404 = arith.andi %scan3A_296, %and3A_403 : i32
      %ne3A_405 = arith.constant 0 : i32
      %ne3A_406 = arith.cmpi ne, %and3A_404, %ne3A_405 : i32
      %convert_element_type3A_407 = arith.extui %ne3A_406 : i1 to i32
      %cond3A_408 = arith.constant 0 : i32
      %cond3A_409 = arith.cmpi ne, %convert_element_type3A_407, %cond3A_408 : i32
      scf.if %cond3A_409 {
        %add3A_926 = arith.addi %scan3A_297, %and3A_402 : i32
        %multiple_of3A_927 = tpu.assume_multiple %add3A_926, 8 : i32
        %add3A_928 = arith.addi %scan3A_298, %and3A_402 : i32
        %multiple_of3A_929 = tpu.assume_multiple %add3A_928, 8 : i32
        %dma_wait3A_930 = tpu.memref_slice %arg8[%multiple_of3A_927] : memref<32800xf32, #tpu.memory_space<vmem>> -> memref<32xf32, #tpu.memory_space<vmem>>
        %dma_wait3A_931 = tpu.memref_slice %arg4[%multiple_of3A_929] : memref<16777216xf32, #tpu.memory_space<hbm>> -> memref<32xf32, #tpu.memory_space<hbm>>
        %dma_wait3A_932 = tpu.memref_slice %arg4[%multiple_of3A_929] : memref<16777216xf32, #tpu.memory_space<hbm>> -> memref<32xf32, #tpu.memory_space<hbm>>
        %dma_wait3A_933 = tpu.memref_slice %arg8[%multiple_of3A_927] : memref<32800xf32, #tpu.memory_space<vmem>> -> memref<32xf32, #tpu.memory_space<vmem>>
        tpu.wait_dma2 semaphore(%arg19 : memref<!tpu.dma_semaphore, #tpu.memory_space<semaphore_mem>>) src(%dma_wait3A_933 : memref<32xf32, #tpu.memory_space<vmem>>) dst(%dma_wait3A_932 : memref<32xf32, #tpu.memory_space<hbm>>)
      } else {
      }
      %and3A_410 = arith.constant -32 : i32
      %and3A_411 = arith.andi %scan3A_296, %and3A_410 : i32
      %and3A_412 = arith.constant 16 : i32
      %and3A_413 = arith.andi %scan3A_296, %and3A_412 : i32
      %ne3A_414 = arith.constant 0 : i32
      %ne3A_415 = arith.cmpi ne, %and3A_413, %ne3A_414 : i32
      %convert_element_type3A_416 = arith.extui %ne3A_415 : i1 to i32
      %cond3A_417 = arith.constant 0 : i32
      %cond3A_418 = arith.cmpi ne, %convert_element_type3A_416, %cond3A_417 : i32
      scf.if %cond3A_418 {
        %add3A_926 = arith.addi %scan3A_297, %and3A_411 : i32
        %multiple_of3A_927 = tpu.assume_multiple %add3A_926, 8 : i32
        %add3A_928 = arith.addi %scan3A_298, %and3A_411 : i32
        %multiple_of3A_929 = tpu.assume_multiple %add3A_928, 8 : i32
        %dma_wait3A_930 = tpu.memref_slice %arg8[%multiple_of3A_927] : memref<32800xf32, #tpu.memory_space<vmem>> -> memref<16xf32, #tpu.memory_space<vmem>>
        %dma_wait3A_931 = tpu.memref_slice %arg4[%multiple_of3A_929] : memref<16777216xf32, #tpu.memory_space<hbm>> -> memref<16xf32, #tpu.memory_space<hbm>>
        %dma_wait3A_932 = tpu.memref_slice %arg4[%multiple_of3A_929] : memref<16777216xf32, #tpu.memory_space<hbm>> -> memref<16xf32, #tpu.memory_space<hbm>>
        %dma_wait3A_933 = tpu.memref_slice %arg8[%multiple_of3A_927] : memref<32800xf32, #tpu.memory_space<vmem>> -> memref<16xf32, #tpu.memory_space<vmem>>
        tpu.wait_dma2 semaphore(%arg19 : memref<!tpu.dma_semaphore, #tpu.memory_space<semaphore_mem>>) src(%dma_wait3A_933 : memref<16xf32, #tpu.memory_space<vmem>>) dst(%dma_wait3A_932 : memref<16xf32, #tpu.memory_space<hbm>>)
      } else {
      }
      %and3A_419 = arith.constant -16 : i32
      %and3A_420 = arith.andi %scan3A_296, %and3A_419 : i32
      %and3A_421 = arith.constant 8 : i32
      %and3A_422 = arith.andi %scan3A_296, %and3A_421 : i32
      %ne3A_423 = arith.constant 0 : i32
      %ne3A_424 = arith.cmpi ne, %and3A_422, %ne3A_423 : i32
      %convert_element_type3A_425 = arith.extui %ne3A_424 : i1 to i32
      %cond3A_426 = arith.constant 0 : i32
      %cond3A_427 = arith.cmpi ne, %convert_element_type3A_425, %cond3A_426 : i32
      scf.if %cond3A_427 {
        %add3A_926 = arith.addi %scan3A_297, %and3A_420 : i32
        %multiple_of3A_927 = tpu.assume_multiple %add3A_926, 8 : i32
        %add3A_928 = arith.addi %scan3A_298, %and3A_420 : i32
        %multiple_of3A_929 = tpu.assume_multiple %add3A_928, 8 : i32
        %dma_wait3A_930 = tpu.memref_slice %arg8[%multiple_of3A_927] : memref<32800xf32, #tpu.memory_space<vmem>> -> memref<8xf32, #tpu.memory_space<vmem>>
        %dma_wait3A_931 = tpu.memref_slice %arg4[%multiple_of3A_929] : memref<16777216xf32, #tpu.memory_space<hbm>> -> memref<8xf32, #tpu.memory_space<hbm>>
        %dma_wait3A_932 = tpu.memref_slice %arg4[%multiple_of3A_929] : memref<16777216xf32, #tpu.memory_space<hbm>> -> memref<8xf32, #tpu.memory_space<hbm>>
        %dma_wait3A_933 = tpu.memref_slice %arg8[%multiple_of3A_927] : memref<32800xf32, #tpu.memory_space<vmem>> -> memref<8xf32, #tpu.memory_space<vmem>>
        tpu.wait_dma2 semaphore(%arg19 : memref<!tpu.dma_semaphore, #tpu.memory_space<semaphore_mem>>) src(%dma_wait3A_933 : memref<8xf32, #tpu.memory_space<vmem>>) dst(%dma_wait3A_932 : memref<8xf32, #tpu.memory_space<hbm>>)
      } else {
      }
      %and3A_428 = arith.constant 7 : i32
      %and3A_429 = arith.andi %scan3A_295, %and3A_428 : i32
      %mul3A_430 = arith.constant 16384 : i32
      %mul3A_431 = arith.muli %mul3A_305, %mul3A_430 : i32
      %add3A_432 = arith.addi %multiple_of3A, %mul3A_431 : i32
      %dma_wait3A = tpu.memref_slice %arg2[%add3A_432] : memref<16777216xf32, #tpu.memory_space<hbm>> -> memref<16384xf32, #tpu.memory_space<hbm>>
      %dma_wait3A_433 = tpu.memref_slice %arg2[%add3A_432] : memref<16777216xf32, #tpu.memory_space<hbm>> -> memref<16384xf32, #tpu.memory_space<hbm>>
      tpu.wait_dma2 semaphore(%arg17 : memref<!tpu.dma_semaphore, #tpu.memory_space<semaphore_mem>>) src(%dma_wait3A_433 : memref<16384xf32, #tpu.memory_space<hbm>>) dst(%arg6 : memref<16384xf32, #tpu.memory_space<vmem>>)
      %broadcast_in_dim3A_434 = vector.broadcast %and3A_429 : i32 to vector<16xi32>
      %parallel_loop3A = arith.constant 0 : i32
      %parallel_loop3A_435 = arith.constant 1024 : i32
      %parallel_loop3A_436 = arith.constant 1 : i32
      %parallel_loop3A_437 = scf.for %parallel_loop3A_926 = %parallel_loop3A to %parallel_loop3A_435 step %parallel_loop3A_436 iter_args(%parallel_loop3A_927 = %broadcast_in_dim3A_434) -> (vector<16xi32>)  : i32 {
        %parallel_loop3A_928 = arith.constant 16 : i32
        %parallel_loop3A_929 = arith.muli %parallel_loop3A_926, %parallel_loop3A_928 : i32
        %parallel_loop3A_930 = tpu.assume_multiple %parallel_loop3A_929, 8 : i32
        %parallel_loop3A_931 = arith.index_cast %parallel_loop3A_930 : i32 to index
        %parallel_loop3A_932 = tpu.vector_load %arg6[%parallel_loop3A_931] {strides = array<i32>} : memref<16384xf32, #tpu.memory_space<vmem>>, vector<16xf32>,
        %parallel_loop3A_933 = arith.constant 5.000000e-01 : f32
        %parallel_loop3A_934 = vector.broadcast %parallel_loop3A_933 : f32 to vector<16xf32>
        %parallel_loop3A_935 = arith.cmpf oge, %parallel_loop3A_932, %parallel_loop3A_934 : vector<16xf32>
        %parallel_loop3A_936 = arith.constant 1 : i32
        %parallel_loop3A_937 = arith.constant 0 : i32
        %parallel_loop3A_938 = vector.broadcast %parallel_loop3A_936 : i32 to vector<16xi32>
        %parallel_loop3A_939 = vector.broadcast %parallel_loop3A_937 : i32 to vector<16xi32>
        %parallel_loop3A_940 = arith.select %parallel_loop3A_935, %parallel_loop3A_938, %parallel_loop3A_939 : vector<16xi1>, vector<16xi32>
        %parallel_loop3A_941 = arith.constant true
        %parallel_loop3A_942 = vector.broadcast %parallel_loop3A_941 : i1 to vector<16xi1>
        %parallel_loop3A_943 = tpu.scan <sum>, %parallel_loop3A_940 masked %parallel_loop3A_942 : vector<16xi32>, vector<16xi1> -> vector<16xi32>
        %parallel_loop3A_944 = arith.subi %parallel_loop3A_943, %parallel_loop3A_940 : vector<16xi32>
        %parallel_loop3A_945 = arith.addi %parallel_loop3A_927, %parallel_loop3A_944 : vector<16xi32>
        tpu.vector_store_idx %arg8[%parallel_loop3A_945], %parallel_loop3A_932 masked %parallel_loop3A_935 : memref<32800xf32, #tpu.memory_space<vmem>>[vector<16xi32>], vector<16xf32>, vector<16xi1>
        %parallel_loop3A_946 = tpu.all_reduce %parallel_loop3A_935 {dim = 0 : i64, kind = #tpu.reduction_kind<sum>} : vector<16xi1> -> vector<16xi32>
        %parallel_loop3A_947 = arith.addi %parallel_loop3A_927, %parallel_loop3A_946 : vector<16xi32>
        scf.yield %parallel_loop3A_947 : vector<16xi32>
      } {sc.loop_unroll_factor = 8 : i64, sc.parallel_access}
      %add3A_438 = arith.constant 2 : i32
      %add3A_439 = arith.addi %mul3A_305, %add3A_438 : i32
      %lt3A = arith.constant 32 : i32
      %lt3A_440 = arith.cmpi slt, %add3A_439, %lt3A : i32
      %convert_element_type3A_441 = arith.extui %lt3A_440 : i1 to i32
      %cond3A_442 = arith.constant 0 : i32
      %cond3A_443 = arith.cmpi ne, %convert_element_type3A_441, %cond3A_442 : i32
      scf.if %cond3A_443 {
        %add3A_926 = arith.constant 2 : i32
        %add3A_927 = arith.addi %mul3A_305, %add3A_926 : i32
        %mul3A_928 = arith.constant 16384 : i32
        %mul3A_929 = arith.muli %add3A_927, %mul3A_928 : i32
        %add3A_930 = arith.addi %multiple_of3A, %mul3A_929 : i32
        %dma_start3A_931 = tpu.memref_slice %arg2[%add3A_930] : memref<16777216xf32, #tpu.memory_space<hbm>> -> memref<16384xf32, #tpu.memory_space<hbm>>
        %dma_start3A_932 = tpu.memref_slice %arg2[%add3A_930] : memref<16777216xf32, #tpu.memory_space<hbm>> -> memref<16384xf32, #tpu.memory_space<hbm>>
        tpu.enqueue_dma source(%dma_start3A_932 : memref<16384xf32, #tpu.memory_space<hbm>>) target(%arg6 : memref<16384xf32, #tpu.memory_space<vmem>>) target_semaphore(%arg17 : memref<!tpu.dma_semaphore, #tpu.memory_space<semaphore_mem>>)
      } else {
      }
      %add3A_444 = arith.constant 1 : i32
      %add3A_445 = arith.addi %mul3A_305, %add3A_444 : i32
      %mul3A_446 = arith.constant 16384 : i32
      %mul3A_447 = arith.muli %add3A_445, %mul3A_446 : i32
      %add3A_448 = arith.addi %multiple_of3A, %mul3A_447 : i32
      %dma_wait3A_449 = tpu.memref_slice %arg2[%add3A_448] : memref<16777216xf32, #tpu.memory_space<hbm>> -> memref<16384xf32, #tpu.memory_space<hbm>>
      %dma_wait3A_450 = tpu.memref_slice %arg2[%add3A_448] : memref<16777216xf32, #tpu.memory_space<hbm>> -> memref<16384xf32, #tpu.memory_space<hbm>>
      tpu.wait_dma2 semaphore(%arg18 : memref<!tpu.dma_semaphore, #tpu.memory_space<semaphore_mem>>) src(%dma_wait3A_450 : memref<16384xf32, #tpu.memory_space<hbm>>) dst(%arg7 : memref<16384xf32, #tpu.memory_space<vmem>>)
      %parallel_loop3A_451 = arith.constant 0 : i32
      %parallel_loop3A_452 = arith.constant 1024 : i32
      %parallel_loop3A_453 = arith.constant 1 : i32
      %parallel_loop3A_454 = scf.for %parallel_loop3A_926 = %parallel_loop3A_451 to %parallel_loop3A_452 step %parallel_loop3A_453 iter_args(%parallel_loop3A_927 = %parallel_loop3A_437) -> (vector<16xi32>)  : i32 {
        %parallel_loop3A_928 = arith.constant 16 : i32
        %parallel_loop3A_929 = arith.muli %parallel_loop3A_926, %parallel_loop3A_928 : i32
        %parallel_loop3A_930 = tpu.assume_multiple %parallel_loop3A_929, 8 : i32
        %parallel_loop3A_931 = arith.index_cast %parallel_loop3A_930 : i32 to index
        %parallel_loop3A_932 = tpu.vector_load %arg7[%parallel_loop3A_931] {strides = array<i32>} : memref<16384xf32, #tpu.memory_space<vmem>>, vector<16xf32>,
        %parallel_loop3A_933 = arith.constant 5.000000e-01 : f32
        %parallel_loop3A_934 = vector.broadcast %parallel_loop3A_933 : f32 to vector<16xf32>
        %parallel_loop3A_935 = arith.cmpf oge, %parallel_loop3A_932, %parallel_loop3A_934 : vector<16xf32>
        %parallel_loop3A_936 = arith.constant 1 : i32
        %parallel_loop3A_937 = arith.constant 0 : i32
        %parallel_loop3A_938 = vector.broadcast %parallel_loop3A_936 : i32 to vector<16xi32>
        %parallel_loop3A_939 = vector.broadcast %parallel_loop3A_937 : i32 to vector<16xi32>
        %parallel_loop3A_940 = arith.select %parallel_loop3A_935, %parallel_loop3A_938, %parallel_loop3A_939 : vector<16xi1>, vector<16xi32>
        %parallel_loop3A_941 = arith.constant true
        %parallel_loop3A_942 = vector.broadcast %parallel_loop3A_941 : i1 to vector<16xi1>
        %parallel_loop3A_943 = tpu.scan <sum>, %parallel_loop3A_940 masked %parallel_loop3A_942 : vector<16xi32>, vector<16xi1> -> vector<16xi32>
        %parallel_loop3A_944 = arith.subi %parallel_loop3A_943, %parallel_loop3A_940 : vector<16xi32>
        %parallel_loop3A_945 = arith.addi %parallel_loop3A_927, %parallel_loop3A_944 : vector<16xi32>
        tpu.vector_store_idx %arg8[%parallel_loop3A_945], %parallel_loop3A_932 masked %parallel_loop3A_935 : memref<32800xf32, #tpu.memory_space<vmem>>[vector<16xi32>], vector<16xf32>, vector<16xi1>
        %parallel_loop3A_946 = tpu.all_reduce %parallel_loop3A_935 {dim = 0 : i64, kind = #tpu.reduction_kind<sum>} : vector<16xi1> -> vector<16xi32>
        %parallel_loop3A_947 = arith.addi %parallel_loop3A_927, %parallel_loop3A_946 : vector<16xi32>
        scf.yield %parallel_loop3A_947 : vector<16xi32>
      } {sc.loop_unroll_factor = 8 : i64, sc.parallel_access}
      %add3A_455 = arith.constant 3 : i32
      %add3A_456 = arith.addi %mul3A_305, %add3A_455 : i32
      %lt3A_457 = arith.constant 32 : i32
      %lt3A_458 = arith.cmpi slt, %add3A_456, %lt3A_457 : i32
      %convert_element_type3A_459 = arith.extui %lt3A_458 : i1 to i32
      %cond3A_460 = arith.constant 0 : i32
      %cond3A_461 = arith.cmpi ne, %convert_element_type3A_459, %cond3A_460 : i32
      scf.if %cond3A_461 {
        %add3A_926 = arith.constant 3 : i32
        %add3A_927 = arith.addi %mul3A_305, %add3A_926 : i32
        %mul3A_928 = arith.constant 16384 : i32
        %mul3A_929 = arith.muli %add3A_927, %mul3A_928 : i32
        %add3A_930 = arith.addi %multiple_of3A, %mul3A_929 : i32
        %dma_start3A_931 = tpu.memref_slice %arg2[%add3A_930] : memref<16777216xf32, #tpu.memory_space<hbm>> -> memref<16384xf32, #tpu.memory_space<hbm>>
        %dma_start3A_932 = tpu.memref_slice %arg2[%add3A_930] : memref<16777216xf32, #tpu.memory_space<hbm>> -> memref<16384xf32, #tpu.memory_space<hbm>>
        tpu.enqueue_dma source(%dma_start3A_932 : memref<16384xf32, #tpu.memory_space<hbm>>) target(%arg7 : memref<16384xf32, #tpu.memory_space<vmem>>) target_semaphore(%arg18 : memref<!tpu.dma_semaphore, #tpu.memory_space<semaphore_mem>>)
      } else {
      }
      %reduce_max3A = arith.constant true
      %reduce_max3A_462 = vector.broadcast %reduce_max3A : i1 to vector<16xi1>
      %reduce_max3A_463 = arith.constant -2147483648 : i32
      %reduce_max3A_464 = vector.broadcast %reduce_max3A_463 : i32 to vector<16xi32>
      %reduce_max3A_465 = arith.xori %parallel_loop3A_454, %reduce_max3A_464 : vector<16xi32>
      %reduce_max3A_466 = tpu.scan <max>, %reduce_max3A_465 masked %reduce_max3A_462 : vector<16xi32>, vector<16xi1> -> vector<16xi32>
      %reduce_max3A_467 = arith.xori %reduce_max3A_466, %reduce_max3A_464 : vector<16xi32>
      %reduce_max3A_468 = vector.extract %reduce_max3A_467[15] : i32 from vector<16xi32>
      %sub3A_469 = arith.subi %reduce_max3A_468, %and3A_429 : i32
      %add3A_470 = arith.addi %scan3A_295, %sub3A_469 : i32
      %neg3A = arith.constant 0 : i32
      %neg3A_471 = arith.subi %neg3A, %scan3A_295 : i32
      %and3A_472 = arith.constant 7 : i32
      %and3A_473 = arith.andi %neg3A_471, %and3A_472 : i32
      %add3A_474 = arith.addi %scan3A_295, %and3A_473 : i32
      %min3A = arith.minsi %add3A_474, %add3A_470 : i32
      %and3A_475 = arith.constant 7 : i32
      %and3A_476 = arith.andi %add3A_470, %and3A_475 : i32
      %sub3A_477 = arith.subi %add3A_470, %and3A_476 : i32
      %max3A_478 = arith.maxsi %sub3A_477, %min3A : i32
      %sub3A_479 = arith.subi %scan3A_295, %and3A_429 : i32
      %sub3A_480 = arith.subi %min3A, %scan3A_295 : i32
      %sub3A_481 = arith.subi %add3A_470, %max3A_478 : i32
      %sub3A_482 = arith.subi %max3A_478, %sub3A_479 : i32
      %gt3A_483 = arith.constant 0 : i32
      %gt3A_484 = arith.cmpi sgt, %sub3A_469, %gt3A_483 : i32
      %convert_element_type3A_485 = arith.extui %gt3A_484 : i1 to i32
      %cond3A_486 = arith.constant 0 : i32
      %cond3A_487 = arith.cmpi ne, %convert_element_type3A_485, %cond3A_486 : i32
      scf.if %cond3A_487 {
        %lt3A_926 = vector.broadcast %sub3A_480 : i32 to vector<16xi32>
        %lt3A_927 = arith.cmpi slt, %iota3A, %lt3A_926 : vector<16xi32>
        %add3A_928 = vector.broadcast %and3A_429 : i32 to vector<16xi32>
        %add3A_929 = arith.addi %add3A_928, %iota3A : vector<16xi32>
        %add3A_930 = arith.addi %sub3A_480, %sub3A_481 : i32
        %lt3A_931 = vector.broadcast %add3A_930 : i32 to vector<16xi32>
        %lt3A_932 = arith.cmpi slt, %iota3A, %lt3A_931 : vector<16xi32>
        %sub3A_933 = vector.broadcast %sub3A_480 : i32 to vector<16xi32>
        %sub3A_934 = arith.subi %iota3A, %sub3A_933 : vector<16xi32>
        %add3A_935 = vector.broadcast %sub3A_482 : i32 to vector<16xi32>
        %add3A_936 = arith.addi %add3A_935, %sub3A_934 : vector<16xi32>
        %broadcast_in_dim3A_937 = vector.broadcast %and3A_429 : i32 to vector<16xi32>
        %select_n3A = arith.select %lt3A_932, %add3A_936, %broadcast_in_dim3A_937 : vector<16xi1>, vector<16xi32>
        %select_n3A_938 = arith.select %lt3A_927, %add3A_929, %select_n3A : vector<16xi1>, vector<16xi32>
        %lt3A_939 = vector.broadcast %sub3A_480 : i32 to vector<16xi32>
        %lt3A_940 = arith.cmpi slt, %iota3A, %lt3A_939 : vector<16xi32>
        %add3A_941 = vector.broadcast %scan3A_295 : i32 to vector<16xi32>
        %add3A_942 = arith.addi %add3A_941, %iota3A : vector<16xi32>
        %add3A_943 = arith.addi %sub3A_480, %sub3A_481 : i32
        %lt3A_944 = vector.broadcast %add3A_943 : i32 to vector<16xi32>
        %lt3A_945 = arith.cmpi slt, %iota3A, %lt3A_944 : vector<16xi32>
        %sub3A_946 = vector.broadcast %sub3A_480 : i32 to vector<16xi32>
        %sub3A_947 = arith.subi %iota3A, %sub3A_946 : vector<16xi32>
        %add3A_948 = vector.broadcast %max3A_478 : i32 to vector<16xi32>
        %add3A_949 = arith.addi %add3A_948, %sub3A_947 : vector<16xi32>
        %broadcast_in_dim3A_950 = vector.broadcast %scan3A_295 : i32 to vector<16xi32>
        %select_n3A_951 = arith.select %lt3A_945, %add3A_949, %broadcast_in_dim3A_950 : vector<16xi1>, vector<16xi32>
        %select_n3A_952 = arith.select %lt3A_940, %add3A_942, %select_n3A_951 : vector<16xi1>, vector<16xi32>
        %swap3A = arith.constant 0 : index
        %swap3A_953 = tpu.vector_load %arg12[%swap3A] {strides = array<i32>} : memref<16xi32, #tpu.memory_space<vmem>>, vector<16xi32>,
        tpu.vector_store %arg12[%swap3A], %select_n3A_952 {strides = array<i32>} : memref<16xi32, #tpu.memory_space<vmem>>, vector<16xi32>,
        %gather3A = tpu.vector_load_idx %arg8[%select_n3A_938] : memref<32800xf32, #tpu.memory_space<vmem>>[vector<16xi32>], vector<16xf32>,
        %swap3A_954 = arith.constant 0 : index
        %swap3A_955 = tpu.vector_load %arg13[%swap3A_954] {strides = array<i32>} : memref<16xf32, #tpu.memory_space<vmem>>, vector<16xf32>,
        tpu.vector_store %arg13[%swap3A_954], %gather3A {strides = array<i32>} : memref<16xf32, #tpu.memory_space<vmem>>, vector<16xf32>,
      } else {
      }
      %sub3A_488 = arith.subi %max3A_478, %min3A : i32
      %sub3A_489 = arith.subi %min3A, %sub3A_479 : i32
      %gt3A_490 = arith.constant 0 : i32
      %gt3A_491 = arith.cmpi sgt, %sub3A_469, %gt3A_490 : i32
      %convert_element_type3A_492 = arith.extui %gt3A_491 : i1 to i32
      %cond3A_493 = arith.constant 0 : i32
      %cond3A_494 = arith.cmpi ne, %convert_element_type3A_492, %cond3A_493 : i32
      scf.if %cond3A_494 {
        %dma_start3A_926 = arith.constant 0 : i32
        %dma_start3A_927 = tpu.memref_slice %arg4[%dma_start3A_926] : memref<16777216xf32, #tpu.memory_space<hbm>> -> memref<16777216xf32, #tpu.memory_space<hbm>>
        tpu.enqueue_indirect_dma source(%arg13 : memref<16xf32, #tpu.memory_space<vmem>>) target(%dma_start3A_927 : memref<16777216xf32, #tpu.memory_space<hbm>>) offsets(%arg12 : memref<16xi32, #tpu.memory_space<vmem>>) semaphore(%arg19 : memref<!tpu.dma_semaphore, #tpu.memory_space<semaphore_mem>>)
      } else {
      }
      %and3A_495 = arith.constant -65536 : i32
      %and3A_496 = arith.andi %sub3A_488, %and3A_495 : i32
      %and3A_497 = arith.constant 32768 : i32
      %and3A_498 = arith.andi %sub3A_488, %and3A_497 : i32
      %ne3A_499 = arith.constant 0 : i32
      %ne3A_500 = arith.cmpi ne, %and3A_498, %ne3A_499 : i32
      %convert_element_type3A_501 = arith.extui %ne3A_500 : i1 to i32
      %cond3A_502 = arith.constant 0 : i32
      %cond3A_503 = arith.cmpi ne, %convert_element_type3A_501, %cond3A_502 : i32
      scf.if %cond3A_503 {
        %add3A_926 = arith.addi %sub3A_489, %and3A_496 : i32
        %multiple_of3A_927 = tpu.assume_multiple %add3A_926, 8 : i32
        %add3A_928 = arith.addi %min3A, %and3A_496 : i32
        %multiple_of3A_929 = tpu.assume_multiple %add3A_928, 8 : i32
        %dma_start3A_930 = tpu.memref_slice %arg8[%multiple_of3A_927] : memref<32800xf32, #tpu.memory_space<vmem>> -> memref<32768xf32, #tpu.memory_space<vmem>>
        %dma_start3A_931 = tpu.memref_slice %arg4[%multiple_of3A_929] : memref<16777216xf32, #tpu.memory_space<hbm>> -> memref<32768xf32, #tpu.memory_space<hbm>>
        %dma_start3A_932 = tpu.memref_slice %arg4[%multiple_of3A_929] : memref<16777216xf32, #tpu.memory_space<hbm>> -> memref<32768xf32, #tpu.memory_space<hbm>>
        %dma_start3A_933 = tpu.memref_slice %arg8[%multiple_of3A_927] : memref<32800xf32, #tpu.memory_space<vmem>> -> memref<32768xf32, #tpu.memory_space<vmem>>
        tpu.enqueue_dma source(%dma_start3A_933 : memref<32768xf32, #tpu.memory_space<vmem>>) target(%dma_start3A_932 : memref<32768xf32, #tpu.memory_space<hbm>>) target_semaphore(%arg19 : memref<!tpu.dma_semaphore, #tpu.memory_space<semaphore_mem>>)
      } else {
      }
      %and3A_504 = arith.constant -32768 : i32
      %and3A_505 = arith.andi %sub3A_488, %and3A_504 : i32
      %and3A_506 = arith.constant 16384 : i32
      %and3A_507 = arith.andi %sub3A_488, %and3A_506 : i32
      %ne3A_508 = arith.constant 0 : i32
      %ne3A_509 = arith.cmpi ne, %and3A_507, %ne3A_508 : i32
      %convert_element_type3A_510 = arith.extui %ne3A_509 : i1 to i32
      %cond3A_511 = arith.constant 0 : i32
      %cond3A_512 = arith.cmpi ne, %convert_element_type3A_510, %cond3A_511 : i32
      scf.if %cond3A_512 {
        %add3A_926 = arith.addi %sub3A_489, %and3A_505 : i32
        %multiple_of3A_927 = tpu.assume_multiple %add3A_926, 8 : i32
        %add3A_928 = arith.addi %min3A, %and3A_505 : i32
        %multiple_of3A_929 = tpu.assume_multiple %add3A_928, 8 : i32
        %dma_start3A_930 = tpu.memref_slice %arg8[%multiple_of3A_927] : memref<32800xf32, #tpu.memory_space<vmem>> -> memref<16384xf32, #tpu.memory_space<vmem>>
        %dma_start3A_931 = tpu.memref_slice %arg4[%multiple_of3A_929] : memref<16777216xf32, #tpu.memory_space<hbm>> -> memref<16384xf32, #tpu.memory_space<hbm>>
        %dma_start3A_932 = tpu.memref_slice %arg4[%multiple_of3A_929] : memref<16777216xf32, #tpu.memory_space<hbm>> -> memref<16384xf32, #tpu.memory_space<hbm>>
        %dma_start3A_933 = tpu.memref_slice %arg8[%multiple_of3A_927] : memref<32800xf32, #tpu.memory_space<vmem>> -> memref<16384xf32, #tpu.memory_space<vmem>>
        tpu.enqueue_dma source(%dma_start3A_933 : memref<16384xf32, #tpu.memory_space<vmem>>) target(%dma_start3A_932 : memref<16384xf32, #tpu.memory_space<hbm>>) target_semaphore(%arg19 : memref<!tpu.dma_semaphore, #tpu.memory_space<semaphore_mem>>)
      } else {
      }
      %and3A_513 = arith.constant -16384 : i32
      %and3A_514 = arith.andi %sub3A_488, %and3A_513 : i32
      %and3A_515 = arith.constant 8192 : i32
      %and3A_516 = arith.andi %sub3A_488, %and3A_515 : i32
      %ne3A_517 = arith.constant 0 : i32
      %ne3A_518 = arith.cmpi ne, %and3A_516, %ne3A_517 : i32
      %convert_element_type3A_519 = arith.extui %ne3A_518 : i1 to i32
      %cond3A_520 = arith.constant 0 : i32
      %cond3A_521 = arith.cmpi ne, %convert_element_type3A_519, %cond3A_520 : i32
      scf.if %cond3A_521 {
        %add3A_926 = arith.addi %sub3A_489, %and3A_514 : i32
        %multiple_of3A_927 = tpu.assume_multiple %add3A_926, 8 : i32
        %add3A_928 = arith.addi %min3A, %and3A_514 : i32
        %multiple_of3A_929 = tpu.assume_multiple %add3A_928, 8 : i32
        %dma_start3A_930 = tpu.memref_slice %arg8[%multiple_of3A_927] : memref<32800xf32, #tpu.memory_space<vmem>> -> memref<8192xf32, #tpu.memory_space<vmem>>
        %dma_start3A_931 = tpu.memref_slice %arg4[%multiple_of3A_929] : memref<16777216xf32, #tpu.memory_space<hbm>> -> memref<8192xf32, #tpu.memory_space<hbm>>
        %dma_start3A_932 = tpu.memref_slice %arg4[%multiple_of3A_929] : memref<16777216xf32, #tpu.memory_space<hbm>> -> memref<8192xf32, #tpu.memory_space<hbm>>
        %dma_start3A_933 = tpu.memref_slice %arg8[%multiple_of3A_927] : memref<32800xf32, #tpu.memory_space<vmem>> -> memref<8192xf32, #tpu.memory_space<vmem>>
        tpu.enqueue_dma source(%dma_start3A_933 : memref<8192xf32, #tpu.memory_space<vmem>>) target(%dma_start3A_932 : memref<8192xf32, #tpu.memory_space<hbm>>) target_semaphore(%arg19 : memref<!tpu.dma_semaphore, #tpu.memory_space<semaphore_mem>>)
      } else {
      }
      %and3A_522 = arith.constant -8192 : i32
      %and3A_523 = arith.andi %sub3A_488, %and3A_522 : i32
      %and3A_524 = arith.constant 4096 : i32
      %and3A_525 = arith.andi %sub3A_488, %and3A_524 : i32
      %ne3A_526 = arith.constant 0 : i32
      %ne3A_527 = arith.cmpi ne, %and3A_525, %ne3A_526 : i32
      %convert_element_type3A_528 = arith.extui %ne3A_527 : i1 to i32
      %cond3A_529 = arith.constant 0 : i32
      %cond3A_530 = arith.cmpi ne, %convert_element_type3A_528, %cond3A_529 : i32
      scf.if %cond3A_530 {
        %add3A_926 = arith.addi %sub3A_489, %and3A_523 : i32
        %multiple_of3A_927 = tpu.assume_multiple %add3A_926, 8 : i32
        %add3A_928 = arith.addi %min3A, %and3A_523 : i32
        %multiple_of3A_929 = tpu.assume_multiple %add3A_928, 8 : i32
        %dma_start3A_930 = tpu.memref_slice %arg8[%multiple_of3A_927] : memref<32800xf32, #tpu.memory_space<vmem>> -> memref<4096xf32, #tpu.memory_space<vmem>>
        %dma_start3A_931 = tpu.memref_slice %arg4[%multiple_of3A_929] : memref<16777216xf32, #tpu.memory_space<hbm>> -> memref<4096xf32, #tpu.memory_space<hbm>>
        %dma_start3A_932 = tpu.memref_slice %arg4[%multiple_of3A_929] : memref<16777216xf32, #tpu.memory_space<hbm>> -> memref<4096xf32, #tpu.memory_space<hbm>>
        %dma_start3A_933 = tpu.memref_slice %arg8[%multiple_of3A_927] : memref<32800xf32, #tpu.memory_space<vmem>> -> memref<4096xf32, #tpu.memory_space<vmem>>
        tpu.enqueue_dma source(%dma_start3A_933 : memref<4096xf32, #tpu.memory_space<vmem>>) target(%dma_start3A_932 : memref<4096xf32, #tpu.memory_space<hbm>>) target_semaphore(%arg19 : memref<!tpu.dma_semaphore, #tpu.memory_space<semaphore_mem>>)
      } else {
      }
      %and3A_531 = arith.constant -4096 : i32
      %and3A_532 = arith.andi %sub3A_488, %and3A_531 : i32
      %and3A_533 = arith.constant 2048 : i32
      %and3A_534 = arith.andi %sub3A_488, %and3A_533 : i32
      %ne3A_535 = arith.constant 0 : i32
      %ne3A_536 = arith.cmpi ne, %and3A_534, %ne3A_535 : i32
      %convert_element_type3A_537 = arith.extui %ne3A_536 : i1 to i32
      %cond3A_538 = arith.constant 0 : i32
      %cond3A_539 = arith.cmpi ne, %convert_element_type3A_537, %cond3A_538 : i32
      scf.if %cond3A_539 {
        %add3A_926 = arith.addi %sub3A_489, %and3A_532 : i32
        %multiple_of3A_927 = tpu.assume_multiple %add3A_926, 8 : i32
        %add3A_928 = arith.addi %min3A, %and3A_532 : i32
        %multiple_of3A_929 = tpu.assume_multiple %add3A_928, 8 : i32
        %dma_start3A_930 = tpu.memref_slice %arg8[%multiple_of3A_927] : memref<32800xf32, #tpu.memory_space<vmem>> -> memref<2048xf32, #tpu.memory_space<vmem>>
        %dma_start3A_931 = tpu.memref_slice %arg4[%multiple_of3A_929] : memref<16777216xf32, #tpu.memory_space<hbm>> -> memref<2048xf32, #tpu.memory_space<hbm>>
        %dma_start3A_932 = tpu.memref_slice %arg4[%multiple_of3A_929] : memref<16777216xf32, #tpu.memory_space<hbm>> -> memref<2048xf32, #tpu.memory_space<hbm>>
        %dma_start3A_933 = tpu.memref_slice %arg8[%multiple_of3A_927] : memref<32800xf32, #tpu.memory_space<vmem>> -> memref<2048xf32, #tpu.memory_space<vmem>>
        tpu.enqueue_dma source(%dma_start3A_933 : memref<2048xf32, #tpu.memory_space<vmem>>) target(%dma_start3A_932 : memref<2048xf32, #tpu.memory_space<hbm>>) target_semaphore(%arg19 : memref<!tpu.dma_semaphore, #tpu.memory_space<semaphore_mem>>)
      } else {
      }
      %and3A_540 = arith.constant -2048 : i32
      %and3A_541 = arith.andi %sub3A_488, %and3A_540 : i32
      %and3A_542 = arith.constant 1024 : i32
      %and3A_543 = arith.andi %sub3A_488, %and3A_542 : i32
      %ne3A_544 = arith.constant 0 : i32
      %ne3A_545 = arith.cmpi ne, %and3A_543, %ne3A_544 : i32
      %convert_element_type3A_546 = arith.extui %ne3A_545 : i1 to i32
      %cond3A_547 = arith.constant 0 : i32
      %cond3A_548 = arith.cmpi ne, %convert_element_type3A_546, %cond3A_547 : i32
      scf.if %cond3A_548 {
        %add3A_926 = arith.addi %sub3A_489, %and3A_541 : i32
        %multiple_of3A_927 = tpu.assume_multiple %add3A_926, 8 : i32
        %add3A_928 = arith.addi %min3A, %and3A_541 : i32
        %multiple_of3A_929 = tpu.assume_multiple %add3A_928, 8 : i32
        %dma_start3A_930 = tpu.memref_slice %arg8[%multiple_of3A_927] : memref<32800xf32, #tpu.memory_space<vmem>> -> memref<1024xf32, #tpu.memory_space<vmem>>
        %dma_start3A_931 = tpu.memref_slice %arg4[%multiple_of3A_929] : memref<16777216xf32, #tpu.memory_space<hbm>> -> memref<1024xf32, #tpu.memory_space<hbm>>
        %dma_start3A_932 = tpu.memref_slice %arg4[%multiple_of3A_929] : memref<16777216xf32, #tpu.memory_space<hbm>> -> memref<1024xf32, #tpu.memory_space<hbm>>
        %dma_start3A_933 = tpu.memref_slice %arg8[%multiple_of3A_927] : memref<32800xf32, #tpu.memory_space<vmem>> -> memref<1024xf32, #tpu.memory_space<vmem>>
        tpu.enqueue_dma source(%dma_start3A_933 : memref<1024xf32, #tpu.memory_space<vmem>>) target(%dma_start3A_932 : memref<1024xf32, #tpu.memory_space<hbm>>) target_semaphore(%arg19 : memref<!tpu.dma_semaphore, #tpu.memory_space<semaphore_mem>>)
      } else {
      }
      %and3A_549 = arith.constant -1024 : i32
      %and3A_550 = arith.andi %sub3A_488, %and3A_549 : i32
      %and3A_551 = arith.constant 512 : i32
      %and3A_552 = arith.andi %sub3A_488, %and3A_551 : i32
      %ne3A_553 = arith.constant 0 : i32
      %ne3A_554 = arith.cmpi ne, %and3A_552, %ne3A_553 : i32
      %convert_element_type3A_555 = arith.extui %ne3A_554 : i1 to i32
      %cond3A_556 = arith.constant 0 : i32
      %cond3A_557 = arith.cmpi ne, %convert_element_type3A_555, %cond3A_556 : i32
      scf.if %cond3A_557 {
        %add3A_926 = arith.addi %sub3A_489, %and3A_550 : i32
        %multiple_of3A_927 = tpu.assume_multiple %add3A_926, 8 : i32
        %add3A_928 = arith.addi %min3A, %and3A_550 : i32
        %multiple_of3A_929 = tpu.assume_multiple %add3A_928, 8 : i32
        %dma_start3A_930 = tpu.memref_slice %arg8[%multiple_of3A_927] : memref<32800xf32, #tpu.memory_space<vmem>> -> memref<512xf32, #tpu.memory_space<vmem>>
        %dma_start3A_931 = tpu.memref_slice %arg4[%multiple_of3A_929] : memref<16777216xf32, #tpu.memory_space<hbm>> -> memref<512xf32, #tpu.memory_space<hbm>>
        %dma_start3A_932 = tpu.memref_slice %arg4[%multiple_of3A_929] : memref<16777216xf32, #tpu.memory_space<hbm>> -> memref<512xf32, #tpu.memory_space<hbm>>
        %dma_start3A_933 = tpu.memref_slice %arg8[%multiple_of3A_927] : memref<32800xf32, #tpu.memory_space<vmem>> -> memref<512xf32, #tpu.memory_space<vmem>>
        tpu.enqueue_dma source(%dma_start3A_933 : memref<512xf32, #tpu.memory_space<vmem>>) target(%dma_start3A_932 : memref<512xf32, #tpu.memory_space<hbm>>) target_semaphore(%arg19 : memref<!tpu.dma_semaphore, #tpu.memory_space<semaphore_mem>>)
      } else {
      }
      %and3A_558 = arith.constant -512 : i32
      %and3A_559 = arith.andi %sub3A_488, %and3A_558 : i32
      %and3A_560 = arith.constant 256 : i32
      %and3A_561 = arith.andi %sub3A_488, %and3A_560 : i32
      %ne3A_562 = arith.constant 0 : i32
      %ne3A_563 = arith.cmpi ne, %and3A_561, %ne3A_562 : i32
      %convert_element_type3A_564 = arith.extui %ne3A_563 : i1 to i32
      %cond3A_565 = arith.constant 0 : i32
      %cond3A_566 = arith.cmpi ne, %convert_element_type3A_564, %cond3A_565 : i32
      scf.if %cond3A_566 {
        %add3A_926 = arith.addi %sub3A_489, %and3A_559 : i32
        %multiple_of3A_927 = tpu.assume_multiple %add3A_926, 8 : i32
        %add3A_928 = arith.addi %min3A, %and3A_559 : i32
        %multiple_of3A_929 = tpu.assume_multiple %add3A_928, 8 : i32
        %dma_start3A_930 = tpu.memref_slice %arg8[%multiple_of3A_927] : memref<32800xf32, #tpu.memory_space<vmem>> -> memref<256xf32, #tpu.memory_space<vmem>>
        %dma_start3A_931 = tpu.memref_slice %arg4[%multiple_of3A_929] : memref<16777216xf32, #tpu.memory_space<hbm>> -> memref<256xf32, #tpu.memory_space<hbm>>
        %dma_start3A_932 = tpu.memref_slice %arg4[%multiple_of3A_929] : memref<16777216xf32, #tpu.memory_space<hbm>> -> memref<256xf32, #tpu.memory_space<hbm>>
        %dma_start3A_933 = tpu.memref_slice %arg8[%multiple_of3A_927] : memref<32800xf32, #tpu.memory_space<vmem>> -> memref<256xf32, #tpu.memory_space<vmem>>
        tpu.enqueue_dma source(%dma_start3A_933 : memref<256xf32, #tpu.memory_space<vmem>>) target(%dma_start3A_932 : memref<256xf32, #tpu.memory_space<hbm>>) target_semaphore(%arg19 : memref<!tpu.dma_semaphore, #tpu.memory_space<semaphore_mem>>)
      } else {
      }
      %and3A_567 = arith.constant -256 : i32
      %and3A_568 = arith.andi %sub3A_488, %and3A_567 : i32
      %and3A_569 = arith.constant 128 : i32
      %and3A_570 = arith.andi %sub3A_488, %and3A_569 : i32
      %ne3A_571 = arith.constant 0 : i32
      %ne3A_572 = arith.cmpi ne, %and3A_570, %ne3A_571 : i32
      %convert_element_type3A_573 = arith.extui %ne3A_572 : i1 to i32
      %cond3A_574 = arith.constant 0 : i32
      %cond3A_575 = arith.cmpi ne, %convert_element_type3A_573, %cond3A_574 : i32
      scf.if %cond3A_575 {
        %add3A_926 = arith.addi %sub3A_489, %and3A_568 : i32
        %multiple_of3A_927 = tpu.assume_multiple %add3A_926, 8 : i32
        %add3A_928 = arith.addi %min3A, %and3A_568 : i32
        %multiple_of3A_929 = tpu.assume_multiple %add3A_928, 8 : i32
        %dma_start3A_930 = tpu.memref_slice %arg8[%multiple_of3A_927] : memref<32800xf32, #tpu.memory_space<vmem>> -> memref<128xf32, #tpu.memory_space<vmem>>
        %dma_start3A_931 = tpu.memref_slice %arg4[%multiple_of3A_929] : memref<16777216xf32, #tpu.memory_space<hbm>> -> memref<128xf32, #tpu.memory_space<hbm>>
        %dma_start3A_932 = tpu.memref_slice %arg4[%multiple_of3A_929] : memref<16777216xf32, #tpu.memory_space<hbm>> -> memref<128xf32, #tpu.memory_space<hbm>>
        %dma_start3A_933 = tpu.memref_slice %arg8[%multiple_of3A_927] : memref<32800xf32, #tpu.memory_space<vmem>> -> memref<128xf32, #tpu.memory_space<vmem>>
        tpu.enqueue_dma source(%dma_start3A_933 : memref<128xf32, #tpu.memory_space<vmem>>) target(%dma_start3A_932 : memref<128xf32, #tpu.memory_space<hbm>>) target_semaphore(%arg19 : memref<!tpu.dma_semaphore, #tpu.memory_space<semaphore_mem>>)
      } else {
      }
      %and3A_576 = arith.constant -128 : i32
      %and3A_577 = arith.andi %sub3A_488, %and3A_576 : i32
      %and3A_578 = arith.constant 64 : i32
      %and3A_579 = arith.andi %sub3A_488, %and3A_578 : i32
      %ne3A_580 = arith.constant 0 : i32
      %ne3A_581 = arith.cmpi ne, %and3A_579, %ne3A_580 : i32
      %convert_element_type3A_582 = arith.extui %ne3A_581 : i1 to i32
      %cond3A_583 = arith.constant 0 : i32
      %cond3A_584 = arith.cmpi ne, %convert_element_type3A_582, %cond3A_583 : i32
      scf.if %cond3A_584 {
        %add3A_926 = arith.addi %sub3A_489, %and3A_577 : i32
        %multiple_of3A_927 = tpu.assume_multiple %add3A_926, 8 : i32
        %add3A_928 = arith.addi %min3A, %and3A_577 : i32
        %multiple_of3A_929 = tpu.assume_multiple %add3A_928, 8 : i32
        %dma_start3A_930 = tpu.memref_slice %arg8[%multiple_of3A_927] : memref<32800xf32, #tpu.memory_space<vmem>> -> memref<64xf32, #tpu.memory_space<vmem>>
        %dma_start3A_931 = tpu.memref_slice %arg4[%multiple_of3A_929] : memref<16777216xf32, #tpu.memory_space<hbm>> -> memref<64xf32, #tpu.memory_space<hbm>>
        %dma_start3A_932 = tpu.memref_slice %arg4[%multiple_of3A_929] : memref<16777216xf32, #tpu.memory_space<hbm>> -> memref<64xf32, #tpu.memory_space<hbm>>
        %dma_start3A_933 = tpu.memref_slice %arg8[%multiple_of3A_927] : memref<32800xf32, #tpu.memory_space<vmem>> -> memref<64xf32, #tpu.memory_space<vmem>>
        tpu.enqueue_dma source(%dma_start3A_933 : memref<64xf32, #tpu.memory_space<vmem>>) target(%dma_start3A_932 : memref<64xf32, #tpu.memory_space<hbm>>) target_semaphore(%arg19 : memref<!tpu.dma_semaphore, #tpu.memory_space<semaphore_mem>>)
      } else {
      }
      %and3A_585 = arith.constant -64 : i32
      %and3A_586 = arith.andi %sub3A_488, %and3A_585 : i32
      %and3A_587 = arith.constant 32 : i32
      %and3A_588 = arith.andi %sub3A_488, %and3A_587 : i32
      %ne3A_589 = arith.constant 0 : i32
      %ne3A_590 = arith.cmpi ne, %and3A_588, %ne3A_589 : i32
      %convert_element_type3A_591 = arith.extui %ne3A_590 : i1 to i32
      %cond3A_592 = arith.constant 0 : i32
      %cond3A_593 = arith.cmpi ne, %convert_element_type3A_591, %cond3A_592 : i32
      scf.if %cond3A_593 {
        %add3A_926 = arith.addi %sub3A_489, %and3A_586 : i32
        %multiple_of3A_927 = tpu.assume_multiple %add3A_926, 8 : i32
        %add3A_928 = arith.addi %min3A, %and3A_586 : i32
        %multiple_of3A_929 = tpu.assume_multiple %add3A_928, 8 : i32
        %dma_start3A_930 = tpu.memref_slice %arg8[%multiple_of3A_927] : memref<32800xf32, #tpu.memory_space<vmem>> -> memref<32xf32, #tpu.memory_space<vmem>>
        %dma_start3A_931 = tpu.memref_slice %arg4[%multiple_of3A_929] : memref<16777216xf32, #tpu.memory_space<hbm>> -> memref<32xf32, #tpu.memory_space<hbm>>
        %dma_start3A_932 = tpu.memref_slice %arg4[%multiple_of3A_929] : memref<16777216xf32, #tpu.memory_space<hbm>> -> memref<32xf32, #tpu.memory_space<hbm>>
        %dma_start3A_933 = tpu.memref_slice %arg8[%multiple_of3A_927] : memref<32800xf32, #tpu.memory_space<vmem>> -> memref<32xf32, #tpu.memory_space<vmem>>
        tpu.enqueue_dma source(%dma_start3A_933 : memref<32xf32, #tpu.memory_space<vmem>>) target(%dma_start3A_932 : memref<32xf32, #tpu.memory_space<hbm>>) target_semaphore(%arg19 : memref<!tpu.dma_semaphore, #tpu.memory_space<semaphore_mem>>)
      } else {
      }
      %and3A_594 = arith.constant -32 : i32
      %and3A_595 = arith.andi %sub3A_488, %and3A_594 : i32
      %and3A_596 = arith.constant 16 : i32
      %and3A_597 = arith.andi %sub3A_488, %and3A_596 : i32
      %ne3A_598 = arith.constant 0 : i32
      %ne3A_599 = arith.cmpi ne, %and3A_597, %ne3A_598 : i32
      %convert_element_type3A_600 = arith.extui %ne3A_599 : i1 to i32
      %cond3A_601 = arith.constant 0 : i32
      %cond3A_602 = arith.cmpi ne, %convert_element_type3A_600, %cond3A_601 : i32
      scf.if %cond3A_602 {
        %add3A_926 = arith.addi %sub3A_489, %and3A_595 : i32
        %multiple_of3A_927 = tpu.assume_multiple %add3A_926, 8 : i32
        %add3A_928 = arith.addi %min3A, %and3A_595 : i32
        %multiple_of3A_929 = tpu.assume_multiple %add3A_928, 8 : i32
        %dma_start3A_930 = tpu.memref_slice %arg8[%multiple_of3A_927] : memref<32800xf32, #tpu.memory_space<vmem>> -> memref<16xf32, #tpu.memory_space<vmem>>
        %dma_start3A_931 = tpu.memref_slice %arg4[%multiple_of3A_929] : memref<16777216xf32, #tpu.memory_space<hbm>> -> memref<16xf32, #tpu.memory_space<hbm>>
        %dma_start3A_932 = tpu.memref_slice %arg4[%multiple_of3A_929] : memref<16777216xf32, #tpu.memory_space<hbm>> -> memref<16xf32, #tpu.memory_space<hbm>>
        %dma_start3A_933 = tpu.memref_slice %arg8[%multiple_of3A_927] : memref<32800xf32, #tpu.memory_space<vmem>> -> memref<16xf32, #tpu.memory_space<vmem>>
        tpu.enqueue_dma source(%dma_start3A_933 : memref<16xf32, #tpu.memory_space<vmem>>) target(%dma_start3A_932 : memref<16xf32, #tpu.memory_space<hbm>>) target_semaphore(%arg19 : memref<!tpu.dma_semaphore, #tpu.memory_space<semaphore_mem>>)
      } else {
      }
      %and3A_603 = arith.constant -16 : i32
      %and3A_604 = arith.andi %sub3A_488, %and3A_603 : i32
      %and3A_605 = arith.constant 8 : i32
      %and3A_606 = arith.andi %sub3A_488, %and3A_605 : i32
      %ne3A_607 = arith.constant 0 : i32
      %ne3A_608 = arith.cmpi ne, %and3A_606, %ne3A_607 : i32
      %convert_element_type3A_609 = arith.extui %ne3A_608 : i1 to i32
      %cond3A_610 = arith.constant 0 : i32
      %cond3A_611 = arith.cmpi ne, %convert_element_type3A_609, %cond3A_610 : i32
      scf.if %cond3A_611 {
        %add3A_926 = arith.addi %sub3A_489, %and3A_604 : i32
        %multiple_of3A_927 = tpu.assume_multiple %add3A_926, 8 : i32
        %add3A_928 = arith.addi %min3A, %and3A_604 : i32
        %multiple_of3A_929 = tpu.assume_multiple %add3A_928, 8 : i32
        %dma_start3A_930 = tpu.memref_slice %arg8[%multiple_of3A_927] : memref<32800xf32, #tpu.memory_space<vmem>> -> memref<8xf32, #tpu.memory_space<vmem>>
        %dma_start3A_931 = tpu.memref_slice %arg4[%multiple_of3A_929] : memref<16777216xf32, #tpu.memory_space<hbm>> -> memref<8xf32, #tpu.memory_space<hbm>>
        %dma_start3A_932 = tpu.memref_slice %arg4[%multiple_of3A_929] : memref<16777216xf32, #tpu.memory_space<hbm>> -> memref<8xf32, #tpu.memory_space<hbm>>
        %dma_start3A_933 = tpu.memref_slice %arg8[%multiple_of3A_927] : memref<32800xf32, #tpu.memory_space<vmem>> -> memref<8xf32, #tpu.memory_space<vmem>>
        tpu.enqueue_dma source(%dma_start3A_933 : memref<8xf32, #tpu.memory_space<vmem>>) target(%dma_start3A_932 : memref<8xf32, #tpu.memory_space<hbm>>) target_semaphore(%arg19 : memref<!tpu.dma_semaphore, #tpu.memory_space<semaphore_mem>>)
      } else {
      }
      %gt3A_612 = arith.constant 0 : i32
      %gt3A_613 = arith.cmpi sgt, %scan3A_303, %gt3A_612 : i32
      %convert_element_type3A_614 = arith.extui %gt3A_613 : i1 to i32
      %cond3A_615 = arith.constant 0 : i32
      %cond3A_616 = arith.cmpi ne, %convert_element_type3A_614, %cond3A_615 : i32
      scf.if %cond3A_616 {
        %dma_wait3A_926 = arith.constant 0 : i32
        %dma_wait3A_927 = tpu.memref_slice %arg4[%dma_wait3A_926] : memref<16777216xf32, #tpu.memory_space<hbm>> -> memref<16777216xf32, #tpu.memory_space<hbm>>
        tpu.wait_indirect_dma semaphore(%arg20 : memref<!tpu.dma_semaphore, #tpu.memory_space<semaphore_mem>>) src(%arg15 : memref<16xf32, #tpu.memory_space<vmem>>) dst(%dma_wait3A_927 : memref<16777216xf32, #tpu.memory_space<hbm>>)
      } else {
      }
      %and3A_617 = arith.constant -65536 : i32
      %and3A_618 = arith.andi %scan3A_300, %and3A_617 : i32
      %and3A_619 = arith.constant 32768 : i32
      %and3A_620 = arith.andi %scan3A_300, %and3A_619 : i32
      %ne3A_621 = arith.constant 0 : i32
      %ne3A_622 = arith.cmpi ne, %and3A_620, %ne3A_621 : i32
      %convert_element_type3A_623 = arith.extui %ne3A_622 : i1 to i32
      %cond3A_624 = arith.constant 0 : i32
      %cond3A_625 = arith.cmpi ne, %convert_element_type3A_623, %cond3A_624 : i32
      scf.if %cond3A_625 {
        %add3A_926 = arith.addi %scan3A_301, %and3A_618 : i32
        %multiple_of3A_927 = tpu.assume_multiple %add3A_926, 8 : i32
        %add3A_928 = arith.addi %scan3A_302, %and3A_618 : i32
        %multiple_of3A_929 = tpu.assume_multiple %add3A_928, 8 : i32
        %dma_wait3A_930 = tpu.memref_slice %arg9[%multiple_of3A_927] : memref<32800xf32, #tpu.memory_space<vmem>> -> memref<32768xf32, #tpu.memory_space<vmem>>
        %dma_wait3A_931 = tpu.memref_slice %arg4[%multiple_of3A_929] : memref<16777216xf32, #tpu.memory_space<hbm>> -> memref<32768xf32, #tpu.memory_space<hbm>>
        %dma_wait3A_932 = tpu.memref_slice %arg4[%multiple_of3A_929] : memref<16777216xf32, #tpu.memory_space<hbm>> -> memref<32768xf32, #tpu.memory_space<hbm>>
        %dma_wait3A_933 = tpu.memref_slice %arg9[%multiple_of3A_927] : memref<32800xf32, #tpu.memory_space<vmem>> -> memref<32768xf32, #tpu.memory_space<vmem>>
        tpu.wait_dma2 semaphore(%arg20 : memref<!tpu.dma_semaphore, #tpu.memory_space<semaphore_mem>>) src(%dma_wait3A_933 : memref<32768xf32, #tpu.memory_space<vmem>>) dst(%dma_wait3A_932 : memref<32768xf32, #tpu.memory_space<hbm>>)
      } else {
      }
      %and3A_626 = arith.constant -32768 : i32
      %and3A_627 = arith.andi %scan3A_300, %and3A_626 : i32
      %and3A_628 = arith.constant 16384 : i32
      %and3A_629 = arith.andi %scan3A_300, %and3A_628 : i32
      %ne3A_630 = arith.constant 0 : i32
      %ne3A_631 = arith.cmpi ne, %and3A_629, %ne3A_630 : i32
      %convert_element_type3A_632 = arith.extui %ne3A_631 : i1 to i32
      %cond3A_633 = arith.constant 0 : i32
      %cond3A_634 = arith.cmpi ne, %convert_element_type3A_632, %cond3A_633 : i32
      scf.if %cond3A_634 {
        %add3A_926 = arith.addi %scan3A_301, %and3A_627 : i32
        %multiple_of3A_927 = tpu.assume_multiple %add3A_926, 8 : i32
        %add3A_928 = arith.addi %scan3A_302, %and3A_627 : i32
        %multiple_of3A_929 = tpu.assume_multiple %add3A_928, 8 : i32
        %dma_wait3A_930 = tpu.memref_slice %arg9[%multiple_of3A_927] : memref<32800xf32, #tpu.memory_space<vmem>> -> memref<16384xf32, #tpu.memory_space<vmem>>
        %dma_wait3A_931 = tpu.memref_slice %arg4[%multiple_of3A_929] : memref<16777216xf32, #tpu.memory_space<hbm>> -> memref<16384xf32, #tpu.memory_space<hbm>>
        %dma_wait3A_932 = tpu.memref_slice %arg4[%multiple_of3A_929] : memref<16777216xf32, #tpu.memory_space<hbm>> -> memref<16384xf32, #tpu.memory_space<hbm>>
        %dma_wait3A_933 = tpu.memref_slice %arg9[%multiple_of3A_927] : memref<32800xf32, #tpu.memory_space<vmem>> -> memref<16384xf32, #tpu.memory_space<vmem>>
        tpu.wait_dma2 semaphore(%arg20 : memref<!tpu.dma_semaphore, #tpu.memory_space<semaphore_mem>>) src(%dma_wait3A_933 : memref<16384xf32, #tpu.memory_space<vmem>>) dst(%dma_wait3A_932 : memref<16384xf32, #tpu.memory_space<hbm>>)
      } else {
      }
      %and3A_635 = arith.constant -16384 : i32
      %and3A_636 = arith.andi %scan3A_300, %and3A_635 : i32
      %and3A_637 = arith.constant 8192 : i32
      %and3A_638 = arith.andi %scan3A_300, %and3A_637 : i32
      %ne3A_639 = arith.constant 0 : i32
      %ne3A_640 = arith.cmpi ne, %and3A_638, %ne3A_639 : i32
      %convert_element_type3A_641 = arith.extui %ne3A_640 : i1 to i32
      %cond3A_642 = arith.constant 0 : i32
      %cond3A_643 = arith.cmpi ne, %convert_element_type3A_641, %cond3A_642 : i32
      scf.if %cond3A_643 {
        %add3A_926 = arith.addi %scan3A_301, %and3A_636 : i32
        %multiple_of3A_927 = tpu.assume_multiple %add3A_926, 8 : i32
        %add3A_928 = arith.addi %scan3A_302, %and3A_636 : i32
        %multiple_of3A_929 = tpu.assume_multiple %add3A_928, 8 : i32
        %dma_wait3A_930 = tpu.memref_slice %arg9[%multiple_of3A_927] : memref<32800xf32, #tpu.memory_space<vmem>> -> memref<8192xf32, #tpu.memory_space<vmem>>
        %dma_wait3A_931 = tpu.memref_slice %arg4[%multiple_of3A_929] : memref<16777216xf32, #tpu.memory_space<hbm>> -> memref<8192xf32, #tpu.memory_space<hbm>>
        %dma_wait3A_932 = tpu.memref_slice %arg4[%multiple_of3A_929] : memref<16777216xf32, #tpu.memory_space<hbm>> -> memref<8192xf32, #tpu.memory_space<hbm>>
        %dma_wait3A_933 = tpu.memref_slice %arg9[%multiple_of3A_927] : memref<32800xf32, #tpu.memory_space<vmem>> -> memref<8192xf32, #tpu.memory_space<vmem>>
        tpu.wait_dma2 semaphore(%arg20 : memref<!tpu.dma_semaphore, #tpu.memory_space<semaphore_mem>>) src(%dma_wait3A_933 : memref<8192xf32, #tpu.memory_space<vmem>>) dst(%dma_wait3A_932 : memref<8192xf32, #tpu.memory_space<hbm>>)
      } else {
      }
      %and3A_644 = arith.constant -8192 : i32
      %and3A_645 = arith.andi %scan3A_300, %and3A_644 : i32
      %and3A_646 = arith.constant 4096 : i32
      %and3A_647 = arith.andi %scan3A_300, %and3A_646 : i32
      %ne3A_648 = arith.constant 0 : i32
      %ne3A_649 = arith.cmpi ne, %and3A_647, %ne3A_648 : i32
      %convert_element_type3A_650 = arith.extui %ne3A_649 : i1 to i32
      %cond3A_651 = arith.constant 0 : i32
      %cond3A_652 = arith.cmpi ne, %convert_element_type3A_650, %cond3A_651 : i32
      scf.if %cond3A_652 {
        %add3A_926 = arith.addi %scan3A_301, %and3A_645 : i32
        %multiple_of3A_927 = tpu.assume_multiple %add3A_926, 8 : i32
        %add3A_928 = arith.addi %scan3A_302, %and3A_645 : i32
        %multiple_of3A_929 = tpu.assume_multiple %add3A_928, 8 : i32
        %dma_wait3A_930 = tpu.memref_slice %arg9[%multiple_of3A_927] : memref<32800xf32, #tpu.memory_space<vmem>> -> memref<4096xf32, #tpu.memory_space<vmem>>
        %dma_wait3A_931 = tpu.memref_slice %arg4[%multiple_of3A_929] : memref<16777216xf32, #tpu.memory_space<hbm>> -> memref<4096xf32, #tpu.memory_space<hbm>>
        %dma_wait3A_932 = tpu.memref_slice %arg4[%multiple_of3A_929] : memref<16777216xf32, #tpu.memory_space<hbm>> -> memref<4096xf32, #tpu.memory_space<hbm>>
        %dma_wait3A_933 = tpu.memref_slice %arg9[%multiple_of3A_927] : memref<32800xf32, #tpu.memory_space<vmem>> -> memref<4096xf32, #tpu.memory_space<vmem>>
        tpu.wait_dma2 semaphore(%arg20 : memref<!tpu.dma_semaphore, #tpu.memory_space<semaphore_mem>>) src(%dma_wait3A_933 : memref<4096xf32, #tpu.memory_space<vmem>>) dst(%dma_wait3A_932 : memref<4096xf32, #tpu.memory_space<hbm>>)
      } else {
      }
      %and3A_653 = arith.constant -4096 : i32
      %and3A_654 = arith.andi %scan3A_300, %and3A_653 : i32
      %and3A_655 = arith.constant 2048 : i32
      %and3A_656 = arith.andi %scan3A_300, %and3A_655 : i32
      %ne3A_657 = arith.constant 0 : i32
      %ne3A_658 = arith.cmpi ne, %and3A_656, %ne3A_657 : i32
      %convert_element_type3A_659 = arith.extui %ne3A_658 : i1 to i32
      %cond3A_660 = arith.constant 0 : i32
      %cond3A_661 = arith.cmpi ne, %convert_element_type3A_659, %cond3A_660 : i32
      scf.if %cond3A_661 {
        %add3A_926 = arith.addi %scan3A_301, %and3A_654 : i32
        %multiple_of3A_927 = tpu.assume_multiple %add3A_926, 8 : i32
        %add3A_928 = arith.addi %scan3A_302, %and3A_654 : i32
        %multiple_of3A_929 = tpu.assume_multiple %add3A_928, 8 : i32
        %dma_wait3A_930 = tpu.memref_slice %arg9[%multiple_of3A_927] : memref<32800xf32, #tpu.memory_space<vmem>> -> memref<2048xf32, #tpu.memory_space<vmem>>
        %dma_wait3A_931 = tpu.memref_slice %arg4[%multiple_of3A_929] : memref<16777216xf32, #tpu.memory_space<hbm>> -> memref<2048xf32, #tpu.memory_space<hbm>>
        %dma_wait3A_932 = tpu.memref_slice %arg4[%multiple_of3A_929] : memref<16777216xf32, #tpu.memory_space<hbm>> -> memref<2048xf32, #tpu.memory_space<hbm>>
        %dma_wait3A_933 = tpu.memref_slice %arg9[%multiple_of3A_927] : memref<32800xf32, #tpu.memory_space<vmem>> -> memref<2048xf32, #tpu.memory_space<vmem>>
        tpu.wait_dma2 semaphore(%arg20 : memref<!tpu.dma_semaphore, #tpu.memory_space<semaphore_mem>>) src(%dma_wait3A_933 : memref<2048xf32, #tpu.memory_space<vmem>>) dst(%dma_wait3A_932 : memref<2048xf32, #tpu.memory_space<hbm>>)
      } else {
      }
      %and3A_662 = arith.constant -2048 : i32
      %and3A_663 = arith.andi %scan3A_300, %and3A_662 : i32
      %and3A_664 = arith.constant 1024 : i32
      %and3A_665 = arith.andi %scan3A_300, %and3A_664 : i32
      %ne3A_666 = arith.constant 0 : i32
      %ne3A_667 = arith.cmpi ne, %and3A_665, %ne3A_666 : i32
      %convert_element_type3A_668 = arith.extui %ne3A_667 : i1 to i32
      %cond3A_669 = arith.constant 0 : i32
      %cond3A_670 = arith.cmpi ne, %convert_element_type3A_668, %cond3A_669 : i32
      scf.if %cond3A_670 {
        %add3A_926 = arith.addi %scan3A_301, %and3A_663 : i32
        %multiple_of3A_927 = tpu.assume_multiple %add3A_926, 8 : i32
        %add3A_928 = arith.addi %scan3A_302, %and3A_663 : i32
        %multiple_of3A_929 = tpu.assume_multiple %add3A_928, 8 : i32
        %dma_wait3A_930 = tpu.memref_slice %arg9[%multiple_of3A_927] : memref<32800xf32, #tpu.memory_space<vmem>> -> memref<1024xf32, #tpu.memory_space<vmem>>
        %dma_wait3A_931 = tpu.memref_slice %arg4[%multiple_of3A_929] : memref<16777216xf32, #tpu.memory_space<hbm>> -> memref<1024xf32, #tpu.memory_space<hbm>>
        %dma_wait3A_932 = tpu.memref_slice %arg4[%multiple_of3A_929] : memref<16777216xf32, #tpu.memory_space<hbm>> -> memref<1024xf32, #tpu.memory_space<hbm>>
        %dma_wait3A_933 = tpu.memref_slice %arg9[%multiple_of3A_927] : memref<32800xf32, #tpu.memory_space<vmem>> -> memref<1024xf32, #tpu.memory_space<vmem>>
        tpu.wait_dma2 semaphore(%arg20 : memref<!tpu.dma_semaphore, #tpu.memory_space<semaphore_mem>>) src(%dma_wait3A_933 : memref<1024xf32, #tpu.memory_space<vmem>>) dst(%dma_wait3A_932 : memref<1024xf32, #tpu.memory_space<hbm>>)
      } else {
      }
      %and3A_671 = arith.constant -1024 : i32
      %and3A_672 = arith.andi %scan3A_300, %and3A_671 : i32
      %and3A_673 = arith.constant 512 : i32
      %and3A_674 = arith.andi %scan3A_300, %and3A_673 : i32
      %ne3A_675 = arith.constant 0 : i32
      %ne3A_676 = arith.cmpi ne, %and3A_674, %ne3A_675 : i32
      %convert_element_type3A_677 = arith.extui %ne3A_676 : i1 to i32
      %cond3A_678 = arith.constant 0 : i32
      %cond3A_679 = arith.cmpi ne, %convert_element_type3A_677, %cond3A_678 : i32
      scf.if %cond3A_679 {
        %add3A_926 = arith.addi %scan3A_301, %and3A_672 : i32
        %multiple_of3A_927 = tpu.assume_multiple %add3A_926, 8 : i32
        %add3A_928 = arith.addi %scan3A_302, %and3A_672 : i32
        %multiple_of3A_929 = tpu.assume_multiple %add3A_928, 8 : i32
        %dma_wait3A_930 = tpu.memref_slice %arg9[%multiple_of3A_927] : memref<32800xf32, #tpu.memory_space<vmem>> -> memref<512xf32, #tpu.memory_space<vmem>>
        %dma_wait3A_931 = tpu.memref_slice %arg4[%multiple_of3A_929] : memref<16777216xf32, #tpu.memory_space<hbm>> -> memref<512xf32, #tpu.memory_space<hbm>>
        %dma_wait3A_932 = tpu.memref_slice %arg4[%multiple_of3A_929] : memref<16777216xf32, #tpu.memory_space<hbm>> -> memref<512xf32, #tpu.memory_space<hbm>>
        %dma_wait3A_933 = tpu.memref_slice %arg9[%multiple_of3A_927] : memref<32800xf32, #tpu.memory_space<vmem>> -> memref<512xf32, #tpu.memory_space<vmem>>
        tpu.wait_dma2 semaphore(%arg20 : memref<!tpu.dma_semaphore, #tpu.memory_space<semaphore_mem>>) src(%dma_wait3A_933 : memref<512xf32, #tpu.memory_space<vmem>>) dst(%dma_wait3A_932 : memref<512xf32, #tpu.memory_space<hbm>>)
      } else {
      }
      %and3A_680 = arith.constant -512 : i32
      %and3A_681 = arith.andi %scan3A_300, %and3A_680 : i32
      %and3A_682 = arith.constant 256 : i32
      %and3A_683 = arith.andi %scan3A_300, %and3A_682 : i32
      %ne3A_684 = arith.constant 0 : i32
      %ne3A_685 = arith.cmpi ne, %and3A_683, %ne3A_684 : i32
      %convert_element_type3A_686 = arith.extui %ne3A_685 : i1 to i32
      %cond3A_687 = arith.constant 0 : i32
      %cond3A_688 = arith.cmpi ne, %convert_element_type3A_686, %cond3A_687 : i32
      scf.if %cond3A_688 {
        %add3A_926 = arith.addi %scan3A_301, %and3A_681 : i32
        %multiple_of3A_927 = tpu.assume_multiple %add3A_926, 8 : i32
        %add3A_928 = arith.addi %scan3A_302, %and3A_681 : i32
        %multiple_of3A_929 = tpu.assume_multiple %add3A_928, 8 : i32
        %dma_wait3A_930 = tpu.memref_slice %arg9[%multiple_of3A_927] : memref<32800xf32, #tpu.memory_space<vmem>> -> memref<256xf32, #tpu.memory_space<vmem>>
        %dma_wait3A_931 = tpu.memref_slice %arg4[%multiple_of3A_929] : memref<16777216xf32, #tpu.memory_space<hbm>> -> memref<256xf32, #tpu.memory_space<hbm>>
        %dma_wait3A_932 = tpu.memref_slice %arg4[%multiple_of3A_929] : memref<16777216xf32, #tpu.memory_space<hbm>> -> memref<256xf32, #tpu.memory_space<hbm>>
        %dma_wait3A_933 = tpu.memref_slice %arg9[%multiple_of3A_927] : memref<32800xf32, #tpu.memory_space<vmem>> -> memref<256xf32, #tpu.memory_space<vmem>>
        tpu.wait_dma2 semaphore(%arg20 : memref<!tpu.dma_semaphore, #tpu.memory_space<semaphore_mem>>) src(%dma_wait3A_933 : memref<256xf32, #tpu.memory_space<vmem>>) dst(%dma_wait3A_932 : memref<256xf32, #tpu.memory_space<hbm>>)
      } else {
      }
      %and3A_689 = arith.constant -256 : i32
      %and3A_690 = arith.andi %scan3A_300, %and3A_689 : i32
      %and3A_691 = arith.constant 128 : i32
      %and3A_692 = arith.andi %scan3A_300, %and3A_691 : i32
      %ne3A_693 = arith.constant 0 : i32
      %ne3A_694 = arith.cmpi ne, %and3A_692, %ne3A_693 : i32
      %convert_element_type3A_695 = arith.extui %ne3A_694 : i1 to i32
      %cond3A_696 = arith.constant 0 : i32
      %cond3A_697 = arith.cmpi ne, %convert_element_type3A_695, %cond3A_696 : i32
      scf.if %cond3A_697 {
        %add3A_926 = arith.addi %scan3A_301, %and3A_690 : i32
        %multiple_of3A_927 = tpu.assume_multiple %add3A_926, 8 : i32
        %add3A_928 = arith.addi %scan3A_302, %and3A_690 : i32
        %multiple_of3A_929 = tpu.assume_multiple %add3A_928, 8 : i32
        %dma_wait3A_930 = tpu.memref_slice %arg9[%multiple_of3A_927] : memref<32800xf32, #tpu.memory_space<vmem>> -> memref<128xf32, #tpu.memory_space<vmem>>
        %dma_wait3A_931 = tpu.memref_slice %arg4[%multiple_of3A_929] : memref<16777216xf32, #tpu.memory_space<hbm>> -> memref<128xf32, #tpu.memory_space<hbm>>
        %dma_wait3A_932 = tpu.memref_slice %arg4[%multiple_of3A_929] : memref<16777216xf32, #tpu.memory_space<hbm>> -> memref<128xf32, #tpu.memory_space<hbm>>
        %dma_wait3A_933 = tpu.memref_slice %arg9[%multiple_of3A_927] : memref<32800xf32, #tpu.memory_space<vmem>> -> memref<128xf32, #tpu.memory_space<vmem>>
        tpu.wait_dma2 semaphore(%arg20 : memref<!tpu.dma_semaphore, #tpu.memory_space<semaphore_mem>>) src(%dma_wait3A_933 : memref<128xf32, #tpu.memory_space<vmem>>) dst(%dma_wait3A_932 : memref<128xf32, #tpu.memory_space<hbm>>)
      } else {
      }
      %and3A_698 = arith.constant -128 : i32
      %and3A_699 = arith.andi %scan3A_300, %and3A_698 : i32
      %and3A_700 = arith.constant 64 : i32
      %and3A_701 = arith.andi %scan3A_300, %and3A_700 : i32
      %ne3A_702 = arith.constant 0 : i32
      %ne3A_703 = arith.cmpi ne, %and3A_701, %ne3A_702 : i32
      %convert_element_type3A_704 = arith.extui %ne3A_703 : i1 to i32
      %cond3A_705 = arith.constant 0 : i32
      %cond3A_706 = arith.cmpi ne, %convert_element_type3A_704, %cond3A_705 : i32
      scf.if %cond3A_706 {
        %add3A_926 = arith.addi %scan3A_301, %and3A_699 : i32
        %multiple_of3A_927 = tpu.assume_multiple %add3A_926, 8 : i32
        %add3A_928 = arith.addi %scan3A_302, %and3A_699 : i32
        %multiple_of3A_929 = tpu.assume_multiple %add3A_928, 8 : i32
        %dma_wait3A_930 = tpu.memref_slice %arg9[%multiple_of3A_927] : memref<32800xf32, #tpu.memory_space<vmem>> -> memref<64xf32, #tpu.memory_space<vmem>>
        %dma_wait3A_931 = tpu.memref_slice %arg4[%multiple_of3A_929] : memref<16777216xf32, #tpu.memory_space<hbm>> -> memref<64xf32, #tpu.memory_space<hbm>>
        %dma_wait3A_932 = tpu.memref_slice %arg4[%multiple_of3A_929] : memref<16777216xf32, #tpu.memory_space<hbm>> -> memref<64xf32, #tpu.memory_space<hbm>>
        %dma_wait3A_933 = tpu.memref_slice %arg9[%multiple_of3A_927] : memref<32800xf32, #tpu.memory_space<vmem>> -> memref<64xf32, #tpu.memory_space<vmem>>
        tpu.wait_dma2 semaphore(%arg20 : memref<!tpu.dma_semaphore, #tpu.memory_space<semaphore_mem>>) src(%dma_wait3A_933 : memref<64xf32, #tpu.memory_space<vmem>>) dst(%dma_wait3A_932 : memref<64xf32, #tpu.memory_space<hbm>>)
      } else {
      }
      %and3A_707 = arith.constant -64 : i32
      %and3A_708 = arith.andi %scan3A_300, %and3A_707 : i32
      %and3A_709 = arith.constant 32 : i32
      %and3A_710 = arith.andi %scan3A_300, %and3A_709 : i32
      %ne3A_711 = arith.constant 0 : i32
      %ne3A_712 = arith.cmpi ne, %and3A_710, %ne3A_711 : i32
      %convert_element_type3A_713 = arith.extui %ne3A_712 : i1 to i32
      %cond3A_714 = arith.constant 0 : i32
      %cond3A_715 = arith.cmpi ne, %convert_element_type3A_713, %cond3A_714 : i32
      scf.if %cond3A_715 {
        %add3A_926 = arith.addi %scan3A_301, %and3A_708 : i32
        %multiple_of3A_927 = tpu.assume_multiple %add3A_926, 8 : i32
        %add3A_928 = arith.addi %scan3A_302, %and3A_708 : i32
        %multiple_of3A_929 = tpu.assume_multiple %add3A_928, 8 : i32
        %dma_wait3A_930 = tpu.memref_slice %arg9[%multiple_of3A_927] : memref<32800xf32, #tpu.memory_space<vmem>> -> memref<32xf32, #tpu.memory_space<vmem>>
        %dma_wait3A_931 = tpu.memref_slice %arg4[%multiple_of3A_929] : memref<16777216xf32, #tpu.memory_space<hbm>> -> memref<32xf32, #tpu.memory_space<hbm>>
        %dma_wait3A_932 = tpu.memref_slice %arg4[%multiple_of3A_929] : memref<16777216xf32, #tpu.memory_space<hbm>> -> memref<32xf32, #tpu.memory_space<hbm>>
        %dma_wait3A_933 = tpu.memref_slice %arg9[%multiple_of3A_927] : memref<32800xf32, #tpu.memory_space<vmem>> -> memref<32xf32, #tpu.memory_space<vmem>>
        tpu.wait_dma2 semaphore(%arg20 : memref<!tpu.dma_semaphore, #tpu.memory_space<semaphore_mem>>) src(%dma_wait3A_933 : memref<32xf32, #tpu.memory_space<vmem>>) dst(%dma_wait3A_932 : memref<32xf32, #tpu.memory_space<hbm>>)
      } else {
      }
      %and3A_716 = arith.constant -32 : i32
      %and3A_717 = arith.andi %scan3A_300, %and3A_716 : i32
      %and3A_718 = arith.constant 16 : i32
      %and3A_719 = arith.andi %scan3A_300, %and3A_718 : i32
      %ne3A_720 = arith.constant 0 : i32
      %ne3A_721 = arith.cmpi ne, %and3A_719, %ne3A_720 : i32
      %convert_element_type3A_722 = arith.extui %ne3A_721 : i1 to i32
      %cond3A_723 = arith.constant 0 : i32
      %cond3A_724 = arith.cmpi ne, %convert_element_type3A_722, %cond3A_723 : i32
      scf.if %cond3A_724 {
        %add3A_926 = arith.addi %scan3A_301, %and3A_717 : i32
        %multiple_of3A_927 = tpu.assume_multiple %add3A_926, 8 : i32
        %add3A_928 = arith.addi %scan3A_302, %and3A_717 : i32
        %multiple_of3A_929 = tpu.assume_multiple %add3A_928, 8 : i32
        %dma_wait3A_930 = tpu.memref_slice %arg9[%multiple_of3A_927] : memref<32800xf32, #tpu.memory_space<vmem>> -> memref<16xf32, #tpu.memory_space<vmem>>
        %dma_wait3A_931 = tpu.memref_slice %arg4[%multiple_of3A_929] : memref<16777216xf32, #tpu.memory_space<hbm>> -> memref<16xf32, #tpu.memory_space<hbm>>
        %dma_wait3A_932 = tpu.memref_slice %arg4[%multiple_of3A_929] : memref<16777216xf32, #tpu.memory_space<hbm>> -> memref<16xf32, #tpu.memory_space<hbm>>
        %dma_wait3A_933 = tpu.memref_slice %arg9[%multiple_of3A_927] : memref<32800xf32, #tpu.memory_space<vmem>> -> memref<16xf32, #tpu.memory_space<vmem>>
        tpu.wait_dma2 semaphore(%arg20 : memref<!tpu.dma_semaphore, #tpu.memory_space<semaphore_mem>>) src(%dma_wait3A_933 : memref<16xf32, #tpu.memory_space<vmem>>) dst(%dma_wait3A_932 : memref<16xf32, #tpu.memory_space<hbm>>)
      } else {
      }
      %and3A_725 = arith.constant -16 : i32
      %and3A_726 = arith.andi %scan3A_300, %and3A_725 : i32
      %and3A_727 = arith.constant 8 : i32
      %and3A_728 = arith.andi %scan3A_300, %and3A_727 : i32
      %ne3A_729 = arith.constant 0 : i32
      %ne3A_730 = arith.cmpi ne, %and3A_728, %ne3A_729 : i32
      %convert_element_type3A_731 = arith.extui %ne3A_730 : i1 to i32
      %cond3A_732 = arith.constant 0 : i32
      %cond3A_733 = arith.cmpi ne, %convert_element_type3A_731, %cond3A_732 : i32
      scf.if %cond3A_733 {
        %add3A_926 = arith.addi %scan3A_301, %and3A_726 : i32
        %multiple_of3A_927 = tpu.assume_multiple %add3A_926, 8 : i32
        %add3A_928 = arith.addi %scan3A_302, %and3A_726 : i32
        %multiple_of3A_929 = tpu.assume_multiple %add3A_928, 8 : i32
        %dma_wait3A_930 = tpu.memref_slice %arg9[%multiple_of3A_927] : memref<32800xf32, #tpu.memory_space<vmem>> -> memref<8xf32, #tpu.memory_space<vmem>>
        %dma_wait3A_931 = tpu.memref_slice %arg4[%multiple_of3A_929] : memref<16777216xf32, #tpu.memory_space<hbm>> -> memref<8xf32, #tpu.memory_space<hbm>>
        %dma_wait3A_932 = tpu.memref_slice %arg4[%multiple_of3A_929] : memref<16777216xf32, #tpu.memory_space<hbm>> -> memref<8xf32, #tpu.memory_space<hbm>>
        %dma_wait3A_933 = tpu.memref_slice %arg9[%multiple_of3A_927] : memref<32800xf32, #tpu.memory_space<vmem>> -> memref<8xf32, #tpu.memory_space<vmem>>
        tpu.wait_dma2 semaphore(%arg20 : memref<!tpu.dma_semaphore, #tpu.memory_space<semaphore_mem>>) src(%dma_wait3A_933 : memref<8xf32, #tpu.memory_space<vmem>>) dst(%dma_wait3A_932 : memref<8xf32, #tpu.memory_space<hbm>>)
      } else {
      }
      %add3A_734 = arith.constant 2 : i32
      %add3A_735 = arith.addi %mul3A_305, %add3A_734 : i32
      %and3A_736 = arith.constant 7 : i32
      %and3A_737 = arith.andi %add3A_470, %and3A_736 : i32
      %mul3A_738 = arith.constant 16384 : i32
      %mul3A_739 = arith.muli %add3A_735, %mul3A_738 : i32
      %add3A_740 = arith.addi %multiple_of3A, %mul3A_739 : i32
      %dma_wait3A_741 = tpu.memref_slice %arg2[%add3A_740] : memref<16777216xf32, #tpu.memory_space<hbm>> -> memref<16384xf32, #tpu.memory_space<hbm>>
      %dma_wait3A_742 = tpu.memref_slice %arg2[%add3A_740] : memref<16777216xf32, #tpu.memory_space<hbm>> -> memref<16384xf32, #tpu.memory_space<hbm>>
      tpu.wait_dma2 semaphore(%arg17 : memref<!tpu.dma_semaphore, #tpu.memory_space<semaphore_mem>>) src(%dma_wait3A_742 : memref<16384xf32, #tpu.memory_space<hbm>>) dst(%arg6 : memref<16384xf32, #tpu.memory_space<vmem>>)
      %broadcast_in_dim3A_743 = vector.broadcast %and3A_737 : i32 to vector<16xi32>
      %parallel_loop3A_744 = arith.constant 0 : i32
      %parallel_loop3A_745 = arith.constant 1024 : i32
      %parallel_loop3A_746 = arith.constant 1 : i32
      %parallel_loop3A_747 = scf.for %parallel_loop3A_926 = %parallel_loop3A_744 to %parallel_loop3A_745 step %parallel_loop3A_746 iter_args(%parallel_loop3A_927 = %broadcast_in_dim3A_743) -> (vector<16xi32>)  : i32 {
        %parallel_loop3A_928 = arith.constant 16 : i32
        %parallel_loop3A_929 = arith.muli %parallel_loop3A_926, %parallel_loop3A_928 : i32
        %parallel_loop3A_930 = tpu.assume_multiple %parallel_loop3A_929, 8 : i32
        %parallel_loop3A_931 = arith.index_cast %parallel_loop3A_930 : i32 to index
        %parallel_loop3A_932 = tpu.vector_load %arg6[%parallel_loop3A_931] {strides = array<i32>} : memref<16384xf32, #tpu.memory_space<vmem>>, vector<16xf32>,
        %parallel_loop3A_933 = arith.constant 5.000000e-01 : f32
        %parallel_loop3A_934 = vector.broadcast %parallel_loop3A_933 : f32 to vector<16xf32>
        %parallel_loop3A_935 = arith.cmpf oge, %parallel_loop3A_932, %parallel_loop3A_934 : vector<16xf32>
        %parallel_loop3A_936 = arith.constant 1 : i32
        %parallel_loop3A_937 = arith.constant 0 : i32
        %parallel_loop3A_938 = vector.broadcast %parallel_loop3A_936 : i32 to vector<16xi32>
        %parallel_loop3A_939 = vector.broadcast %parallel_loop3A_937 : i32 to vector<16xi32>
        %parallel_loop3A_940 = arith.select %parallel_loop3A_935, %parallel_loop3A_938, %parallel_loop3A_939 : vector<16xi1>, vector<16xi32>
        %parallel_loop3A_941 = arith.constant true
        %parallel_loop3A_942 = vector.broadcast %parallel_loop3A_941 : i1 to vector<16xi1>
        %parallel_loop3A_943 = tpu.scan <sum>, %parallel_loop3A_940 masked %parallel_loop3A_942 : vector<16xi32>, vector<16xi1> -> vector<16xi32>
        %parallel_loop3A_944 = arith.subi %parallel_loop3A_943, %parallel_loop3A_940 : vector<16xi32>
        %parallel_loop3A_945 = arith.addi %parallel_loop3A_927, %parallel_loop3A_944 : vector<16xi32>
        tpu.vector_store_idx %arg9[%parallel_loop3A_945], %parallel_loop3A_932 masked %parallel_loop3A_935 : memref<32800xf32, #tpu.memory_space<vmem>>[vector<16xi32>], vector<16xf32>, vector<16xi1>
        %parallel_loop3A_946 = tpu.all_reduce %parallel_loop3A_935 {dim = 0 : i64, kind = #tpu.reduction_kind<sum>} : vector<16xi1> -> vector<16xi32>
        %parallel_loop3A_947 = arith.addi %parallel_loop3A_927, %parallel_loop3A_946 : vector<16xi32>
        scf.yield %parallel_loop3A_947 : vector<16xi32>
      } {sc.loop_unroll_factor = 8 : i64, sc.parallel_access}
      %add3A_748 = arith.constant 2 : i32
      %add3A_749 = arith.addi %add3A_735, %add3A_748 : i32
      %lt3A_750 = arith.constant 32 : i32
      %lt3A_751 = arith.cmpi slt, %add3A_749, %lt3A_750 : i32
      %convert_element_type3A_752 = arith.extui %lt3A_751 : i1 to i32
      %cond3A_753 = arith.constant 0 : i32
      %cond3A_754 = arith.cmpi ne, %convert_element_type3A_752, %cond3A_753 : i32
      scf.if %cond3A_754 {
        %add3A_926 = arith.constant 2 : i32
        %add3A_927 = arith.addi %add3A_735, %add3A_926 : i32
        %mul3A_928 = arith.constant 16384 : i32
        %mul3A_929 = arith.muli %add3A_927, %mul3A_928 : i32
        %add3A_930 = arith.addi %multiple_of3A, %mul3A_929 : i32
        %dma_start3A_931 = tpu.memref_slice %arg2[%add3A_930] : memref<16777216xf32, #tpu.memory_space<hbm>> -> memref<16384xf32, #tpu.memory_space<hbm>>
        %dma_start3A_932 = tpu.memref_slice %arg2[%add3A_930] : memref<16777216xf32, #tpu.memory_space<hbm>> -> memref<16384xf32, #tpu.memory_space<hbm>>
        tpu.enqueue_dma source(%dma_start3A_932 : memref<16384xf32, #tpu.memory_space<hbm>>) target(%arg6 : memref<16384xf32, #tpu.memory_space<vmem>>) target_semaphore(%arg17 : memref<!tpu.dma_semaphore, #tpu.memory_space<semaphore_mem>>)
      } else {
      }
      %add3A_755 = arith.constant 1 : i32
      %add3A_756 = arith.addi %add3A_735, %add3A_755 : i32
      %mul3A_757 = arith.constant 16384 : i32
      %mul3A_758 = arith.muli %add3A_756, %mul3A_757 : i32
      %add3A_759 = arith.addi %multiple_of3A, %mul3A_758 : i32
      %dma_wait3A_760 = tpu.memref_slice %arg2[%add3A_759] : memref<16777216xf32, #tpu.memory_space<hbm>> -> memref<16384xf32, #tpu.memory_space<hbm>>
      %dma_wait3A_761 = tpu.memref_slice %arg2[%add3A_759] : memref<16777216xf32, #tpu.memory_space<hbm>> -> memref<16384xf32, #tpu.memory_space<hbm>>
      tpu.wait_dma2 semaphore(%arg18 : memref<!tpu.dma_semaphore, #tpu.memory_space<semaphore_mem>>) src(%dma_wait3A_761 : memref<16384xf32, #tpu.memory_space<hbm>>) dst(%arg7 : memref<16384xf32, #tpu.memory_space<vmem>>)
      %parallel_loop3A_762 = arith.constant 0 : i32
      %parallel_loop3A_763 = arith.constant 1024 : i32
      %parallel_loop3A_764 = arith.constant 1 : i32
      %parallel_loop3A_765 = scf.for %parallel_loop3A_926 = %parallel_loop3A_762 to %parallel_loop3A_763 step %parallel_loop3A_764 iter_args(%parallel_loop3A_927 = %parallel_loop3A_747) -> (vector<16xi32>)  : i32 {
        %parallel_loop3A_928 = arith.constant 16 : i32
        %parallel_loop3A_929 = arith.muli %parallel_loop3A_926, %parallel_loop3A_928 : i32
        %parallel_loop3A_930 = tpu.assume_multiple %parallel_loop3A_929, 8 : i32
        %parallel_loop3A_931 = arith.index_cast %parallel_loop3A_930 : i32 to index
        %parallel_loop3A_932 = tpu.vector_load %arg7[%parallel_loop3A_931] {strides = array<i32>} : memref<16384xf32, #tpu.memory_space<vmem>>, vector<16xf32>,
        %parallel_loop3A_933 = arith.constant 5.000000e-01 : f32
        %parallel_loop3A_934 = vector.broadcast %parallel_loop3A_933 : f32 to vector<16xf32>
        %parallel_loop3A_935 = arith.cmpf oge, %parallel_loop3A_932, %parallel_loop3A_934 : vector<16xf32>
        %parallel_loop3A_936 = arith.constant 1 : i32
        %parallel_loop3A_937 = arith.constant 0 : i32
        %parallel_loop3A_938 = vector.broadcast %parallel_loop3A_936 : i32 to vector<16xi32>
        %parallel_loop3A_939 = vector.broadcast %parallel_loop3A_937 : i32 to vector<16xi32>
        %parallel_loop3A_940 = arith.select %parallel_loop3A_935, %parallel_loop3A_938, %parallel_loop3A_939 : vector<16xi1>, vector<16xi32>
        %parallel_loop3A_941 = arith.constant true
        %parallel_loop3A_942 = vector.broadcast %parallel_loop3A_941 : i1 to vector<16xi1>
        %parallel_loop3A_943 = tpu.scan <sum>, %parallel_loop3A_940 masked %parallel_loop3A_942 : vector<16xi32>, vector<16xi1> -> vector<16xi32>
        %parallel_loop3A_944 = arith.subi %parallel_loop3A_943, %parallel_loop3A_940 : vector<16xi32>
        %parallel_loop3A_945 = arith.addi %parallel_loop3A_927, %parallel_loop3A_944 : vector<16xi32>
        tpu.vector_store_idx %arg9[%parallel_loop3A_945], %parallel_loop3A_932 masked %parallel_loop3A_935 : memref<32800xf32, #tpu.memory_space<vmem>>[vector<16xi32>], vector<16xf32>, vector<16xi1>
        %parallel_loop3A_946 = tpu.all_reduce %parallel_loop3A_935 {dim = 0 : i64, kind = #tpu.reduction_kind<sum>} : vector<16xi1> -> vector<16xi32>
        %parallel_loop3A_947 = arith.addi %parallel_loop3A_927, %parallel_loop3A_946 : vector<16xi32>
        scf.yield %parallel_loop3A_947 : vector<16xi32>
      } {sc.loop_unroll_factor = 8 : i64, sc.parallel_access}
      %add3A_766 = arith.constant 3 : i32
      %add3A_767 = arith.addi %add3A_735, %add3A_766 : i32
      %lt3A_768 = arith.constant 32 : i32
      %lt3A_769 = arith.cmpi slt, %add3A_767, %lt3A_768 : i32
      %convert_element_type3A_770 = arith.extui %lt3A_769 : i1 to i32
      %cond3A_771 = arith.constant 0 : i32
      %cond3A_772 = arith.cmpi ne, %convert_element_type3A_770, %cond3A_771 : i32
      scf.if %cond3A_772 {
        %add3A_926 = arith.constant 3 : i32
        %add3A_927 = arith.addi %add3A_735, %add3A_926 : i32
        %mul3A_928 = arith.constant 16384 : i32
        %mul3A_929 = arith.muli %add3A_927, %mul3A_928 : i32
        %add3A_930 = arith.addi %multiple_of3A, %mul3A_929 : i32
        %dma_start3A_931 = tpu.memref_slice %arg2[%add3A_930] : memref<16777216xf32, #tpu.memory_space<hbm>> -> memref<16384xf32, #tpu.memory_space<hbm>>
        %dma_start3A_932 = tpu.memref_slice %arg2[%add3A_930] : memref<16777216xf32, #tpu.memory_space<hbm>> -> memref<16384xf32, #tpu.memory_space<hbm>>
        tpu.enqueue_dma source(%dma_start3A_932 : memref<16384xf32, #tpu.memory_space<hbm>>) target(%arg7 : memref<16384xf32, #tpu.memory_space<vmem>>) target_semaphore(%arg18 : memref<!tpu.dma_semaphore, #tpu.memory_space<semaphore_mem>>)
      } else {
      }
      %reduce_max3A_773 = arith.constant true
      %reduce_max3A_774 = vector.broadcast %reduce_max3A_773 : i1 to vector<16xi1>
      %reduce_max3A_775 = arith.constant -2147483648 : i32
      %reduce_max3A_776 = vector.broadcast %reduce_max3A_775 : i32 to vector<16xi32>
      %reduce_max3A_777 = arith.xori %parallel_loop3A_765, %reduce_max3A_776 : vector<16xi32>
      %reduce_max3A_778 = tpu.scan <max>, %reduce_max3A_777 masked %reduce_max3A_774 : vector<16xi32>, vector<16xi1> -> vector<16xi32>
      %reduce_max3A_779 = arith.xori %reduce_max3A_778, %reduce_max3A_776 : vector<16xi32>
      %reduce_max3A_780 = vector.extract %reduce_max3A_779[15] : i32 from vector<16xi32>
      %sub3A_781 = arith.subi %reduce_max3A_780, %and3A_737 : i32
      %add3A_782 = arith.addi %add3A_470, %sub3A_781 : i32
      %neg3A_783 = arith.constant 0 : i32
      %neg3A_784 = arith.subi %neg3A_783, %add3A_470 : i32
      %and3A_785 = arith.constant 7 : i32
      %and3A_786 = arith.andi %neg3A_784, %and3A_785 : i32
      %add3A_787 = arith.addi %add3A_470, %and3A_786 : i32
      %min3A_788 = arith.minsi %add3A_787, %add3A_782 : i32
      %and3A_789 = arith.constant 7 : i32
      %and3A_790 = arith.andi %add3A_782, %and3A_789 : i32
      %sub3A_791 = arith.subi %add3A_782, %and3A_790 : i32
      %max3A_792 = arith.maxsi %sub3A_791, %min3A_788 : i32
      %sub3A_793 = arith.subi %add3A_470, %and3A_737 : i32
      %sub3A_794 = arith.subi %min3A_788, %add3A_470 : i32
      %sub3A_795 = arith.subi %add3A_782, %max3A_792 : i32
      %sub3A_796 = arith.subi %max3A_792, %sub3A_793 : i32
      %gt3A_797 = arith.constant 0 : i32
      %gt3A_798 = arith.cmpi sgt, %sub3A_781, %gt3A_797 : i32
      %convert_element_type3A_799 = arith.extui %gt3A_798 : i1 to i32
      %cond3A_800 = arith.constant 0 : i32
      %cond3A_801 = arith.cmpi ne, %convert_element_type3A_799, %cond3A_800 : i32
      scf.if %cond3A_801 {
        %lt3A_926 = vector.broadcast %sub3A_794 : i32 to vector<16xi32>
        %lt3A_927 = arith.cmpi slt, %iota3A, %lt3A_926 : vector<16xi32>
        %add3A_928 = vector.broadcast %and3A_737 : i32 to vector<16xi32>
        %add3A_929 = arith.addi %add3A_928, %iota3A : vector<16xi32>
        %add3A_930 = arith.addi %sub3A_794, %sub3A_795 : i32
        %lt3A_931 = vector.broadcast %add3A_930 : i32 to vector<16xi32>
        %lt3A_932 = arith.cmpi slt, %iota3A, %lt3A_931 : vector<16xi32>
        %sub3A_933 = vector.broadcast %sub3A_794 : i32 to vector<16xi32>
        %sub3A_934 = arith.subi %iota3A, %sub3A_933 : vector<16xi32>
        %add3A_935 = vector.broadcast %sub3A_796 : i32 to vector<16xi32>
        %add3A_936 = arith.addi %add3A_935, %sub3A_934 : vector<16xi32>
        %broadcast_in_dim3A_937 = vector.broadcast %and3A_737 : i32 to vector<16xi32>
        %select_n3A = arith.select %lt3A_932, %add3A_936, %broadcast_in_dim3A_937 : vector<16xi1>, vector<16xi32>
        %select_n3A_938 = arith.select %lt3A_927, %add3A_929, %select_n3A : vector<16xi1>, vector<16xi32>
        %lt3A_939 = vector.broadcast %sub3A_794 : i32 to vector<16xi32>
        %lt3A_940 = arith.cmpi slt, %iota3A, %lt3A_939 : vector<16xi32>
        %add3A_941 = vector.broadcast %add3A_470 : i32 to vector<16xi32>
        %add3A_942 = arith.addi %add3A_941, %iota3A : vector<16xi32>
        %add3A_943 = arith.addi %sub3A_794, %sub3A_795 : i32
        %lt3A_944 = vector.broadcast %add3A_943 : i32 to vector<16xi32>
        %lt3A_945 = arith.cmpi slt, %iota3A, %lt3A_944 : vector<16xi32>
        %sub3A_946 = vector.broadcast %sub3A_794 : i32 to vector<16xi32>
        %sub3A_947 = arith.subi %iota3A, %sub3A_946 : vector<16xi32>
        %add3A_948 = vector.broadcast %max3A_792 : i32 to vector<16xi32>
        %add3A_949 = arith.addi %add3A_948, %sub3A_947 : vector<16xi32>
        %broadcast_in_dim3A_950 = vector.broadcast %add3A_470 : i32 to vector<16xi32>
        %select_n3A_951 = arith.select %lt3A_945, %add3A_949, %broadcast_in_dim3A_950 : vector<16xi1>, vector<16xi32>
        %select_n3A_952 = arith.select %lt3A_940, %add3A_942, %select_n3A_951 : vector<16xi1>, vector<16xi32>
        %swap3A = arith.constant 0 : index
        %swap3A_953 = tpu.vector_load %arg14[%swap3A] {strides = array<i32>} : memref<16xi32, #tpu.memory_space<vmem>>, vector<16xi32>,
        tpu.vector_store %arg14[%swap3A], %select_n3A_952 {strides = array<i32>} : memref<16xi32, #tpu.memory_space<vmem>>, vector<16xi32>,
        %gather3A = tpu.vector_load_idx %arg9[%select_n3A_938] : memref<32800xf32, #tpu.memory_space<vmem>>[vector<16xi32>], vector<16xf32>,
        %swap3A_954 = arith.constant 0 : index
        %swap3A_955 = tpu.vector_load %arg15[%swap3A_954] {strides = array<i32>} : memref<16xf32, #tpu.memory_space<vmem>>, vector<16xf32>,
        tpu.vector_store %arg15[%swap3A_954], %gather3A {strides = array<i32>} : memref<16xf32, #tpu.memory_space<vmem>>, vector<16xf32>,
      } else {
      }
      %sub3A_802 = arith.subi %max3A_792, %min3A_788 : i32
      %sub3A_803 = arith.subi %min3A_788, %sub3A_793 : i32
      %gt3A_804 = arith.constant 0 : i32
      %gt3A_805 = arith.cmpi sgt, %sub3A_781, %gt3A_804 : i32
      %convert_element_type3A_806 = arith.extui %gt3A_805 : i1 to i32
      %cond3A_807 = arith.constant 0 : i32
      %cond3A_808 = arith.cmpi ne, %convert_element_type3A_806, %cond3A_807 : i32
      scf.if %cond3A_808 {
        %dma_start3A_926 = arith.constant 0 : i32
        %dma_start3A_927 = tpu.memref_slice %arg4[%dma_start3A_926] : memref<16777216xf32, #tpu.memory_space<hbm>> -> memref<16777216xf32, #tpu.memory_space<hbm>>
        tpu.enqueue_indirect_dma source(%arg15 : memref<16xf32, #tpu.memory_space<vmem>>) target(%dma_start3A_927 : memref<16777216xf32, #tpu.memory_space<hbm>>) offsets(%arg14 : memref<16xi32, #tpu.memory_space<vmem>>) semaphore(%arg20 : memref<!tpu.dma_semaphore, #tpu.memory_space<semaphore_mem>>)
      } else {
      }
      %and3A_809 = arith.constant -65536 : i32
      %and3A_810 = arith.andi %sub3A_802, %and3A_809 : i32
      %and3A_811 = arith.constant 32768 : i32
      %and3A_812 = arith.andi %sub3A_802, %and3A_811 : i32
      %ne3A_813 = arith.constant 0 : i32
      %ne3A_814 = arith.cmpi ne, %and3A_812, %ne3A_813 : i32
      %convert_element_type3A_815 = arith.extui %ne3A_814 : i1 to i32
      %cond3A_816 = arith.constant 0 : i32
      %cond3A_817 = arith.cmpi ne, %convert_element_type3A_815, %cond3A_816 : i32
      scf.if %cond3A_817 {
        %add3A_926 = arith.addi %sub3A_803, %and3A_810 : i32
        %multiple_of3A_927 = tpu.assume_multiple %add3A_926, 8 : i32
        %add3A_928 = arith.addi %min3A_788, %and3A_810 : i32
        %multiple_of3A_929 = tpu.assume_multiple %add3A_928, 8 : i32
        %dma_start3A_930 = tpu.memref_slice %arg9[%multiple_of3A_927] : memref<32800xf32, #tpu.memory_space<vmem>> -> memref<32768xf32, #tpu.memory_space<vmem>>
        %dma_start3A_931 = tpu.memref_slice %arg4[%multiple_of3A_929] : memref<16777216xf32, #tpu.memory_space<hbm>> -> memref<32768xf32, #tpu.memory_space<hbm>>
        %dma_start3A_932 = tpu.memref_slice %arg4[%multiple_of3A_929] : memref<16777216xf32, #tpu.memory_space<hbm>> -> memref<32768xf32, #tpu.memory_space<hbm>>
        %dma_start3A_933 = tpu.memref_slice %arg9[%multiple_of3A_927] : memref<32800xf32, #tpu.memory_space<vmem>> -> memref<32768xf32, #tpu.memory_space<vmem>>
        tpu.enqueue_dma source(%dma_start3A_933 : memref<32768xf32, #tpu.memory_space<vmem>>) target(%dma_start3A_932 : memref<32768xf32, #tpu.memory_space<hbm>>) target_semaphore(%arg20 : memref<!tpu.dma_semaphore, #tpu.memory_space<semaphore_mem>>)
      } else {
      }
      %and3A_818 = arith.constant -32768 : i32
      %and3A_819 = arith.andi %sub3A_802, %and3A_818 : i32
      %and3A_820 = arith.constant 16384 : i32
      %and3A_821 = arith.andi %sub3A_802, %and3A_820 : i32
      %ne3A_822 = arith.constant 0 : i32
      %ne3A_823 = arith.cmpi ne, %and3A_821, %ne3A_822 : i32
      %convert_element_type3A_824 = arith.extui %ne3A_823 : i1 to i32
      %cond3A_825 = arith.constant 0 : i32
      %cond3A_826 = arith.cmpi ne, %convert_element_type3A_824, %cond3A_825 : i32
      scf.if %cond3A_826 {
        %add3A_926 = arith.addi %sub3A_803, %and3A_819 : i32
        %multiple_of3A_927 = tpu.assume_multiple %add3A_926, 8 : i32
        %add3A_928 = arith.addi %min3A_788, %and3A_819 : i32
        %multiple_of3A_929 = tpu.assume_multiple %add3A_928, 8 : i32
        %dma_start3A_930 = tpu.memref_slice %arg9[%multiple_of3A_927] : memref<32800xf32, #tpu.memory_space<vmem>> -> memref<16384xf32, #tpu.memory_space<vmem>>
        %dma_start3A_931 = tpu.memref_slice %arg4[%multiple_of3A_929] : memref<16777216xf32, #tpu.memory_space<hbm>> -> memref<16384xf32, #tpu.memory_space<hbm>>
        %dma_start3A_932 = tpu.memref_slice %arg4[%multiple_of3A_929] : memref<16777216xf32, #tpu.memory_space<hbm>> -> memref<16384xf32, #tpu.memory_space<hbm>>
        %dma_start3A_933 = tpu.memref_slice %arg9[%multiple_of3A_927] : memref<32800xf32, #tpu.memory_space<vmem>> -> memref<16384xf32, #tpu.memory_space<vmem>>
        tpu.enqueue_dma source(%dma_start3A_933 : memref<16384xf32, #tpu.memory_space<vmem>>) target(%dma_start3A_932 : memref<16384xf32, #tpu.memory_space<hbm>>) target_semaphore(%arg20 : memref<!tpu.dma_semaphore, #tpu.memory_space<semaphore_mem>>)
      } else {
      }
      %and3A_827 = arith.constant -16384 : i32
      %and3A_828 = arith.andi %sub3A_802, %and3A_827 : i32
      %and3A_829 = arith.constant 8192 : i32
      %and3A_830 = arith.andi %sub3A_802, %and3A_829 : i32
      %ne3A_831 = arith.constant 0 : i32
      %ne3A_832 = arith.cmpi ne, %and3A_830, %ne3A_831 : i32
      %convert_element_type3A_833 = arith.extui %ne3A_832 : i1 to i32
      %cond3A_834 = arith.constant 0 : i32
      %cond3A_835 = arith.cmpi ne, %convert_element_type3A_833, %cond3A_834 : i32
      scf.if %cond3A_835 {
        %add3A_926 = arith.addi %sub3A_803, %and3A_828 : i32
        %multiple_of3A_927 = tpu.assume_multiple %add3A_926, 8 : i32
        %add3A_928 = arith.addi %min3A_788, %and3A_828 : i32
        %multiple_of3A_929 = tpu.assume_multiple %add3A_928, 8 : i32
        %dma_start3A_930 = tpu.memref_slice %arg9[%multiple_of3A_927] : memref<32800xf32, #tpu.memory_space<vmem>> -> memref<8192xf32, #tpu.memory_space<vmem>>
        %dma_start3A_931 = tpu.memref_slice %arg4[%multiple_of3A_929] : memref<16777216xf32, #tpu.memory_space<hbm>> -> memref<8192xf32, #tpu.memory_space<hbm>>
        %dma_start3A_932 = tpu.memref_slice %arg4[%multiple_of3A_929] : memref<16777216xf32, #tpu.memory_space<hbm>> -> memref<8192xf32, #tpu.memory_space<hbm>>
        %dma_start3A_933 = tpu.memref_slice %arg9[%multiple_of3A_927] : memref<32800xf32, #tpu.memory_space<vmem>> -> memref<8192xf32, #tpu.memory_space<vmem>>
        tpu.enqueue_dma source(%dma_start3A_933 : memref<8192xf32, #tpu.memory_space<vmem>>) target(%dma_start3A_932 : memref<8192xf32, #tpu.memory_space<hbm>>) target_semaphore(%arg20 : memref<!tpu.dma_semaphore, #tpu.memory_space<semaphore_mem>>)
      } else {
      }
      %and3A_836 = arith.constant -8192 : i32
      %and3A_837 = arith.andi %sub3A_802, %and3A_836 : i32
      %and3A_838 = arith.constant 4096 : i32
      %and3A_839 = arith.andi %sub3A_802, %and3A_838 : i32
      %ne3A_840 = arith.constant 0 : i32
      %ne3A_841 = arith.cmpi ne, %and3A_839, %ne3A_840 : i32
      %convert_element_type3A_842 = arith.extui %ne3A_841 : i1 to i32
      %cond3A_843 = arith.constant 0 : i32
      %cond3A_844 = arith.cmpi ne, %convert_element_type3A_842, %cond3A_843 : i32
      scf.if %cond3A_844 {
        %add3A_926 = arith.addi %sub3A_803, %and3A_837 : i32
        %multiple_of3A_927 = tpu.assume_multiple %add3A_926, 8 : i32
        %add3A_928 = arith.addi %min3A_788, %and3A_837 : i32
        %multiple_of3A_929 = tpu.assume_multiple %add3A_928, 8 : i32
        %dma_start3A_930 = tpu.memref_slice %arg9[%multiple_of3A_927] : memref<32800xf32, #tpu.memory_space<vmem>> -> memref<4096xf32, #tpu.memory_space<vmem>>
        %dma_start3A_931 = tpu.memref_slice %arg4[%multiple_of3A_929] : memref<16777216xf32, #tpu.memory_space<hbm>> -> memref<4096xf32, #tpu.memory_space<hbm>>
        %dma_start3A_932 = tpu.memref_slice %arg4[%multiple_of3A_929] : memref<16777216xf32, #tpu.memory_space<hbm>> -> memref<4096xf32, #tpu.memory_space<hbm>>
        %dma_start3A_933 = tpu.memref_slice %arg9[%multiple_of3A_927] : memref<32800xf32, #tpu.memory_space<vmem>> -> memref<4096xf32, #tpu.memory_space<vmem>>
        tpu.enqueue_dma source(%dma_start3A_933 : memref<4096xf32, #tpu.memory_space<vmem>>) target(%dma_start3A_932 : memref<4096xf32, #tpu.memory_space<hbm>>) target_semaphore(%arg20 : memref<!tpu.dma_semaphore, #tpu.memory_space<semaphore_mem>>)
      } else {
      }
      %and3A_845 = arith.constant -4096 : i32
      %and3A_846 = arith.andi %sub3A_802, %and3A_845 : i32
      %and3A_847 = arith.constant 2048 : i32
      %and3A_848 = arith.andi %sub3A_802, %and3A_847 : i32
      %ne3A_849 = arith.constant 0 : i32
      %ne3A_850 = arith.cmpi ne, %and3A_848, %ne3A_849 : i32
      %convert_element_type3A_851 = arith.extui %ne3A_850 : i1 to i32
      %cond3A_852 = arith.constant 0 : i32
      %cond3A_853 = arith.cmpi ne, %convert_element_type3A_851, %cond3A_852 : i32
      scf.if %cond3A_853 {
        %add3A_926 = arith.addi %sub3A_803, %and3A_846 : i32
        %multiple_of3A_927 = tpu.assume_multiple %add3A_926, 8 : i32
        %add3A_928 = arith.addi %min3A_788, %and3A_846 : i32
        %multiple_of3A_929 = tpu.assume_multiple %add3A_928, 8 : i32
        %dma_start3A_930 = tpu.memref_slice %arg9[%multiple_of3A_927] : memref<32800xf32, #tpu.memory_space<vmem>> -> memref<2048xf32, #tpu.memory_space<vmem>>
        %dma_start3A_931 = tpu.memref_slice %arg4[%multiple_of3A_929] : memref<16777216xf32, #tpu.memory_space<hbm>> -> memref<2048xf32, #tpu.memory_space<hbm>>
        %dma_start3A_932 = tpu.memref_slice %arg4[%multiple_of3A_929] : memref<16777216xf32, #tpu.memory_space<hbm>> -> memref<2048xf32, #tpu.memory_space<hbm>>
        %dma_start3A_933 = tpu.memref_slice %arg9[%multiple_of3A_927] : memref<32800xf32, #tpu.memory_space<vmem>> -> memref<2048xf32, #tpu.memory_space<vmem>>
        tpu.enqueue_dma source(%dma_start3A_933 : memref<2048xf32, #tpu.memory_space<vmem>>) target(%dma_start3A_932 : memref<2048xf32, #tpu.memory_space<hbm>>) target_semaphore(%arg20 : memref<!tpu.dma_semaphore, #tpu.memory_space<semaphore_mem>>)
      } else {
      }
      %and3A_854 = arith.constant -2048 : i32
      %and3A_855 = arith.andi %sub3A_802, %and3A_854 : i32
      %and3A_856 = arith.constant 1024 : i32
      %and3A_857 = arith.andi %sub3A_802, %and3A_856 : i32
      %ne3A_858 = arith.constant 0 : i32
      %ne3A_859 = arith.cmpi ne, %and3A_857, %ne3A_858 : i32
      %convert_element_type3A_860 = arith.extui %ne3A_859 : i1 to i32
      %cond3A_861 = arith.constant 0 : i32
      %cond3A_862 = arith.cmpi ne, %convert_element_type3A_860, %cond3A_861 : i32
      scf.if %cond3A_862 {
        %add3A_926 = arith.addi %sub3A_803, %and3A_855 : i32
        %multiple_of3A_927 = tpu.assume_multiple %add3A_926, 8 : i32
        %add3A_928 = arith.addi %min3A_788, %and3A_855 : i32
        %multiple_of3A_929 = tpu.assume_multiple %add3A_928, 8 : i32
        %dma_start3A_930 = tpu.memref_slice %arg9[%multiple_of3A_927] : memref<32800xf32, #tpu.memory_space<vmem>> -> memref<1024xf32, #tpu.memory_space<vmem>>
        %dma_start3A_931 = tpu.memref_slice %arg4[%multiple_of3A_929] : memref<16777216xf32, #tpu.memory_space<hbm>> -> memref<1024xf32, #tpu.memory_space<hbm>>
        %dma_start3A_932 = tpu.memref_slice %arg4[%multiple_of3A_929] : memref<16777216xf32, #tpu.memory_space<hbm>> -> memref<1024xf32, #tpu.memory_space<hbm>>
        %dma_start3A_933 = tpu.memref_slice %arg9[%multiple_of3A_927] : memref<32800xf32, #tpu.memory_space<vmem>> -> memref<1024xf32, #tpu.memory_space<vmem>>
        tpu.enqueue_dma source(%dma_start3A_933 : memref<1024xf32, #tpu.memory_space<vmem>>) target(%dma_start3A_932 : memref<1024xf32, #tpu.memory_space<hbm>>) target_semaphore(%arg20 : memref<!tpu.dma_semaphore, #tpu.memory_space<semaphore_mem>>)
      } else {
      }
      %and3A_863 = arith.constant -1024 : i32
      %and3A_864 = arith.andi %sub3A_802, %and3A_863 : i32
      %and3A_865 = arith.constant 512 : i32
      %and3A_866 = arith.andi %sub3A_802, %and3A_865 : i32
      %ne3A_867 = arith.constant 0 : i32
      %ne3A_868 = arith.cmpi ne, %and3A_866, %ne3A_867 : i32
      %convert_element_type3A_869 = arith.extui %ne3A_868 : i1 to i32
      %cond3A_870 = arith.constant 0 : i32
      %cond3A_871 = arith.cmpi ne, %convert_element_type3A_869, %cond3A_870 : i32
      scf.if %cond3A_871 {
        %add3A_926 = arith.addi %sub3A_803, %and3A_864 : i32
        %multiple_of3A_927 = tpu.assume_multiple %add3A_926, 8 : i32
        %add3A_928 = arith.addi %min3A_788, %and3A_864 : i32
        %multiple_of3A_929 = tpu.assume_multiple %add3A_928, 8 : i32
        %dma_start3A_930 = tpu.memref_slice %arg9[%multiple_of3A_927] : memref<32800xf32, #tpu.memory_space<vmem>> -> memref<512xf32, #tpu.memory_space<vmem>>
        %dma_start3A_931 = tpu.memref_slice %arg4[%multiple_of3A_929] : memref<16777216xf32, #tpu.memory_space<hbm>> -> memref<512xf32, #tpu.memory_space<hbm>>
        %dma_start3A_932 = tpu.memref_slice %arg4[%multiple_of3A_929] : memref<16777216xf32, #tpu.memory_space<hbm>> -> memref<512xf32, #tpu.memory_space<hbm>>
        %dma_start3A_933 = tpu.memref_slice %arg9[%multiple_of3A_927] : memref<32800xf32, #tpu.memory_space<vmem>> -> memref<512xf32, #tpu.memory_space<vmem>>
        tpu.enqueue_dma source(%dma_start3A_933 : memref<512xf32, #tpu.memory_space<vmem>>) target(%dma_start3A_932 : memref<512xf32, #tpu.memory_space<hbm>>) target_semaphore(%arg20 : memref<!tpu.dma_semaphore, #tpu.memory_space<semaphore_mem>>)
      } else {
      }
      %and3A_872 = arith.constant -512 : i32
      %and3A_873 = arith.andi %sub3A_802, %and3A_872 : i32
      %and3A_874 = arith.constant 256 : i32
      %and3A_875 = arith.andi %sub3A_802, %and3A_874 : i32
      %ne3A_876 = arith.constant 0 : i32
      %ne3A_877 = arith.cmpi ne, %and3A_875, %ne3A_876 : i32
      %convert_element_type3A_878 = arith.extui %ne3A_877 : i1 to i32
      %cond3A_879 = arith.constant 0 : i32
      %cond3A_880 = arith.cmpi ne, %convert_element_type3A_878, %cond3A_879 : i32
      scf.if %cond3A_880 {
        %add3A_926 = arith.addi %sub3A_803, %and3A_873 : i32
        %multiple_of3A_927 = tpu.assume_multiple %add3A_926, 8 : i32
        %add3A_928 = arith.addi %min3A_788, %and3A_873 : i32
        %multiple_of3A_929 = tpu.assume_multiple %add3A_928, 8 : i32
        %dma_start3A_930 = tpu.memref_slice %arg9[%multiple_of3A_927] : memref<32800xf32, #tpu.memory_space<vmem>> -> memref<256xf32, #tpu.memory_space<vmem>>
        %dma_start3A_931 = tpu.memref_slice %arg4[%multiple_of3A_929] : memref<16777216xf32, #tpu.memory_space<hbm>> -> memref<256xf32, #tpu.memory_space<hbm>>
        %dma_start3A_932 = tpu.memref_slice %arg4[%multiple_of3A_929] : memref<16777216xf32, #tpu.memory_space<hbm>> -> memref<256xf32, #tpu.memory_space<hbm>>
        %dma_start3A_933 = tpu.memref_slice %arg9[%multiple_of3A_927] : memref<32800xf32, #tpu.memory_space<vmem>> -> memref<256xf32, #tpu.memory_space<vmem>>
        tpu.enqueue_dma source(%dma_start3A_933 : memref<256xf32, #tpu.memory_space<vmem>>) target(%dma_start3A_932 : memref<256xf32, #tpu.memory_space<hbm>>) target_semaphore(%arg20 : memref<!tpu.dma_semaphore, #tpu.memory_space<semaphore_mem>>)
      } else {
      }
      %and3A_881 = arith.constant -256 : i32
      %and3A_882 = arith.andi %sub3A_802, %and3A_881 : i32
      %and3A_883 = arith.constant 128 : i32
      %and3A_884 = arith.andi %sub3A_802, %and3A_883 : i32
      %ne3A_885 = arith.constant 0 : i32
      %ne3A_886 = arith.cmpi ne, %and3A_884, %ne3A_885 : i32
      %convert_element_type3A_887 = arith.extui %ne3A_886 : i1 to i32
      %cond3A_888 = arith.constant 0 : i32
      %cond3A_889 = arith.cmpi ne, %convert_element_type3A_887, %cond3A_888 : i32
      scf.if %cond3A_889 {
        %add3A_926 = arith.addi %sub3A_803, %and3A_882 : i32
        %multiple_of3A_927 = tpu.assume_multiple %add3A_926, 8 : i32
        %add3A_928 = arith.addi %min3A_788, %and3A_882 : i32
        %multiple_of3A_929 = tpu.assume_multiple %add3A_928, 8 : i32
        %dma_start3A_930 = tpu.memref_slice %arg9[%multiple_of3A_927] : memref<32800xf32, #tpu.memory_space<vmem>> -> memref<128xf32, #tpu.memory_space<vmem>>
        %dma_start3A_931 = tpu.memref_slice %arg4[%multiple_of3A_929] : memref<16777216xf32, #tpu.memory_space<hbm>> -> memref<128xf32, #tpu.memory_space<hbm>>
        %dma_start3A_932 = tpu.memref_slice %arg4[%multiple_of3A_929] : memref<16777216xf32, #tpu.memory_space<hbm>> -> memref<128xf32, #tpu.memory_space<hbm>>
        %dma_start3A_933 = tpu.memref_slice %arg9[%multiple_of3A_927] : memref<32800xf32, #tpu.memory_space<vmem>> -> memref<128xf32, #tpu.memory_space<vmem>>
        tpu.enqueue_dma source(%dma_start3A_933 : memref<128xf32, #tpu.memory_space<vmem>>) target(%dma_start3A_932 : memref<128xf32, #tpu.memory_space<hbm>>) target_semaphore(%arg20 : memref<!tpu.dma_semaphore, #tpu.memory_space<semaphore_mem>>)
      } else {
      }
      %and3A_890 = arith.constant -128 : i32
      %and3A_891 = arith.andi %sub3A_802, %and3A_890 : i32
      %and3A_892 = arith.constant 64 : i32
      %and3A_893 = arith.andi %sub3A_802, %and3A_892 : i32
      %ne3A_894 = arith.constant 0 : i32
      %ne3A_895 = arith.cmpi ne, %and3A_893, %ne3A_894 : i32
      %convert_element_type3A_896 = arith.extui %ne3A_895 : i1 to i32
      %cond3A_897 = arith.constant 0 : i32
      %cond3A_898 = arith.cmpi ne, %convert_element_type3A_896, %cond3A_897 : i32
      scf.if %cond3A_898 {
        %add3A_926 = arith.addi %sub3A_803, %and3A_891 : i32
        %multiple_of3A_927 = tpu.assume_multiple %add3A_926, 8 : i32
        %add3A_928 = arith.addi %min3A_788, %and3A_891 : i32
        %multiple_of3A_929 = tpu.assume_multiple %add3A_928, 8 : i32
        %dma_start3A_930 = tpu.memref_slice %arg9[%multiple_of3A_927] : memref<32800xf32, #tpu.memory_space<vmem>> -> memref<64xf32, #tpu.memory_space<vmem>>
        %dma_start3A_931 = tpu.memref_slice %arg4[%multiple_of3A_929] : memref<16777216xf32, #tpu.memory_space<hbm>> -> memref<64xf32, #tpu.memory_space<hbm>>
        %dma_start3A_932 = tpu.memref_slice %arg4[%multiple_of3A_929] : memref<16777216xf32, #tpu.memory_space<hbm>> -> memref<64xf32, #tpu.memory_space<hbm>>
        %dma_start3A_933 = tpu.memref_slice %arg9[%multiple_of3A_927] : memref<32800xf32, #tpu.memory_space<vmem>> -> memref<64xf32, #tpu.memory_space<vmem>>
        tpu.enqueue_dma source(%dma_start3A_933 : memref<64xf32, #tpu.memory_space<vmem>>) target(%dma_start3A_932 : memref<64xf32, #tpu.memory_space<hbm>>) target_semaphore(%arg20 : memref<!tpu.dma_semaphore, #tpu.memory_space<semaphore_mem>>)
      } else {
      }
      %and3A_899 = arith.constant -64 : i32
      %and3A_900 = arith.andi %sub3A_802, %and3A_899 : i32
      %and3A_901 = arith.constant 32 : i32
      %and3A_902 = arith.andi %sub3A_802, %and3A_901 : i32
      %ne3A_903 = arith.constant 0 : i32
      %ne3A_904 = arith.cmpi ne, %and3A_902, %ne3A_903 : i32
      %convert_element_type3A_905 = arith.extui %ne3A_904 : i1 to i32
      %cond3A_906 = arith.constant 0 : i32
      %cond3A_907 = arith.cmpi ne, %convert_element_type3A_905, %cond3A_906 : i32
      scf.if %cond3A_907 {
        %add3A_926 = arith.addi %sub3A_803, %and3A_900 : i32
        %multiple_of3A_927 = tpu.assume_multiple %add3A_926, 8 : i32
        %add3A_928 = arith.addi %min3A_788, %and3A_900 : i32
        %multiple_of3A_929 = tpu.assume_multiple %add3A_928, 8 : i32
        %dma_start3A_930 = tpu.memref_slice %arg9[%multiple_of3A_927] : memref<32800xf32, #tpu.memory_space<vmem>> -> memref<32xf32, #tpu.memory_space<vmem>>
        %dma_start3A_931 = tpu.memref_slice %arg4[%multiple_of3A_929] : memref<16777216xf32, #tpu.memory_space<hbm>> -> memref<32xf32, #tpu.memory_space<hbm>>
        %dma_start3A_932 = tpu.memref_slice %arg4[%multiple_of3A_929] : memref<16777216xf32, #tpu.memory_space<hbm>> -> memref<32xf32, #tpu.memory_space<hbm>>
        %dma_start3A_933 = tpu.memref_slice %arg9[%multiple_of3A_927] : memref<32800xf32, #tpu.memory_space<vmem>> -> memref<32xf32, #tpu.memory_space<vmem>>
        tpu.enqueue_dma source(%dma_start3A_933 : memref<32xf32, #tpu.memory_space<vmem>>) target(%dma_start3A_932 : memref<32xf32, #tpu.memory_space<hbm>>) target_semaphore(%arg20 : memref<!tpu.dma_semaphore, #tpu.memory_space<semaphore_mem>>)
      } else {
      }
      %and3A_908 = arith.constant -32 : i32
      %and3A_909 = arith.andi %sub3A_802, %and3A_908 : i32
      %and3A_910 = arith.constant 16 : i32
      %and3A_911 = arith.andi %sub3A_802, %and3A_910 : i32
      %ne3A_912 = arith.constant 0 : i32
      %ne3A_913 = arith.cmpi ne, %and3A_911, %ne3A_912 : i32
      %convert_element_type3A_914 = arith.extui %ne3A_913 : i1 to i32
      %cond3A_915 = arith.constant 0 : i32
      %cond3A_916 = arith.cmpi ne, %convert_element_type3A_914, %cond3A_915 : i32
      scf.if %cond3A_916 {
        %add3A_926 = arith.addi %sub3A_803, %and3A_909 : i32
        %multiple_of3A_927 = tpu.assume_multiple %add3A_926, 8 : i32
        %add3A_928 = arith.addi %min3A_788, %and3A_909 : i32
        %multiple_of3A_929 = tpu.assume_multiple %add3A_928, 8 : i32
        %dma_start3A_930 = tpu.memref_slice %arg9[%multiple_of3A_927] : memref<32800xf32, #tpu.memory_space<vmem>> -> memref<16xf32, #tpu.memory_space<vmem>>
        %dma_start3A_931 = tpu.memref_slice %arg4[%multiple_of3A_929] : memref<16777216xf32, #tpu.memory_space<hbm>> -> memref<16xf32, #tpu.memory_space<hbm>>
        %dma_start3A_932 = tpu.memref_slice %arg4[%multiple_of3A_929] : memref<16777216xf32, #tpu.memory_space<hbm>> -> memref<16xf32, #tpu.memory_space<hbm>>
        %dma_start3A_933 = tpu.memref_slice %arg9[%multiple_of3A_927] : memref<32800xf32, #tpu.memory_space<vmem>> -> memref<16xf32, #tpu.memory_space<vmem>>
        tpu.enqueue_dma source(%dma_start3A_933 : memref<16xf32, #tpu.memory_space<vmem>>) target(%dma_start3A_932 : memref<16xf32, #tpu.memory_space<hbm>>) target_semaphore(%arg20 : memref<!tpu.dma_semaphore, #tpu.memory_space<semaphore_mem>>)
      } else {
      }
      %and3A_917 = arith.constant -16 : i32
      %and3A_918 = arith.andi %sub3A_802, %and3A_917 : i32
      %and3A_919 = arith.constant 8 : i32
      %and3A_920 = arith.andi %sub3A_802, %and3A_919 : i32
      %ne3A_921 = arith.constant 0 : i32
      %ne3A_922 = arith.cmpi ne, %and3A_920, %ne3A_921 : i32
      %convert_element_type3A_923 = arith.extui %ne3A_922 : i1 to i32
      %cond3A_924 = arith.constant 0 : i32
      %cond3A_925 = arith.cmpi ne, %convert_element_type3A_923, %cond3A_924 : i32
      scf.if %cond3A_925 {
        %add3A_926 = arith.addi %sub3A_803, %and3A_918 : i32
        %multiple_of3A_927 = tpu.assume_multiple %add3A_926, 8 : i32
        %add3A_928 = arith.addi %min3A_788, %and3A_918 : i32
        %multiple_of3A_929 = tpu.assume_multiple %add3A_928, 8 : i32
        %dma_start3A_930 = tpu.memref_slice %arg9[%multiple_of3A_927] : memref<32800xf32, #tpu.memory_space<vmem>> -> memref<8xf32, #tpu.memory_space<vmem>>
        %dma_start3A_931 = tpu.memref_slice %arg4[%multiple_of3A_929] : memref<16777216xf32, #tpu.memory_space<hbm>> -> memref<8xf32, #tpu.memory_space<hbm>>
        %dma_start3A_932 = tpu.memref_slice %arg4[%multiple_of3A_929] : memref<16777216xf32, #tpu.memory_space<hbm>> -> memref<8xf32, #tpu.memory_space<hbm>>
        %dma_start3A_933 = tpu.memref_slice %arg9[%multiple_of3A_927] : memref<32800xf32, #tpu.memory_space<vmem>> -> memref<8xf32, #tpu.memory_space<vmem>>
        tpu.enqueue_dma source(%dma_start3A_933 : memref<8xf32, #tpu.memory_space<vmem>>) target(%dma_start3A_932 : memref<8xf32, #tpu.memory_space<hbm>>) target_semaphore(%arg20 : memref<!tpu.dma_semaphore, #tpu.memory_space<semaphore_mem>>)
      } else {
      }
      scf.yield %add3A_782, %sub3A_488, %sub3A_489, %min3A, %sub3A_469, %sub3A_802, %sub3A_803, %min3A_788, %sub3A_781 : i32, i32, i32, i32, i32, i32, i32, i32, i32
    }
    %scan3A_43 = arith.constant 8 : i32
    %gt3A = arith.constant 0 : i32
    %gt3A_44 = arith.cmpi sgt, %scan3A_42#4, %gt3A : i32
    %convert_element_type3A = arith.extui %gt3A_44 : i1 to i32
    %cond3A = arith.constant 0 : i32
    %cond3A_45 = arith.cmpi ne, %convert_element_type3A, %cond3A : i32
    scf.if %cond3A_45 {
      %dma_wait3A = arith.constant 0 : i32
      %dma_wait3A_294 = tpu.memref_slice %arg4[%dma_wait3A] : memref<16777216xf32, #tpu.memory_space<hbm>> -> memref<16777216xf32, #tpu.memory_space<hbm>>
      tpu.wait_indirect_dma semaphore(%arg19 : memref<!tpu.dma_semaphore, #tpu.memory_space<semaphore_mem>>) src(%arg13 : memref<16xf32, #tpu.memory_space<vmem>>) dst(%dma_wait3A_294 : memref<16777216xf32, #tpu.memory_space<hbm>>)
    } else {
    }
    %and3A = arith.constant -65536 : i32
    %and3A_46 = arith.andi %scan3A_42#1, %and3A : i32
    %and3A_47 = arith.constant 32768 : i32
    %and3A_48 = arith.andi %scan3A_42#1, %and3A_47 : i32
    %ne3A = arith.constant 0 : i32
    %ne3A_49 = arith.cmpi ne, %and3A_48, %ne3A : i32
    %convert_element_type3A_50 = arith.extui %ne3A_49 : i1 to i32
    %cond3A_51 = arith.constant 0 : i32
    %cond3A_52 = arith.cmpi ne, %convert_element_type3A_50, %cond3A_51 : i32
    scf.if %cond3A_52 {
      %add3A_294 = arith.addi %scan3A_42#2, %and3A_46 : i32
      %multiple_of3A_295 = tpu.assume_multiple %add3A_294, 8 : i32
      %add3A_296 = arith.addi %scan3A_42#3, %and3A_46 : i32
      %multiple_of3A_297 = tpu.assume_multiple %add3A_296, 8 : i32
      %dma_wait3A = tpu.memref_slice %arg8[%multiple_of3A_295] : memref<32800xf32, #tpu.memory_space<vmem>> -> memref<32768xf32, #tpu.memory_space<vmem>>
      %dma_wait3A_298 = tpu.memref_slice %arg4[%multiple_of3A_297] : memref<16777216xf32, #tpu.memory_space<hbm>> -> memref<32768xf32, #tpu.memory_space<hbm>>
      %dma_wait3A_299 = tpu.memref_slice %arg4[%multiple_of3A_297] : memref<16777216xf32, #tpu.memory_space<hbm>> -> memref<32768xf32, #tpu.memory_space<hbm>>
      %dma_wait3A_300 = tpu.memref_slice %arg8[%multiple_of3A_295] : memref<32800xf32, #tpu.memory_space<vmem>> -> memref<32768xf32, #tpu.memory_space<vmem>>
      tpu.wait_dma2 semaphore(%arg19 : memref<!tpu.dma_semaphore, #tpu.memory_space<semaphore_mem>>) src(%dma_wait3A_300 : memref<32768xf32, #tpu.memory_space<vmem>>) dst(%dma_wait3A_299 : memref<32768xf32, #tpu.memory_space<hbm>>)
    } else {
    }
    %and3A_53 = arith.constant -32768 : i32
    %and3A_54 = arith.andi %scan3A_42#1, %and3A_53 : i32
    %and3A_55 = arith.constant 16384 : i32
    %and3A_56 = arith.andi %scan3A_42#1, %and3A_55 : i32
    %ne3A_57 = arith.constant 0 : i32
    %ne3A_58 = arith.cmpi ne, %and3A_56, %ne3A_57 : i32
    %convert_element_type3A_59 = arith.extui %ne3A_58 : i1 to i32
    %cond3A_60 = arith.constant 0 : i32
    %cond3A_61 = arith.cmpi ne, %convert_element_type3A_59, %cond3A_60 : i32
    scf.if %cond3A_61 {
      %add3A_294 = arith.addi %scan3A_42#2, %and3A_54 : i32
      %multiple_of3A_295 = tpu.assume_multiple %add3A_294, 8 : i32
      %add3A_296 = arith.addi %scan3A_42#3, %and3A_54 : i32
      %multiple_of3A_297 = tpu.assume_multiple %add3A_296, 8 : i32
      %dma_wait3A = tpu.memref_slice %arg8[%multiple_of3A_295] : memref<32800xf32, #tpu.memory_space<vmem>> -> memref<16384xf32, #tpu.memory_space<vmem>>
      %dma_wait3A_298 = tpu.memref_slice %arg4[%multiple_of3A_297] : memref<16777216xf32, #tpu.memory_space<hbm>> -> memref<16384xf32, #tpu.memory_space<hbm>>
      %dma_wait3A_299 = tpu.memref_slice %arg4[%multiple_of3A_297] : memref<16777216xf32, #tpu.memory_space<hbm>> -> memref<16384xf32, #tpu.memory_space<hbm>>
      %dma_wait3A_300 = tpu.memref_slice %arg8[%multiple_of3A_295] : memref<32800xf32, #tpu.memory_space<vmem>> -> memref<16384xf32, #tpu.memory_space<vmem>>
      tpu.wait_dma2 semaphore(%arg19 : memref<!tpu.dma_semaphore, #tpu.memory_space<semaphore_mem>>) src(%dma_wait3A_300 : memref<16384xf32, #tpu.memory_space<vmem>>) dst(%dma_wait3A_299 : memref<16384xf32, #tpu.memory_space<hbm>>)
    } else {
    }
    %and3A_62 = arith.constant -16384 : i32
    %and3A_63 = arith.andi %scan3A_42#1, %and3A_62 : i32
    %and3A_64 = arith.constant 8192 : i32
    %and3A_65 = arith.andi %scan3A_42#1, %and3A_64 : i32
    %ne3A_66 = arith.constant 0 : i32
    %ne3A_67 = arith.cmpi ne, %and3A_65, %ne3A_66 : i32
    %convert_element_type3A_68 = arith.extui %ne3A_67 : i1 to i32
    %cond3A_69 = arith.constant 0 : i32
    %cond3A_70 = arith.cmpi ne, %convert_element_type3A_68, %cond3A_69 : i32
    scf.if %cond3A_70 {
      %add3A_294 = arith.addi %scan3A_42#2, %and3A_63 : i32
      %multiple_of3A_295 = tpu.assume_multiple %add3A_294, 8 : i32
      %add3A_296 = arith.addi %scan3A_42#3, %and3A_63 : i32
      %multiple_of3A_297 = tpu.assume_multiple %add3A_296, 8 : i32
      %dma_wait3A = tpu.memref_slice %arg8[%multiple_of3A_295] : memref<32800xf32, #tpu.memory_space<vmem>> -> memref<8192xf32, #tpu.memory_space<vmem>>
      %dma_wait3A_298 = tpu.memref_slice %arg4[%multiple_of3A_297] : memref<16777216xf32, #tpu.memory_space<hbm>> -> memref<8192xf32, #tpu.memory_space<hbm>>
      %dma_wait3A_299 = tpu.memref_slice %arg4[%multiple_of3A_297] : memref<16777216xf32, #tpu.memory_space<hbm>> -> memref<8192xf32, #tpu.memory_space<hbm>>
      %dma_wait3A_300 = tpu.memref_slice %arg8[%multiple_of3A_295] : memref<32800xf32, #tpu.memory_space<vmem>> -> memref<8192xf32, #tpu.memory_space<vmem>>
      tpu.wait_dma2 semaphore(%arg19 : memref<!tpu.dma_semaphore, #tpu.memory_space<semaphore_mem>>) src(%dma_wait3A_300 : memref<8192xf32, #tpu.memory_space<vmem>>) dst(%dma_wait3A_299 : memref<8192xf32, #tpu.memory_space<hbm>>)
    } else {
    }
    %and3A_71 = arith.constant -8192 : i32
    %and3A_72 = arith.andi %scan3A_42#1, %and3A_71 : i32
    %and3A_73 = arith.constant 4096 : i32
    %and3A_74 = arith.andi %scan3A_42#1, %and3A_73 : i32
    %ne3A_75 = arith.constant 0 : i32
    %ne3A_76 = arith.cmpi ne, %and3A_74, %ne3A_75 : i32
    %convert_element_type3A_77 = arith.extui %ne3A_76 : i1 to i32
    %cond3A_78 = arith.constant 0 : i32
    %cond3A_79 = arith.cmpi ne, %convert_element_type3A_77, %cond3A_78 : i32
    scf.if %cond3A_79 {
      %add3A_294 = arith.addi %scan3A_42#2, %and3A_72 : i32
      %multiple_of3A_295 = tpu.assume_multiple %add3A_294, 8 : i32
      %add3A_296 = arith.addi %scan3A_42#3, %and3A_72 : i32
      %multiple_of3A_297 = tpu.assume_multiple %add3A_296, 8 : i32
      %dma_wait3A = tpu.memref_slice %arg8[%multiple_of3A_295] : memref<32800xf32, #tpu.memory_space<vmem>> -> memref<4096xf32, #tpu.memory_space<vmem>>
      %dma_wait3A_298 = tpu.memref_slice %arg4[%multiple_of3A_297] : memref<16777216xf32, #tpu.memory_space<hbm>> -> memref<4096xf32, #tpu.memory_space<hbm>>
      %dma_wait3A_299 = tpu.memref_slice %arg4[%multiple_of3A_297] : memref<16777216xf32, #tpu.memory_space<hbm>> -> memref<4096xf32, #tpu.memory_space<hbm>>
      %dma_wait3A_300 = tpu.memref_slice %arg8[%multiple_of3A_295] : memref<32800xf32, #tpu.memory_space<vmem>> -> memref<4096xf32, #tpu.memory_space<vmem>>
      tpu.wait_dma2 semaphore(%arg19 : memref<!tpu.dma_semaphore, #tpu.memory_space<semaphore_mem>>) src(%dma_wait3A_300 : memref<4096xf32, #tpu.memory_space<vmem>>) dst(%dma_wait3A_299 : memref<4096xf32, #tpu.memory_space<hbm>>)
    } else {
    }
    %and3A_80 = arith.constant -4096 : i32
    %and3A_81 = arith.andi %scan3A_42#1, %and3A_80 : i32
    %and3A_82 = arith.constant 2048 : i32
    %and3A_83 = arith.andi %scan3A_42#1, %and3A_82 : i32
    %ne3A_84 = arith.constant 0 : i32
    %ne3A_85 = arith.cmpi ne, %and3A_83, %ne3A_84 : i32
    %convert_element_type3A_86 = arith.extui %ne3A_85 : i1 to i32
    %cond3A_87 = arith.constant 0 : i32
    %cond3A_88 = arith.cmpi ne, %convert_element_type3A_86, %cond3A_87 : i32
    scf.if %cond3A_88 {
      %add3A_294 = arith.addi %scan3A_42#2, %and3A_81 : i32
      %multiple_of3A_295 = tpu.assume_multiple %add3A_294, 8 : i32
      %add3A_296 = arith.addi %scan3A_42#3, %and3A_81 : i32
      %multiple_of3A_297 = tpu.assume_multiple %add3A_296, 8 : i32
      %dma_wait3A = tpu.memref_slice %arg8[%multiple_of3A_295] : memref<32800xf32, #tpu.memory_space<vmem>> -> memref<2048xf32, #tpu.memory_space<vmem>>
      %dma_wait3A_298 = tpu.memref_slice %arg4[%multiple_of3A_297] : memref<16777216xf32, #tpu.memory_space<hbm>> -> memref<2048xf32, #tpu.memory_space<hbm>>
      %dma_wait3A_299 = tpu.memref_slice %arg4[%multiple_of3A_297] : memref<16777216xf32, #tpu.memory_space<hbm>> -> memref<2048xf32, #tpu.memory_space<hbm>>
      %dma_wait3A_300 = tpu.memref_slice %arg8[%multiple_of3A_295] : memref<32800xf32, #tpu.memory_space<vmem>> -> memref<2048xf32, #tpu.memory_space<vmem>>
      tpu.wait_dma2 semaphore(%arg19 : memref<!tpu.dma_semaphore, #tpu.memory_space<semaphore_mem>>) src(%dma_wait3A_300 : memref<2048xf32, #tpu.memory_space<vmem>>) dst(%dma_wait3A_299 : memref<2048xf32, #tpu.memory_space<hbm>>)
    } else {
    }
    %and3A_89 = arith.constant -2048 : i32
    %and3A_90 = arith.andi %scan3A_42#1, %and3A_89 : i32
    %and3A_91 = arith.constant 1024 : i32
    %and3A_92 = arith.andi %scan3A_42#1, %and3A_91 : i32
    %ne3A_93 = arith.constant 0 : i32
    %ne3A_94 = arith.cmpi ne, %and3A_92, %ne3A_93 : i32
    %convert_element_type3A_95 = arith.extui %ne3A_94 : i1 to i32
    %cond3A_96 = arith.constant 0 : i32
    %cond3A_97 = arith.cmpi ne, %convert_element_type3A_95, %cond3A_96 : i32
    scf.if %cond3A_97 {
      %add3A_294 = arith.addi %scan3A_42#2, %and3A_90 : i32
      %multiple_of3A_295 = tpu.assume_multiple %add3A_294, 8 : i32
      %add3A_296 = arith.addi %scan3A_42#3, %and3A_90 : i32
      %multiple_of3A_297 = tpu.assume_multiple %add3A_296, 8 : i32
      %dma_wait3A = tpu.memref_slice %arg8[%multiple_of3A_295] : memref<32800xf32, #tpu.memory_space<vmem>> -> memref<1024xf32, #tpu.memory_space<vmem>>
      %dma_wait3A_298 = tpu.memref_slice %arg4[%multiple_of3A_297] : memref<16777216xf32, #tpu.memory_space<hbm>> -> memref<1024xf32, #tpu.memory_space<hbm>>
      %dma_wait3A_299 = tpu.memref_slice %arg4[%multiple_of3A_297] : memref<16777216xf32, #tpu.memory_space<hbm>> -> memref<1024xf32, #tpu.memory_space<hbm>>
      %dma_wait3A_300 = tpu.memref_slice %arg8[%multiple_of3A_295] : memref<32800xf32, #tpu.memory_space<vmem>> -> memref<1024xf32, #tpu.memory_space<vmem>>
      tpu.wait_dma2 semaphore(%arg19 : memref<!tpu.dma_semaphore, #tpu.memory_space<semaphore_mem>>) src(%dma_wait3A_300 : memref<1024xf32, #tpu.memory_space<vmem>>) dst(%dma_wait3A_299 : memref<1024xf32, #tpu.memory_space<hbm>>)
    } else {
    }
    %and3A_98 = arith.constant -1024 : i32
    %and3A_99 = arith.andi %scan3A_42#1, %and3A_98 : i32
    %and3A_100 = arith.constant 512 : i32
    %and3A_101 = arith.andi %scan3A_42#1, %and3A_100 : i32
    %ne3A_102 = arith.constant 0 : i32
    %ne3A_103 = arith.cmpi ne, %and3A_101, %ne3A_102 : i32
    %convert_element_type3A_104 = arith.extui %ne3A_103 : i1 to i32
    %cond3A_105 = arith.constant 0 : i32
    %cond3A_106 = arith.cmpi ne, %convert_element_type3A_104, %cond3A_105 : i32
    scf.if %cond3A_106 {
      %add3A_294 = arith.addi %scan3A_42#2, %and3A_99 : i32
      %multiple_of3A_295 = tpu.assume_multiple %add3A_294, 8 : i32
      %add3A_296 = arith.addi %scan3A_42#3, %and3A_99 : i32
      %multiple_of3A_297 = tpu.assume_multiple %add3A_296, 8 : i32
      %dma_wait3A = tpu.memref_slice %arg8[%multiple_of3A_295] : memref<32800xf32, #tpu.memory_space<vmem>> -> memref<512xf32, #tpu.memory_space<vmem>>
      %dma_wait3A_298 = tpu.memref_slice %arg4[%multiple_of3A_297] : memref<16777216xf32, #tpu.memory_space<hbm>> -> memref<512xf32, #tpu.memory_space<hbm>>
      %dma_wait3A_299 = tpu.memref_slice %arg4[%multiple_of3A_297] : memref<16777216xf32, #tpu.memory_space<hbm>> -> memref<512xf32, #tpu.memory_space<hbm>>
      %dma_wait3A_300 = tpu.memref_slice %arg8[%multiple_of3A_295] : memref<32800xf32, #tpu.memory_space<vmem>> -> memref<512xf32, #tpu.memory_space<vmem>>
      tpu.wait_dma2 semaphore(%arg19 : memref<!tpu.dma_semaphore, #tpu.memory_space<semaphore_mem>>) src(%dma_wait3A_300 : memref<512xf32, #tpu.memory_space<vmem>>) dst(%dma_wait3A_299 : memref<512xf32, #tpu.memory_space<hbm>>)
    } else {
    }
    %and3A_107 = arith.constant -512 : i32
    %and3A_108 = arith.andi %scan3A_42#1, %and3A_107 : i32
    %and3A_109 = arith.constant 256 : i32
    %and3A_110 = arith.andi %scan3A_42#1, %and3A_109 : i32
    %ne3A_111 = arith.constant 0 : i32
    %ne3A_112 = arith.cmpi ne, %and3A_110, %ne3A_111 : i32
    %convert_element_type3A_113 = arith.extui %ne3A_112 : i1 to i32
    %cond3A_114 = arith.constant 0 : i32
    %cond3A_115 = arith.cmpi ne, %convert_element_type3A_113, %cond3A_114 : i32
    scf.if %cond3A_115 {
      %add3A_294 = arith.addi %scan3A_42#2, %and3A_108 : i32
      %multiple_of3A_295 = tpu.assume_multiple %add3A_294, 8 : i32
      %add3A_296 = arith.addi %scan3A_42#3, %and3A_108 : i32
      %multiple_of3A_297 = tpu.assume_multiple %add3A_296, 8 : i32
      %dma_wait3A = tpu.memref_slice %arg8[%multiple_of3A_295] : memref<32800xf32, #tpu.memory_space<vmem>> -> memref<256xf32, #tpu.memory_space<vmem>>
      %dma_wait3A_298 = tpu.memref_slice %arg4[%multiple_of3A_297] : memref<16777216xf32, #tpu.memory_space<hbm>> -> memref<256xf32, #tpu.memory_space<hbm>>
      %dma_wait3A_299 = tpu.memref_slice %arg4[%multiple_of3A_297] : memref<16777216xf32, #tpu.memory_space<hbm>> -> memref<256xf32, #tpu.memory_space<hbm>>
      %dma_wait3A_300 = tpu.memref_slice %arg8[%multiple_of3A_295] : memref<32800xf32, #tpu.memory_space<vmem>> -> memref<256xf32, #tpu.memory_space<vmem>>
      tpu.wait_dma2 semaphore(%arg19 : memref<!tpu.dma_semaphore, #tpu.memory_space<semaphore_mem>>) src(%dma_wait3A_300 : memref<256xf32, #tpu.memory_space<vmem>>) dst(%dma_wait3A_299 : memref<256xf32, #tpu.memory_space<hbm>>)
    } else {
    }
    %and3A_116 = arith.constant -256 : i32
    %and3A_117 = arith.andi %scan3A_42#1, %and3A_116 : i32
    %and3A_118 = arith.constant 128 : i32
    %and3A_119 = arith.andi %scan3A_42#1, %and3A_118 : i32
    %ne3A_120 = arith.constant 0 : i32
    %ne3A_121 = arith.cmpi ne, %and3A_119, %ne3A_120 : i32
    %convert_element_type3A_122 = arith.extui %ne3A_121 : i1 to i32
    %cond3A_123 = arith.constant 0 : i32
    %cond3A_124 = arith.cmpi ne, %convert_element_type3A_122, %cond3A_123 : i32
    scf.if %cond3A_124 {
      %add3A_294 = arith.addi %scan3A_42#2, %and3A_117 : i32
      %multiple_of3A_295 = tpu.assume_multiple %add3A_294, 8 : i32
      %add3A_296 = arith.addi %scan3A_42#3, %and3A_117 : i32
      %multiple_of3A_297 = tpu.assume_multiple %add3A_296, 8 : i32
      %dma_wait3A = tpu.memref_slice %arg8[%multiple_of3A_295] : memref<32800xf32, #tpu.memory_space<vmem>> -> memref<128xf32, #tpu.memory_space<vmem>>
      %dma_wait3A_298 = tpu.memref_slice %arg4[%multiple_of3A_297] : memref<16777216xf32, #tpu.memory_space<hbm>> -> memref<128xf32, #tpu.memory_space<hbm>>
      %dma_wait3A_299 = tpu.memref_slice %arg4[%multiple_of3A_297] : memref<16777216xf32, #tpu.memory_space<hbm>> -> memref<128xf32, #tpu.memory_space<hbm>>
      %dma_wait3A_300 = tpu.memref_slice %arg8[%multiple_of3A_295] : memref<32800xf32, #tpu.memory_space<vmem>> -> memref<128xf32, #tpu.memory_space<vmem>>
      tpu.wait_dma2 semaphore(%arg19 : memref<!tpu.dma_semaphore, #tpu.memory_space<semaphore_mem>>) src(%dma_wait3A_300 : memref<128xf32, #tpu.memory_space<vmem>>) dst(%dma_wait3A_299 : memref<128xf32, #tpu.memory_space<hbm>>)
    } else {
    }
    %and3A_125 = arith.constant -128 : i32
    %and3A_126 = arith.andi %scan3A_42#1, %and3A_125 : i32
    %and3A_127 = arith.constant 64 : i32
    %and3A_128 = arith.andi %scan3A_42#1, %and3A_127 : i32
    %ne3A_129 = arith.constant 0 : i32
    %ne3A_130 = arith.cmpi ne, %and3A_128, %ne3A_129 : i32
    %convert_element_type3A_131 = arith.extui %ne3A_130 : i1 to i32
    %cond3A_132 = arith.constant 0 : i32
    %cond3A_133 = arith.cmpi ne, %convert_element_type3A_131, %cond3A_132 : i32
    scf.if %cond3A_133 {
      %add3A_294 = arith.addi %scan3A_42#2, %and3A_126 : i32
      %multiple_of3A_295 = tpu.assume_multiple %add3A_294, 8 : i32
      %add3A_296 = arith.addi %scan3A_42#3, %and3A_126 : i32
      %multiple_of3A_297 = tpu.assume_multiple %add3A_296, 8 : i32
      %dma_wait3A = tpu.memref_slice %arg8[%multiple_of3A_295] : memref<32800xf32, #tpu.memory_space<vmem>> -> memref<64xf32, #tpu.memory_space<vmem>>
      %dma_wait3A_298 = tpu.memref_slice %arg4[%multiple_of3A_297] : memref<16777216xf32, #tpu.memory_space<hbm>> -> memref<64xf32, #tpu.memory_space<hbm>>
      %dma_wait3A_299 = tpu.memref_slice %arg4[%multiple_of3A_297] : memref<16777216xf32, #tpu.memory_space<hbm>> -> memref<64xf32, #tpu.memory_space<hbm>>
      %dma_wait3A_300 = tpu.memref_slice %arg8[%multiple_of3A_295] : memref<32800xf32, #tpu.memory_space<vmem>> -> memref<64xf32, #tpu.memory_space<vmem>>
      tpu.wait_dma2 semaphore(%arg19 : memref<!tpu.dma_semaphore, #tpu.memory_space<semaphore_mem>>) src(%dma_wait3A_300 : memref<64xf32, #tpu.memory_space<vmem>>) dst(%dma_wait3A_299 : memref<64xf32, #tpu.memory_space<hbm>>)
    } else {
    }
    %and3A_134 = arith.constant -64 : i32
    %and3A_135 = arith.andi %scan3A_42#1, %and3A_134 : i32
    %and3A_136 = arith.constant 32 : i32
    %and3A_137 = arith.andi %scan3A_42#1, %and3A_136 : i32
    %ne3A_138 = arith.constant 0 : i32
    %ne3A_139 = arith.cmpi ne, %and3A_137, %ne3A_138 : i32
    %convert_element_type3A_140 = arith.extui %ne3A_139 : i1 to i32
    %cond3A_141 = arith.constant 0 : i32
    %cond3A_142 = arith.cmpi ne, %convert_element_type3A_140, %cond3A_141 : i32
    scf.if %cond3A_142 {
      %add3A_294 = arith.addi %scan3A_42#2, %and3A_135 : i32
      %multiple_of3A_295 = tpu.assume_multiple %add3A_294, 8 : i32
      %add3A_296 = arith.addi %scan3A_42#3, %and3A_135 : i32
      %multiple_of3A_297 = tpu.assume_multiple %add3A_296, 8 : i32
      %dma_wait3A = tpu.memref_slice %arg8[%multiple_of3A_295] : memref<32800xf32, #tpu.memory_space<vmem>> -> memref<32xf32, #tpu.memory_space<vmem>>
      %dma_wait3A_298 = tpu.memref_slice %arg4[%multiple_of3A_297] : memref<16777216xf32, #tpu.memory_space<hbm>> -> memref<32xf32, #tpu.memory_space<hbm>>
      %dma_wait3A_299 = tpu.memref_slice %arg4[%multiple_of3A_297] : memref<16777216xf32, #tpu.memory_space<hbm>> -> memref<32xf32, #tpu.memory_space<hbm>>
      %dma_wait3A_300 = tpu.memref_slice %arg8[%multiple_of3A_295] : memref<32800xf32, #tpu.memory_space<vmem>> -> memref<32xf32, #tpu.memory_space<vmem>>
      tpu.wait_dma2 semaphore(%arg19 : memref<!tpu.dma_semaphore, #tpu.memory_space<semaphore_mem>>) src(%dma_wait3A_300 : memref<32xf32, #tpu.memory_space<vmem>>) dst(%dma_wait3A_299 : memref<32xf32, #tpu.memory_space<hbm>>)
    } else {
    }
    %and3A_143 = arith.constant -32 : i32
    %and3A_144 = arith.andi %scan3A_42#1, %and3A_143 : i32
    %and3A_145 = arith.constant 16 : i32
    %and3A_146 = arith.andi %scan3A_42#1, %and3A_145 : i32
    %ne3A_147 = arith.constant 0 : i32
    %ne3A_148 = arith.cmpi ne, %and3A_146, %ne3A_147 : i32
    %convert_element_type3A_149 = arith.extui %ne3A_148 : i1 to i32
    %cond3A_150 = arith.constant 0 : i32
    %cond3A_151 = arith.cmpi ne, %convert_element_type3A_149, %cond3A_150 : i32
    scf.if %cond3A_151 {
      %add3A_294 = arith.addi %scan3A_42#2, %and3A_144 : i32
      %multiple_of3A_295 = tpu.assume_multiple %add3A_294, 8 : i32
      %add3A_296 = arith.addi %scan3A_42#3, %and3A_144 : i32
      %multiple_of3A_297 = tpu.assume_multiple %add3A_296, 8 : i32
      %dma_wait3A = tpu.memref_slice %arg8[%multiple_of3A_295] : memref<32800xf32, #tpu.memory_space<vmem>> -> memref<16xf32, #tpu.memory_space<vmem>>
      %dma_wait3A_298 = tpu.memref_slice %arg4[%multiple_of3A_297] : memref<16777216xf32, #tpu.memory_space<hbm>> -> memref<16xf32, #tpu.memory_space<hbm>>
      %dma_wait3A_299 = tpu.memref_slice %arg4[%multiple_of3A_297] : memref<16777216xf32, #tpu.memory_space<hbm>> -> memref<16xf32, #tpu.memory_space<hbm>>
      %dma_wait3A_300 = tpu.memref_slice %arg8[%multiple_of3A_295] : memref<32800xf32, #tpu.memory_space<vmem>> -> memref<16xf32, #tpu.memory_space<vmem>>
      tpu.wait_dma2 semaphore(%arg19 : memref<!tpu.dma_semaphore, #tpu.memory_space<semaphore_mem>>) src(%dma_wait3A_300 : memref<16xf32, #tpu.memory_space<vmem>>) dst(%dma_wait3A_299 : memref<16xf32, #tpu.memory_space<hbm>>)
    } else {
    }
    %and3A_152 = arith.constant -16 : i32
    %and3A_153 = arith.andi %scan3A_42#1, %and3A_152 : i32
    %and3A_154 = arith.constant 8 : i32
    %and3A_155 = arith.andi %scan3A_42#1, %and3A_154 : i32
    %ne3A_156 = arith.constant 0 : i32
    %ne3A_157 = arith.cmpi ne, %and3A_155, %ne3A_156 : i32
    %convert_element_type3A_158 = arith.extui %ne3A_157 : i1 to i32
    %cond3A_159 = arith.constant 0 : i32
    %cond3A_160 = arith.cmpi ne, %convert_element_type3A_158, %cond3A_159 : i32
    scf.if %cond3A_160 {
      %add3A_294 = arith.addi %scan3A_42#2, %and3A_153 : i32
      %multiple_of3A_295 = tpu.assume_multiple %add3A_294, 8 : i32
      %add3A_296 = arith.addi %scan3A_42#3, %and3A_153 : i32
      %multiple_of3A_297 = tpu.assume_multiple %add3A_296, 8 : i32
      %dma_wait3A = tpu.memref_slice %arg8[%multiple_of3A_295] : memref<32800xf32, #tpu.memory_space<vmem>> -> memref<8xf32, #tpu.memory_space<vmem>>
      %dma_wait3A_298 = tpu.memref_slice %arg4[%multiple_of3A_297] : memref<16777216xf32, #tpu.memory_space<hbm>> -> memref<8xf32, #tpu.memory_space<hbm>>
      %dma_wait3A_299 = tpu.memref_slice %arg4[%multiple_of3A_297] : memref<16777216xf32, #tpu.memory_space<hbm>> -> memref<8xf32, #tpu.memory_space<hbm>>
      %dma_wait3A_300 = tpu.memref_slice %arg8[%multiple_of3A_295] : memref<32800xf32, #tpu.memory_space<vmem>> -> memref<8xf32, #tpu.memory_space<vmem>>
      tpu.wait_dma2 semaphore(%arg19 : memref<!tpu.dma_semaphore, #tpu.memory_space<semaphore_mem>>) src(%dma_wait3A_300 : memref<8xf32, #tpu.memory_space<vmem>>) dst(%dma_wait3A_299 : memref<8xf32, #tpu.memory_space<hbm>>)
    } else {
    }
    %gt3A_161 = arith.constant 0 : i32
    %gt3A_162 = arith.cmpi sgt, %scan3A_42#8, %gt3A_161 : i32
    %convert_element_type3A_163 = arith.extui %gt3A_162 : i1 to i32
    %cond3A_164 = arith.constant 0 : i32
    %cond3A_165 = arith.cmpi ne, %convert_element_type3A_163, %cond3A_164 : i32
    scf.if %cond3A_165 {
      %dma_wait3A = arith.constant 0 : i32
      %dma_wait3A_294 = tpu.memref_slice %arg4[%dma_wait3A] : memref<16777216xf32, #tpu.memory_space<hbm>> -> memref<16777216xf32, #tpu.memory_space<hbm>>
      tpu.wait_indirect_dma semaphore(%arg20 : memref<!tpu.dma_semaphore, #tpu.memory_space<semaphore_mem>>) src(%arg15 : memref<16xf32, #tpu.memory_space<vmem>>) dst(%dma_wait3A_294 : memref<16777216xf32, #tpu.memory_space<hbm>>)
    } else {
    }
    %and3A_166 = arith.constant -65536 : i32
    %and3A_167 = arith.andi %scan3A_42#5, %and3A_166 : i32
    %and3A_168 = arith.constant 32768 : i32
    %and3A_169 = arith.andi %scan3A_42#5, %and3A_168 : i32
    %ne3A_170 = arith.constant 0 : i32
    %ne3A_171 = arith.cmpi ne, %and3A_169, %ne3A_170 : i32
    %convert_element_type3A_172 = arith.extui %ne3A_171 : i1 to i32
    %cond3A_173 = arith.constant 0 : i32
    %cond3A_174 = arith.cmpi ne, %convert_element_type3A_172, %cond3A_173 : i32
    scf.if %cond3A_174 {
      %add3A_294 = arith.addi %scan3A_42#6, %and3A_167 : i32
      %multiple_of3A_295 = tpu.assume_multiple %add3A_294, 8 : i32
      %add3A_296 = arith.addi %scan3A_42#7, %and3A_167 : i32
      %multiple_of3A_297 = tpu.assume_multiple %add3A_296, 8 : i32
      %dma_wait3A = tpu.memref_slice %arg9[%multiple_of3A_295] : memref<32800xf32, #tpu.memory_space<vmem>> -> memref<32768xf32, #tpu.memory_space<vmem>>
      %dma_wait3A_298 = tpu.memref_slice %arg4[%multiple_of3A_297] : memref<16777216xf32, #tpu.memory_space<hbm>> -> memref<32768xf32, #tpu.memory_space<hbm>>
      %dma_wait3A_299 = tpu.memref_slice %arg4[%multiple_of3A_297] : memref<16777216xf32, #tpu.memory_space<hbm>> -> memref<32768xf32, #tpu.memory_space<hbm>>
      %dma_wait3A_300 = tpu.memref_slice %arg9[%multiple_of3A_295] : memref<32800xf32, #tpu.memory_space<vmem>> -> memref<32768xf32, #tpu.memory_space<vmem>>
      tpu.wait_dma2 semaphore(%arg20 : memref<!tpu.dma_semaphore, #tpu.memory_space<semaphore_mem>>) src(%dma_wait3A_300 : memref<32768xf32, #tpu.memory_space<vmem>>) dst(%dma_wait3A_299 : memref<32768xf32, #tpu.memory_space<hbm>>)
    } else {
    }
    %and3A_175 = arith.constant -32768 : i32
    %and3A_176 = arith.andi %scan3A_42#5, %and3A_175 : i32
    %and3A_177 = arith.constant 16384 : i32
    %and3A_178 = arith.andi %scan3A_42#5, %and3A_177 : i32
    %ne3A_179 = arith.constant 0 : i32
    %ne3A_180 = arith.cmpi ne, %and3A_178, %ne3A_179 : i32
    %convert_element_type3A_181 = arith.extui %ne3A_180 : i1 to i32
    %cond3A_182 = arith.constant 0 : i32
    %cond3A_183 = arith.cmpi ne, %convert_element_type3A_181, %cond3A_182 : i32
    scf.if %cond3A_183 {
      %add3A_294 = arith.addi %scan3A_42#6, %and3A_176 : i32
      %multiple_of3A_295 = tpu.assume_multiple %add3A_294, 8 : i32
      %add3A_296 = arith.addi %scan3A_42#7, %and3A_176 : i32
      %multiple_of3A_297 = tpu.assume_multiple %add3A_296, 8 : i32
      %dma_wait3A = tpu.memref_slice %arg9[%multiple_of3A_295] : memref<32800xf32, #tpu.memory_space<vmem>> -> memref<16384xf32, #tpu.memory_space<vmem>>
      %dma_wait3A_298 = tpu.memref_slice %arg4[%multiple_of3A_297] : memref<16777216xf32, #tpu.memory_space<hbm>> -> memref<16384xf32, #tpu.memory_space<hbm>>
      %dma_wait3A_299 = tpu.memref_slice %arg4[%multiple_of3A_297] : memref<16777216xf32, #tpu.memory_space<hbm>> -> memref<16384xf32, #tpu.memory_space<hbm>>
      %dma_wait3A_300 = tpu.memref_slice %arg9[%multiple_of3A_295] : memref<32800xf32, #tpu.memory_space<vmem>> -> memref<16384xf32, #tpu.memory_space<vmem>>
      tpu.wait_dma2 semaphore(%arg20 : memref<!tpu.dma_semaphore, #tpu.memory_space<semaphore_mem>>) src(%dma_wait3A_300 : memref<16384xf32, #tpu.memory_space<vmem>>) dst(%dma_wait3A_299 : memref<16384xf32, #tpu.memory_space<hbm>>)
    } else {
    }
    %and3A_184 = arith.constant -16384 : i32
    %and3A_185 = arith.andi %scan3A_42#5, %and3A_184 : i32
    %and3A_186 = arith.constant 8192 : i32
    %and3A_187 = arith.andi %scan3A_42#5, %and3A_186 : i32
    %ne3A_188 = arith.constant 0 : i32
    %ne3A_189 = arith.cmpi ne, %and3A_187, %ne3A_188 : i32
    %convert_element_type3A_190 = arith.extui %ne3A_189 : i1 to i32
    %cond3A_191 = arith.constant 0 : i32
    %cond3A_192 = arith.cmpi ne, %convert_element_type3A_190, %cond3A_191 : i32
    scf.if %cond3A_192 {
      %add3A_294 = arith.addi %scan3A_42#6, %and3A_185 : i32
      %multiple_of3A_295 = tpu.assume_multiple %add3A_294, 8 : i32
      %add3A_296 = arith.addi %scan3A_42#7, %and3A_185 : i32
      %multiple_of3A_297 = tpu.assume_multiple %add3A_296, 8 : i32
      %dma_wait3A = tpu.memref_slice %arg9[%multiple_of3A_295] : memref<32800xf32, #tpu.memory_space<vmem>> -> memref<8192xf32, #tpu.memory_space<vmem>>
      %dma_wait3A_298 = tpu.memref_slice %arg4[%multiple_of3A_297] : memref<16777216xf32, #tpu.memory_space<hbm>> -> memref<8192xf32, #tpu.memory_space<hbm>>
      %dma_wait3A_299 = tpu.memref_slice %arg4[%multiple_of3A_297] : memref<16777216xf32, #tpu.memory_space<hbm>> -> memref<8192xf32, #tpu.memory_space<hbm>>
      %dma_wait3A_300 = tpu.memref_slice %arg9[%multiple_of3A_295] : memref<32800xf32, #tpu.memory_space<vmem>> -> memref<8192xf32, #tpu.memory_space<vmem>>
      tpu.wait_dma2 semaphore(%arg20 : memref<!tpu.dma_semaphore, #tpu.memory_space<semaphore_mem>>) src(%dma_wait3A_300 : memref<8192xf32, #tpu.memory_space<vmem>>) dst(%dma_wait3A_299 : memref<8192xf32, #tpu.memory_space<hbm>>)
    } else {
    }
    %and3A_193 = arith.constant -8192 : i32
    %and3A_194 = arith.andi %scan3A_42#5, %and3A_193 : i32
    %and3A_195 = arith.constant 4096 : i32
    %and3A_196 = arith.andi %scan3A_42#5, %and3A_195 : i32
    %ne3A_197 = arith.constant 0 : i32
    %ne3A_198 = arith.cmpi ne, %and3A_196, %ne3A_197 : i32
    %convert_element_type3A_199 = arith.extui %ne3A_198 : i1 to i32
    %cond3A_200 = arith.constant 0 : i32
    %cond3A_201 = arith.cmpi ne, %convert_element_type3A_199, %cond3A_200 : i32
    scf.if %cond3A_201 {
      %add3A_294 = arith.addi %scan3A_42#6, %and3A_194 : i32
      %multiple_of3A_295 = tpu.assume_multiple %add3A_294, 8 : i32
      %add3A_296 = arith.addi %scan3A_42#7, %and3A_194 : i32
      %multiple_of3A_297 = tpu.assume_multiple %add3A_296, 8 : i32
      %dma_wait3A = tpu.memref_slice %arg9[%multiple_of3A_295] : memref<32800xf32, #tpu.memory_space<vmem>> -> memref<4096xf32, #tpu.memory_space<vmem>>
      %dma_wait3A_298 = tpu.memref_slice %arg4[%multiple_of3A_297] : memref<16777216xf32, #tpu.memory_space<hbm>> -> memref<4096xf32, #tpu.memory_space<hbm>>
      %dma_wait3A_299 = tpu.memref_slice %arg4[%multiple_of3A_297] : memref<16777216xf32, #tpu.memory_space<hbm>> -> memref<4096xf32, #tpu.memory_space<hbm>>
      %dma_wait3A_300 = tpu.memref_slice %arg9[%multiple_of3A_295] : memref<32800xf32, #tpu.memory_space<vmem>> -> memref<4096xf32, #tpu.memory_space<vmem>>
      tpu.wait_dma2 semaphore(%arg20 : memref<!tpu.dma_semaphore, #tpu.memory_space<semaphore_mem>>) src(%dma_wait3A_300 : memref<4096xf32, #tpu.memory_space<vmem>>) dst(%dma_wait3A_299 : memref<4096xf32, #tpu.memory_space<hbm>>)
    } else {
    }
    %and3A_202 = arith.constant -4096 : i32
    %and3A_203 = arith.andi %scan3A_42#5, %and3A_202 : i32
    %and3A_204 = arith.constant 2048 : i32
    %and3A_205 = arith.andi %scan3A_42#5, %and3A_204 : i32
    %ne3A_206 = arith.constant 0 : i32
    %ne3A_207 = arith.cmpi ne, %and3A_205, %ne3A_206 : i32
    %convert_element_type3A_208 = arith.extui %ne3A_207 : i1 to i32
    %cond3A_209 = arith.constant 0 : i32
    %cond3A_210 = arith.cmpi ne, %convert_element_type3A_208, %cond3A_209 : i32
    scf.if %cond3A_210 {
      %add3A_294 = arith.addi %scan3A_42#6, %and3A_203 : i32
      %multiple_of3A_295 = tpu.assume_multiple %add3A_294, 8 : i32
      %add3A_296 = arith.addi %scan3A_42#7, %and3A_203 : i32
      %multiple_of3A_297 = tpu.assume_multiple %add3A_296, 8 : i32
      %dma_wait3A = tpu.memref_slice %arg9[%multiple_of3A_295] : memref<32800xf32, #tpu.memory_space<vmem>> -> memref<2048xf32, #tpu.memory_space<vmem>>
      %dma_wait3A_298 = tpu.memref_slice %arg4[%multiple_of3A_297] : memref<16777216xf32, #tpu.memory_space<hbm>> -> memref<2048xf32, #tpu.memory_space<hbm>>
      %dma_wait3A_299 = tpu.memref_slice %arg4[%multiple_of3A_297] : memref<16777216xf32, #tpu.memory_space<hbm>> -> memref<2048xf32, #tpu.memory_space<hbm>>
      %dma_wait3A_300 = tpu.memref_slice %arg9[%multiple_of3A_295] : memref<32800xf32, #tpu.memory_space<vmem>> -> memref<2048xf32, #tpu.memory_space<vmem>>
      tpu.wait_dma2 semaphore(%arg20 : memref<!tpu.dma_semaphore, #tpu.memory_space<semaphore_mem>>) src(%dma_wait3A_300 : memref<2048xf32, #tpu.memory_space<vmem>>) dst(%dma_wait3A_299 : memref<2048xf32, #tpu.memory_space<hbm>>)
    } else {
    }
    %and3A_211 = arith.constant -2048 : i32
    %and3A_212 = arith.andi %scan3A_42#5, %and3A_211 : i32
    %and3A_213 = arith.constant 1024 : i32
    %and3A_214 = arith.andi %scan3A_42#5, %and3A_213 : i32
    %ne3A_215 = arith.constant 0 : i32
    %ne3A_216 = arith.cmpi ne, %and3A_214, %ne3A_215 : i32
    %convert_element_type3A_217 = arith.extui %ne3A_216 : i1 to i32
    %cond3A_218 = arith.constant 0 : i32
    %cond3A_219 = arith.cmpi ne, %convert_element_type3A_217, %cond3A_218 : i32
    scf.if %cond3A_219 {
      %add3A_294 = arith.addi %scan3A_42#6, %and3A_212 : i32
      %multiple_of3A_295 = tpu.assume_multiple %add3A_294, 8 : i32
      %add3A_296 = arith.addi %scan3A_42#7, %and3A_212 : i32
      %multiple_of3A_297 = tpu.assume_multiple %add3A_296, 8 : i32
      %dma_wait3A = tpu.memref_slice %arg9[%multiple_of3A_295] : memref<32800xf32, #tpu.memory_space<vmem>> -> memref<1024xf32, #tpu.memory_space<vmem>>
      %dma_wait3A_298 = tpu.memref_slice %arg4[%multiple_of3A_297] : memref<16777216xf32, #tpu.memory_space<hbm>> -> memref<1024xf32, #tpu.memory_space<hbm>>
      %dma_wait3A_299 = tpu.memref_slice %arg4[%multiple_of3A_297] : memref<16777216xf32, #tpu.memory_space<hbm>> -> memref<1024xf32, #tpu.memory_space<hbm>>
      %dma_wait3A_300 = tpu.memref_slice %arg9[%multiple_of3A_295] : memref<32800xf32, #tpu.memory_space<vmem>> -> memref<1024xf32, #tpu.memory_space<vmem>>
      tpu.wait_dma2 semaphore(%arg20 : memref<!tpu.dma_semaphore, #tpu.memory_space<semaphore_mem>>) src(%dma_wait3A_300 : memref<1024xf32, #tpu.memory_space<vmem>>) dst(%dma_wait3A_299 : memref<1024xf32, #tpu.memory_space<hbm>>)
    } else {
    }
    %and3A_220 = arith.constant -1024 : i32
    %and3A_221 = arith.andi %scan3A_42#5, %and3A_220 : i32
    %and3A_222 = arith.constant 512 : i32
    %and3A_223 = arith.andi %scan3A_42#5, %and3A_222 : i32
    %ne3A_224 = arith.constant 0 : i32
    %ne3A_225 = arith.cmpi ne, %and3A_223, %ne3A_224 : i32
    %convert_element_type3A_226 = arith.extui %ne3A_225 : i1 to i32
    %cond3A_227 = arith.constant 0 : i32
    %cond3A_228 = arith.cmpi ne, %convert_element_type3A_226, %cond3A_227 : i32
    scf.if %cond3A_228 {
      %add3A_294 = arith.addi %scan3A_42#6, %and3A_221 : i32
      %multiple_of3A_295 = tpu.assume_multiple %add3A_294, 8 : i32
      %add3A_296 = arith.addi %scan3A_42#7, %and3A_221 : i32
      %multiple_of3A_297 = tpu.assume_multiple %add3A_296, 8 : i32
      %dma_wait3A = tpu.memref_slice %arg9[%multiple_of3A_295] : memref<32800xf32, #tpu.memory_space<vmem>> -> memref<512xf32, #tpu.memory_space<vmem>>
      %dma_wait3A_298 = tpu.memref_slice %arg4[%multiple_of3A_297] : memref<16777216xf32, #tpu.memory_space<hbm>> -> memref<512xf32, #tpu.memory_space<hbm>>
      %dma_wait3A_299 = tpu.memref_slice %arg4[%multiple_of3A_297] : memref<16777216xf32, #tpu.memory_space<hbm>> -> memref<512xf32, #tpu.memory_space<hbm>>
      %dma_wait3A_300 = tpu.memref_slice %arg9[%multiple_of3A_295] : memref<32800xf32, #tpu.memory_space<vmem>> -> memref<512xf32, #tpu.memory_space<vmem>>
      tpu.wait_dma2 semaphore(%arg20 : memref<!tpu.dma_semaphore, #tpu.memory_space<semaphore_mem>>) src(%dma_wait3A_300 : memref<512xf32, #tpu.memory_space<vmem>>) dst(%dma_wait3A_299 : memref<512xf32, #tpu.memory_space<hbm>>)
    } else {
    }
    %and3A_229 = arith.constant -512 : i32
    %and3A_230 = arith.andi %scan3A_42#5, %and3A_229 : i32
    %and3A_231 = arith.constant 256 : i32
    %and3A_232 = arith.andi %scan3A_42#5, %and3A_231 : i32
    %ne3A_233 = arith.constant 0 : i32
    %ne3A_234 = arith.cmpi ne, %and3A_232, %ne3A_233 : i32
    %convert_element_type3A_235 = arith.extui %ne3A_234 : i1 to i32
    %cond3A_236 = arith.constant 0 : i32
    %cond3A_237 = arith.cmpi ne, %convert_element_type3A_235, %cond3A_236 : i32
    scf.if %cond3A_237 {
      %add3A_294 = arith.addi %scan3A_42#6, %and3A_230 : i32
      %multiple_of3A_295 = tpu.assume_multiple %add3A_294, 8 : i32
      %add3A_296 = arith.addi %scan3A_42#7, %and3A_230 : i32
      %multiple_of3A_297 = tpu.assume_multiple %add3A_296, 8 : i32
      %dma_wait3A = tpu.memref_slice %arg9[%multiple_of3A_295] : memref<32800xf32, #tpu.memory_space<vmem>> -> memref<256xf32, #tpu.memory_space<vmem>>
      %dma_wait3A_298 = tpu.memref_slice %arg4[%multiple_of3A_297] : memref<16777216xf32, #tpu.memory_space<hbm>> -> memref<256xf32, #tpu.memory_space<hbm>>
      %dma_wait3A_299 = tpu.memref_slice %arg4[%multiple_of3A_297] : memref<16777216xf32, #tpu.memory_space<hbm>> -> memref<256xf32, #tpu.memory_space<hbm>>
      %dma_wait3A_300 = tpu.memref_slice %arg9[%multiple_of3A_295] : memref<32800xf32, #tpu.memory_space<vmem>> -> memref<256xf32, #tpu.memory_space<vmem>>
      tpu.wait_dma2 semaphore(%arg20 : memref<!tpu.dma_semaphore, #tpu.memory_space<semaphore_mem>>) src(%dma_wait3A_300 : memref<256xf32, #tpu.memory_space<vmem>>) dst(%dma_wait3A_299 : memref<256xf32, #tpu.memory_space<hbm>>)
    } else {
    }
    %and3A_238 = arith.constant -256 : i32
    %and3A_239 = arith.andi %scan3A_42#5, %and3A_238 : i32
    %and3A_240 = arith.constant 128 : i32
    %and3A_241 = arith.andi %scan3A_42#5, %and3A_240 : i32
    %ne3A_242 = arith.constant 0 : i32
    %ne3A_243 = arith.cmpi ne, %and3A_241, %ne3A_242 : i32
    %convert_element_type3A_244 = arith.extui %ne3A_243 : i1 to i32
    %cond3A_245 = arith.constant 0 : i32
    %cond3A_246 = arith.cmpi ne, %convert_element_type3A_244, %cond3A_245 : i32
    scf.if %cond3A_246 {
      %add3A_294 = arith.addi %scan3A_42#6, %and3A_239 : i32
      %multiple_of3A_295 = tpu.assume_multiple %add3A_294, 8 : i32
      %add3A_296 = arith.addi %scan3A_42#7, %and3A_239 : i32
      %multiple_of3A_297 = tpu.assume_multiple %add3A_296, 8 : i32
      %dma_wait3A = tpu.memref_slice %arg9[%multiple_of3A_295] : memref<32800xf32, #tpu.memory_space<vmem>> -> memref<128xf32, #tpu.memory_space<vmem>>
      %dma_wait3A_298 = tpu.memref_slice %arg4[%multiple_of3A_297] : memref<16777216xf32, #tpu.memory_space<hbm>> -> memref<128xf32, #tpu.memory_space<hbm>>
      %dma_wait3A_299 = tpu.memref_slice %arg4[%multiple_of3A_297] : memref<16777216xf32, #tpu.memory_space<hbm>> -> memref<128xf32, #tpu.memory_space<hbm>>
      %dma_wait3A_300 = tpu.memref_slice %arg9[%multiple_of3A_295] : memref<32800xf32, #tpu.memory_space<vmem>> -> memref<128xf32, #tpu.memory_space<vmem>>
      tpu.wait_dma2 semaphore(%arg20 : memref<!tpu.dma_semaphore, #tpu.memory_space<semaphore_mem>>) src(%dma_wait3A_300 : memref<128xf32, #tpu.memory_space<vmem>>) dst(%dma_wait3A_299 : memref<128xf32, #tpu.memory_space<hbm>>)
    } else {
    }
    %and3A_247 = arith.constant -128 : i32
    %and3A_248 = arith.andi %scan3A_42#5, %and3A_247 : i32
    %and3A_249 = arith.constant 64 : i32
    %and3A_250 = arith.andi %scan3A_42#5, %and3A_249 : i32
    %ne3A_251 = arith.constant 0 : i32
    %ne3A_252 = arith.cmpi ne, %and3A_250, %ne3A_251 : i32
    %convert_element_type3A_253 = arith.extui %ne3A_252 : i1 to i32
    %cond3A_254 = arith.constant 0 : i32
    %cond3A_255 = arith.cmpi ne, %convert_element_type3A_253, %cond3A_254 : i32
    scf.if %cond3A_255 {
      %add3A_294 = arith.addi %scan3A_42#6, %and3A_248 : i32
      %multiple_of3A_295 = tpu.assume_multiple %add3A_294, 8 : i32
      %add3A_296 = arith.addi %scan3A_42#7, %and3A_248 : i32
      %multiple_of3A_297 = tpu.assume_multiple %add3A_296, 8 : i32
      %dma_wait3A = tpu.memref_slice %arg9[%multiple_of3A_295] : memref<32800xf32, #tpu.memory_space<vmem>> -> memref<64xf32, #tpu.memory_space<vmem>>
      %dma_wait3A_298 = tpu.memref_slice %arg4[%multiple_of3A_297] : memref<16777216xf32, #tpu.memory_space<hbm>> -> memref<64xf32, #tpu.memory_space<hbm>>
      %dma_wait3A_299 = tpu.memref_slice %arg4[%multiple_of3A_297] : memref<16777216xf32, #tpu.memory_space<hbm>> -> memref<64xf32, #tpu.memory_space<hbm>>
      %dma_wait3A_300 = tpu.memref_slice %arg9[%multiple_of3A_295] : memref<32800xf32, #tpu.memory_space<vmem>> -> memref<64xf32, #tpu.memory_space<vmem>>
      tpu.wait_dma2 semaphore(%arg20 : memref<!tpu.dma_semaphore, #tpu.memory_space<semaphore_mem>>) src(%dma_wait3A_300 : memref<64xf32, #tpu.memory_space<vmem>>) dst(%dma_wait3A_299 : memref<64xf32, #tpu.memory_space<hbm>>)
    } else {
    }
    %and3A_256 = arith.constant -64 : i32
    %and3A_257 = arith.andi %scan3A_42#5, %and3A_256 : i32
    %and3A_258 = arith.constant 32 : i32
    %and3A_259 = arith.andi %scan3A_42#5, %and3A_258 : i32
    %ne3A_260 = arith.constant 0 : i32
    %ne3A_261 = arith.cmpi ne, %and3A_259, %ne3A_260 : i32
    %convert_element_type3A_262 = arith.extui %ne3A_261 : i1 to i32
    %cond3A_263 = arith.constant 0 : i32
    %cond3A_264 = arith.cmpi ne, %convert_element_type3A_262, %cond3A_263 : i32
    scf.if %cond3A_264 {
      %add3A_294 = arith.addi %scan3A_42#6, %and3A_257 : i32
      %multiple_of3A_295 = tpu.assume_multiple %add3A_294, 8 : i32
      %add3A_296 = arith.addi %scan3A_42#7, %and3A_257 : i32
      %multiple_of3A_297 = tpu.assume_multiple %add3A_296, 8 : i32
      %dma_wait3A = tpu.memref_slice %arg9[%multiple_of3A_295] : memref<32800xf32, #tpu.memory_space<vmem>> -> memref<32xf32, #tpu.memory_space<vmem>>
      %dma_wait3A_298 = tpu.memref_slice %arg4[%multiple_of3A_297] : memref<16777216xf32, #tpu.memory_space<hbm>> -> memref<32xf32, #tpu.memory_space<hbm>>
      %dma_wait3A_299 = tpu.memref_slice %arg4[%multiple_of3A_297] : memref<16777216xf32, #tpu.memory_space<hbm>> -> memref<32xf32, #tpu.memory_space<hbm>>
      %dma_wait3A_300 = tpu.memref_slice %arg9[%multiple_of3A_295] : memref<32800xf32, #tpu.memory_space<vmem>> -> memref<32xf32, #tpu.memory_space<vmem>>
      tpu.wait_dma2 semaphore(%arg20 : memref<!tpu.dma_semaphore, #tpu.memory_space<semaphore_mem>>) src(%dma_wait3A_300 : memref<32xf32, #tpu.memory_space<vmem>>) dst(%dma_wait3A_299 : memref<32xf32, #tpu.memory_space<hbm>>)
    } else {
    }
    %and3A_265 = arith.constant -32 : i32
    %and3A_266 = arith.andi %scan3A_42#5, %and3A_265 : i32
    %and3A_267 = arith.constant 16 : i32
    %and3A_268 = arith.andi %scan3A_42#5, %and3A_267 : i32
    %ne3A_269 = arith.constant 0 : i32
    %ne3A_270 = arith.cmpi ne, %and3A_268, %ne3A_269 : i32
    %convert_element_type3A_271 = arith.extui %ne3A_270 : i1 to i32
    %cond3A_272 = arith.constant 0 : i32
    %cond3A_273 = arith.cmpi ne, %convert_element_type3A_271, %cond3A_272 : i32
    scf.if %cond3A_273 {
      %add3A_294 = arith.addi %scan3A_42#6, %and3A_266 : i32
      %multiple_of3A_295 = tpu.assume_multiple %add3A_294, 8 : i32
      %add3A_296 = arith.addi %scan3A_42#7, %and3A_266 : i32
      %multiple_of3A_297 = tpu.assume_multiple %add3A_296, 8 : i32
      %dma_wait3A = tpu.memref_slice %arg9[%multiple_of3A_295] : memref<32800xf32, #tpu.memory_space<vmem>> -> memref<16xf32, #tpu.memory_space<vmem>>
      %dma_wait3A_298 = tpu.memref_slice %arg4[%multiple_of3A_297] : memref<16777216xf32, #tpu.memory_space<hbm>> -> memref<16xf32, #tpu.memory_space<hbm>>
      %dma_wait3A_299 = tpu.memref_slice %arg4[%multiple_of3A_297] : memref<16777216xf32, #tpu.memory_space<hbm>> -> memref<16xf32, #tpu.memory_space<hbm>>
      %dma_wait3A_300 = tpu.memref_slice %arg9[%multiple_of3A_295] : memref<32800xf32, #tpu.memory_space<vmem>> -> memref<16xf32, #tpu.memory_space<vmem>>
      tpu.wait_dma2 semaphore(%arg20 : memref<!tpu.dma_semaphore, #tpu.memory_space<semaphore_mem>>) src(%dma_wait3A_300 : memref<16xf32, #tpu.memory_space<vmem>>) dst(%dma_wait3A_299 : memref<16xf32, #tpu.memory_space<hbm>>)
    } else {
    }
    %and3A_274 = arith.constant -16 : i32
    %and3A_275 = arith.andi %scan3A_42#5, %and3A_274 : i32
    %and3A_276 = arith.constant 8 : i32
    %and3A_277 = arith.andi %scan3A_42#5, %and3A_276 : i32
    %ne3A_278 = arith.constant 0 : i32
    %ne3A_279 = arith.cmpi ne, %and3A_277, %ne3A_278 : i32
    %convert_element_type3A_280 = arith.extui %ne3A_279 : i1 to i32
    %cond3A_281 = arith.constant 0 : i32
    %cond3A_282 = arith.cmpi ne, %convert_element_type3A_280, %cond3A_281 : i32
    scf.if %cond3A_282 {
      %add3A_294 = arith.addi %scan3A_42#6, %and3A_275 : i32
      %multiple_of3A_295 = tpu.assume_multiple %add3A_294, 8 : i32
      %add3A_296 = arith.addi %scan3A_42#7, %and3A_275 : i32
      %multiple_of3A_297 = tpu.assume_multiple %add3A_296, 8 : i32
      %dma_wait3A = tpu.memref_slice %arg9[%multiple_of3A_295] : memref<32800xf32, #tpu.memory_space<vmem>> -> memref<8xf32, #tpu.memory_space<vmem>>
      %dma_wait3A_298 = tpu.memref_slice %arg4[%multiple_of3A_297] : memref<16777216xf32, #tpu.memory_space<hbm>> -> memref<8xf32, #tpu.memory_space<hbm>>
      %dma_wait3A_299 = tpu.memref_slice %arg4[%multiple_of3A_297] : memref<16777216xf32, #tpu.memory_space<hbm>> -> memref<8xf32, #tpu.memory_space<hbm>>
      %dma_wait3A_300 = tpu.memref_slice %arg9[%multiple_of3A_295] : memref<32800xf32, #tpu.memory_space<vmem>> -> memref<8xf32, #tpu.memory_space<vmem>>
      tpu.wait_dma2 semaphore(%arg20 : memref<!tpu.dma_semaphore, #tpu.memory_space<semaphore_mem>>) src(%dma_wait3A_300 : memref<8xf32, #tpu.memory_space<vmem>>) dst(%dma_wait3A_299 : memref<8xf32, #tpu.memory_space<hbm>>)
    } else {
    }
    %add3A_283 = arith.constant 524288 : i32
    %add3A_284 = arith.addi %multiple_of3A, %add3A_283 : i32
    %max3A = arith.maxsi %reduce_sum3A_22, %multiple_of3A : i32
    %sub3A = arith.subi %add3A_284, %max3A : i32
    %gt3A_285 = arith.constant 0 : i32
    %gt3A_286 = arith.cmpi sgt, %sub3A, %gt3A_285 : i32
    %convert_element_type3A_287 = arith.extui %gt3A_286 : i1 to i32
    %cond3A_288 = arith.constant 0 : i32
    %cond3A_289 = arith.cmpi ne, %convert_element_type3A_287, %cond3A_288 : i32
    scf.if %cond3A_289 {
      %neg3A = arith.constant 0 : i32
      %neg3A_294 = arith.subi %neg3A, %max3A : i32
      %and3A_295 = arith.constant 7 : i32
      %and3A_296 = arith.andi %neg3A_294, %and3A_295 : i32
      %lt3A = vector.broadcast %and3A_296 : i32 to vector<16xi32>
      %lt3A_297 = arith.cmpi slt, %iota3A, %lt3A : vector<16xi32>
      %add3A_298 = vector.broadcast %max3A : i32 to vector<16xi32>
      %add3A_299 = arith.addi %add3A_298, %iota3A : vector<16xi32>
      %broadcast_in_dim3A_300 = vector.broadcast %max3A : i32 to vector<16xi32>
      %select_n3A = arith.select %lt3A_297, %add3A_299, %broadcast_in_dim3A_300 : vector<16xi1>, vector<16xi32>
      %broadcast_in_dim3A_301 = arith.constant 0.000000e+00 : f32
      %broadcast_in_dim3A_302 = vector.broadcast %broadcast_in_dim3A_301 : f32 to vector<16xf32>
      %swap3A = arith.constant 0 : index
      %swap3A_303 = tpu.vector_load %arg12[%swap3A] {strides = array<i32>} : memref<16xi32, #tpu.memory_space<vmem>>, vector<16xi32>,
      tpu.vector_store %arg12[%swap3A], %select_n3A {strides = array<i32>} : memref<16xi32, #tpu.memory_space<vmem>>, vector<16xi32>,
      %swap3A_304 = arith.constant 0 : index
      %swap3A_305 = tpu.vector_load %arg13[%swap3A_304] {strides = array<i32>} : memref<16xf32, #tpu.memory_space<vmem>>, vector<16xf32>,
      tpu.vector_store %arg13[%swap3A_304], %broadcast_in_dim3A_302 {strides = array<i32>} : memref<16xf32, #tpu.memory_space<vmem>>, vector<16xf32>,
      "tpu.region"() ({
        %run_scoped3A = tpu.sem_alloc : memref<!tpu.dma_semaphore, #tpu.memory_space<semaphore_mem>>
        %dma_start3A_443 = arith.constant 0 : i32
        %dma_start3A_444 = tpu.memref_slice %arg4[%dma_start3A_443] : memref<16777216xf32, #tpu.memory_space<hbm>> -> memref<16777216xf32, #tpu.memory_space<hbm>>
        tpu.enqueue_indirect_dma source(%arg13 : memref<16xf32, #tpu.memory_space<vmem>>) target(%dma_start3A_444 : memref<16777216xf32, #tpu.memory_space<hbm>>) offsets(%arg12 : memref<16xi32, #tpu.memory_space<vmem>>) semaphore(%run_scoped3A : memref<!tpu.dma_semaphore, #tpu.memory_space<semaphore_mem>>)
        %dma_wait3A = arith.constant 0 : i32
        %dma_wait3A_445 = tpu.memref_slice %arg4[%dma_wait3A] : memref<16777216xf32, #tpu.memory_space<hbm>> -> memref<16777216xf32, #tpu.memory_space<hbm>>
        tpu.wait_indirect_dma semaphore(%run_scoped3A : memref<!tpu.dma_semaphore, #tpu.memory_space<semaphore_mem>>) src(%arg13 : memref<16xf32, #tpu.memory_space<vmem>>) dst(%dma_wait3A_445 : memref<16777216xf32, #tpu.memory_space<hbm>>)
        tpu.yield
      }) : () -> ()
      %add3A_306 = arith.addi %max3A, %and3A_296 : i32
      %sub3A_307 = arith.subi %add3A_284, %add3A_306 : i32
      %jit3A = arith.constant 16384 : i32
      %div3A = arith.divsi %sub3A_307, %jit3A : i32
      %sign3A = arith.constant 0 : i32
      %sign3A_308 = arith.cmpi sgt, %sub3A_307, %sign3A : i32
      %sign3A_309 = arith.extui %sign3A_308 : i1 to i32
      %sign3A_310 = arith.constant 0 : i32
      %sign3A_311 = arith.cmpi slt, %sub3A_307, %sign3A_310 : i32
      %sign3A_312 = arith.extui %sign3A_311 : i1 to i32
      %sign3A_313 = arith.subi %sign3A_309, %sign3A_312 : i32
      %sign3A_314 = arith.constant 0 : i32
      %sign3A_315 = arith.cmpi sgt, %jit3A, %sign3A_314 : i32
      %sign3A_316 = arith.extui %sign3A_315 : i1 to i32
      %sign3A_317 = arith.constant 0 : i32
      %sign3A_318 = arith.cmpi slt, %jit3A, %sign3A_317 : i32
      %sign3A_319 = arith.extui %sign3A_318 : i1 to i32
      %sign3A_320 = arith.subi %sign3A_316, %sign3A_319 : i32
      %ne3A_321 = arith.cmpi ne, %sign3A_313, %sign3A_320 : i32
      %rem3A = arith.remsi %sub3A_307, %jit3A : i32
      %ne3A_322 = arith.constant 0 : i32
      %ne3A_323 = arith.cmpi ne, %rem3A, %ne3A_322 : i32
      %and3A_324 = arith.andi %ne3A_321, %ne3A_323 : i1
      %sub3A_325 = arith.constant 1 : i32
      %sub3A_326 = arith.subi %div3A, %sub3A_325 : i32
      %select_n3A_327 = arith.select %and3A_324, %sub3A_326, %div3A : i32
      %while3A = arith.constant 0 : i32
      %while3A_328 = arith.constant 0 : i32
      %while3A_329 = arith.subi %select_n3A_327, %while3A : i32
      %while3A_330 = arith.addi %while3A, %while3A_329 : i32
      %while3A_331 = arith.constant 1 : i32
      %while3A_332 = arith.divsi %while3A_329, %while3A_331 : i32
      %while3A_333 = arith.muli %while3A_332, %while3A_331 : i32
      %while3A_334 = arith.addi %while3A, %while3A_333 : i32
      %while3A_335 = arith.constant 1 : i32
      %while3A_336 = scf.for %while3A_443 = %while3A to %while3A_334 step %while3A_335 iter_args(%while3A_444 = %while3A_328) -> (i32)  : i32 {
        %mul3A_445 = arith.constant 16384 : i32
        %mul3A_446 = arith.muli %while3A_443, %mul3A_445 : i32
        %add3A_447 = arith.addi %add3A_306, %mul3A_446 : i32
        %multiple_of3A_448 = tpu.assume_multiple %add3A_447, 8 : i32
        "tpu.region"() ({
          %run_scoped3A = tpu.sem_alloc : memref<!tpu.dma_semaphore, #tpu.memory_space<semaphore_mem>>
          %dma_start3A_450 = tpu.memref_slice %arg4[%multiple_of3A_448] : memref<16777216xf32, #tpu.memory_space<hbm>> -> memref<16384xf32, #tpu.memory_space<hbm>>
          %dma_start3A_451 = tpu.memref_slice %arg4[%multiple_of3A_448] : memref<16777216xf32, #tpu.memory_space<hbm>> -> memref<16384xf32, #tpu.memory_space<hbm>>
          tpu.enqueue_dma source(%arg10 : memref<16384xf32, #tpu.memory_space<vmem>>) target(%dma_start3A_451 : memref<16384xf32, #tpu.memory_space<hbm>>) target_semaphore(%run_scoped3A : memref<!tpu.dma_semaphore, #tpu.memory_space<semaphore_mem>>)
          %dma_wait3A = tpu.memref_slice %arg4[%multiple_of3A_448] : memref<16777216xf32, #tpu.memory_space<hbm>> -> memref<16384xf32, #tpu.memory_space<hbm>>
          %dma_wait3A_452 = tpu.memref_slice %arg4[%multiple_of3A_448] : memref<16777216xf32, #tpu.memory_space<hbm>> -> memref<16384xf32, #tpu.memory_space<hbm>>
          tpu.wait_dma2 semaphore(%run_scoped3A : memref<!tpu.dma_semaphore, #tpu.memory_space<semaphore_mem>>) src(%arg10 : memref<16384xf32, #tpu.memory_space<vmem>>) dst(%dma_wait3A_452 : memref<16384xf32, #tpu.memory_space<hbm>>)
          tpu.yield
        }) : () -> ()
        %while3A_449 = arith.constant 0 : i32
        scf.yield %while3A_449 : i32
      }
      %while3A_337 = arith.constant 1 : i32
      %while3A_338 = scf.for %while3A_443 = %while3A_334 to %while3A_330 step %while3A_337 iter_args(%while3A_444 = %while3A_336) -> (i32)  : i32 {
        %mul3A_445 = arith.constant 16384 : i32
        %mul3A_446 = arith.muli %while3A_443, %mul3A_445 : i32
        %add3A_447 = arith.addi %add3A_306, %mul3A_446 : i32
        %multiple_of3A_448 = tpu.assume_multiple %add3A_447, 8 : i32
        "tpu.region"() ({
          %run_scoped3A = tpu.sem_alloc : memref<!tpu.dma_semaphore, #tpu.memory_space<semaphore_mem>>
          %dma_start3A_450 = tpu.memref_slice %arg4[%multiple_of3A_448] : memref<16777216xf32, #tpu.memory_space<hbm>> -> memref<16384xf32, #tpu.memory_space<hbm>>
          %dma_start3A_451 = tpu.memref_slice %arg4[%multiple_of3A_448] : memref<16777216xf32, #tpu.memory_space<hbm>> -> memref<16384xf32, #tpu.memory_space<hbm>>
          tpu.enqueue_dma source(%arg10 : memref<16384xf32, #tpu.memory_space<vmem>>) target(%dma_start3A_451 : memref<16384xf32, #tpu.memory_space<hbm>>) target_semaphore(%run_scoped3A : memref<!tpu.dma_semaphore, #tpu.memory_space<semaphore_mem>>)
          %dma_wait3A = tpu.memref_slice %arg4[%multiple_of3A_448] : memref<16777216xf32, #tpu.memory_space<hbm>> -> memref<16384xf32, #tpu.memory_space<hbm>>
          %dma_wait3A_452 = tpu.memref_slice %arg4[%multiple_of3A_448] : memref<16777216xf32, #tpu.memory_space<hbm>> -> memref<16384xf32, #tpu.memory_space<hbm>>
          tpu.wait_dma2 semaphore(%run_scoped3A : memref<!tpu.dma_semaphore, #tpu.memory_space<semaphore_mem>>) src(%arg10 : memref<16384xf32, #tpu.memory_space<vmem>>) dst(%dma_wait3A_452 : memref<16384xf32, #tpu.memory_space<hbm>>)
          tpu.yield
        }) : () -> ()
        %while3A_449 = arith.constant 0 : i32
        scf.yield %while3A_449 : i32
      }
      %and3A_339 = arith.constant 16383 : i32
      %and3A_340 = arith.andi %sub3A_307, %and3A_339 : i32
      %mul3A_341 = arith.constant 16384 : i32
      %mul3A_342 = arith.muli %select_n3A_327, %mul3A_341 : i32
      %add3A_343 = arith.addi %add3A_306, %mul3A_342 : i32
      %and3A_344 = arith.constant -16384 : i32
      %and3A_345 = arith.andi %and3A_340, %and3A_344 : i32
      %and3A_346 = arith.constant 8192 : i32
      %and3A_347 = arith.andi %and3A_340, %and3A_346 : i32
      %ne3A_348 = arith.constant 0 : i32
      %ne3A_349 = arith.cmpi ne, %and3A_347, %ne3A_348 : i32
      %convert_element_type3A_350 = arith.extui %ne3A_349 : i1 to i32
      %cond3A_351 = arith.constant 0 : i32
      %cond3A_352 = arith.cmpi ne, %convert_element_type3A_350, %cond3A_351 : i32
      scf.if %cond3A_352 {
        %add3A_443 = arith.addi %add3A_343, %and3A_345 : i32
        %multiple_of3A_444 = tpu.assume_multiple %add3A_443, 8 : i32
        "tpu.region"() ({
          %run_scoped3A = tpu.sem_alloc : memref<!tpu.dma_semaphore, #tpu.memory_space<semaphore_mem>>
          %dma_start3A_445 = arith.constant 0 : i32
          %dma_start3A_446 = tpu.memref_slice %arg10[%dma_start3A_445] : memref<16384xf32, #tpu.memory_space<vmem>> -> memref<8192xf32, #tpu.memory_space<vmem>>
          %dma_start3A_447 = tpu.memref_slice %arg4[%multiple_of3A_444] : memref<16777216xf32, #tpu.memory_space<hbm>> -> memref<8192xf32, #tpu.memory_space<hbm>>
          %dma_start3A_448 = tpu.memref_slice %arg4[%multiple_of3A_444] : memref<16777216xf32, #tpu.memory_space<hbm>> -> memref<8192xf32, #tpu.memory_space<hbm>>
          %dma_start3A_449 = arith.constant 0 : i32
          %dma_start3A_450 = tpu.memref_slice %arg10[%dma_start3A_449] : memref<16384xf32, #tpu.memory_space<vmem>> -> memref<8192xf32, #tpu.memory_space<vmem>>
          tpu.enqueue_dma source(%dma_start3A_450 : memref<8192xf32, #tpu.memory_space<vmem>>) target(%dma_start3A_448 : memref<8192xf32, #tpu.memory_space<hbm>>) target_semaphore(%run_scoped3A : memref<!tpu.dma_semaphore, #tpu.memory_space<semaphore_mem>>)
          %dma_wait3A = arith.constant 0 : i32
          %dma_wait3A_451 = tpu.memref_slice %arg10[%dma_wait3A] : memref<16384xf32, #tpu.memory_space<vmem>> -> memref<8192xf32, #tpu.memory_space<vmem>>
          %dma_wait3A_452 = tpu.memref_slice %arg4[%multiple_of3A_444] : memref<16777216xf32, #tpu.memory_space<hbm>> -> memref<8192xf32, #tpu.memory_space<hbm>>
          %dma_wait3A_453 = tpu.memref_slice %arg4[%multiple_of3A_444] : memref<16777216xf32, #tpu.memory_space<hbm>> -> memref<8192xf32, #tpu.memory_space<hbm>>
          %dma_wait3A_454 = arith.constant 0 : i32
          %dma_wait3A_455 = tpu.memref_slice %arg10[%dma_wait3A_454] : memref<16384xf32, #tpu.memory_space<vmem>> -> memref<8192xf32, #tpu.memory_space<vmem>>
          tpu.wait_dma2 semaphore(%run_scoped3A : memref<!tpu.dma_semaphore, #tpu.memory_space<semaphore_mem>>) src(%dma_wait3A_455 : memref<8192xf32, #tpu.memory_space<vmem>>) dst(%dma_wait3A_453 : memref<8192xf32, #tpu.memory_space<hbm>>)
          tpu.yield
        }) : () -> ()
      } else {
      }
      %and3A_353 = arith.constant -8192 : i32
      %and3A_354 = arith.andi %and3A_340, %and3A_353 : i32
      %and3A_355 = arith.constant 4096 : i32
      %and3A_356 = arith.andi %and3A_340, %and3A_355 : i32
      %ne3A_357 = arith.constant 0 : i32
      %ne3A_358 = arith.cmpi ne, %and3A_356, %ne3A_357 : i32
      %convert_element_type3A_359 = arith.extui %ne3A_358 : i1 to i32
      %cond3A_360 = arith.constant 0 : i32
      %cond3A_361 = arith.cmpi ne, %convert_element_type3A_359, %cond3A_360 : i32
      scf.if %cond3A_361 {
        %add3A_443 = arith.addi %add3A_343, %and3A_354 : i32
        %multiple_of3A_444 = tpu.assume_multiple %add3A_443, 8 : i32
        "tpu.region"() ({
          %run_scoped3A = tpu.sem_alloc : memref<!tpu.dma_semaphore, #tpu.memory_space<semaphore_mem>>
          %dma_start3A_445 = arith.constant 0 : i32
          %dma_start3A_446 = tpu.memref_slice %arg10[%dma_start3A_445] : memref<16384xf32, #tpu.memory_space<vmem>> -> memref<4096xf32, #tpu.memory_space<vmem>>
          %dma_start3A_447 = tpu.memref_slice %arg4[%multiple_of3A_444] : memref<16777216xf32, #tpu.memory_space<hbm>> -> memref<4096xf32, #tpu.memory_space<hbm>>
          %dma_start3A_448 = tpu.memref_slice %arg4[%multiple_of3A_444] : memref<16777216xf32, #tpu.memory_space<hbm>> -> memref<4096xf32, #tpu.memory_space<hbm>>
          %dma_start3A_449 = arith.constant 0 : i32
          %dma_start3A_450 = tpu.memref_slice %arg10[%dma_start3A_449] : memref<16384xf32, #tpu.memory_space<vmem>> -> memref<4096xf32, #tpu.memory_space<vmem>>
          tpu.enqueue_dma source(%dma_start3A_450 : memref<4096xf32, #tpu.memory_space<vmem>>) target(%dma_start3A_448 : memref<4096xf32, #tpu.memory_space<hbm>>) target_semaphore(%run_scoped3A : memref<!tpu.dma_semaphore, #tpu.memory_space<semaphore_mem>>)
          %dma_wait3A = arith.constant 0 : i32
          %dma_wait3A_451 = tpu.memref_slice %arg10[%dma_wait3A] : memref<16384xf32, #tpu.memory_space<vmem>> -> memref<4096xf32, #tpu.memory_space<vmem>>
          %dma_wait3A_452 = tpu.memref_slice %arg4[%multiple_of3A_444] : memref<16777216xf32, #tpu.memory_space<hbm>> -> memref<4096xf32, #tpu.memory_space<hbm>>
          %dma_wait3A_453 = tpu.memref_slice %arg4[%multiple_of3A_444] : memref<16777216xf32, #tpu.memory_space<hbm>> -> memref<4096xf32, #tpu.memory_space<hbm>>
          %dma_wait3A_454 = arith.constant 0 : i32
          %dma_wait3A_455 = tpu.memref_slice %arg10[%dma_wait3A_454] : memref<16384xf32, #tpu.memory_space<vmem>> -> memref<4096xf32, #tpu.memory_space<vmem>>
          tpu.wait_dma2 semaphore(%run_scoped3A : memref<!tpu.dma_semaphore, #tpu.memory_space<semaphore_mem>>) src(%dma_wait3A_455 : memref<4096xf32, #tpu.memory_space<vmem>>) dst(%dma_wait3A_453 : memref<4096xf32, #tpu.memory_space<hbm>>)
          tpu.yield
        }) : () -> ()
      } else {
      }
      %and3A_362 = arith.constant -4096 : i32
      %and3A_363 = arith.andi %and3A_340, %and3A_362 : i32
      %and3A_364 = arith.constant 2048 : i32
      %and3A_365 = arith.andi %and3A_340, %and3A_364 : i32
      %ne3A_366 = arith.constant 0 : i32
      %ne3A_367 = arith.cmpi ne, %and3A_365, %ne3A_366 : i32
      %convert_element_type3A_368 = arith.extui %ne3A_367 : i1 to i32
      %cond3A_369 = arith.constant 0 : i32
      %cond3A_370 = arith.cmpi ne, %convert_element_type3A_368, %cond3A_369 : i32
      scf.if %cond3A_370 {
        %add3A_443 = arith.addi %add3A_343, %and3A_363 : i32
        %multiple_of3A_444 = tpu.assume_multiple %add3A_443, 8 : i32
        "tpu.region"() ({
          %run_scoped3A = tpu.sem_alloc : memref<!tpu.dma_semaphore, #tpu.memory_space<semaphore_mem>>
          %dma_start3A_445 = arith.constant 0 : i32
          %dma_start3A_446 = tpu.memref_slice %arg10[%dma_start3A_445] : memref<16384xf32, #tpu.memory_space<vmem>> -> memref<2048xf32, #tpu.memory_space<vmem>>
          %dma_start3A_447 = tpu.memref_slice %arg4[%multiple_of3A_444] : memref<16777216xf32, #tpu.memory_space<hbm>> -> memref<2048xf32, #tpu.memory_space<hbm>>
          %dma_start3A_448 = tpu.memref_slice %arg4[%multiple_of3A_444] : memref<16777216xf32, #tpu.memory_space<hbm>> -> memref<2048xf32, #tpu.memory_space<hbm>>
          %dma_start3A_449 = arith.constant 0 : i32
          %dma_start3A_450 = tpu.memref_slice %arg10[%dma_start3A_449] : memref<16384xf32, #tpu.memory_space<vmem>> -> memref<2048xf32, #tpu.memory_space<vmem>>
          tpu.enqueue_dma source(%dma_start3A_450 : memref<2048xf32, #tpu.memory_space<vmem>>) target(%dma_start3A_448 : memref<2048xf32, #tpu.memory_space<hbm>>) target_semaphore(%run_scoped3A : memref<!tpu.dma_semaphore, #tpu.memory_space<semaphore_mem>>)
          %dma_wait3A = arith.constant 0 : i32
          %dma_wait3A_451 = tpu.memref_slice %arg10[%dma_wait3A] : memref<16384xf32, #tpu.memory_space<vmem>> -> memref<2048xf32, #tpu.memory_space<vmem>>
          %dma_wait3A_452 = tpu.memref_slice %arg4[%multiple_of3A_444] : memref<16777216xf32, #tpu.memory_space<hbm>> -> memref<2048xf32, #tpu.memory_space<hbm>>
          %dma_wait3A_453 = tpu.memref_slice %arg4[%multiple_of3A_444] : memref<16777216xf32, #tpu.memory_space<hbm>> -> memref<2048xf32, #tpu.memory_space<hbm>>
          %dma_wait3A_454 = arith.constant 0 : i32
          %dma_wait3A_455 = tpu.memref_slice %arg10[%dma_wait3A_454] : memref<16384xf32, #tpu.memory_space<vmem>> -> memref<2048xf32, #tpu.memory_space<vmem>>
          tpu.wait_dma2 semaphore(%run_scoped3A : memref<!tpu.dma_semaphore, #tpu.memory_space<semaphore_mem>>) src(%dma_wait3A_455 : memref<2048xf32, #tpu.memory_space<vmem>>) dst(%dma_wait3A_453 : memref<2048xf32, #tpu.memory_space<hbm>>)
          tpu.yield
        }) : () -> ()
      } else {
      }
      %and3A_371 = arith.constant -2048 : i32
      %and3A_372 = arith.andi %and3A_340, %and3A_371 : i32
      %and3A_373 = arith.constant 1024 : i32
      %and3A_374 = arith.andi %and3A_340, %and3A_373 : i32
      %ne3A_375 = arith.constant 0 : i32
      %ne3A_376 = arith.cmpi ne, %and3A_374, %ne3A_375 : i32
      %convert_element_type3A_377 = arith.extui %ne3A_376 : i1 to i32
      %cond3A_378 = arith.constant 0 : i32
      %cond3A_379 = arith.cmpi ne, %convert_element_type3A_377, %cond3A_378 : i32
      scf.if %cond3A_379 {
        %add3A_443 = arith.addi %add3A_343, %and3A_372 : i32
        %multiple_of3A_444 = tpu.assume_multiple %add3A_443, 8 : i32
        "tpu.region"() ({
          %run_scoped3A = tpu.sem_alloc : memref<!tpu.dma_semaphore, #tpu.memory_space<semaphore_mem>>
          %dma_start3A_445 = arith.constant 0 : i32
          %dma_start3A_446 = tpu.memref_slice %arg10[%dma_start3A_445] : memref<16384xf32, #tpu.memory_space<vmem>> -> memref<1024xf32, #tpu.memory_space<vmem>>
          %dma_start3A_447 = tpu.memref_slice %arg4[%multiple_of3A_444] : memref<16777216xf32, #tpu.memory_space<hbm>> -> memref<1024xf32, #tpu.memory_space<hbm>>
          %dma_start3A_448 = tpu.memref_slice %arg4[%multiple_of3A_444] : memref<16777216xf32, #tpu.memory_space<hbm>> -> memref<1024xf32, #tpu.memory_space<hbm>>
          %dma_start3A_449 = arith.constant 0 : i32
          %dma_start3A_450 = tpu.memref_slice %arg10[%dma_start3A_449] : memref<16384xf32, #tpu.memory_space<vmem>> -> memref<1024xf32, #tpu.memory_space<vmem>>
          tpu.enqueue_dma source(%dma_start3A_450 : memref<1024xf32, #tpu.memory_space<vmem>>) target(%dma_start3A_448 : memref<1024xf32, #tpu.memory_space<hbm>>) target_semaphore(%run_scoped3A : memref<!tpu.dma_semaphore, #tpu.memory_space<semaphore_mem>>)
          %dma_wait3A = arith.constant 0 : i32
          %dma_wait3A_451 = tpu.memref_slice %arg10[%dma_wait3A] : memref<16384xf32, #tpu.memory_space<vmem>> -> memref<1024xf32, #tpu.memory_space<vmem>>
          %dma_wait3A_452 = tpu.memref_slice %arg4[%multiple_of3A_444] : memref<16777216xf32, #tpu.memory_space<hbm>> -> memref<1024xf32, #tpu.memory_space<hbm>>
          %dma_wait3A_453 = tpu.memref_slice %arg4[%multiple_of3A_444] : memref<16777216xf32, #tpu.memory_space<hbm>> -> memref<1024xf32, #tpu.memory_space<hbm>>
          %dma_wait3A_454 = arith.constant 0 : i32
          %dma_wait3A_455 = tpu.memref_slice %arg10[%dma_wait3A_454] : memref<16384xf32, #tpu.memory_space<vmem>> -> memref<1024xf32, #tpu.memory_space<vmem>>
          tpu.wait_dma2 semaphore(%run_scoped3A : memref<!tpu.dma_semaphore, #tpu.memory_space<semaphore_mem>>) src(%dma_wait3A_455 : memref<1024xf32, #tpu.memory_space<vmem>>) dst(%dma_wait3A_453 : memref<1024xf32, #tpu.memory_space<hbm>>)
          tpu.yield
        }) : () -> ()
      } else {
      }
      %and3A_380 = arith.constant -1024 : i32
      %and3A_381 = arith.andi %and3A_340, %and3A_380 : i32
      %and3A_382 = arith.constant 512 : i32
      %and3A_383 = arith.andi %and3A_340, %and3A_382 : i32
      %ne3A_384 = arith.constant 0 : i32
      %ne3A_385 = arith.cmpi ne, %and3A_383, %ne3A_384 : i32
      %convert_element_type3A_386 = arith.extui %ne3A_385 : i1 to i32
      %cond3A_387 = arith.constant 0 : i32
      %cond3A_388 = arith.cmpi ne, %convert_element_type3A_386, %cond3A_387 : i32
      scf.if %cond3A_388 {
        %add3A_443 = arith.addi %add3A_343, %and3A_381 : i32
        %multiple_of3A_444 = tpu.assume_multiple %add3A_443, 8 : i32
        "tpu.region"() ({
          %run_scoped3A = tpu.sem_alloc : memref<!tpu.dma_semaphore, #tpu.memory_space<semaphore_mem>>
          %dma_start3A_445 = arith.constant 0 : i32
          %dma_start3A_446 = tpu.memref_slice %arg10[%dma_start3A_445] : memref<16384xf32, #tpu.memory_space<vmem>> -> memref<512xf32, #tpu.memory_space<vmem>>
          %dma_start3A_447 = tpu.memref_slice %arg4[%multiple_of3A_444] : memref<16777216xf32, #tpu.memory_space<hbm>> -> memref<512xf32, #tpu.memory_space<hbm>>
          %dma_start3A_448 = tpu.memref_slice %arg4[%multiple_of3A_444] : memref<16777216xf32, #tpu.memory_space<hbm>> -> memref<512xf32, #tpu.memory_space<hbm>>
          %dma_start3A_449 = arith.constant 0 : i32
          %dma_start3A_450 = tpu.memref_slice %arg10[%dma_start3A_449] : memref<16384xf32, #tpu.memory_space<vmem>> -> memref<512xf32, #tpu.memory_space<vmem>>
          tpu.enqueue_dma source(%dma_start3A_450 : memref<512xf32, #tpu.memory_space<vmem>>) target(%dma_start3A_448 : memref<512xf32, #tpu.memory_space<hbm>>) target_semaphore(%run_scoped3A : memref<!tpu.dma_semaphore, #tpu.memory_space<semaphore_mem>>)
          %dma_wait3A = arith.constant 0 : i32
          %dma_wait3A_451 = tpu.memref_slice %arg10[%dma_wait3A] : memref<16384xf32, #tpu.memory_space<vmem>> -> memref<512xf32, #tpu.memory_space<vmem>>
          %dma_wait3A_452 = tpu.memref_slice %arg4[%multiple_of3A_444] : memref<16777216xf32, #tpu.memory_space<hbm>> -> memref<512xf32, #tpu.memory_space<hbm>>
          %dma_wait3A_453 = tpu.memref_slice %arg4[%multiple_of3A_444] : memref<16777216xf32, #tpu.memory_space<hbm>> -> memref<512xf32, #tpu.memory_space<hbm>>
          %dma_wait3A_454 = arith.constant 0 : i32
          %dma_wait3A_455 = tpu.memref_slice %arg10[%dma_wait3A_454] : memref<16384xf32, #tpu.memory_space<vmem>> -> memref<512xf32, #tpu.memory_space<vmem>>
          tpu.wait_dma2 semaphore(%run_scoped3A : memref<!tpu.dma_semaphore, #tpu.memory_space<semaphore_mem>>) src(%dma_wait3A_455 : memref<512xf32, #tpu.memory_space<vmem>>) dst(%dma_wait3A_453 : memref<512xf32, #tpu.memory_space<hbm>>)
          tpu.yield
        }) : () -> ()
      } else {
      }
      %and3A_389 = arith.constant -512 : i32
      %and3A_390 = arith.andi %and3A_340, %and3A_389 : i32
      %and3A_391 = arith.constant 256 : i32
      %and3A_392 = arith.andi %and3A_340, %and3A_391 : i32
      %ne3A_393 = arith.constant 0 : i32
      %ne3A_394 = arith.cmpi ne, %and3A_392, %ne3A_393 : i32
      %convert_element_type3A_395 = arith.extui %ne3A_394 : i1 to i32
      %cond3A_396 = arith.constant 0 : i32
      %cond3A_397 = arith.cmpi ne, %convert_element_type3A_395, %cond3A_396 : i32
      scf.if %cond3A_397 {
        %add3A_443 = arith.addi %add3A_343, %and3A_390 : i32
        %multiple_of3A_444 = tpu.assume_multiple %add3A_443, 8 : i32
        "tpu.region"() ({
          %run_scoped3A = tpu.sem_alloc : memref<!tpu.dma_semaphore, #tpu.memory_space<semaphore_mem>>
          %dma_start3A_445 = arith.constant 0 : i32
          %dma_start3A_446 = tpu.memref_slice %arg10[%dma_start3A_445] : memref<16384xf32, #tpu.memory_space<vmem>> -> memref<256xf32, #tpu.memory_space<vmem>>
          %dma_start3A_447 = tpu.memref_slice %arg4[%multiple_of3A_444] : memref<16777216xf32, #tpu.memory_space<hbm>> -> memref<256xf32, #tpu.memory_space<hbm>>
          %dma_start3A_448 = tpu.memref_slice %arg4[%multiple_of3A_444] : memref<16777216xf32, #tpu.memory_space<hbm>> -> memref<256xf32, #tpu.memory_space<hbm>>
          %dma_start3A_449 = arith.constant 0 : i32
          %dma_start3A_450 = tpu.memref_slice %arg10[%dma_start3A_449] : memref<16384xf32, #tpu.memory_space<vmem>> -> memref<256xf32, #tpu.memory_space<vmem>>
          tpu.enqueue_dma source(%dma_start3A_450 : memref<256xf32, #tpu.memory_space<vmem>>) target(%dma_start3A_448 : memref<256xf32, #tpu.memory_space<hbm>>) target_semaphore(%run_scoped3A : memref<!tpu.dma_semaphore, #tpu.memory_space<semaphore_mem>>)
          %dma_wait3A = arith.constant 0 : i32
          %dma_wait3A_451 = tpu.memref_slice %arg10[%dma_wait3A] : memref<16384xf32, #tpu.memory_space<vmem>> -> memref<256xf32, #tpu.memory_space<vmem>>
          %dma_wait3A_452 = tpu.memref_slice %arg4[%multiple_of3A_444] : memref<16777216xf32, #tpu.memory_space<hbm>> -> memref<256xf32, #tpu.memory_space<hbm>>
          %dma_wait3A_453 = tpu.memref_slice %arg4[%multiple_of3A_444] : memref<16777216xf32, #tpu.memory_space<hbm>> -> memref<256xf32, #tpu.memory_space<hbm>>
          %dma_wait3A_454 = arith.constant 0 : i32
          %dma_wait3A_455 = tpu.memref_slice %arg10[%dma_wait3A_454] : memref<16384xf32, #tpu.memory_space<vmem>> -> memref<256xf32, #tpu.memory_space<vmem>>
          tpu.wait_dma2 semaphore(%run_scoped3A : memref<!tpu.dma_semaphore, #tpu.memory_space<semaphore_mem>>) src(%dma_wait3A_455 : memref<256xf32, #tpu.memory_space<vmem>>) dst(%dma_wait3A_453 : memref<256xf32, #tpu.memory_space<hbm>>)
          tpu.yield
        }) : () -> ()
      } else {
      }
      %and3A_398 = arith.constant -256 : i32
      %and3A_399 = arith.andi %and3A_340, %and3A_398 : i32
      %and3A_400 = arith.constant 128 : i32
      %and3A_401 = arith.andi %and3A_340, %and3A_400 : i32
      %ne3A_402 = arith.constant 0 : i32
      %ne3A_403 = arith.cmpi ne, %and3A_401, %ne3A_402 : i32
      %convert_element_type3A_404 = arith.extui %ne3A_403 : i1 to i32
      %cond3A_405 = arith.constant 0 : i32
      %cond3A_406 = arith.cmpi ne, %convert_element_type3A_404, %cond3A_405 : i32
      scf.if %cond3A_406 {
        %add3A_443 = arith.addi %add3A_343, %and3A_399 : i32
        %multiple_of3A_444 = tpu.assume_multiple %add3A_443, 8 : i32
        "tpu.region"() ({
          %run_scoped3A = tpu.sem_alloc : memref<!tpu.dma_semaphore, #tpu.memory_space<semaphore_mem>>
          %dma_start3A_445 = arith.constant 0 : i32
          %dma_start3A_446 = tpu.memref_slice %arg10[%dma_start3A_445] : memref<16384xf32, #tpu.memory_space<vmem>> -> memref<128xf32, #tpu.memory_space<vmem>>
          %dma_start3A_447 = tpu.memref_slice %arg4[%multiple_of3A_444] : memref<16777216xf32, #tpu.memory_space<hbm>> -> memref<128xf32, #tpu.memory_space<hbm>>
          %dma_start3A_448 = tpu.memref_slice %arg4[%multiple_of3A_444] : memref<16777216xf32, #tpu.memory_space<hbm>> -> memref<128xf32, #tpu.memory_space<hbm>>
          %dma_start3A_449 = arith.constant 0 : i32
          %dma_start3A_450 = tpu.memref_slice %arg10[%dma_start3A_449] : memref<16384xf32, #tpu.memory_space<vmem>> -> memref<128xf32, #tpu.memory_space<vmem>>
          tpu.enqueue_dma source(%dma_start3A_450 : memref<128xf32, #tpu.memory_space<vmem>>) target(%dma_start3A_448 : memref<128xf32, #tpu.memory_space<hbm>>) target_semaphore(%run_scoped3A : memref<!tpu.dma_semaphore, #tpu.memory_space<semaphore_mem>>)
          %dma_wait3A = arith.constant 0 : i32
          %dma_wait3A_451 = tpu.memref_slice %arg10[%dma_wait3A] : memref<16384xf32, #tpu.memory_space<vmem>> -> memref<128xf32, #tpu.memory_space<vmem>>
          %dma_wait3A_452 = tpu.memref_slice %arg4[%multiple_of3A_444] : memref<16777216xf32, #tpu.memory_space<hbm>> -> memref<128xf32, #tpu.memory_space<hbm>>
          %dma_wait3A_453 = tpu.memref_slice %arg4[%multiple_of3A_444] : memref<16777216xf32, #tpu.memory_space<hbm>> -> memref<128xf32, #tpu.memory_space<hbm>>
          %dma_wait3A_454 = arith.constant 0 : i32
          %dma_wait3A_455 = tpu.memref_slice %arg10[%dma_wait3A_454] : memref<16384xf32, #tpu.memory_space<vmem>> -> memref<128xf32, #tpu.memory_space<vmem>>
          tpu.wait_dma2 semaphore(%run_scoped3A : memref<!tpu.dma_semaphore, #tpu.memory_space<semaphore_mem>>) src(%dma_wait3A_455 : memref<128xf32, #tpu.memory_space<vmem>>) dst(%dma_wait3A_453 : memref<128xf32, #tpu.memory_space<hbm>>)
          tpu.yield
        }) : () -> ()
      } else {
      }
      %and3A_407 = arith.constant -128 : i32
      %and3A_408 = arith.andi %and3A_340, %and3A_407 : i32
      %and3A_409 = arith.constant 64 : i32
      %and3A_410 = arith.andi %and3A_340, %and3A_409 : i32
      %ne3A_411 = arith.constant 0 : i32
      %ne3A_412 = arith.cmpi ne, %and3A_410, %ne3A_411 : i32
      %convert_element_type3A_413 = arith.extui %ne3A_412 : i1 to i32
      %cond3A_414 = arith.constant 0 : i32
      %cond3A_415 = arith.cmpi ne, %convert_element_type3A_413, %cond3A_414 : i32
      scf.if %cond3A_415 {
        %add3A_443 = arith.addi %add3A_343, %and3A_408 : i32
        %multiple_of3A_444 = tpu.assume_multiple %add3A_443, 8 : i32
        "tpu.region"() ({
          %run_scoped3A = tpu.sem_alloc : memref<!tpu.dma_semaphore, #tpu.memory_space<semaphore_mem>>
          %dma_start3A_445 = arith.constant 0 : i32
          %dma_start3A_446 = tpu.memref_slice %arg10[%dma_start3A_445] : memref<16384xf32, #tpu.memory_space<vmem>> -> memref<64xf32, #tpu.memory_space<vmem>>
          %dma_start3A_447 = tpu.memref_slice %arg4[%multiple_of3A_444] : memref<16777216xf32, #tpu.memory_space<hbm>> -> memref<64xf32, #tpu.memory_space<hbm>>
          %dma_start3A_448 = tpu.memref_slice %arg4[%multiple_of3A_444] : memref<16777216xf32, #tpu.memory_space<hbm>> -> memref<64xf32, #tpu.memory_space<hbm>>
          %dma_start3A_449 = arith.constant 0 : i32
          %dma_start3A_450 = tpu.memref_slice %arg10[%dma_start3A_449] : memref<16384xf32, #tpu.memory_space<vmem>> -> memref<64xf32, #tpu.memory_space<vmem>>
          tpu.enqueue_dma source(%dma_start3A_450 : memref<64xf32, #tpu.memory_space<vmem>>) target(%dma_start3A_448 : memref<64xf32, #tpu.memory_space<hbm>>) target_semaphore(%run_scoped3A : memref<!tpu.dma_semaphore, #tpu.memory_space<semaphore_mem>>)
          %dma_wait3A = arith.constant 0 : i32
          %dma_wait3A_451 = tpu.memref_slice %arg10[%dma_wait3A] : memref<16384xf32, #tpu.memory_space<vmem>> -> memref<64xf32, #tpu.memory_space<vmem>>
          %dma_wait3A_452 = tpu.memref_slice %arg4[%multiple_of3A_444] : memref<16777216xf32, #tpu.memory_space<hbm>> -> memref<64xf32, #tpu.memory_space<hbm>>
          %dma_wait3A_453 = tpu.memref_slice %arg4[%multiple_of3A_444] : memref<16777216xf32, #tpu.memory_space<hbm>> -> memref<64xf32, #tpu.memory_space<hbm>>
          %dma_wait3A_454 = arith.constant 0 : i32
          %dma_wait3A_455 = tpu.memref_slice %arg10[%dma_wait3A_454] : memref<16384xf32, #tpu.memory_space<vmem>> -> memref<64xf32, #tpu.memory_space<vmem>>
          tpu.wait_dma2 semaphore(%run_scoped3A : memref<!tpu.dma_semaphore, #tpu.memory_space<semaphore_mem>>) src(%dma_wait3A_455 : memref<64xf32, #tpu.memory_space<vmem>>) dst(%dma_wait3A_453 : memref<64xf32, #tpu.memory_space<hbm>>)
          tpu.yield
        }) : () -> ()
      } else {
      }
      %and3A_416 = arith.constant -64 : i32
      %and3A_417 = arith.andi %and3A_340, %and3A_416 : i32
      %and3A_418 = arith.constant 32 : i32
      %and3A_419 = arith.andi %and3A_340, %and3A_418 : i32
      %ne3A_420 = arith.constant 0 : i32
      %ne3A_421 = arith.cmpi ne, %and3A_419, %ne3A_420 : i32
      %convert_element_type3A_422 = arith.extui %ne3A_421 : i1 to i32
      %cond3A_423 = arith.constant 0 : i32
      %cond3A_424 = arith.cmpi ne, %convert_element_type3A_422, %cond3A_423 : i32
      scf.if %cond3A_424 {
        %add3A_443 = arith.addi %add3A_343, %and3A_417 : i32
        %multiple_of3A_444 = tpu.assume_multiple %add3A_443, 8 : i32
        "tpu.region"() ({
          %run_scoped3A = tpu.sem_alloc : memref<!tpu.dma_semaphore, #tpu.memory_space<semaphore_mem>>
          %dma_start3A_445 = arith.constant 0 : i32
          %dma_start3A_446 = tpu.memref_slice %arg10[%dma_start3A_445] : memref<16384xf32, #tpu.memory_space<vmem>> -> memref<32xf32, #tpu.memory_space<vmem>>
          %dma_start3A_447 = tpu.memref_slice %arg4[%multiple_of3A_444] : memref<16777216xf32, #tpu.memory_space<hbm>> -> memref<32xf32, #tpu.memory_space<hbm>>
          %dma_start3A_448 = tpu.memref_slice %arg4[%multiple_of3A_444] : memref<16777216xf32, #tpu.memory_space<hbm>> -> memref<32xf32, #tpu.memory_space<hbm>>
          %dma_start3A_449 = arith.constant 0 : i32
          %dma_start3A_450 = tpu.memref_slice %arg10[%dma_start3A_449] : memref<16384xf32, #tpu.memory_space<vmem>> -> memref<32xf32, #tpu.memory_space<vmem>>
          tpu.enqueue_dma source(%dma_start3A_450 : memref<32xf32, #tpu.memory_space<vmem>>) target(%dma_start3A_448 : memref<32xf32, #tpu.memory_space<hbm>>) target_semaphore(%run_scoped3A : memref<!tpu.dma_semaphore, #tpu.memory_space<semaphore_mem>>)
          %dma_wait3A = arith.constant 0 : i32
          %dma_wait3A_451 = tpu.memref_slice %arg10[%dma_wait3A] : memref<16384xf32, #tpu.memory_space<vmem>> -> memref<32xf32, #tpu.memory_space<vmem>>
          %dma_wait3A_452 = tpu.memref_slice %arg4[%multiple_of3A_444] : memref<16777216xf32, #tpu.memory_space<hbm>> -> memref<32xf32, #tpu.memory_space<hbm>>
          %dma_wait3A_453 = tpu.memref_slice %arg4[%multiple_of3A_444] : memref<16777216xf32, #tpu.memory_space<hbm>> -> memref<32xf32, #tpu.memory_space<hbm>>
          %dma_wait3A_454 = arith.constant 0 : i32
          %dma_wait3A_455 = tpu.memref_slice %arg10[%dma_wait3A_454] : memref<16384xf32, #tpu.memory_space<vmem>> -> memref<32xf32, #tpu.memory_space<vmem>>
          tpu.wait_dma2 semaphore(%run_scoped3A : memref<!tpu.dma_semaphore, #tpu.memory_space<semaphore_mem>>) src(%dma_wait3A_455 : memref<32xf32, #tpu.memory_space<vmem>>) dst(%dma_wait3A_453 : memref<32xf32, #tpu.memory_space<hbm>>)
          tpu.yield
        }) : () -> ()
      } else {
      }
      %and3A_425 = arith.constant -32 : i32
      %and3A_426 = arith.andi %and3A_340, %and3A_425 : i32
      %and3A_427 = arith.constant 16 : i32
      %and3A_428 = arith.andi %and3A_340, %and3A_427 : i32
      %ne3A_429 = arith.constant 0 : i32
      %ne3A_430 = arith.cmpi ne, %and3A_428, %ne3A_429 : i32
      %convert_element_type3A_431 = arith.extui %ne3A_430 : i1 to i32
      %cond3A_432 = arith.constant 0 : i32
      %cond3A_433 = arith.cmpi ne, %convert_element_type3A_431, %cond3A_432 : i32
      scf.if %cond3A_433 {
        %add3A_443 = arith.addi %add3A_343, %and3A_426 : i32
        %multiple_of3A_444 = tpu.assume_multiple %add3A_443, 8 : i32
        "tpu.region"() ({
          %run_scoped3A = tpu.sem_alloc : memref<!tpu.dma_semaphore, #tpu.memory_space<semaphore_mem>>
          %dma_start3A_445 = arith.constant 0 : i32
          %dma_start3A_446 = tpu.memref_slice %arg10[%dma_start3A_445] : memref<16384xf32, #tpu.memory_space<vmem>> -> memref<16xf32, #tpu.memory_space<vmem>>
          %dma_start3A_447 = tpu.memref_slice %arg4[%multiple_of3A_444] : memref<16777216xf32, #tpu.memory_space<hbm>> -> memref<16xf32, #tpu.memory_space<hbm>>
          %dma_start3A_448 = tpu.memref_slice %arg4[%multiple_of3A_444] : memref<16777216xf32, #tpu.memory_space<hbm>> -> memref<16xf32, #tpu.memory_space<hbm>>
          %dma_start3A_449 = arith.constant 0 : i32
          %dma_start3A_450 = tpu.memref_slice %arg10[%dma_start3A_449] : memref<16384xf32, #tpu.memory_space<vmem>> -> memref<16xf32, #tpu.memory_space<vmem>>
          tpu.enqueue_dma source(%dma_start3A_450 : memref<16xf32, #tpu.memory_space<vmem>>) target(%dma_start3A_448 : memref<16xf32, #tpu.memory_space<hbm>>) target_semaphore(%run_scoped3A : memref<!tpu.dma_semaphore, #tpu.memory_space<semaphore_mem>>)
          %dma_wait3A = arith.constant 0 : i32
          %dma_wait3A_451 = tpu.memref_slice %arg10[%dma_wait3A] : memref<16384xf32, #tpu.memory_space<vmem>> -> memref<16xf32, #tpu.memory_space<vmem>>
          %dma_wait3A_452 = tpu.memref_slice %arg4[%multiple_of3A_444] : memref<16777216xf32, #tpu.memory_space<hbm>> -> memref<16xf32, #tpu.memory_space<hbm>>
          %dma_wait3A_453 = tpu.memref_slice %arg4[%multiple_of3A_444] : memref<16777216xf32, #tpu.memory_space<hbm>> -> memref<16xf32, #tpu.memory_space<hbm>>
          %dma_wait3A_454 = arith.constant 0 : i32
          %dma_wait3A_455 = tpu.memref_slice %arg10[%dma_wait3A_454] : memref<16384xf32, #tpu.memory_space<vmem>> -> memref<16xf32, #tpu.memory_space<vmem>>
          tpu.wait_dma2 semaphore(%run_scoped3A : memref<!tpu.dma_semaphore, #tpu.memory_space<semaphore_mem>>) src(%dma_wait3A_455 : memref<16xf32, #tpu.memory_space<vmem>>) dst(%dma_wait3A_453 : memref<16xf32, #tpu.memory_space<hbm>>)
          tpu.yield
        }) : () -> ()
      } else {
      }
      %and3A_434 = arith.constant -16 : i32
      %and3A_435 = arith.andi %and3A_340, %and3A_434 : i32
      %and3A_436 = arith.constant 8 : i32
      %and3A_437 = arith.andi %and3A_340, %and3A_436 : i32
      %ne3A_438 = arith.constant 0 : i32
      %ne3A_439 = arith.cmpi ne, %and3A_437, %ne3A_438 : i32
      %convert_element_type3A_440 = arith.extui %ne3A_439 : i1 to i32
      %cond3A_441 = arith.constant 0 : i32
      %cond3A_442 = arith.cmpi ne, %convert_element_type3A_440, %cond3A_441 : i32
      scf.if %cond3A_442 {
        %add3A_443 = arith.addi %add3A_343, %and3A_435 : i32
        %multiple_of3A_444 = tpu.assume_multiple %add3A_443, 8 : i32
        "tpu.region"() ({
          %run_scoped3A = tpu.sem_alloc : memref<!tpu.dma_semaphore, #tpu.memory_space<semaphore_mem>>
          %dma_start3A_445 = arith.constant 0 : i32
          %dma_start3A_446 = tpu.memref_slice %arg10[%dma_start3A_445] : memref<16384xf32, #tpu.memory_space<vmem>> -> memref<8xf32, #tpu.memory_space<vmem>>
          %dma_start3A_447 = tpu.memref_slice %arg4[%multiple_of3A_444] : memref<16777216xf32, #tpu.memory_space<hbm>> -> memref<8xf32, #tpu.memory_space<hbm>>
          %dma_start3A_448 = tpu.memref_slice %arg4[%multiple_of3A_444] : memref<16777216xf32, #tpu.memory_space<hbm>> -> memref<8xf32, #tpu.memory_space<hbm>>
          %dma_start3A_449 = arith.constant 0 : i32
          %dma_start3A_450 = tpu.memref_slice %arg10[%dma_start3A_449] : memref<16384xf32, #tpu.memory_space<vmem>> -> memref<8xf32, #tpu.memory_space<vmem>>
          tpu.enqueue_dma source(%dma_start3A_450 : memref<8xf32, #tpu.memory_space<vmem>>) target(%dma_start3A_448 : memref<8xf32, #tpu.memory_space<hbm>>) target_semaphore(%run_scoped3A : memref<!tpu.dma_semaphore, #tpu.memory_space<semaphore_mem>>)
          %dma_wait3A = arith.constant 0 : i32
          %dma_wait3A_451 = tpu.memref_slice %arg10[%dma_wait3A] : memref<16384xf32, #tpu.memory_space<vmem>> -> memref<8xf32, #tpu.memory_space<vmem>>
          %dma_wait3A_452 = tpu.memref_slice %arg4[%multiple_of3A_444] : memref<16777216xf32, #tpu.memory_space<hbm>> -> memref<8xf32, #tpu.memory_space<hbm>>
          %dma_wait3A_453 = tpu.memref_slice %arg4[%multiple_of3A_444] : memref<16777216xf32, #tpu.memory_space<hbm>> -> memref<8xf32, #tpu.memory_space<hbm>>
          %dma_wait3A_454 = arith.constant 0 : i32
          %dma_wait3A_455 = tpu.memref_slice %arg10[%dma_wait3A_454] : memref<16384xf32, #tpu.memory_space<vmem>> -> memref<8xf32, #tpu.memory_space<vmem>>
          tpu.wait_dma2 semaphore(%run_scoped3A : memref<!tpu.dma_semaphore, #tpu.memory_space<semaphore_mem>>) src(%dma_wait3A_455 : memref<8xf32, #tpu.memory_space<vmem>>) dst(%dma_wait3A_453 : memref<8xf32, #tpu.memory_space<hbm>>)
          tpu.yield
        }) : () -> ()
      } else {
      }
    } else {
    }
    %eq3A = arith.constant 0 : i32
    %eq3A_290 = arith.cmpi eq, %add3A, %eq3A : i32
    %convert_element_type3A_291 = arith.extui %eq3A_290 : i1 to i32
    %cond3A_292 = arith.constant 0 : i32
    %cond3A_293 = arith.cmpi ne, %convert_element_type3A_291, %cond3A_292 : i32
    scf.if %cond3A_293 {
      %broadcast_in_dim3A_294 = vector.broadcast %reduce_sum3A_22 : i32 to vector<16xi32>
      %swap3A = arith.constant 0 : index
      %swap3A_295 = tpu.vector_load %arg16[%swap3A] {strides = array<i32>} : memref<16xi32, #tpu.memory_space<vmem>>, vector<16xi32>,
      tpu.vector_store %arg16[%swap3A], %broadcast_in_dim3A_294 {strides = array<i32>} : memref<16xi32, #tpu.memory_space<vmem>>, vector<16xi32>,
      "tpu.region"() ({
        %run_scoped3A = tpu.sem_alloc : memref<!tpu.dma_semaphore, #tpu.memory_space<semaphore_mem>>
        %dma_start3A_296 = arith.constant 0 : i32
        %dma_start3A_297 = tpu.memref_slice %arg16[%dma_start3A_296] : memref<16xi32, #tpu.memory_space<vmem>> -> memref<8xi32, #tpu.memory_space<vmem>>
        %dma_start3A_298 = arith.constant 0 : i32
        %dma_start3A_299 = tpu.memref_slice %arg16[%dma_start3A_298] : memref<16xi32, #tpu.memory_space<vmem>> -> memref<8xi32, #tpu.memory_space<vmem>>
        tpu.enqueue_dma source(%dma_start3A_299 : memref<8xi32, #tpu.memory_space<vmem>>) target(%arg5 : memref<8xi32, #tpu.memory_space<hbm>>) target_semaphore(%run_scoped3A : memref<!tpu.dma_semaphore, #tpu.memory_space<semaphore_mem>>)
        %dma_wait3A = arith.constant 0 : i32
        %dma_wait3A_300 = tpu.memref_slice %arg16[%dma_wait3A] : memref<16xi32, #tpu.memory_space<vmem>> -> memref<8xi32, #tpu.memory_space<vmem>>
        %dma_wait3A_301 = arith.constant 0 : i32
        %dma_wait3A_302 = tpu.memref_slice %arg16[%dma_wait3A_301] : memref<16xi32, #tpu.memory_space<vmem>> -> memref<8xi32, #tpu.memory_space<vmem>>
        tpu.wait_dma2 semaphore(%run_scoped3A : memref<!tpu.dma_semaphore, #tpu.memory_space<semaphore_mem>>) src(%dma_wait3A_302 : memref<8xi32, #tpu.memory_space<vmem>>) dst(%arg5 : memref<8xi32, #tpu.memory_space<hbm>>)
        tpu.yield
      }) : () -> ()
    } else {
    }
    return
  }
}

</mosaic_0001>

<sc_bundles>
// kernel: kernel.4.cloned.1.call-start
scs
__scs_entry_jumppad:
0x0: {  	(pc) =	sbr.rel $0x88, $3  }
0x1: {  	(tag) =	ssettag $0x0;
	lr =	simm.s32 $0x1  }
0x2: {  	[smem:$0x3FA0] =	sst lr;
	_ =	strace $0xD0000000  }
0x3: {  	_ = 	snop  }
0x4: {  	_ = 	snop  }
0x5: {  	_ = 	snop  }
0x6: {  	_ = 	snop  }
0x7: {  	_ = 	snop  }
__scs_overlays_trampoline_lowered:
0x8: {  	[smem:$0x3FAF] =	sst s0  }
0x9: {  	[smem:$0x3FB0] =	sst s1  }
0xa: {  	[smem:$0x3FB1] =	sst s2  }
0xb: {  	[smem:$0x3FB2] =	sst s3  }
0xc: {  	[smem:$0x3FB3] =	sst s4  }
0xd: {  	[smem:$0x3FB4] =	sst s5  }
0xe: {  	[smem:$0x3FB5] =	sst s6  }
0xf: {  	[smem:$0x3FB6] =	sst s7  }
0x10: {  	[smem:$0x3FB7] =	sst s8  }
0x11: {  	[smem:$0x3FB8] =	sst s9;
	s0 =	simm.s32 @!p0 $0x0  }
0x12: {  	s1 =	sld [smem:$0x3F9E];
	s0 =	simm.s32 @p0 $0x1  }
0x13: {  	[smem:$0x3FB9] =	sst s0;
	s0 =	simm.s32 @!p1 $0x0  }
0x14: {  	s2 =	sld [smem:$0x3F9D];
	s0 =	simm.s32 @p1 $0x1  }
0x15: {  	[smem:$0x3FBA] =	sst s0;
	s0 =	simm.s32 @!p2 $0x0  }
0x16: {  	s3 =	sld [smem:$0x3FDB];
	s0 =	simm.s32 @p2 $0x1  }
0x17: {  	s4 =	simm.s32 $0x1BF5;
	[smem:$0x3FBC] =	sst s0  }
0x18: {  	s0 =	sld [smem:$0x3F9F];
	_ =	swait.ge [sflag:s4], $0x0  }
0x19: {  	s7 =	sld [smem:$0x3FA0]  }
0x1a: {  	s8 =	sadd.s32 $0xFFFFE003, lr  }
0x1b: {  	s9 =	sadd.s32 $0xFFFFFEF7, lr;
	s5 =	simm.s32 $0xFFFFFFFF;
	p2 =	slt.u32 s8, $0xFFFFF086  }
0x1c: {  	p1 =	slt.u32 s9, $0xF7A;
	s5 =	simm.s32 @!p2 $0x0  }
0x1d: {  	s5 =	simm.s32 @p1 $0x1;
	p0 =	seq.s32 s7, s2  }
0x1e: {  	s7 =	smul.u32 @!p0 $0xF7A, s2;
	p2 =	seq.s32 @!p0 s5, $0x0  }
0x1f: {  	s9 =	smul.u32 $0xF7A, s1;
	s8 =	simm.s32 @!p0 $0x1BF5;
	p2 =	por !p2, p0  }
0x20: {  	[sflag:s8] =	ssyncset.s32 @!p0 $0xFFFFF086;
	s6 =	sadd.s32 @!p0 s3, s7;
	s7 =	simm.s32 @!p0 $0x108  }
0x21: {  	s3 =	sadd.s32 s3, s9;
	s6 =	sadd.s32 @!p0 $0x88, s6;
	s7 =	simm.s32 @p2 $0x1082  }
0x22: {  	[simem:s7], [sflag:s8] =	dma.local @!p0 [hbm:s6], $0xF7A  }
0x23: {  	s9 =	sor.u32 $0xD0000000, s2;
	s6 =	simm.s32 $0x108;
	_ =	swait.ge @!p0 [sflag:s8], $0x0  }
0x24: {  	s3 =	sadd.s32 $0x88, s3;
	s6 =	simm.s32 @!p1 $0x1082;
	[sflag:s4] =	ssyncset.s32 $0xFFFFF086  }
0x25: {  	[simem:s6], [sflag:s4] =	dma.local [hbm:s3], $0xF7A  }
0x26: {  	[smem:$0x3FA0] =	sst s1;
	(tag) =	ssettag s2;
	_ =	strace s9  }
0x27: {  	s1 =	sld [smem:$0x3FB0]  }
0x28: {  	s2 =	sld [smem:$0x3FB1]  }
0x29: {  	s4 =	sld [smem:$0x3FB3]  }
0x2a: {  	p0 =	seq.s32 s5, $0x0;
	s5 =	sld [smem:$0x3FB4]  }
0x2b: {  	s6 =	sld [smem:$0x3FB5]  }
0x2c: {  	s7 =	sld [smem:$0x3FB6]  }
0x2d: {  	s3 =	simm.s32 $0x108;
	s8 =	sld [smem:$0x3FB7]  }
0x2e: {  	s3 =	simm.s32 @!p0 $0x1082;
	s9 =	sld [smem:$0x3FB8]  }
0x2f: {  	lr =	sadd.s32 s0, s3;
	s0 =	sld [smem:$0x3FAF]  }
0x30: {  	s3 =	sld [smem:$0x3FB2]  }
0x31: {  	[smem:$0x3FBB] =	sst s10  }
0x32: {  	s10 =	sld [smem:$0x3FB9];
	_ =	sdelay $0x3  }
0x33: {  	p0 =	seq.s32 s10, $0x1;
	s10 =	sld [smem:$0x3FBB];
	_ =	sdelay $0x3  }
0x34: {  	[smem:$0x3FBB] =	sst s10  }
0x35: {  	s10 =	sld [smem:$0x3FBA];
	_ =	sdelay $0x3  }
0x36: {  	p1 =	seq.s32 s10, $0x1;
	s10 =	sld [smem:$0x3FBB];
	_ =	sdelay $0x3  }
0x37: {  	[smem:$0x3FBB] =	sst s10  }
0x38: {  	s10 =	sld [smem:$0x3FBC]  }
0x39: {  	_ = 	snop;
	(pc) =	sbr.ind lr, $3  }
0x3a: {  	_ = 	snop  }
0x3b: {  	_ = 	snop  }
0x3c: {  	p2 =	seq.s32 s10, $0x1;
	s10 =	sld [smem:$0x3FBB]  }
0x3d: {  	_ =	shalt  }
0x3e: {  	_ =	shalt  }
0x3f: {  	_ =	shalt  }
0x40: {  	_ =	shalt  }
0x41: {  	_ =	shalt  }
0x42: {  	_ =	shalt  }
0x43: {  	_ =	shalt  }
0x44: {  	_ =	shalt  }
0x45: {  	_ =	shalt  }
0x46: {  	_ =	shalt  }
0x47: {  	_ =	shalt  }
0x48: {  	_ =	shalt  }
0x49: {  	_ =	shalt  }
0x4a: {  	_ =	shalt  }
0x4b: {  	_ =	shalt  }
0x4c: {  	_ =	shalt  }
0x4d: {  	_ =	shalt  }
0x4e: {  	_ =	shalt  }
0x4f: {  	_ =	shalt  }
0x50: {  	_ =	shalt  }
0x51: {  	_ =	shalt  }
0x52: {  	_ =	shalt  }
0x53: {  	_ =	shalt  }
0x54: {  	_ =	shalt  }
0x55: {  	_ =	shalt  }
0x56: {  	_ =	shalt  }
0x57: {  	_ =	shalt  }
0x58: {  	_ =	shalt  }
0x59: {  	_ =	shalt  }
0x5a: {  	_ =	shalt  }
0x5b: {  	_ =	shalt  }
0x5c: {  	_ =	shalt  }
0x5d: {  	_ =	shalt  }
0x5e: {  	_ =	shalt  }
0x5f: {  	_ =	shalt  }
0x60: {  	_ =	shalt  }
0x61: {  	_ =	shalt  }
0x62: {  	_ =	shalt  }
0x63: {  	_ =	shalt  }
0x64: {  	_ =	shalt  }
0x65: {  	_ =	shalt  }
0x66: {  	_ =	shalt  }
0x67: {  	_ =	shalt  }
0x68: {  	_ =	shalt  }
0x69: {  	_ =	shalt  }
0x6a: {  	_ =	shalt  }
0x6b: {  	_ =	shalt  }
0x6c: {  	_ =	shalt  }
0x6d: {  	_ =	shalt  }
0x6e: {  	_ =	shalt  }
0x6f: {  	_ =	shalt  }
0x70: {  	_ =	shalt  }
0x71: {  	_ =	shalt  }
0x72: {  	_ =	shalt  }
0x73: {  	_ =	shalt  }
0x74: {  	_ =	shalt  }
0x75: {  	_ =	shalt  }
0x76: {  	_ =	shalt  }
0x77: {  	_ =	shalt  }
0x78: {  	_ =	shalt  }
0x79: {  	_ =	shalt  }
0x7a: {  	_ =	shalt  }
0x7b: {  	_ =	shalt  }
0x7c: {  	_ =	shalt  }
0x7d: {  	_ =	shalt  }
0x7e: {  	_ =	shalt  }
0x7f: {  	_ =	shalt  }
0x80: {  	_ =	shalt  }
0x81: {  	_ =	shalt  }
0x82: {  	_ =	shalt  }
0x83: {  	_ =	shalt  }
0x84: {  	_ =	shalt  }
0x85: {  	_ =	shalt  }
0x86: {  	_ =	shalt  }
0x87: {  	_ =	shalt  }
.Lfunc_end0:
.L_simem_size_0:
called_computation_lowered:
.L_overlay_start_0:
0x88: {  	s2 =	sld [smem:$0x3FD9]  }
0x89: {  	s3 =	sld [smem:$0x3FFE];
	_ =	sdelay $0x1  }
0x8a: {  	s1 =	srdreg.scid  }
0x8b: {  	s0 =	sand.u32 $0x1, s1  }
0x8c: {  	s17 =	sshll.u32 s0, $0xA;
	s2 =	sadd.s32 s3, s2  }
0x8d: {  	s2 =	sadd.s32 s2, s17  }
0x8e: {  	[smem:$0x3FC7] =	sst s2  }
0x8f: {  	_ = 	snop  }
0x90: {  	s2 =	sld [smem:$0x3FC9];
	(tm) =	ssettm $0x1  }
0x91: {  	s18 =	sld [smem:$0x3FFB];
	_ =	sdelay $0x3  }
0x92: {  	_ =	strace s18  }
0x93: {  	s3 =	sld [smem:$0x3FFC];
	_ =	sdelay $0x3  }
0x94: {  	_ =	strace s3  }
0x95: {  	s3 =	sld [smem:$0x3FFD];
	_ =	sdelay $0x3  }
0x96: {  	_ =	strace s3  }
0x97: {  	_ =	strace $0x8FFFFFFF  }
0x98: {  	s19 =	sld [smem:$0x3FDB];
	_ =	sdelay $0x1  }
0x99: {  	s4 =	simm.s32 $_scs_section_size  }
0x9a: {  	s5 =	simm.s32 $_size__tile_overlayer_lowered;
	s6 =	simm.s32 $_tile_overlayer_lowered  }
0x9b: {  	s22 =	simm.s32 $0x1BFF;
	s21 =	sshll.u32 s6, $0x1;
	s3 =	sadd.s32 s4, s19  }
0x9c: {  	s7 =	simm.s32 $0x0;
	s20 =	sshll.u32 s5, $0x1;
	s5 =	sadd.s32 s21, s3  }
0x9d: {  	[timem:s7], [sflag:s22] =	dma.local [hbm:s5], s20  }
0x9e: {  	_ =	swait.ge [sflag:s22], s20  }
0x9f: {  	s4 =	ssub.s32 $0x0, s20;
	[sflag:s22] =	ssyncset.done $0x0  }
0xa0: {  	[sflag:s22] =	ssyncadd.s32 s4;
	_ =	sdelay $0x1  }
0xa1: {  	s23 =	simm.s32 $0x1B8B  }
0xa2: {  	_ =	swait.ge [sflag:s23], $0x1  }
0xa3: {  	[sflag:s23] =	ssyncset.done $0x0  }
0xa4: {  	s25 =	simm.s32 $0x1B8E;
	s24 =	sld [smem:$0x3FFE];
	[sflag:s23] =	ssyncadd.s32 $0xFFFFFFFF  }
0xa5: {  	s26 =	simm.s32 $execute0_lowered;
	[smem:$0x3FD2] =	sst s25  }
0xa6: {  	s5 =	sshll.u32 s26, $0x1;
	_ =	strace $0x80000046;
	[dreg:$0x1] =	wrdreg $0xFFFFFFFF  }
0xa7: {  	s28 =	simm.s32 $_size_execute0_lowered;
	s3 =	sadd.s32 s3, s5;
	[dreg:$0x0] =	wrdreg $0x0  }
0xa8: {  	s5 =	sshll.u32 s28, $0x1;
	[dreg:$0x2] =	wrdreg s3  }
0xa9: {  	[dreg:$0x3] =	wrdreg s5  }
0xaa: {  	[dreg:$0x4] =	wrdreg $0xC0  }
0xab: {  	_ =	task [dreg:s7], $0x5FFFF  }
0xac: {  	[dreg:$0x1] =	wrdreg $0xFFFFFFFF  }
0xad: {  	[dreg:$0x0] =	wrdreg $0x60  }
0xae: {  	[dreg:$0x2] =	wrdreg s2  }
0xaf: {  	[dreg:$0x3] =	wrdreg s24  }
0xb0: {  	[dreg:$0x4] =	wrdreg $0x9  }
0xb1: {  	_ =	task.clear_ibuf [dreg:s7], $0x5FFFF;
	_ =	strace $0x90000046  }
0xb2: {  	s29 =	simm.s32 $0x9;
	_ =	strace $0x80000048  }
0xb3: {  	_ =	swait.ge [sflag:s29], $0x1  }
0xb4: {  	[sflag:s29] =	ssyncadd.s32 $0xFFFFFFFF  }
0xb5: {  	_ =	strace $0x90000048  }
0xb6: {  	_ =	sfence  }
0xb7: {  	s30 =	sld [smem:$0x0];
	_ =	sdelay $0x2  }
0xb8: {  	s31 =	sshll.u32 s1, $0xD;
	s1 =	sshrl.u32 s1, $0x2  }
0xb9: {  	s3 =	sand.u32 $0x4000, s31;
	s1 =	sadd.s32 s1, s30  }
0xba: {  	s0 =	sor.u32 s3, s0;
	s1 =	sshll.u32 s1, $0x11  }
0xbb: {  	s0 =	sor.u32 s1, s0  }
0xbc: {  	s0 =	sadd.s32 $0x8F2B, s0  }
0xbd: {  	[sflag:s0] =	ssyncadd.remote.s32 $0x1  }
0xbe: {  	_ =	sfence.sel $0xFFFF  }
0xbf: {  	[dreg:$0x0] =	wrdreg $0xFFFFFFFF;
	(pc) =	sbr.abs _section_cstart, $3  }
0xc0: {  	[dreg:$0x1] =	wrdreg $0xFFFFFFFF  }
0xc1: {  	_ =	task.clear_ibuf [dreg:s7], $0x2FFFF;
	_ =	strace $0x9FFFFFFF  }
0xc2: {  	(tm) =	ssettm $0x7FFFFFFF  }
0xc3: {  	_ =	shalt  }
tec
execute0_lowered:
.L_overlay_start_1:
0x0: {  	(tag) =	ssettag $0x1  }
0x1: {  	s1 =	rddreg [dreg:$0x0]  }
0x2: {  	s4 =	rddreg [dreg:$0x1]  }
0x3: {  	s0 =	rddreg [dreg:$0x2];
	s3 =	simm.s32 $0x0  }
0x4: {  	s5 =	srdreg.scid;
	s2 =	stileid.u32;
	s11 =	simm.s32 $0x1  }
0x5: {  	s12 =	simm.s32 $0x2;
	s13 =	simm.s32 $0x10000;
	s14 =	simm.s32 $0x3  }
0x6: {  	s15 =	simm.s32 $0x0;
	s20 =	simm.s32 $0x0;
	[smem:$0x7FF] =	sst s3  }
0x7: {  	s5 =	sand.u32 $0x1, s5;
	s6 =	sshll.u32 s2, $0x1;
	_ =	strace $0x80000047  }
.Ltmp0:
0x8: {  	s6 =	sor.u32 s5, s6;
	s5 =	ssub.s32 $0x2, s5;
	(pc) =	sbr.rel .LBB2_1-.Ltmp0, $4  }
0x9: {  	s8 =	sadd.s32 s6, s4;
	s31 =	sshll.u32 s6, $0x10;
	s7 =	sshrl.u32 s5, $0x1  }
0xa: {  	s9 =	sshll.u32 s6, $0x13;
	s4 =	sadd.s32 s1, s31;
	s10 =	ssub.s32 s5, s7  }
0xb: {  	s6 =	sor.u32 $0x10000, s9;
	s7 =	sor.u32 $0x18000, s9;
	s8 =	sadd.s32 $0xC00, s8  }
0xc: {  	v0 =	vimm.s32 $0x0;
	s5 =	sadd.s32 $0x1000, s4;
	s9 =	smax.u32 s10, $0x1;
	s10 =	simm.s32 $0x8000  }
.LBB2_8:
0xd: {  	(xrf0) =	vadd.scan.msk.s32 $0xffff, v3;
	_ =	sdelay $0x5  }
0xe: {  	v1, _, _ =	vpop (xrf0)  }
0xf: {  	s15 =	sadd.s32 $0x1, s15;
	v1 =	vbroadcast v1, $0xF  }
0x10: {  	p0 =	sne.s32 s15, s9  }
.Ltmp1:
0x11: {  	[tilespmem:$0x10000] =	vst v1;
	(pc) =	sbr.rel @!p0 .LBB2_9-.Ltmp1, $4  }
0x12: {  	[hbm4b:s8+s3] =	stream.linear.scatter [tilespmem:s13], [sflag:$0x3], $0x8, $0x38;
	[tilespmem:$0x10080] =	vst v63  }
0x13: {  	_ =	swait.ge [sflag:s14], $0x8  }
0x14: {  	[sflag:s14] =	ssyncset.done $0x0  }
0x15: {  	[sflag:s14] =	ssyncadd.s32 $0xFFFFFFF8  }
.LBB2_1:
0x16: {  	[tilespmem:s3], [sflag:$0x1] =	stream.linear.gather [hbm4b:s4+s3], $0x8000, $0x38;
	[tilespmem:$0x10080] =	vst v63  }
0x17: {  	s16 =	simm.s32 $0x0  }
0x18: {  	v3 =	vimm.s32 $0x0;
	[tilespmem:s10], [sflag:$0x2] =	stream.linear.gather [hbm4b:s5+s3], $0x8000, $0x38;
	[tilespmem:$0x10080] =	vst v63  }
.LBB2_2:
0x19: {  	_ =	swait.ge [sflag:s11], $0x8000  }
0x1a: {  	[sflag:s11] =	ssyncset.done $0x0  }
0x1b: {  	s19 =	simm.s32 $0x0;
	[sflag:s11] =	ssyncadd.s32 $0xFFFF8000  }
0x1c: {  	v1 =	vld [tilespmem:s19+$0x0]  }
0x1d: {  	v6 =	vld [tilespmem:s19+$0x10]  }
0x1e: {  	v8 =	vld [tilespmem:s19+$0x20]  }
0x1f: {  	v5 =	vld [tilespmem:s19+$0x30]  }
0x20: {  	v4 =	vld [tilespmem:s19+$0x40]  }
0x21: {  	v2 =	vld [tilespmem:s19+$0x50];
	vm0 =	vge.f32 v1, $5.000000000e-01  }
0x22: {  	v1 =	vld [tilespmem:s19+$0x60];
	v7 =	vsel vm0, $0x1, v0;
	vm0 =	vge.f32 v6, $5.000000000e-01  }
0x23: {  	s18 =	simm.s32 $0x80;
	s17 =	simm.s32 $0x400;
	v6 =	vadd.s32 v7, v3;
	v7 =	vsel vm0, $0x1, v0;
	vm0 =	vge.f32 v8, $5.000000000e-01;
	v3 =	vld [tilespmem:s19+$0x70]  }
.LBB2_3:
0x24: {  	p0 =	sne.s32 s17, $0x1FE00;
	v8 =	vld [tilespmem:s18+$0x0];
	v6 =	vadd.s32 v7, v6;
	v7 =	vsel vm0, $0x1, v0;
	vm0 =	vge.f32 v5, $5.000000000e-01  }
0x25: {  	v9 =	vld [tilespmem:s18+$0x10];
	v5 =	vadd.s32 v7, v6;
	v6 =	vsel vm0, $0x1, v0;
	vm0 =	vge.f32 v4, $5.000000000e-01  }
0x26: {  	v10 =	vld [tilespmem:s18+$0x20];
	v4 =	vadd.s32 v6, v5;
	v6 =	vsel vm0, $0x1, v0;
	vm0 =	vge.f32 v2, $5.000000000e-01  }
.Ltmp2:
0x27: {  	v5 =	vld [tilespmem:s18+$0x30];
	v2 =	vadd.s32 v6, v4;
	v6 =	vsel vm0, $0x1, v0;
	vm0 =	vge.f32 v1, $5.000000000e-01;
	(pc) =	sbr.rel @p0 .LBB2_3-.Ltmp2, $4  }
0x28: {  	v4 =	vld [tilespmem:s18+$0x40];
	v1 =	vadd.s32 v6, v2;
	v6 =	vsel vm0, $0x1, v0;
	vm0 =	vge.f32 v3, $5.000000000e-01  }
0x29: {  	vm1 =	vge.f32 v8, $5.000000000e-01;
	v2 =	vld [tilespmem:s18+$0x50];
	v3 =	vadd.s32 v6, v1;
	v6 =	vsel vm0, $0x1, v0  }
0x2a: {  	v7 =	vsel vm1, $0x1, v0;
	vm0 =	vge.f32 v9, $5.000000000e-01;
	v1 =	vld [tilespmem:s18+$0x60];
	v3 =	vadd.s32 v6, v3  }
0x2b: {  	v6 =	vadd.s32 v7, v3;
	v7 =	vsel vm0, $0x1, v0;
	vm0 =	vge.f32 v10, $5.000000000e-01;
	v3 =	vld [tilespmem:s18+$0x70];
	s18 =	sshra.s32 s17, $0x2;
	s17 =	sadd.s32 $0x200, s17  }
0x2c: {  	v8 =	vld [tilespmem:s18+$0x0]  }
0x2d: {  	v9 =	vld [tilespmem:s18+$0x10]  }
0x2e: {  	v10 =	vld [tilespmem:s18+$0x20]  }
0x2f: {  	v11 =	vld [tilespmem:s18+$0x30]  }
0x30: {  	v6 =	vadd.s32 v7, v6;
	v7 =	vsel vm0, $0x1, v0;
	vm0 =	vge.f32 v5, $5.000000000e-01;
	v5 =	vld [tilespmem:s18+$0x40];
	s17 =	sshll.u32 s16, $0x10;
	p0 =	seq.s32 s16, $0x7  }
0x31: {  	v12 =	vld [tilespmem:s18+$0x70];
	v6 =	vadd.s32 v7, v6;
	v7 =	vsel vm0, $0x1, v0;
	vm0 =	vge.f32 v4, $5.000000000e-01;
	s19 =	sadd.s32 @!p0 s17, s6  }
0x32: {  	v4 =	vld [tilespmem:s18+$0x50];
	v6 =	vadd.s32 v7, v6;
	v7 =	vsel vm0, $0x1, v0;
	vm0 =	vge.f32 v2, $5.000000000e-01;
	s19 =	sshrl.u32 @!p0 s19, $0x3  }
0x33: {  	v2 =	vld [tilespmem:s18+$0x60];
	v6 =	vadd.s32 v7, v6;
	v7 =	vsel vm0, $0x1, v0;
	vm0 =	vge.f32 v1, $5.000000000e-01;
	s18 =	sadd.s32 @!p0 s1, s19;
	s19 =	simm.s32 @!p0 $0x0  }
0x34: {  	v1 =	vadd.s32 v7, v6;
	vm1 =	vge.f32 v3, $5.000000000e-01;
	v3 =	vsel vm0, $0x1, v0;
	[tilespmem:s19], [sflag:$0x1] =	stream.linear.gather @!p0 [hbm4b:s18+s19], $0x8000, $0x38;
	[tilespmem:$0x10080] =	vst v63  }
0x35: {  	v1 =	vadd.s32 v3, v1;
	vm0 =	vge.f32 v8, $5.000000000e-01;
	v3 =	vsel vm1, $0x1, v0;
	_ =	swait.ge [sflag:s12], $0x8000  }
0x36: {  	vm1 =	vge.f32 v9, $5.000000000e-01;
	v1 =	vadd.s32 v3, v1;
	v3 =	vsel vm0, $0x1, v0;
	[sflag:s12] =	ssyncset.done $0x0  }
0x37: {  	vm0 =	vge.f32 v10, $5.000000000e-01;
	v1 =	vadd.s32 v3, v1;
	v3 =	vsel vm1, $0x1, v0;
	[sflag:s12] =	ssyncadd.s32 $0xFFFF8000  }
0x38: {  	v1 =	vadd.s32 v3, v1;
	v3 =	vsel vm0, $0x1, v0;
	vm0 =	vge.f32 v11, $5.000000000e-01;
	v6 =	vld [tilespmem:s20+$0x8000]  }
0x39: {  	v1 =	vadd.s32 v3, v1;
	v3 =	vsel vm0, $0x1, v0;
	vm0 =	vge.f32 v5, $5.000000000e-01;
	v5 =	vld [tilespmem:s20+$0x8010]  }
0x3a: {  	v8 =	vld [tilespmem:s20+$0x8020];
	v1 =	vadd.s32 v3, v1;
	v3 =	vsel vm0, $0x1, v0;
	vm0 =	vge.f32 v4, $5.000000000e-01  }
0x3b: {  	v3 =	vadd.s32 v3, v1;
	v4 =	vsel vm0, $0x1, v0;
	vm0 =	vge.f32 v2, $5.000000000e-01;
	v1 =	vld [tilespmem:s20+$0x8030]  }
0x3c: {  	v2 =	vld [tilespmem:s20+$0x8040];
	v3 =	vadd.s32 v4, v3;
	v4 =	vsel vm0, $0x1, v0;
	vm0 =	vge.f32 v12, $5.000000000e-01  }
0x3d: {  	v4 =	vadd.s32 v4, v3;
	v7 =	vsel vm0, $0x1, v0;
	vm0 =	vge.f32 v6, $5.000000000e-01;
	v3 =	vld [tilespmem:s20+$0x8050]  }
0x3e: {  	v6 =	vadd.s32 v7, v4;
	v7 =	vsel vm0, $0x1, v0;
	vm0 =	vge.f32 v5, $5.000000000e-01;
	v4 =	vld [tilespmem:s20+$0x8060]  }
0x3f: {  	s18 =	simm.s32 $0x80;
	s19 =	simm.s32 $0x400;
	v5 =	vld [tilespmem:s20+$0x8070];
	v6 =	vadd.s32 v7, v6;
	v7 =	vsel vm0, $0x1, v0;
	vm0 =	vge.f32 v8, $5.000000000e-01  }
.LBB2_5:
0x40: {  	p1 =	sne.s32 s19, $0x1FE00;
	v8 =	vld [tilespmem:s18+$0x8000];
	v6 =	vadd.s32 v7, v6;
	v7 =	vsel vm0, $0x1, v0;
	vm0 =	vge.f32 v1, $5.000000000e-01  }
0x41: {  	v9 =	vld [tilespmem:s18+$0x8010];
	v1 =	vadd.s32 v7, v6;
	v6 =	vsel vm0, $0x1, v0;
	vm0 =	vge.f32 v2, $5.000000000e-01  }
0x42: {  	v10 =	vld [tilespmem:s18+$0x8020];
	v2 =	vadd.s32 v6, v1;
	v6 =	vsel vm0, $0x1, v0;
	vm0 =	vge.f32 v3, $5.000000000e-01  }
.Ltmp3:
0x43: {  	v1 =	vld [tilespmem:s18+$0x8030];
	v3 =	vadd.s32 v6, v2;
	v6 =	vsel vm0, $0x1, v0;
	vm0 =	vge.f32 v4, $5.000000000e-01;
	(pc) =	sbr.rel @p1 .LBB2_5-.Ltmp3, $4  }
0x44: {  	v2 =	vld [tilespmem:s18+$0x8040];
	v4 =	vadd.s32 v6, v3;
	v6 =	vsel vm0, $0x1, v0;
	vm0 =	vge.f32 v5, $5.000000000e-01  }
0x45: {  	vm1 =	vge.f32 v8, $5.000000000e-01;
	v3 =	vld [tilespmem:s18+$0x8050];
	v5 =	vadd.s32 v6, v4;
	v6 =	vsel vm0, $0x1, v0  }
0x46: {  	v7 =	vsel vm1, $0x1, v0;
	vm0 =	vge.f32 v9, $5.000000000e-01;
	v4 =	vld [tilespmem:s18+$0x8060];
	v5 =	vadd.s32 v6, v5  }
0x47: {  	v6 =	vadd.s32 v7, v5;
	v7 =	vsel vm0, $0x1, v0;
	vm0 =	vge.f32 v10, $5.000000000e-01;
	v5 =	vld [tilespmem:s18+$0x8070];
	s18 =	sshra.s32 s19, $0x2;
	s19 =	sadd.s32 $0x200, s19  }
0x48: {  	v8 =	vld [tilespmem:s18+$0x8000];
	v6 =	vadd.s32 v7, v6;
	v55 =	vsel vm0, $0x1, v0;
	vm4 =	vge.f32 v1, $5.000000000e-01  }
0x49: {  	v1 =	vld [tilespmem:s18+$0x8010];
	v6 =	vadd.s32 v55, v6;
	v56 =	vsel vm4, $0x1, v0;
	vm5 =	vge.f32 v2, $5.000000000e-01  }
0x4a: {  	v2 =	vld [tilespmem:s18+$0x8020];
	v6 =	vadd.s32 v56, v6;
	v57 =	vsel vm5, $0x1, v0;
	vm6 =	vge.f32 v3, $5.000000000e-01  }
0x4b: {  	v3 =	vld [tilespmem:s18+$0x8030];
	v6 =	vadd.s32 v57, v6;
	v58 =	vsel vm6, $0x1, v0;
	vm7 =	vge.f32 v4, $5.000000000e-01  }
0x4c: {  	v4 =	vld [tilespmem:s18+$0x8040];
	v6 =	vadd.s32 v58, v6;
	v59 =	vsel vm7, $0x1, v0;
	vm8 =	vge.f32 v5, $5.000000000e-01  }
0x4d: {  	v5 =	vld [tilespmem:s18+$0x8050];
	vm1 =	vge.f32 v8, $5.000000000e-01;
	v6 =	vadd.s32 v59, v6;
	v60 =	vsel vm8, $0x1, v0  }
0x4e: {  	vm9 =	vge.f32 v1, $5.000000000e-01;
	v1 =	vld [tilespmem:s18+$0x8060];
	v8 =	vsel vm1, $0x1, v0;
	v6 =	vadd.s32 v60, v6  }
0x4f: {  	v61 =	vsel vm9, $0x1, v0;
	vm10 =	vge.f32 v2, $5.000000000e-01;
	v2 =	vld [tilespmem:s18+$0x8070];
	v6 =	vadd.s32 v8, v6  }
0x50: {  	v62 =	vsel vm10, $0x1, v0;
	vm11 =	vge.f32 v3, $5.000000000e-01;
	v6 =	vadd.s32 v61, v6  }
0x51: {  	v63 =	vsel vm11, $0x1, v0;
	vm12 =	vge.f32 v4, $5.000000000e-01;
	v3 =	vadd.s32 v62, v6  }
.Ltmp4:
0x52: {  	v4 =	vsel vm12, $0x1, v0;
	vm13 =	vge.f32 v5, $5.000000000e-01;
	v3 =	vadd.s32 v63, v3;
	(pc) =	sbr.rel @p0 .LBB2_8-.Ltmp4, $4  }
0x53: {  	vm14 =	vge.f32 v1, $5.000000000e-01;
	v3 =	vadd.s32 v4, v3;
	v4 =	vsel vm13, $0x1, v0  }
0x54: {  	vm15 =	vge.f32 v2, $5.000000000e-01;
	v1 =	vadd.s32 v4, v3;
	v3 =	vsel vm14, $0x1, v0  }
0x55: {  	v2 =	vsel vm15, $0x1, v0;
	v1 =	vadd.s32 v3, v1  }
0x56: {  	v3 =	vadd.s32 v2, v1  }
.Ltmp5:
0x57: {  	(pc) =	sbr.rel .LBB2_2-.Ltmp5, $4  }
0x58: {  	s17 =	sadd.s32 s17, s7  }
0x59: {  	s17 =	sshrl.u32 s17, $0x3  }
0x5a: {  	s16 =	sadd.s32 $0x1, s16;
	s17 =	sadd.s32 s1, s17  }
0x5b: {  	[tilespmem:s10], [sflag:$0x2] =	stream.linear.gather [hbm4b:s17+s3], $0x8000, $0x38;
	[tilespmem:$0x10080] =	vst v63  }
.LBB2_9:
0x5c: {  	_ =	sfence.sel $0x180000  }
0x5d: {  	[bflag:$0x0] =	sbarrier.arrive $0xFFFF  }
0x5e: {  	p0 =	sne.s32 s2, $0x0;
	_ =	strace $0x90000047  }
0x5f: {  	s0 =	sadd.s32 @!p0 $0x100000, s0;
	[bflag:$0x2] =	sbarrier.arrive $0xFFFF  }
0x60: {  	[sflag:s0] =	ssyncadd.tile.s32 @!p0 $0x1;
	_ =	shalt  }
.Lfunc_end2:
_tile_overlayer_lowered:
.L_overlay_start_2:
0x61: {  	(tag) =	ssettag $0x2  }
0x62: {  	s0 =	rddreg [dreg:$0x0];
	s2 =	stileid.u32  }
0x63: {  	s1 =	rddreg [dreg:$0x1];
	p0 =	sne.s32 s2, $0x0  }
0x64: {  	s3 =	rddreg [dreg:$0x2];
	[bflag:$0x3] =	sbarrier.arrive $0xFFFF;
	s2 =	simm.s32 @!p0 $0x1C03  }
0x65: {  	[timem:s3], [sflag:s2] =	dma.local @!p0 [hbm:s0], s1  }
0x66: {  	s0 =	simm.s32 @!p0 $0x3  }
0x67: {  	_ =	swait.ge @!p0 [sflag:s0], s1  }
0x68: {  	s1 =	ssub.s32 @!p0 $0x0, s1;
	[sflag:s0] =	ssyncset.done @!p0 $0x0  }
0x69: {  	[sflag:s0] =	ssyncadd.s32 @!p0 s1  }
0x6a: {  	[bflag:$0x3] =	sbarrier.arrive $0xFFFF  }
0x6b: {  	_ =	shalt  }

// kernel: kernel.7.cloned.1.call-start
scs
__scs_entry_jumppad:
0x0: {  	(pc) =	sbr.rel $0x88, $3  }
0x1: {  	(tag) =	ssettag $0x0;
	lr =	simm.s32 $0x1  }
0x2: {  	[smem:$0x3FA0] =	sst lr;
	_ =	strace $0xD0000000  }
0x3: {  	_ = 	snop  }
0x4: {  	_ = 	snop  }
0x5: {  	_ = 	snop  }
0x6: {  	_ = 	snop  }
0x7: {  	_ = 	snop  }
__scs_overlays_trampoline_lowered:
0x8: {  	[smem:$0x3FAF] =	sst s0  }
0x9: {  	[smem:$0x3FB0] =	sst s1  }
0xa: {  	[smem:$0x3FB1] =	sst s2  }
0xb: {  	[smem:$0x3FB2] =	sst s3  }
0xc: {  	[smem:$0x3FB3] =	sst s4  }
0xd: {  	[smem:$0x3FB4] =	sst s5  }
0xe: {  	[smem:$0x3FB5] =	sst s6  }
0xf: {  	[smem:$0x3FB6] =	sst s7  }
0x10: {  	[smem:$0x3FB7] =	sst s8  }
0x11: {  	[smem:$0x3FB8] =	sst s9;
	s0 =	simm.s32 @!p0 $0x0  }
0x12: {  	s1 =	sld [smem:$0x3F9E];
	s0 =	simm.s32 @p0 $0x1  }
0x13: {  	[smem:$0x3FB9] =	sst s0;
	s0 =	simm.s32 @!p1 $0x0  }
0x14: {  	s2 =	sld [smem:$0x3F9D];
	s0 =	simm.s32 @p1 $0x1  }
0x15: {  	[smem:$0x3FBA] =	sst s0;
	s0 =	simm.s32 @!p2 $0x0  }
0x16: {  	s3 =	sld [smem:$0x3FDB];
	s0 =	simm.s32 @p2 $0x1  }
0x17: {  	s4 =	simm.s32 $0x1BF5;
	[smem:$0x3FBC] =	sst s0  }
0x18: {  	s0 =	sld [smem:$0x3F9F];
	_ =	swait.ge [sflag:s4], $0x0  }
0x19: {  	s7 =	sld [smem:$0x3FA0]  }
0x1a: {  	s8 =	sadd.s32 $0xFFFFE003, lr  }
0x1b: {  	s9 =	sadd.s32 $0xFFFFFEF7, lr;
	s5 =	simm.s32 $0xFFFFFFFF;
	p2 =	slt.u32 s8, $0xFFFFF086  }
0x1c: {  	p1 =	slt.u32 s9, $0xF7A;
	s5 =	simm.s32 @!p2 $0x0  }
0x1d: {  	s5 =	simm.s32 @p1 $0x1;
	p0 =	seq.s32 s7, s2  }
0x1e: {  	s7 =	smul.u32 @!p0 $0xF7A, s2;
	p2 =	seq.s32 @!p0 s5, $0x0  }
0x1f: {  	s9 =	smul.u32 $0xF7A, s1;
	s8 =	simm.s32 @!p0 $0x1BF5;
	p2 =	por !p2, p0  }
0x20: {  	[sflag:s8] =	ssyncset.s32 @!p0 $0xFFFFF086;
	s6 =	sadd.s32 @!p0 s3, s7;
	s7 =	simm.s32 @!p0 $0x108  }
0x21: {  	s3 =	sadd.s32 s3, s9;
	s6 =	sadd.s32 @!p0 $0x88, s6;
	s7 =	simm.s32 @p2 $0x1082  }
0x22: {  	[simem:s7], [sflag:s8] =	dma.local @!p0 [hbm:s6], $0xF7A  }
0x23: {  	s9 =	sor.u32 $0xD0000000, s2;
	s6 =	simm.s32 $0x108;
	_ =	swait.ge @!p0 [sflag:s8], $0x0  }
0x24: {  	s3 =	sadd.s32 $0x88, s3;
	s6 =	simm.s32 @!p1 $0x1082;
	[sflag:s4] =	ssyncset.s32 $0xFFFFF086  }
0x25: {  	[simem:s6], [sflag:s4] =	dma.local [hbm:s3], $0xF7A  }
0x26: {  	[smem:$0x3FA0] =	sst s1;
	(tag) =	ssettag s2;
	_ =	strace s9  }
0x27: {  	s1 =	sld [smem:$0x3FB0]  }
0x28: {  	s2 =	sld [smem:$0x3FB1]  }
0x29: {  	s4 =	sld [smem:$0x3FB3]  }
0x2a: {  	p0 =	seq.s32 s5, $0x0;
	s5 =	sld [smem:$0x3FB4]  }
0x2b: {  	s6 =	sld [smem:$0x3FB5]  }
0x2c: {  	s7 =	sld [smem:$0x3FB6]  }
0x2d: {  	s3 =	simm.s32 $0x108;
	s8 =	sld [smem:$0x3FB7]  }
0x2e: {  	s3 =	simm.s32 @!p0 $0x1082;
	s9 =	sld [smem:$0x3FB8]  }
0x2f: {  	lr =	sadd.s32 s0, s3;
	s0 =	sld [smem:$0x3FAF]  }
0x30: {  	s3 =	sld [smem:$0x3FB2]  }
0x31: {  	[smem:$0x3FBB] =	sst s10  }
0x32: {  	s10 =	sld [smem:$0x3FB9];
	_ =	sdelay $0x3  }
0x33: {  	p0 =	seq.s32 s10, $0x1;
	s10 =	sld [smem:$0x3FBB];
	_ =	sdelay $0x3  }
0x34: {  	[smem:$0x3FBB] =	sst s10  }
0x35: {  	s10 =	sld [smem:$0x3FBA];
	_ =	sdelay $0x3  }
0x36: {  	p1 =	seq.s32 s10, $0x1;
	s10 =	sld [smem:$0x3FBB];
	_ =	sdelay $0x3  }
0x37: {  	[smem:$0x3FBB] =	sst s10  }
0x38: {  	s10 =	sld [smem:$0x3FBC]  }
0x39: {  	_ = 	snop;
	(pc) =	sbr.ind lr, $3  }
0x3a: {  	_ = 	snop  }
0x3b: {  	_ = 	snop  }
0x3c: {  	p2 =	seq.s32 s10, $0x1;
	s10 =	sld [smem:$0x3FBB]  }
0x3d: {  	_ =	shalt  }
0x3e: {  	_ =	shalt  }
0x3f: {  	_ =	shalt  }
0x40: {  	_ =	shalt  }
0x41: {  	_ =	shalt  }
0x42: {  	_ =	shalt  }
0x43: {  	_ =	shalt  }
0x44: {  	_ =	shalt  }
0x45: {  	_ =	shalt  }
0x46: {  	_ =	shalt  }
0x47: {  	_ =	shalt  }
0x48: {  	_ =	shalt  }
0x49: {  	_ =	shalt  }
0x4a: {  	_ =	shalt  }
0x4b: {  	_ =	shalt  }
0x4c: {  	_ =	shalt  }
0x4d: {  	_ =	shalt  }
0x4e: {  	_ =	shalt  }
0x4f: {  	_ =	shalt  }
0x50: {  	_ =	shalt  }
0x51: {  	_ =	shalt  }
0x52: {  	_ =	shalt  }
0x53: {  	_ =	shalt  }
0x54: {  	_ =	shalt  }
0x55: {  	_ =	shalt  }
0x56: {  	_ =	shalt  }
0x57: {  	_ =	shalt  }
0x58: {  	_ =	shalt  }
0x59: {  	_ =	shalt  }
0x5a: {  	_ =	shalt  }
0x5b: {  	_ =	shalt  }
0x5c: {  	_ =	shalt  }
0x5d: {  	_ =	shalt  }
0x5e: {  	_ =	shalt  }
0x5f: {  	_ =	shalt  }
0x60: {  	_ =	shalt  }
0x61: {  	_ =	shalt  }
0x62: {  	_ =	shalt  }
0x63: {  	_ =	shalt  }
0x64: {  	_ =	shalt  }
0x65: {  	_ =	shalt  }
0x66: {  	_ =	shalt  }
0x67: {  	_ =	shalt  }
0x68: {  	_ =	shalt  }
0x69: {  	_ =	shalt  }
0x6a: {  	_ =	shalt  }
0x6b: {  	_ =	shalt  }
0x6c: {  	_ =	shalt  }
0x6d: {  	_ =	shalt  }
0x6e: {  	_ =	shalt  }
0x6f: {  	_ =	shalt  }
0x70: {  	_ =	shalt  }
0x71: {  	_ =	shalt  }
0x72: {  	_ =	shalt  }
0x73: {  	_ =	shalt  }
0x74: {  	_ =	shalt  }
0x75: {  	_ =	shalt  }
0x76: {  	_ =	shalt  }
0x77: {  	_ =	shalt  }
0x78: {  	_ =	shalt  }
0x79: {  	_ =	shalt  }
0x7a: {  	_ =	shalt  }
0x7b: {  	_ =	shalt  }
0x7c: {  	_ =	shalt  }
0x7d: {  	_ =	shalt  }
0x7e: {  	_ =	shalt  }
0x7f: {  	_ =	shalt  }
0x80: {  	_ =	shalt  }
0x81: {  	_ =	shalt  }
0x82: {  	_ =	shalt  }
0x83: {  	_ =	shalt  }
0x84: {  	_ =	shalt  }
0x85: {  	_ =	shalt  }
0x86: {  	_ =	shalt  }
0x87: {  	_ =	shalt  }
.Lfunc_end0:
.L_simem_size_0:
called_computation.1_lowered:
.L_overlay_start_0:
0x88: {  	s2 =	sld [smem:$0x3FD9]  }
0x89: {  	s3 =	sld [smem:$0x3FFE];
	_ =	sdelay $0x1  }
0x8a: {  	s1 =	srdreg.scid  }
0x8b: {  	s0 =	sand.u32 $0x1, s1  }
0x8c: {  	s14 =	sshll.u32 s0, $0xA;
	s2 =	sadd.s32 s3, s2  }
0x8d: {  	s2 =	sadd.s32 s2, s14  }
0x8e: {  	[smem:$0x3FC7] =	sst s2  }
0x8f: {  	_ = 	snop  }
0x90: {  	s2 =	sld [smem:$0x3FD0];
	_ =	sdelay $0x2  }
0x91: {  	s4 =	simm.s32 $0xA;
	s5 =	simm.s32 $0x10;
	s15 =	sld [smem:$0x3FC9]  }
0x92: {  	[smem:s5], [sflag:s4] =	dma.local [hbm:s2], $0x1  }
0x93: {  	_ =	swait.eq [sflag:s4], $0x1  }
0x94: {  	[sflag:s4] =	ssyncset.done $0x0  }
0x95: {  	s16 =	sld [smem:$0x10];
	[sflag:s4] =	ssyncadd.s32 $0xFFFFFFFF  }
0x96: {  	s17 =	sld [smem:$0x11];
	(tm) =	ssettm $0x1  }
0x97: {  	s18 =	sld [smem:$0x3FFB];
	_ =	sdelay $0x3  }
0x98: {  	_ =	strace s18  }
0x99: {  	s5 =	sld [smem:$0x3FFC];
	_ =	sdelay $0x3  }
0x9a: {  	_ =	strace s5  }
0x9b: {  	s5 =	sld [smem:$0x3FFD];
	_ =	sdelay $0x3  }
0x9c: {  	_ =	strace s5  }
0x9d: {  	_ =	strace $0x8FFFFFFF  }
0x9e: {  	s19 =	sld [smem:$0x3FDB];
	_ =	sdelay $0x1  }
0x9f: {  	s6 =	simm.s32 $_scs_section_size  }
0xa0: {  	s7 =	simm.s32 $_size__tile_overlayer_lowered;
	s8 =	simm.s32 $_tile_overlayer_lowered  }
0xa1: {  	s22 =	simm.s32 $0x1BFF;
	s21 =	sshll.u32 s8, $0x1;
	s5 =	sadd.s32 s6, s19  }
0xa2: {  	s9 =	simm.s32 $0x0;
	s20 =	sshll.u32 s7, $0x1;
	s7 =	sadd.s32 s21, s5  }
0xa3: {  	[timem:s9], [sflag:s22] =	dma.local [hbm:s7], s20  }
0xa4: {  	_ =	swait.ge [sflag:s22], s20  }
0xa5: {  	s6 =	ssub.s32 $0x0, s20;
	[sflag:s22] =	ssyncset.done $0x0  }
0xa6: {  	[sflag:s22] =	ssyncadd.s32 s6;
	_ =	sdelay $0x1  }
0xa7: {  	s23 =	simm.s32 $0x1B8B  }
0xa8: {  	_ =	swait.ge [sflag:s23], $0x1  }
0xa9: {  	[sflag:s23] =	ssyncset.done $0x0  }
0xaa: {  	s25 =	simm.s32 $0x1B8E;
	s24 =	sld [smem:$0x3FFE];
	[sflag:s23] =	ssyncadd.s32 $0xFFFFFFFF  }
0xab: {  	s26 =	simm.s32 $execute0_lowered;
	[smem:$0x3FD2] =	sst s25  }
0xac: {  	s7 =	sshll.u32 s26, $0x1;
	_ =	strace $0x80000049;
	[dreg:$0x1] =	wrdreg $0xFFFFFFFF  }
0xad: {  	s28 =	simm.s32 $_size_execute0_lowered;
	s5 =	sadd.s32 s5, s7;
	[dreg:$0x0] =	wrdreg $0x0  }
0xae: {  	s7 =	sshll.u32 s28, $0x1;
	[dreg:$0x2] =	wrdreg s5  }
0xaf: {  	[dreg:$0x3] =	wrdreg s7  }
0xb0: {  	[dreg:$0x4] =	wrdreg $0xC0  }
0xb1: {  	_ =	task [dreg:s9], $0x5FFFF  }
0xb2: {  	[dreg:$0x1] =	wrdreg $0xFFFFFFFF  }
0xb3: {  	[dreg:$0x0] =	wrdreg $0x60  }
0xb4: {  	[dreg:$0x2] =	wrdreg s15  }
0xb5: {  	[dreg:$0x3] =	wrdreg s24  }
0xb6: {  	[dreg:$0x4] =	wrdreg s16  }
0xb7: {  	[dreg:$0x5] =	wrdreg s17  }
0xb8: {  	[dreg:$0x6] =	wrdreg $0x9  }
0xb9: {  	_ =	task.clear_ibuf [dreg:s9], $0x7FFFF;
	_ =	strace $0x90000049  }
0xba: {  	s29 =	simm.s32 $0x9;
	_ =	strace $0x8000004B  }
0xbb: {  	_ =	swait.ge [sflag:s29], $0x1  }
0xbc: {  	[sflag:s29] =	ssyncadd.s32 $0xFFFFFFFF  }
0xbd: {  	_ =	strace $0x9000004B  }
0xbe: {  	_ =	sfence  }
0xbf: {  	s30 =	sld [smem:$0x0];
	_ =	sdelay $0x2  }
0xc0: {  	s31 =	sshll.u32 s1, $0xD;
	s1 =	sshrl.u32 s1, $0x2  }
0xc1: {  	s3 =	sand.u32 $0x4000, s31;
	s1 =	sadd.s32 s1, s30  }
0xc2: {  	s0 =	sor.u32 s3, s0;
	s1 =	sshll.u32 s1, $0x11  }
0xc3: {  	s0 =	sor.u32 s1, s0  }
0xc4: {  	s0 =	sadd.s32 $0x8F2B, s0  }
0xc5: {  	[sflag:s0] =	ssyncadd.remote.s32 $0x1  }
0xc6: {  	_ =	sfence.sel $0xFFFF  }
0xc7: {  	[dreg:$0x0] =	wrdreg $0xFFFFFFFF;
	(pc) =	sbr.abs _section_cstart, $3  }
0xc8: {  	[dreg:$0x1] =	wrdreg $0xFFFFFFFF  }
0xc9: {  	_ =	task.clear_ibuf [dreg:s9], $0x2FFFF;
	_ =	strace $0x9FFFFFFF  }
0xca: {  	(tm) =	ssettm $0x7FFFFFFF  }
0xcb: {  	_ =	shalt  }
tec
execute0_lowered:
.L_overlay_start_1:
0x0: {  	(tag) =	ssettag $0x1  }
0x1: {  	s1 =	rddreg [dreg:$0x0]  }
0x2: {  	s0 =	rddreg [dreg:$0x1]  }
0x3: {  	s3 =	rddreg [dreg:$0x2]  }
0x4: {  	s2 =	srdreg.scid;
	s4 =	stileid.u32;
	s5 =	simm.s32 $0x0  }
0x5: {  	s15 =	simm.s32 $0x4000;
	s16 =	simm.s32 $0x5;
	s17 =	simm.s32 $0x1  }
0x6: {  	s18 =	simm.s32 $0x8000;
	s19 =	simm.s32 $0x2;
	s20 =	simm.s32 $0x10080  }
0x7: {  	s24 =	simm.s32 $0x18100;
	s25 =	simm.s32 $0x0;
	s2 =	sand.u32 $0x1, s2  }
0x8: {  	s6 =	sshll.u32 s4, $0x1;
	[smem:$0x7FF] =	sst s5;
	s0 =	sadd.s32 $0xC00, s0  }
0x9: {  	s6 =	sor.u32 s2, s6;
	_ =	strace $0x8000004A;
	s2 =	ssub.s32 $0x2, s2  }
.Ltmp0:
0xa: {  	[dreg:$0x5] =	wrdreg s0;
	s8 =	sshll.u32 s6, $0x10;
	(pc) =	sbr.rel .LBB2_1-.Ltmp0, $4  }
0xb: {  	s29 =	sshrl.u32 s2, $0x1;
	s9 =	sshll.u32 s6, $0x13;
	s30 =	sadd.s32 s1, s8  }
0xc: {  	v1 =	vlaneseq.u32;
	vm0 =	vcmask $0x2320;
	s0 =	ssub.s32 s2, s29;
	[dreg:$0x6] =	wrdreg s30;
	s31 =	sadd.s32 $0x800, s30  }
0xd: {  	vm1 =	vcmask $0x300;
	v3 =	vimm.f32 $0.0e+00;
	v4 =	vimm.s32 $0x0;
	s11 =	sor.u32 $0x10000, s9;
	s0 =	smax.u32 s0, $0x1;
	[dreg:$0x7] =	wrdreg s31  }
0xe: {  	v2 =	vshrl.u32 v1, $0x3;
	vm0 =	vmor vm1, vm0;
	v0 =	vmov s6;
	s12 =	sor.u32 $0x14000, s9;
	s13 =	sadd.s32 $0x80000, s9;
	[dreg:$0x8] =	wrdreg s0  }
.LBB2_19:
0xf: {  	[sflag:s16] =	ssyncadd.s32 $0xFFFFC000  }
.LBB2_20:
0x10: {  	s4 =	sshll.u32 s21, $0xE;
	s7 =	sand.u32 $0x2000, s0  }
0x11: {  	s2 =	sadd.s32 s2, s4;
	p0 =	seq.s32 s7, $0x0  }
0x12: {  	s4 =	sshrl.u32 @!p0 s2, $0x3  }
0x13: {  	s8 =	simm.s32 @!p0 $0x0;
	s10 =	simm.s32 @!p0 $0x18100;
	s4 =	sadd.s32 @!p0 s3, s4  }
0x14: {  	[hbm4b:s4+s8] =	stream.linear.scatter @!p0 [tilespmem:s10], [sflag:$0x5], $0x2000, $0x38;
	[tilespmem:$0x1C480] =	vst v63  }
0x15: {  	s4 =	simm.s32 @!p0 $0x5;
	s10 =	sand.u32 $0x1000, s0  }
0x16: {  	_ =	swait.ge @!p0 [sflag:s4], $0x2000;
	p1 =	seq.s32 s10, $0x0  }
0x17: {  	s14 =	sand.u32 $0x800, s0;
	[sflag:s4] =	ssyncset.done @!p0 $0x0;
	s7 =	sadd.s32 @!p1 s7, s2  }
0x18: {  	s8 =	simm.s32 @!p1 $0x18100;
	[sflag:s4] =	ssyncadd.s32 @!p0 $0xFFFFE000;
	s4 =	sshrl.u32 @!p1 s7, $0x3  }
0x19: {  	s7 =	simm.s32 @!p1 $0x0;
	p0 =	seq.s32 s14, $0x0;
	s4 =	sadd.s32 @!p1 s3, s4  }
0x1a: {  	[hbm4b:s4+s7] =	stream.linear.scatter @!p1 [tilespmem:s8], [sflag:$0x5], $0x1000, $0x38;
	[tilespmem:$0x1C480] =	vst v63  }
0x1b: {  	s7 =	simm.s32 @!p1 $0x5;
	s4 =	sand.u32 @!p0 $0x3000, s0  }
0x1c: {  	s21 =	sand.u32 $0x400, s0;
	_ =	swait.ge @!p1 [sflag:s7], $0x1000;
	s4 =	sadd.s32 @!p0 s4, s2  }
0x1d: {  	s8 =	simm.s32 @!p0 $0x18100;
	[sflag:s7] =	ssyncset.done @!p1 $0x0;
	s4 =	sshrl.u32 @!p0 s4, $0x3  }
0x1e: {  	[sflag:s7] =	ssyncadd.s32 @!p1 $0xFFFFF000;
	s4 =	sadd.s32 @!p0 s3, s4;
	s7 =	simm.s32 @!p0 $0x0  }
0x1f: {  	[hbm4b:s4+s7] =	stream.linear.scatter @!p0 [tilespmem:s8], [sflag:$0x5], $0x800, $0x38;
	[tilespmem:$0x1C480] =	vst v63  }
0x20: {  	p1 =	seq.s32 s21, $0x0;
	s7 =	simm.s32 @!p0 $0x5  }
0x21: {  	s4 =	sand.u32 @!p1 $0x3800, s0;
	_ =	swait.ge @!p0 [sflag:s7], $0x800  }
0x22: {  	s22 =	sand.u32 $0x200, s0;
	s4 =	sadd.s32 @!p1 s4, s2;
	[sflag:s7] =	ssyncset.done @!p0 $0x0  }
0x23: {  	s8 =	simm.s32 @!p1 $0x18100;
	s4 =	sshrl.u32 @!p1 s4, $0x3;
	[sflag:s7] =	ssyncadd.s32 @!p0 $0xFFFFF800  }
0x24: {  	s4 =	sadd.s32 @!p1 s3, s4;
	s7 =	simm.s32 @!p1 $0x0;
	p0 =	seq.s32 s22, $0x0  }
0x25: {  	[hbm4b:s4+s7] =	stream.linear.scatter @!p1 [tilespmem:s8], [sflag:$0x5], $0x400, $0x38;
	[tilespmem:$0x1C480] =	vst v63  }
0x26: {  	s7 =	simm.s32 @!p1 $0x5;
	s4 =	sand.u32 @!p0 $0x3C00, s0  }
0x27: {  	s23 =	sand.u32 $0x100, s0;
	_ =	swait.ge @!p1 [sflag:s7], $0x400;
	s4 =	sadd.s32 @!p0 s4, s2  }
0x28: {  	s8 =	simm.s32 @!p0 $0x18100;
	[sflag:s7] =	ssyncset.done @!p1 $0x0;
	s4 =	sshrl.u32 @!p0 s4, $0x3  }
0x29: {  	[sflag:s7] =	ssyncadd.s32 @!p1 $0xFFFFFC00;
	s4 =	sadd.s32 @!p0 s3, s4;
	s7 =	simm.s32 @!p0 $0x0  }
0x2a: {  	[hbm4b:s4+s7] =	stream.linear.scatter @!p0 [tilespmem:s8], [sflag:$0x5], $0x200, $0x38;
	[tilespmem:$0x1C480] =	vst v63  }
0x2b: {  	p1 =	seq.s32 s23, $0x0;
	s7 =	simm.s32 @!p0 $0x5  }
0x2c: {  	s4 =	sand.u32 @!p1 $0x3E00, s0;
	_ =	swait.ge @!p0 [sflag:s7], $0x200  }
0x2d: {  	s26 =	sand.u32 $0x80, s0;
	s4 =	sadd.s32 @!p1 s4, s2;
	[sflag:s7] =	ssyncset.done @!p0 $0x0  }
0x2e: {  	s8 =	simm.s32 @!p1 $0x18100;
	s4 =	sshrl.u32 @!p1 s4, $0x3;
	[sflag:s7] =	ssyncadd.s32 @!p0 $0xFFFFFE00  }
0x2f: {  	s4 =	sadd.s32 @!p1 s3, s4;
	s7 =	simm.s32 @!p1 $0x0;
	p0 =	seq.s32 s26, $0x0  }
0x30: {  	[hbm4b:s4+s7] =	stream.linear.scatter @!p1 [tilespmem:s8], [sflag:$0x5], $0x100, $0x38;
	[tilespmem:$0x1C480] =	vst v63  }
0x31: {  	s7 =	simm.s32 @!p1 $0x5;
	s4 =	sand.u32 @!p0 $0x3F00, s0  }
0x32: {  	s28 =	sand.u32 $0x40, s0;
	_ =	swait.ge @!p1 [sflag:s7], $0x100;
	s4 =	sadd.s32 @!p0 s4, s2  }
0x33: {  	s8 =	simm.s32 @!p0 $0x18100;
	[sflag:s7] =	ssyncset.done @!p1 $0x0;
	s4 =	sshrl.u32 @!p0 s4, $0x3  }
0x34: {  	[sflag:s7] =	ssyncadd.s32 @!p1 $0xFFFFFF00;
	s4 =	sadd.s32 @!p0 s3, s4;
	s7 =	simm.s32 @!p0 $0x0  }
0x35: {  	[hbm4b:s4+s7] =	stream.linear.scatter @!p0 [tilespmem:s8], [sflag:$0x5], $0x80, $0x38;
	[tilespmem:$0x1C480] =	vst v63  }
0x36: {  	p1 =	seq.s32 s28, $0x0;
	s7 =	simm.s32 @!p0 $0x5  }
0x37: {  	s4 =	sand.u32 @!p1 $0x3F80, s0;
	_ =	swait.ge @!p0 [sflag:s7], $0x80  }
0x38: {  	s29 =	sand.u32 $0x20, s0;
	s4 =	sadd.s32 @!p1 s4, s2;
	[sflag:s7] =	ssyncset.done @!p0 $0x0  }
0x39: {  	s8 =	simm.s32 @!p1 $0x18100;
	s4 =	sshrl.u32 @!p1 s4, $0x3;
	[sflag:s7] =	ssyncadd.s32 @!p0 $0xFFFFFF80  }
0x3a: {  	s4 =	sadd.s32 @!p1 s3, s4;
	s7 =	simm.s32 @!p1 $0x0;
	p0 =	seq.s32 s29, $0x0  }
0x3b: {  	[hbm4b:s4+s7] =	stream.linear.scatter @!p1 [tilespmem:s8], [sflag:$0x5], $0x40, $0x38;
	[tilespmem:$0x1C480] =	vst v63  }
0x3c: {  	s7 =	simm.s32 @!p1 $0x5;
	s4 =	sand.u32 @!p0 $0x3FC0, s0  }
0x3d: {  	s30 =	sand.u32 $0x10, s0;
	_ =	swait.ge @!p1 [sflag:s7], $0x40;
	s4 =	sadd.s32 @!p0 s4, s2  }
0x3e: {  	s8 =	simm.s32 @!p0 $0x18100;
	[sflag:s7] =	ssyncset.done @!p1 $0x0;
	s4 =	sshrl.u32 @!p0 s4, $0x3  }
0x3f: {  	[sflag:s7] =	ssyncadd.s32 @!p1 $0xFFFFFFC0;
	s4 =	sadd.s32 @!p0 s3, s4;
	s7 =	simm.s32 @!p0 $0x0  }
0x40: {  	[hbm4b:s4+s7] =	stream.linear.scatter @!p0 [tilespmem:s8], [sflag:$0x5], $0x20, $0x38;
	[tilespmem:$0x1C480] =	vst v63  }
0x41: {  	p1 =	seq.s32 s30, $0x0;
	s7 =	simm.s32 @!p0 $0x5  }
0x42: {  	s4 =	sand.u32 @!p1 $0x3FE0, s0;
	_ =	swait.ge @!p0 [sflag:s7], $0x20  }
0x43: {  	s31 =	sand.u32 $0x8, s0;
	s4 =	sadd.s32 @!p1 s4, s2;
	[sflag:s7] =	ssyncset.done @!p0 $0x0  }
0x44: {  	s8 =	simm.s32 @!p1 $0x18100;
	s4 =	sshrl.u32 @!p1 s4, $0x3;
	[sflag:s7] =	ssyncadd.s32 @!p0 $0xFFFFFFE0  }
0x45: {  	s4 =	sadd.s32 @!p1 s3, s4;
	s7 =	simm.s32 @!p1 $0x0;
	p0 =	seq.s32 s31, $0x0  }
0x46: {  	[hbm4b:s4+s7] =	stream.linear.scatter @!p1 [tilespmem:s8], [sflag:$0x5], $0x10, $0x38;
	[tilespmem:$0x1C480] =	vst v63  }
0x47: {  	s7 =	simm.s32 @!p1 $0x5;
	s0 =	sand.u32 @!p0 $0x3FF0, s0  }
0x48: {  	_ =	swait.ge @!p1 [sflag:s7], $0x10;
	s0 =	sadd.s32 @!p0 s0, s2  }
0x49: {  	s4 =	simm.s32 @!p0 $0x18100;
	[sflag:s7] =	ssyncset.done @!p1 $0x0;
	s0 =	sshrl.u32 @!p0 s0, $0x3  }
0x4a: {  	s2 =	simm.s32 @!p0 $0x0;
	[sflag:s7] =	ssyncadd.s32 @!p1 $0xFFFFFFF0;
	s0 =	sadd.s32 @!p0 s3, s0  }
0x4b: {  	[hbm4b:s0+s2] =	stream.linear.scatter @!p0 [tilespmem:s4], [sflag:$0x5], $0x8, $0x38;
	[tilespmem:$0x1C480] =	vst v63  }
0x4c: {  	s0 =	simm.s32 @!p0 $0x5  }
0x4d: {  	_ =	swait.ge @!p0 [sflag:s0], $0x8  }
0x4e: {  	[sflag:s0] =	ssyncset.done @!p0 $0x0  }
0x4f: {  	[sflag:s0] =	ssyncadd.s32 @!p0 $0xFFFFFFF8  }
.LBB2_21:
0x50: {  	p0 =	sne.s32 s6, $0x0  }
0x51: {  	v5 =	vbroadcast @!p0 v5, $0xF;
	_ =	sdelay $0x1  }
0x52: {  	s4 =	rddreg [dreg:$0x3];
	s0 =	simm.s32 @!p0 $0x0;
	s2 =	simm.s32 @!p0 $0x1C400;
	[tilespmem:$0x1C400] =	vst @!p0 v5  }
0x53: {  	[hbm4b:s4+s0] =	stream.linear.scatter @!p0 [tilespmem:s2], [sflag:$0x5], $0x8, $0x38;
	[tilespmem:$0x1C480] =	vst v63  }
0x54: {  	s0 =	simm.s32 @!p0 $0x5  }
0x55: {  	_ =	swait.ge @!p0 [sflag:s0], $0x8  }
0x56: {  	s25 =	sadd.s32 $0x1, s25;
	s31 =	rddreg [dreg:$0x8]  }
0x57: {  	p1 =	sne.s32 s25, s31  }
.Ltmp1:
0x58: {  	_ = 	snop;
	(pc) =	sbr.rel @!p1 .LBB2_22-.Ltmp1, $3  }
0x59: {  	_ =	sdelay $0x1  }
0x5a: {  	[sflag:s0] =	ssyncset.done @!p0 $0x0  }
0x5b: {  	[sflag:s0] =	ssyncadd.s32 @!p0 $0xFFFFFFF8  }
.LBB2_1:
0x5c: {  	s0 =	rddreg [dreg:$0x6]  }
0x5d: {  	[tilespmem:s5], [sflag:$0x1] =	stream.linear.gather [hbm4b:s0+s5], $0x4000, $0x38;
	[tilespmem:$0x1C480] =	vst v63  }
0x5e: {  	s30 =	rddreg [dreg:$0x7]  }
0x5f: {  	[tilespmem:s15], [sflag:$0x2] =	stream.linear.gather [hbm4b:s30+s5], $0x4000, $0x38;
	[tilespmem:$0x1C480] =	vst v63  }
0x60: {  	s31 =	simm.s32 $0x1C100;
	s2 =	rddreg [dreg:$0x5]  }
0x61: {  	[tilespmem:s31], [sflag:$0x5] =	stream.linear.gather [hbm4b:s2+s5], $0x100, $0x38;
	[tilespmem:$0x1C480] =	vst v63  }
0x62: {  	_ =	swait.ge [sflag:s16], $0x100  }
0x63: {  	[sflag:s16] =	ssyncset.done $0x0  }
0x64: {  	[sflag:s16] =	ssyncadd.s32 $0xFFFFFF00  }
0x65: {  	v5 =	vld [tilespmem:s31+$0x0];
	_ =	sdelay $0x1  }
0x66: {  	v6 =	vor.u32 s5, v2  }
0x67: {  	vm1 =	vlt.u32 v6, v0  }
0x68: {  	v6 =	vimm.s32 $0x0;
	vm1 =	vmand vm1, vm0  }
0x69: {  	s0 =	simm.s32 $0x2;
	s2 =	simm.s32 $0x1C110;
	v7 =	vnsel vm1, $0x0, v5;
	v8 =	vnsel vm0, $0x0, v5;
	v5 =	vimm.s32 $0x0  }
.LBB2_2:
0x6a: {  	v9 =	vld [tilespmem:s2+$0x0];
	p0 =	sne.s32 s0, $0x1E;
	v5 =	vadd.s32 v5, v7;
	v6 =	vadd.s32 v6, v8;
	s21 =	smov.u32 s0;
	s0 =	sadd.s32 $0x2, s0  }
.Ltmp2:
0x6b: {  	(pc) =	sbr.rel @p0 .LBB2_2-.Ltmp2, $4  }
0x6c: {  	v7 =	vor.u32 s21, v2  }
0x6d: {  	vm1 =	vlt.u32 v7, v0  }
0x6e: {  	vm1 =	vmand vm1, vm0  }
0x6f: {  	s2 =	sadd.s32 $0x10, s2;
	v7 =	vnsel vm1, $0x0, v9;
	v8 =	vnsel vm0, $0x0, v9  }
0x70: {  	v7 =	vadd.s32 v5, v7;
	v5 =	vadd.s32 v6, v8;
	s0 =	simm.s32 $0x40;
	s2 =	simm.s32 $0x0  }
.LBB2_4:
0x71: {  	p0 =	sne.s32 s0, $0xFFC0;
	[tilespmem:s2+$0x18100] =	vst v3;
	s2 =	smov.u32 s0;
	s0 =	sadd.s32 $0x40, s0  }
.Ltmp3:
0x72: {  	(pc) =	sbr.rel @p0 .LBB2_4-.Ltmp3, $2  }
0x73: {  	_ =	sdelay $0x2  }
0x74: {  	s2 =	sshra.s32 s2, $0x2  }
0x75: {  	(xrf0) =	vadd.scan.msk.s32 $0xffff, v7;
	_ =	sdelay $0x5  }
0x76: {  	v6, _, _ =	vpop (xrf0)  }
0x77: {  	(v2sf) =	vpush v6, $0xF;
	_ =	sdelay $0xd  }
0x78: {  	s31 =	simm.s32 $0x0;
	s29 =	simm.s32 $0x0;
	s0 =	simm.s32 $0x0  }
0x79: {  	[tilespmem:s2+$0x18100] =	vst v3;
	s30 =	simm.s32 $0x0;
	s26 =	simm.s32 $0x0;
	s23 =	spop (v2sf)  }
.LBB2_6:
0x7a: {  	p0 =	slt.s32 s0, $0x1  }
0x7b: {  	s0 =	simm.s32 @!p0 $0x3  }
0x7c: {  	s2 =	sand.u32 $0x8000, s30;
	_ =	swait.ge @!p0 [sflag:s0], $0x10  }
0x7d: {  	p1 =	seq.s32 s2, $0x0;
	[sflag:s0] =	ssyncset.done @!p0 $0x0  }
0x7e: {  	[sflag:s0] =	ssyncadd.s32 @!p0 $0xFFFFFFF0;
	s0 =	simm.s32 @!p1 $0x3  }
0x7f: {  	s7 =	sand.u32 $0x4000, s30;
	_ =	swait.ge @!p1 [sflag:s0], $0x8000  }
0x80: {  	p0 =	seq.s32 s7, $0x0;
	[sflag:s0] =	ssyncset.done @!p1 $0x0  }
0x81: {  	[sflag:s0] =	ssyncadd.s32 @!p1 $0xFFFF8000;
	s0 =	simm.s32 @!p0 $0x3  }
0x82: {  	s8 =	sand.u32 $0x2000, s30;
	_ =	swait.ge @!p0 [sflag:s0], $0x4000  }
0x83: {  	p1 =	seq.s32 s8, $0x0;
	[sflag:s0] =	ssyncset.done @!p0 $0x0  }
0x84: {  	[sflag:s0] =	ssyncadd.s32 @!p0 $0xFFFFC000;
	s0 =	simm.s32 @!p1 $0x3  }
0x85: {  	s10 =	sand.u32 $0x1000, s30;
	_ =	swait.ge @!p1 [sflag:s0], $0x2000  }
0x86: {  	p0 =	seq.s32 s10, $0x0;
	[sflag:s0] =	ssyncset.done @!p1 $0x0  }
0x87: {  	[sflag:s0] =	ssyncadd.s32 @!p1 $0xFFFFE000;
	s0 =	simm.s32 @!p0 $0x3  }
0x88: {  	s14 =	sand.u32 $0x800, s30;
	_ =	swait.ge @!p0 [sflag:s0], $0x1000  }
0x89: {  	p1 =	seq.s32 s14, $0x0;
	[sflag:s0] =	ssyncset.done @!p0 $0x0  }
0x8a: {  	[sflag:s0] =	ssyncadd.s32 @!p0 $0xFFFFF000;
	s0 =	simm.s32 @!p1 $0x3  }
0x8b: {  	s21 =	sand.u32 $0x400, s30;
	_ =	swait.ge @!p1 [sflag:s0], $0x800  }
0x8c: {  	p0 =	seq.s32 s21, $0x0;
	[sflag:s0] =	ssyncset.done @!p1 $0x0  }
0x8d: {  	[sflag:s0] =	ssyncadd.s32 @!p1 $0xFFFFF800;
	s0 =	simm.s32 @!p0 $0x3  }
0x8e: {  	s22 =	sand.u32 $0x200, s30;
	_ =	swait.ge @!p0 [sflag:s0], $0x400  }
0x8f: {  	p1 =	seq.s32 s22, $0x0;
	[sflag:s0] =	ssyncset.done @!p0 $0x0  }
0x90: {  	[sflag:s0] =	ssyncadd.s32 @!p0 $0xFFFFFC00;
	s0 =	simm.s32 @!p1 $0x3  }
0x91: {  	s4 =	sand.u32 $0x100, s30;
	_ =	swait.ge @!p1 [sflag:s0], $0x200  }
0x92: {  	p0 =	seq.s32 s4, $0x0;
	[sflag:s0] =	ssyncset.done @!p1 $0x0  }
0x93: {  	[sflag:s0] =	ssyncadd.s32 @!p1 $0xFFFFFE00;
	s0 =	simm.s32 @!p0 $0x3  }
0x94: {  	s7 =	sand.u32 $0x80, s30;
	_ =	swait.ge @!p0 [sflag:s0], $0x100  }
0x95: {  	p1 =	seq.s32 s7, $0x0;
	[sflag:s0] =	ssyncset.done @!p0 $0x0  }
0x96: {  	[sflag:s0] =	ssyncadd.s32 @!p0 $0xFFFFFF00;
	s0 =	simm.s32 @!p1 $0x3  }
0x97: {  	s8 =	sand.u32 $0x40, s30;
	_ =	swait.ge @!p1 [sflag:s0], $0x80  }
0x98: {  	p0 =	seq.s32 s8, $0x0;
	[sflag:s0] =	ssyncset.done @!p1 $0x0  }
0x99: {  	[sflag:s0] =	ssyncadd.s32 @!p1 $0xFFFFFF80;
	s0 =	simm.s32 @!p0 $0x3  }
0x9a: {  	s10 =	sand.u32 $0x20, s30;
	_ =	swait.ge @!p0 [sflag:s0], $0x40  }
0x9b: {  	p1 =	seq.s32 s10, $0x0;
	[sflag:s0] =	ssyncset.done @!p0 $0x0  }
0x9c: {  	[sflag:s0] =	ssyncadd.s32 @!p0 $0xFFFFFFC0;
	s0 =	simm.s32 @!p1 $0x3  }
0x9d: {  	s14 =	sand.u32 $0x10, s30;
	_ =	swait.ge @!p1 [sflag:s0], $0x20  }
0x9e: {  	p0 =	seq.s32 s14, $0x0;
	[sflag:s0] =	ssyncset.done @!p1 $0x0  }
0x9f: {  	[sflag:s0] =	ssyncadd.s32 @!p1 $0xFFFFFFE0;
	s0 =	simm.s32 @!p0 $0x3  }
0xa0: {  	s21 =	sand.u32 $0x8, s30;
	_ =	swait.ge @!p0 [sflag:s0], $0x10  }
0xa1: {  	p1 =	seq.s32 s21, $0x0;
	[sflag:s0] =	ssyncset.done @!p0 $0x0  }
0xa2: {  	[sflag:s0] =	ssyncadd.s32 @!p0 $0xFFFFFFF0;
	s0 =	simm.s32 @!p1 $0x3  }
0xa3: {  	_ =	swait.ge @!p1 [sflag:s0], $0x8  }
0xa4: {  	[sflag:s0] =	ssyncset.done @!p1 $0x0  }
0xa5: {  	[sflag:s0] =	ssyncadd.s32 @!p1 $0xFFFFFFF8  }
0xa6: {  	_ =	swait.ge [sflag:s17], $0x4000  }
0xa7: {  	[sflag:s17] =	ssyncset.done $0x0  }
0xa8: {  	s22 =	simm.s32 $0x40;
	[sflag:s17] =	ssyncadd.s32 $0xFFFFC000  }
0xa9: {  	v15 =	vld [tilespmem:s22+$0xFFFFFFC0]  }
0xaa: {  	v17 =	vld [tilespmem:s22+$0xFFFFFFD0]  }
0xab: {  	v18 =	vld [tilespmem:s22+$0x20]  }
0xac: {  	v16 =	vld [tilespmem:s22+$0xFFFFFFE0]  }
0xad: {  	v7 =	vld [tilespmem:s22+$0x0]  }
0xae: {  	v20 =	vld [tilespmem:s22+$0x10]  }
0xaf: {  	v21 =	vld [tilespmem:s22+$0xFFFFFFF0]  }
0xb0: {  	s0 =	sand.u32 $0x7, s23  }
0xb1: {  	v6 =	vmov s0  }
0xb2: {  	vm2 =	vge.f32 v15, $5.000000000e-01;
	vm4 =	vge.f32 v17, $5.000000000e-01;
	vm1 =	vge.f32 v18, $5.000000000e-01  }
0xb3: {  	vm5 =	vge.f32 v16, $5.000000000e-01;
	vm3 =	vge.f32 v7, $5.000000000e-01;
	vm8 =	vge.f32 v20, $5.000000000e-01  }
0xb4: {  	vm9 =	vge.f32 v21, $5.000000000e-01;
	v9 =	vsel vm2, $0x1, v4;
	v8 =	vmpcnt.ones.xlane vm2  }
0xb5: {  	v10 =	vsel vm2, $0xFFFFFFFF, v4;
	v11 =	vmpcnt.ones.xlane vm4;
	v13 =	vmpcnt.ones.xlane vm5  }
0xb6: {  	v14 =	vsel vm3, $0x1, v4;
	v19 =	vmpcnt.ones.xlane vm8;
	v12 =	vadd.s32 v6, v8;
	v8 =	vld [tilespmem:s22+$0x30]  }
0xb7: {  	v22 =	vsel vm5, $0x1, v4;
	v23 =	vsel vm8, $0x1, v4;
	v24 =	vsel vm9, $0x1, v4;
	(xrf0) =	vadd.scan.msk.s32 $0xffff, v9  }
0xb8: {  	v25 =	vsel vm4, $0x1, v4;
	v27 =	vsel vm1, $0x1, v4;
	v28 =	vsel vm8, $0xFFFFFFFF, v4;
	(xrf0) =	vadd.scan.msk.s32 $0xffff, v14  }
0xb9: {  	vm10 =	vmmov vm4;
	v11 =	vadd.s32 v12, v11;
	(xrf0) =	vadd.scan.msk.s32 $0xffff, v22;
	v22 =	vmpcnt.ones.xlane vm9  }
0xba: {  	vm11 =	vmmov vm1;
	v14 =	vmpcnt.ones.xlane vm3;
	v13 =	vadd.s32 v11, v13  }
0xbb: {  	v9 =	vsel vm5, $0xFFFFFFFF, v4;
	(xrf0) =	vadd.scan.msk.s32 $0xffff, v23;
	v22 =	vadd.s32 v13, v22;
	vm6 =	vge.f32 v8, $5.000000000e-01  }
0xbc: {  	v9 =	vadd.s32 v9, v11;
	(xrf0) =	vadd.scan.msk.s32 $0xffff, v24;
	v14 =	vadd.s32 v22, v14;
	v11 =	vsel vm6, $0x1, v4  }
0xbd: {  	v10 =	vadd.s32 v10, v6;
	v23 =	vmpcnt.ones.xlane vm1;
	v26, _, _ =	vpop (xrf0);
	v19 =	vadd.s32 v14, v19;
	(xrf0) =	vadd.scan.msk.s32 $0xffff, v11  }
0xbe: {  	s30 =	simm.s32 $0xC0;
	v24 =	vmpcnt.ones.xlane vm6;
	v29, _, _ =	vpop (xrf0);
	v11 =	vsel vm4, $0xFFFFFFFF, v4;
	(xrf0) =	vadd.scan.msk.s32 $0xffff, v25;
	v25 =	vsel vm1, $0xFFFFFFFF, v4  }
0xbf: {  	v23 =	vadd.s32 v19, v23;
	v30 =	vadd.s32 v11, v12;
	v11 =	vld [tilespmem:s30+$0xFFFFFFC0];
	v12, _, _ =	vpop (xrf0);
	v25 =	vadd.s32 v25, v19  }
0xc0: {  	v19 =	vadd.s32 v26, v10;
	v10 =	vsel vm9, $0xFFFFFFFF, v4;
	v31 =	vadd.s32 v12, v9;
	v9 =	vld [tilespmem:s30+$0xFFFFFFD0]  }
0xc1: {  	v32 =	vsel vm6, $0xFFFFFFFF, v4;
	v26, _, _ =	vpop (xrf0);
	v12 =	vadd.s32 v28, v14;
	v13 =	vadd.s32 v10, v13;
	v10 =	vld [tilespmem:s30+$0x20]  }
0xc2: {  	vm4 =	vmmov vm3;
	vm3 =	vmmov vm6;
	v14, _, _ =	vpop (xrf0);
	(xrf0) =	vadd.scan.msk.s32 $0xffff, v27;
	v26 =	vadd.s32 v26, v12;
	v12 =	vld [tilespmem:s30+$0x10]  }
0xc3: {  	v24 =	vadd.s32 v23, v24;
	v33 =	vsel vm4, $0xFFFFFFFF, v4;
	v27 =	vadd.s32 v14, v13;
	v14 =	vld [tilespmem:s30+$0xFFFFFFE0]  }
0xc4: {  	v23 =	vadd.s32 v32, v23;
	v22 =	vadd.s32 v33, v22;
	v28, _, _ =	vpop (xrf0);
	vm1 =	vge.f32 v11, $5.000000000e-01  }
0xc5: {  	v13, _, _ =	vpop (xrf0);
	v34 =	vsel vm1, $0x1, v4;
	v35 =	vmpcnt.ones.xlane vm1;
	v59 =	vsel vm1, $0xFFFFFFFF, v4  }
0xc6: {  	vm7 =	vge.f32 v9, $5.000000000e-01;
	[tilespmem:v19+s18+$0x0] =	vst.idx.msk vm2, v15;
	v30 =	vadd.s32 v13, v30;
	v13 =	vld [tilespmem:s30+$0x0];
	vm6 =	vge.f32 v10, $5.000000000e-01  }
0xc7: {  	v15 =	vld [tilespmem:s30+$0xFFFFFFF0];
	[tilespmem:v31+s18+$0x0] =	vst.idx.msk vm5, v16;
	v19 =	vadd.s32 v59, v24;
	v60 =	vmpcnt.ones.xlane vm7;
	vm2 =	vge.f32 v12, $5.000000000e-01  }
0xc8: {  	[tilespmem:v26+s18+$0x0] =	vst.idx.msk vm8, v20;
	v36, _, _ =	vpop (xrf0);
	v35 =	vadd.s32 v24, v35;
	vm5 =	vge.f32 v14, $5.000000000e-01;
	v20 =	vmpcnt.ones.xlane vm2  }
0xc9: {  	v16 =	vld [tilespmem:s30+$0x30];
	v61 =	vmpcnt.ones.xlane vm6;
	v36 =	vadd.s32 v36, v25;
	v25 =	vmpcnt.ones.xlane vm5  }
0xca: {  	[tilespmem:v27+s18+$0x0] =	vst.idx.msk vm9, v21;
	v63 =	vsel vm6, $0xFFFFFFFF, v4;
	v24 =	vadd.s32 v35, v60;
	v27 =	vsel vm5, $0xFFFFFFFF, v4  }
0xcb: {  	v21 =	vadd.s32 v24, v25;
	v24 =	vadd.s32 v27, v24;
	vm9 =	vge.f32 v13, $5.000000000e-01  }
0xcc: {  	(xrf0) =	vadd.scan.msk.s32 $0xffff, v34;
	vm8 =	vge.f32 v15, $5.000000000e-01;
	v27 =	vadd.s32 v29, v22;
	v25 =	vsel vm9, $0x1, v4  }
0xcd: {  	[tilespmem:v30+s18+$0x0] =	vst.idx.msk vm10, v17;
	v17 =	vsel vm5, $0x1, v4;
	v30 =	vmpcnt.ones.xlane vm8;
	(xrf0) =	vadd.scan.msk.s32 $0xffff, v25  }
0xce: {  	vm10 =	vge.f32 v16, $5.000000000e-01;
	v31 =	vsel vm8, $0x1, v4;
	v25 =	vsel vm2, $0x1, v4;
	(xrf0) =	vadd.scan.msk.s32 $0xffff, v17  }
0xcf: {  	v26 =	vmpcnt.ones.xlane vm9;
	v62 =	vsel vm10, $0x1, v4;
	v22 =	vadd.s32 v21, v30;
	(xrf0) =	vadd.scan.msk.s32 $0xffff, v25  }
0xd0: {  	[tilespmem:v36+s18+$0x0] =	vst.idx.msk vm11, v18;
	v18 =	vsel vm7, $0xFFFFFFFF, v4;
	v25 =	vadd.s32 v28, v23;
	(xrf0) =	vadd.scan.msk.s32 $0xffff, v31  }
0xd1: {  	v17 =	vmpcnt.ones.xlane vm10;
	v30 =	vadd.s32 v22, v26;
	v23 =	vsel vm7, $0x1, v4;
	(xrf0) =	vadd.scan.msk.s32 $0xffff, v62  }
0xd2: {  	v29, _, _ =	vpop (xrf0);
	v26 =	vadd.s32 v18, v35;
	v28 =	vsel vm6, $0x1, v4;
	v20 =	vadd.s32 v30, v20;
	(xrf0) =	vadd.scan.msk.s32 $0xffff, v23  }
0xd3: {  	s28 =	sshll.u32 s26, $0x10;
	s2 =	simm.s32 $0x8;
	s21 =	simm.s32 $0x140;
	v31 =	vsel vm2, $0xFFFFFFFF, v4;
	v23 =	vadd.s32 v63, v20;
	v20 =	vadd.s32 v20, v61;
	v18, _, _ =	vpop (xrf0)  }
.LBB2_7:
0xd4: {  	v32 =	vld [tilespmem:s21+$0xFFFFFFC0];
	s2 =	sadd.s32 $0x8, s2;
	v19 =	vadd.s32 v29, v19;
	v29, _, _ =	vpop (xrf0);
	[tilespmem:v27+s18+$0x0] =	vst.idx.msk vm4, v7;
	v7 =	vmov v13;
	vm12 =	vmmov vm7  }
0xd5: {  	v13 =	vsel vm8, $0xFFFFFFFF, v4;
	v31 =	vadd.s32 v31, v30;
	v33 =	vld [tilespmem:s21+$0x20];
	p0 =	slt.u32 s2, $0x3F8;
	v24 =	vadd.s32 v29, v24;
	v29, _, _ =	vpop (xrf0);
	[tilespmem:v25+s18+$0x0] =	vst.idx.msk vm3, v8  }
0xd6: {  	v13 =	vadd.s32 v13, v21;
	v8 =	vmov v16;
	v25 =	vld [tilespmem:s21+$0xFFFFFFD0];
	v21 =	vadd.s32 v29, v31;
	v27, _, _ =	vpop (xrf0);
	(xrf0) =	vadd.scan.msk.s32 $0xffff, v28  }
0xd7: {  	vm11 =	vmmov vm6;
	vm4 =	vmmov vm9;
	v28 =	vld [tilespmem:s21+$0x10];
	v16 =	vadd.s32 v27, v13;
	v30, _, _ =	vpop (xrf0)  }
0xd8: {  	v17 =	vadd.s32 v20, v17;
	vm3 =	vmmov vm10;
	v29 =	vsel vm10, $0xFFFFFFFF, v4;
	v27 =	vld [tilespmem:s21+$0xFFFFFFE0];
	v31, _, _ =	vpop (xrf0)  }
0xd9: {  	v13 =	vld [tilespmem:s21+$0x0];
	[tilespmem:v19+s18+$0x0] =	vst.idx.msk vm1, v11;
	vm1 =	vge.f32 v32, $5.000000000e-01;
	v26 =	vadd.s32 v31, v26;
	v19 =	vsel vm4, $0xFFFFFFFF, v4;
	v11 =	vmovc v32  }
0xda: {  	v31 =	vsel vm1, $0x1, v4;
	v32 =	vmpcnt.ones.xlane vm1;
	v34 =	vld [tilespmem:s21+$0xFFFFFFF0];
	[tilespmem:v24+s18+$0x0] =	vst.idx.msk vm5, v14;
	v22 =	vadd.s32 v19, v22  }
0xdb: {  	v14 =	vsel vm1, $0xFFFFFFFF, v4;
	vm6 =	vge.f32 v33, $5.000000000e-01;
	vm7 =	vge.f32 v25, $5.000000000e-01;
	(xrf0) =	vadd.scan.msk.s32 $0xffff, v31  }
0xdc: {  	v19 =	vadd.s32 v14, v17;
	v32 =	vadd.s32 v17, v32;
	v31 =	vmpcnt.ones.xlane vm7;
	[tilespmem:v16+s18+$0x0] =	vst.idx.msk vm8, v15;
	v15, _, _ =	vpop (xrf0)  }
0xdd: {  	v20 =	vadd.s32 v29, v20;
	vm5 =	vge.f32 v27, $5.000000000e-01;
	v16 =	vld [tilespmem:s21+$0x30];
	[tilespmem:v21+s18+$0x0] =	vst.idx.msk vm2, v12;
	v23 =	vadd.s32 v15, v23  }
0xde: {  	vm2 =	vge.f32 v28, $5.000000000e-01;
	v17 =	vadd.s32 v32, v31;
	v36 =	vmpcnt.ones.xlane vm5;
	[tilespmem:v26+s18+$0x0] =	vst.idx.msk vm12, v9;
	v9 =	vmovc v25  }
0xdf: {  	v12 =	vmovc v28;
	v14 =	vmovc v27;
	v24 =	vsel vm5, $0xFFFFFFFF, v4;
	vm9 =	vge.f32 v13, $5.000000000e-01;
	v26 =	vmpcnt.ones.xlane vm2  }
0xe0: {  	v35 =	vmpcnt.ones.xlane vm6;
	v31 =	vmpcnt.ones.xlane vm9;
	v15 =	vmovc v34;
	v21 =	vadd.s32 v17, v36  }
0xe1: {  	v25 =	vsel vm5, $0x1, v4;
	v24 =	vadd.s32 v24, v17;
	v17 =	vsel vm9, $0x1, v4;
	v29, _, _ =	vpop (xrf0)  }
0xe2: {  	v27 =	vsel vm2, $0x1, v4;
	vm8 =	vge.f32 v15, $5.000000000e-01;
	vm10 =	vge.f32 v16, $5.000000000e-01;
	(xrf0) =	vadd.scan.msk.s32 $0xffff, v17  }
0xe3: {  	v28 =	vmpcnt.ones.xlane vm8;
	v34 =	vsel vm10, $0x1, v4;
	v17 =	vmpcnt.ones.xlane vm10;
	(xrf0) =	vadd.scan.msk.s32 $0xffff, v25  }
.Ltmp4:
0xe4: {  	v36 =	vsel vm8, $0x1, v4;
	v25 =	vadd.s32 v30, v20;
	(xrf0) =	vadd.scan.msk.s32 $0xffff, v27;
	v27 =	vadd.s32 v18, v22;
	(pc) =	sbr.rel @p0 .LBB2_7-.Ltmp4, $4  }
0xe5: {  	v18 =	vsel vm7, $0x1, v4;
	v22 =	vadd.s32 v21, v28;
	v28 =	vsel vm6, $0x1, v4;
	(xrf0) =	vadd.scan.msk.s32 $0xffff, v36  }
0xe6: {  	v30 =	vadd.s32 v22, v31;
	v31 =	vsel vm2, $0xFFFFFFFF, v4;
	(xrf0) =	vadd.scan.msk.s32 $0xffff, v34;
	[tilespmem:v23+s18+$0x0] =	vst.idx.msk vm11, v10;
	v10 =	vmovc v33  }
0xe7: {  	v20 =	vsel vm7, $0xFFFFFFFF, v4;
	v33 =	vadd.s32 v30, v26;
	v23 =	vsel vm6, $0xFFFFFFFF, v4;
	(xrf0) =	vadd.scan.msk.s32 $0xffff, v18  }
0xe8: {  	s21 =	sadd.s32 $0x80, s21;
	v26 =	vadd.s32 v20, v32;
	v23 =	vadd.s32 v23, v33;
	v20 =	vadd.s32 v33, v35;
	v18, _, _ =	vpop (xrf0)  }
0xe9: {  	_ =	sdelay $0x3  }
0xea: {  	(xrf0) =	vadd.scan.msk.s32 $0xffff, v28;
	v28, _, _ =	vpop (xrf0);
	v19 =	vadd.s32 v29, v19  }
0xeb: {  	v29 =	vsel vm8, $0xFFFFFFFF, v4;
	[tilespmem:v27+s18+$0x0] =	vst.idx.msk vm4, v7;
	vm4 =	vmmov vm7;
	v32, _, _ =	vpop (xrf0)  }
0xec: {  	v24 =	vadd.s32 v28, v24;
	v21 =	vadd.s32 v29, v21;
	v29 =	vadd.s32 v31, v30;
	v28, _, _ =	vpop (xrf0)  }
0xed: {  	vm7 =	vmmov vm9;
	v7 =	vadd.s32 v32, v29;
	v21 =	vadd.s32 v28, v21;
	v28, _, _ =	vpop (xrf0)  }
0xee: {  	[tilespmem:v25+s18+$0x0] =	vst.idx.msk vm3, v8;
	v25 =	vsel vm7, $0xFFFFFFFF, v4;
	v27, _, _ =	vpop (xrf0)  }
0xef: {  	v8 =	vadd.s32 v27, v26;
	[tilespmem:v19+s18+$0x0] =	vst.idx.msk vm1, v11;
	v11 =	vadd.s32 v25, v22  }
0xf0: {  	v27 =	vsel vm10, $0xFFFFFFFF, v4;
	v26, _, _ =	vpop (xrf0);
	v11 =	vadd.s32 v18, v11  }
0xf1: {  	[tilespmem:v24+s18+$0x0] =	vst.idx.msk vm5, v14;
	v14 =	vadd.s32 v27, v20;
	v19 =	vadd.s32 v26, v23  }
0xf2: {  	v14 =	vadd.s32 v28, v14;
	[tilespmem:v7+s18+$0x0] =	vst.idx.msk vm2, v12  }
0xf3: {  	[tilespmem:v21+s18+$0x0] =	vst.idx.msk vm8, v15  }
0xf4: {  	s2 =	sor.u32 s28, s9;
	[tilespmem:v8+s18+$0x0] =	vst.idx.msk vm4, v9  }
0xf5: {  	s2 =	sshrl.u32 s2, $0x3;
	[tilespmem:v11+s18+$0x0] =	vst.idx.msk vm9, v13  }
0xf6: {  	s30 =	sadd.s32 s2, s1;
	[tilespmem:v19+s18+$0x0] =	vst.idx.msk vm6, v10  }
0xf7: {  	s2 =	sadd.s32 $0x1000, s30;
	[tilespmem:v14+s18+$0x0] =	vst.idx.msk vm10, v16  }
0xf8: {  	[tilespmem:s5], [sflag:$0x1] =	stream.linear.gather [hbm4b:s2+s5], $0x4000, $0x38;
	[tilespmem:$0x1C480] =	vst v63  }
0xf9: {  	_ =	swait.ge [sflag:s19], $0x4000  }
0xfa: {  	[sflag:s19] =	ssyncset.done $0x0  }
0xfb: {  	s21 =	simm.s32 $0x4040;
	[sflag:s19] =	ssyncadd.s32 $0xFFFFC000  }
0xfc: {  	v15 =	vld [tilespmem:s21+$0xFFFFFFC0]  }
0xfd: {  	v22 =	vld [tilespmem:s21+$0xFFFFFFD0]  }
0xfe: {  	v19 =	vld [tilespmem:s21+$0x20]  }
0xff: {  	v16 =	vld [tilespmem:s21+$0xFFFFFFE0]  }
0x100: {  	v7 =	vld [tilespmem:s21+$0x0]  }
0x101: {  	v8 =	vadd.s32 v20, v17;
	v17 =	vld [tilespmem:s21+$0x10]  }
0x102: {  	v20 =	vld [tilespmem:s21+$0xFFFFFFF0];
	_ =	sdelay $0x1  }
0x103: {  	vm3 =	vmmov vm6;
	vm1 =	vmmov vm10  }
0x104: {  	vm2 =	vge.f32 v15, $5.000000000e-01;
	vm5 =	vge.f32 v22, $5.000000000e-01;
	vm1 =	vge.f32 v19, $5.000000000e-01  }
0x105: {  	vm3 =	vge.f32 v16, $5.000000000e-01;
	vm4 =	vge.f32 v7, $5.000000000e-01;
	vm7 =	vge.f32 v17, $5.000000000e-01  }
0x106: {  	vm9 =	vge.f32 v20, $5.000000000e-01;
	v9 =	vsel vm2, $0x1, v4;
	v10 =	vmpcnt.ones.xlane vm2  }
0x107: {  	v11 =	vsel vm2, $0xFFFFFFFF, v4;
	v12 =	vmpcnt.ones.xlane vm5;
	v14 =	vsel vm4, $0x1, v4  }
0x108: {  	v18 =	vmpcnt.ones.xlane vm7;
	v13 =	vadd.s32 v11, v8;
	v10 =	vadd.s32 v8, v10;
	v8 =	vld [tilespmem:s21+$0x30]  }
0x109: {  	v21 =	vsel vm3, $0x1, v4;
	v23 =	vsel vm7, $0x1, v4;
	v24 =	vsel vm9, $0x1, v4;
	(xrf0) =	vadd.scan.msk.s32 $0xffff, v9  }
0x10a: {  	v25 =	vsel vm5, $0x1, v4;
	(xrf0) =	vadd.scan.msk.s32 $0xffff, v14;
	v11 =	vadd.s32 v10, v12;
	v12 =	vmpcnt.ones.xlane vm3  }
0x10b: {  	v27 =	vsel vm1, $0x1, v4;
	v28 =	vsel vm7, $0xFFFFFFFF, v4;
	(xrf0) =	vadd.scan.msk.s32 $0xffff, v21;
	v21 =	vmpcnt.ones.xlane vm9  }
0x10c: {  	v9 =	vsel vm3, $0xFFFFFFFF, v4;
	v14 =	vmpcnt.ones.xlane vm4;
	v12 =	vadd.s32 v11, v12  }
0x10d: {  	(xrf0) =	vadd.scan.msk.s32 $0xffff, v23;
	v23 =	vmpcnt.ones.xlane vm1;
	v21 =	vadd.s32 v12, v21;
	vm6 =	vge.f32 v8, $5.000000000e-01  }
0x10e: {  	v9 =	vadd.s32 v9, v11;
	(xrf0) =	vadd.scan.msk.s32 $0xffff, v24;
	v14 =	vadd.s32 v21, v14;
	v11 =	vsel vm6, $0x1, v4  }
0x10f: {  	s22 =	simm.s32 $0x40C0;
	vm10 =	vmmov vm5;
	v26, _, _ =	vpop (xrf0);
	v18 =	vadd.s32 v14, v18;
	(xrf0) =	vadd.scan.msk.s32 $0xffff, v11;
	v11 =	vsel vm5, $0xFFFFFFFF, v4  }
0x110: {  	v29, _, _ =	vpop (xrf0);
	v23 =	vadd.s32 v18, v23;
	(xrf0) =	vadd.scan.msk.s32 $0xffff, v25;
	v25 =	vsel vm1, $0xFFFFFFFF, v4;
	v30 =	vadd.s32 v11, v10;
	v11 =	vld [tilespmem:s22+$0xFFFFFFC0]  }
0x111: {  	v10, _, _ =	vpop (xrf0);
	v25 =	vadd.s32 v25, v18;
	v18 =	vadd.s32 v26, v13;
	v13 =	vsel vm9, $0xFFFFFFFF, v4  }
0x112: {  	vm11 =	vmmov vm1;
	v24 =	vmpcnt.ones.xlane vm6;
	v31 =	vadd.s32 v10, v9;
	v9 =	vld [tilespmem:s22+$0xFFFFFFD0]  }
0x113: {  	v14 =	vadd.s32 v28, v14;
	v59 =	vsel vm6, $0xFFFFFFFF, v4;
	vm5 =	vmmov vm4;
	v26, _, _ =	vpop (xrf0);
	v10 =	vld [tilespmem:s22+$0x20]  }
0x114: {  	vm4 =	vmmov vm6;
	v12 =	vadd.s32 v13, v12;
	v26 =	vadd.s32 v26, v14;
	v14 =	vld [tilespmem:s22+$0xFFFFFFE0];
	v13, _, _ =	vpop (xrf0)  }
0x115: {  	v24 =	vadd.s32 v23, v24;
	v33 =	vsel vm5, $0xFFFFFFFF, v4;
	(xrf0) =	vadd.scan.msk.s32 $0xffff, v27;
	v28, _, _ =	vpop (xrf0);
	vm1 =	vge.f32 v11, $5.000000000e-01  }
0x116: {  	v33 =	vadd.s32 v33, v21;
	v27 =	vadd.s32 v13, v12;
	v12 =	vld [tilespmem:s22+$0x10];
	v13, _, _ =	vpop (xrf0);
	v34 =	vsel vm1, $0x1, v4  }
0x117: {  	v35 =	vmpcnt.ones.xlane vm1;
	v21 =	vsel vm1, $0xFFFFFFFF, v4;
	v30 =	vadd.s32 v13, v30;
	v13 =	vld [tilespmem:s22+$0x0]  }
0x118: {  	vm8 =	vge.f32 v9, $5.000000000e-01;
	[tilespmem:v18+s18+$0x0] =	vst.idx.msk vm2, v15;
	v15 =	vld [tilespmem:s22+$0xFFFFFFF0];
	vm6 =	vge.f32 v10, $5.000000000e-01;
	v18 =	vadd.s32 v21, v24  }
0x119: {  	[tilespmem:v31+s18+$0x0] =	vst.idx.msk vm3, v16;
	v21 =	vmpcnt.ones.xlane vm8;
	vm3 =	vge.f32 v14, $5.000000000e-01;
	v61 =	vmpcnt.ones.xlane vm6  }
0x11a: {  	v63 =	vsel vm8, $0x1, v4;
	v35 =	vadd.s32 v24, v35;
	v24 =	vadd.s32 v59, v23  }
0x11b: {  	[tilespmem:v26+s18+$0x0] =	vst.idx.msk vm7, v17;
	v23 =	vadd.s32 v35, v21;
	v21 =	vmpcnt.ones.xlane vm3;
	v36, _, _ =	vpop (xrf0);
	vm2 =	vge.f32 v12, $5.000000000e-01  }
0x11c: {  	v16 =	vld [tilespmem:s22+$0x30];
	[tilespmem:v27+s18+$0x0] =	vst.idx.msk vm9, v20;
	v20 =	vsel vm3, $0xFFFFFFFF, v4;
	v25 =	vadd.s32 v36, v25;
	vm9 =	vge.f32 v13, $5.000000000e-01  }
0x11d: {  	(xrf0) =	vadd.scan.msk.s32 $0xffff, v34;
	v21 =	vadd.s32 v23, v21;
	vm7 =	vge.f32 v15, $5.000000000e-01;
	v26 =	vsel vm9, $0x1, v4  }
0x11e: {  	[tilespmem:v30+s18+$0x0] =	vst.idx.msk vm10, v22;
	v22 =	vsel vm3, $0x1, v4;
	v30 =	vmpcnt.ones.xlane vm7;
	(xrf0) =	vadd.scan.msk.s32 $0xffff, v26  }
0x11f: {  	v23 =	vadd.s32 v20, v23;
	v20 =	vsel vm2, $0x1, v4;
	v60 =	vmpcnt.ones.xlane vm9;
	(xrf0) =	vadd.scan.msk.s32 $0xffff, v22  }
0x120: {  	v27 =	vadd.s32 v29, v33;
	v17 =	vmpcnt.ones.xlane vm2;
	(xrf0) =	vadd.scan.msk.s32 $0xffff, v20;
	v20 =	vadd.s32 v21, v30  }
0x121: {  	vm10 =	vge.f32 v16, $5.000000000e-01;
	v22 =	vsel vm7, $0x1, v4;
	v29 =	vadd.s32 v20, v60  }
0x122: {  	v24 =	vadd.s32 v28, v24;
	v62 =	vsel vm10, $0x1, v4;
	(xrf0) =	vadd.scan.msk.s32 $0xffff, v22;
	v17 =	vadd.s32 v29, v17  }
0x123: {  	v31 =	vsel vm6, $0x1, v4;
	v26 =	vmpcnt.ones.xlane vm10;
	v30 =	vsel vm2, $0xFFFFFFFF, v4;
	(xrf0) =	vadd.scan.msk.s32 $0xffff, v62  }
0x124: {  	v28, _, _ =	vpop (xrf0);
	[tilespmem:v25+s18+$0x0] =	vst.idx.msk vm11, v19;
	v19 =	vsel vm8, $0xFFFFFFFF, v4;
	v22 =	vsel vm6, $0xFFFFFFFF, v4;
	(xrf0) =	vadd.scan.msk.s32 $0xffff, v63  }
0x125: {  	s2 =	simm.s32 $0x8;
	s21 =	simm.s32 $0x4140;
	v25 =	vadd.s32 v19, v35;
	v22 =	vadd.s32 v22, v17;
	v19 =	vadd.s32 v17, v61;
	v17, _, _ =	vpop (xrf0)  }
.LBB2_9:
0x126: {  	v32 =	vld [tilespmem:s21+$0xFFFFFFC0];
	s2 =	sadd.s32 $0x8, s2;
	v18 =	vadd.s32 v28, v18;
	v28, _, _ =	vpop (xrf0);
	[tilespmem:v27+s18+$0x0] =	vst.idx.msk vm5, v7;
	v7 =	vmov v13;
	vm12 =	vmmov vm8  }
0x127: {  	v13 =	vsel vm7, $0xFFFFFFFF, v4;
	v30 =	vadd.s32 v30, v29;
	v33 =	vld [tilespmem:s21+$0x20];
	p0 =	slt.u32 s2, $0x3F8;
	v23 =	vadd.s32 v28, v23;
	v28, _, _ =	vpop (xrf0);
	[tilespmem:v24+s18+$0x0] =	vst.idx.msk vm4, v8  }
0x128: {  	v13 =	vadd.s32 v13, v21;
	v8 =	vmov v16;
	v24 =	vld [tilespmem:s21+$0xFFFFFFD0];
	v21 =	vadd.s32 v28, v30;
	v27, _, _ =	vpop (xrf0);
	(xrf0) =	vadd.scan.msk.s32 $0xffff, v31  }
0x129: {  	vm11 =	vmmov vm6;
	vm5 =	vmmov vm9;
	v28 =	vld [tilespmem:s21+$0x10];
	v16 =	vadd.s32 v27, v13;
	v29, _, _ =	vpop (xrf0)  }
0x12a: {  	v26 =	vadd.s32 v19, v26;
	vm4 =	vmmov vm10;
	v30 =	vsel vm10, $0xFFFFFFFF, v4;
	v27 =	vld [tilespmem:s21+$0xFFFFFFE0];
	v31, _, _ =	vpop (xrf0)  }
0x12b: {  	v13 =	vld [tilespmem:s21+$0x0];
	[tilespmem:v18+s18+$0x0] =	vst.idx.msk vm1, v11;
	vm1 =	vge.f32 v32, $5.000000000e-01;
	v25 =	vadd.s32 v31, v25;
	v18 =	vsel vm5, $0xFFFFFFFF, v4;
	v11 =	vmovc v32  }
0x12c: {  	v31 =	vsel vm1, $0x1, v4;
	v32 =	vmpcnt.ones.xlane vm1;
	v34 =	vld [tilespmem:s21+$0xFFFFFFF0];
	[tilespmem:v23+s18+$0x0] =	vst.idx.msk vm3, v14;
	v20 =	vadd.s32 v18, v20  }
0x12d: {  	v14 =	vsel vm1, $0xFFFFFFFF, v4;
	vm6 =	vge.f32 v33, $5.000000000e-01;
	vm8 =	vge.f32 v24, $5.000000000e-01;
	(xrf0) =	vadd.scan.msk.s32 $0xffff, v31  }
0x12e: {  	v18 =	vadd.s32 v14, v26;
	v32 =	vadd.s32 v26, v32;
	v26 =	vmpcnt.ones.xlane vm8;
	[tilespmem:v16+s18+$0x0] =	vst.idx.msk vm7, v15;
	v15, _, _ =	vpop (xrf0)  }
0x12f: {  	v19 =	vadd.s32 v30, v19;
	vm3 =	vge.f32 v27, $5.000000000e-01;
	v16 =	vld [tilespmem:s21+$0x30];
	[tilespmem:v21+s18+$0x0] =	vst.idx.msk vm2, v12;
	v22 =	vadd.s32 v15, v22  }
0x130: {  	vm2 =	vge.f32 v28, $5.000000000e-01;
	v23 =	vadd.s32 v32, v26;
	v26 =	vmpcnt.ones.xlane vm3;
	[tilespmem:v25+s18+$0x0] =	vst.idx.msk vm12, v9;
	v9 =	vmovc v24  }
0x131: {  	v12 =	vmovc v28;
	v14 =	vmovc v27;
	v24 =	vsel vm3, $0xFFFFFFFF, v4;
	vm9 =	vge.f32 v13, $5.000000000e-01;
	v25 =	vmpcnt.ones.xlane vm2  }
0x132: {  	v35 =	vmpcnt.ones.xlane vm6;
	v30 =	vmpcnt.ones.xlane vm9;
	v15 =	vmovc v34;
	v21 =	vadd.s32 v23, v26  }
0x133: {  	v27 =	vsel vm3, $0x1, v4;
	v23 =	vadd.s32 v24, v23;
	v24 =	vsel vm9, $0x1, v4;
	v28, _, _ =	vpop (xrf0)  }
0x134: {  	v31 =	vsel vm2, $0x1, v4;
	vm7 =	vge.f32 v15, $5.000000000e-01;
	vm10 =	vge.f32 v16, $5.000000000e-01;
	(xrf0) =	vadd.scan.msk.s32 $0xffff, v24  }
0x135: {  	v34 =	vmpcnt.ones.xlane vm7;
	v36 =	vsel vm10, $0x1, v4;
	v26 =	vmpcnt.ones.xlane vm10;
	(xrf0) =	vadd.scan.msk.s32 $0xffff, v27  }
.Ltmp5:
0x136: {  	v37 =	vsel vm7, $0x1, v4;
	v24 =	vadd.s32 v29, v19;
	v27 =	vadd.s32 v17, v20;
	(xrf0) =	vadd.scan.msk.s32 $0xffff, v31;
	(pc) =	sbr.rel @p0 .LBB2_9-.Ltmp5, $4  }
0x137: {  	v17 =	vsel vm8, $0x1, v4;
	v20 =	vadd.s32 v21, v34;
	v31 =	vsel vm6, $0x1, v4;
	(xrf0) =	vadd.scan.msk.s32 $0xffff, v37  }
0x138: {  	v29 =	vadd.s32 v20, v30;
	v30 =	vsel vm2, $0xFFFFFFFF, v4;
	(xrf0) =	vadd.scan.msk.s32 $0xffff, v36;
	[tilespmem:v22+s18+$0x0] =	vst.idx.msk vm11, v10;
	v10 =	vmovc v33  }
0x139: {  	v19 =	vsel vm8, $0xFFFFFFFF, v4;
	v33 =	vadd.s32 v29, v25;
	v22 =	vsel vm6, $0xFFFFFFFF, v4;
	(xrf0) =	vadd.scan.msk.s32 $0xffff, v17  }
0x13a: {  	s21 =	sadd.s32 $0x80, s21;
	v25 =	vadd.s32 v19, v32;
	v22 =	vadd.s32 v22, v33;
	v19 =	vadd.s32 v33, v35;
	v17, _, _ =	vpop (xrf0)  }
0x13b: {  	v26 =	vadd.s32 v19, v26  }
0x13c: {  	v26 =	vxor.u32 $0x80000000, v26  }
0x13d: {  	(xrf0) =	vadd.scan.msk.s32 $0xffff, v31  }
0x13e: {  	v31, _, _ =	vpop (xrf0);
	(xrf0) =	vmax.scan.msk.u32 $0xffff, v26  }
0x13f: {  	v26, _, _ =	vpop (xrf0)  }
0x140: {  	v32, _, _ =	vpop (xrf0)  }
0x141: {  	v33, _, _ =	vpop (xrf0)  }
0x142: {  	v34, _, _ =	vpop (xrf0)  }
0x143: {  	v35, _, _ =	vpop (xrf0)  }
0x144: {  	v36, _, _ =	vpop (xrf0)  }
0x145: {  	(v2sf) =	vpush v36, $0xF;
	_ =	sdelay $0xe  }
0x146: {  	s2 =	spop (v2sf)  }
0x147: {  	s21 =	ssub.s32 $0x0, s23;
	v18 =	vadd.s32 v28, v18;
	s2 =	sxor.u32 $0x80000000, s2  }
0x148: {  	s8 =	sand.u32 $0x7, s21;
	s0 =	ssub.s32 s2, s0  }
0x149: {  	v28 =	vsel vm7, $0xFFFFFFFF, v4;
	v23 =	vadd.s32 v31, v23;
	s21 =	sadd.s32 s23, s8;
	s22 =	sadd.s32 s23, s0  }
0x14a: {  	[tilespmem:v27+s18+$0x0] =	vst.idx.msk vm5, v7;
	v21 =	vadd.s32 v28, v21;
	p0 =	slt.s32 s21, s22;
	s2 =	smov.u32 s22  }
0x14b: {  	v29 =	vadd.s32 v30, v29;
	[tilespmem:v24+s18+$0x0] =	vst.idx.msk vm4, v8;
	vm4 =	vmmov vm9;
	v21 =	vadd.s32 v32, v21;
	s2 =	smov.u32 @p0 s21;
	s21 =	sand.u32 $0xFFFFFFF8, s22  }
0x14c: {  	vm5 =	vmmov vm8;
	v7 =	vadd.s32 v26, v29;
	[tilespmem:v18+s18+$0x0] =	vst.idx.msk vm1, v11;
	v18 =	vsel vm4, $0xFFFFFFFF, v4;
	p0 =	sgt.s32 s21, s2;
	s4 =	smov.u32 s2  }
0x14d: {  	v8 =	vsel vm10, $0xFFFFFFFF, v4;
	v18 =	vadd.s32 v18, v20;
	v11 =	vadd.s32 v34, v25;
	s4 =	smov.u32 @p0 s21;
	p0 =	slt.s32 s0, $0x1  }
0x14e: {  	vm6 =	vmmov vm6;
	v8 =	vadd.s32 v8, v19;
	[tilespmem:v23+s18+$0x0] =	vst.idx.msk vm3, v14;
	v14 =	vadd.s32 v17, v18;
	s7 =	ssub.s32 @!p0 s22, s4;
	s10 =	ssub.s32 @!p0 s2, s23  }
0x14f: {  	s14 =	sand.u32 $0xFFFFFFF8, s23;
	v8 =	vadd.s32 v33, v8;
	v18 =	vlaneseq.u32 @!p0;
	v17 =	vmov @!p0 s10;
	s7 =	sadd.s32 @!p0 s10, s7  }
0x150: {  	v20 =	vadd.s32 v35, v22;
	[tilespmem:v21+s18+$0x0] =	vst.idx.msk vm7, v15;
	s8 =	ssub.s32 @!p0 s4, s14;
	v15 =	vmov @!p0 s7;
	v17 =	vsub.s32 @!p0 v18, v17  }
0x151: {  	[tilespmem:v7+s18+$0x0] =	vst.idx.msk vm2, v12;
	vm1 =	vgt.s32 @!p0 v15, v18;
	v7 =	vadd.s32 @!p0 s8, v17  }
0x152: {  	[tilespmem:v11+s18+$0x0] =	vst.idx.msk vm5, v9;
	vm2 =	vlt.s32 @!p0 v18, s10;
	v9 =	vadd.s32 @!p0 v18, v6;
	v6 =	vsel @!p0 vm1, v7, v6  }
0x153: {  	[tilespmem:v14+s18+$0x0] =	vst.idx.msk vm9, v13;
	v6 =	vsel @!p0 vm2, v9, v6  }
0x154: {  	[tilespmem:v8+s18+$0x0] =	vst.idx.msk vm10, v16;
	v7 =	vadd.s32 @!p0 s4, v17  }
0x155: {  	[tilespmem:v20+s18+$0x0] =	vst.idx.msk vm6, v10;
	s10 =	sadd.s32 $0x1800, s30;
	v8 =	vadd.s32 @!p0 s23, v18;
	v7 =	vnsel @!p0 vm1, s23, v7  }
0x156: {  	[tilespmem:s15], [sflag:$0x2] =	stream.linear.gather [hbm4b:s10+s5], $0x4000, $0x38;
	v7 =	vsel @!p0 vm2, v8, v7;
	[tilespmem:$0x1C480] =	vst v63  }
0x157: {  	s7 =	simm.s32 @!p0 $0x8000;
	[tilespmem:$0x1C200] =	vst @!p0 v7  }
0x158: {  	v6 =	vld.idx.msk @!p0 [tilespmem:v6+s7+$0x0], $0xffff;
	_ =	sdelay $0x3  }
0x159: {  	s30 =	ssub.s32 s4, s2;
	s10 =	simm.s32 @!p0 $0x1C280;
	s8 =	simm.s32 @!p0 $0x1C200  }
0x15a: {  	s4 =	sand.u32 $0x8000, s30;
	s23 =	simm.s32 @!p0 $0x0;
	s7 =	simm.s32 @!p0 $0x10;
	[tilespmem:$0x1C280] =	vst @!p0 v6  }
0x15b: {  	[hbm4b:s3+s7] =	stream.indirect.scatter @!p0 [tilespmem:s10], [sflag:$0x3], $0x1, s8, s7, $0xb8;
	[tilespmem:$0x1C480] =	vst v63  }
0x15c: {  	s23 =	simm.s32 @p0 $0x1;
	p0 =	seq.s32 s4, $0x0  }
0x15d: {  	[smem:$0x7F0] =	sst s23;
	s4 =	sand.u32 @!p0 $0xFFFF0000, s30  }
0x15e: {  	s23 =	ssub.s32 s2, s14;
	s14 =	sand.u32 $0x4000, s30;
	s7 =	sadd.s32 @!p0 s2, s4  }
0x15f: {  	s8 =	simm.s32 @!p0 $0x0;
	s4 =	sadd.s32 @!p0 s4, s23;
	s7 =	sshrl.u32 @!p0 s7, $0x3  }
0x160: {  	s10 =	simm.s32 @!p0 $0x0;
	s4 =	sadd.s32 @!p0 $0x8000, s4;
	s7 =	sadd.s32 @!p0 s3, s7  }
0x161: {  	[hbm4b:s7+s8] =	stream.linear.scatter @!p0 [tilespmem:s4], [sflag:$0x3], $0x8000, $0x38;
	[tilespmem:$0x1C480] =	vst v63  }
0x162: {  	s10 =	simm.s32 @p0 $0x1;
	p0 =	seq.s32 s14, $0x0  }
0x163: {  	s4 =	sand.u32 @!p0 $0xFFFF8000, s30  }
0x164: {  	s7 =	sadd.s32 @!p0 s2, s4  }
0x165: {  	s4 =	sadd.s32 @!p0 s4, s23;
	s7 =	sshrl.u32 @!p0 s7, $0x3  }
0x166: {  	s8 =	simm.s32 @!p0 $0x0;
	s4 =	sadd.s32 @!p0 $0x8000, s4;
	s7 =	sadd.s32 @!p0 s3, s7  }
0x167: {  	[hbm4b:s7+s8] =	stream.linear.scatter @!p0 [tilespmem:s4], [sflag:$0x3], $0x4000, $0x38;
	[tilespmem:$0x1C480] =	vst v63  }
0x168: {  	[smem:$0x7F1] =	sst s10;
	s10 =	simm.s32 @!p0 $0x0;
	s7 =	sand.u32 $0x2000, s30  }
0x169: {  	s10 =	simm.s32 @p0 $0x1;
	p0 =	seq.s32 s7, $0x0  }
0x16a: {  	s4 =	sand.u32 @!p0 $0xFFFFC000, s30  }
0x16b: {  	s7 =	sadd.s32 @!p0 s2, s4  }
0x16c: {  	s4 =	sadd.s32 @!p0 s4, s23;
	s7 =	sshrl.u32 @!p0 s7, $0x3  }
0x16d: {  	s8 =	simm.s32 @!p0 $0x0;
	s4 =	sadd.s32 @!p0 $0x8000, s4;
	s7 =	sadd.s32 @!p0 s3, s7  }
0x16e: {  	[hbm4b:s7+s8] =	stream.linear.scatter @!p0 [tilespmem:s4], [sflag:$0x3], $0x2000, $0x38;
	[tilespmem:$0x1C480] =	vst v63  }
0x16f: {  	[smem:$0x7F2] =	sst s10;
	s10 =	simm.s32 @!p0 $0x0;
	s8 =	sand.u32 $0x1000, s30  }
0x170: {  	s10 =	simm.s32 @p0 $0x1;
	p0 =	seq.s32 s8, $0x0  }
0x171: {  	[smem:$0x7F3] =	sst s10;
	s4 =	sand.u32 @!p0 $0xFFFFE000, s30;
	s8 =	simm.s32 @!p0 $0x0  }
0x172: {  	s10 =	simm.s32 @!p0 $0x0;
	s7 =	sadd.s32 @!p0 s2, s4;
	s4 =	sadd.s32 @!p0 s4, s23  }
0x173: {  	s10 =	simm.s32 @p0 $0x1;
	s7 =	sshrl.u32 @!p0 s7, $0x3;
	s4 =	sadd.s32 @!p0 $0x8000, s4  }
0x174: {  	[smem:$0x7F4] =	sst s10;
	s10 =	sand.u32 $0x800, s30;
	s7 =	sadd.s32 @!p0 s3, s7  }
0x175: {  	[hbm4b:s7+s8] =	stream.linear.scatter @!p0 [tilespmem:s4], [sflag:$0x3], $0x1000, $0x38;
	[tilespmem:$0x1C480] =	vst v63  }
0x176: {  	p0 =	seq.s32 s10, $0x0  }
0x177: {  	s4 =	sand.u32 @!p0 $0xFFFFF000, s30  }
0x178: {  	s14 =	sand.u32 $0x400, s30;
	s7 =	sadd.s32 @!p0 s2, s4  }
0x179: {  	s8 =	simm.s32 @!p0 $0x0;
	s4 =	sadd.s32 @!p0 s4, s23;
	s7 =	sshrl.u32 @!p0 s7, $0x3  }
0x17a: {  	s10 =	simm.s32 @!p0 $0x0;
	s4 =	sadd.s32 @!p0 $0x8000, s4;
	s7 =	sadd.s32 @!p0 s3, s7  }
0x17b: {  	[hbm4b:s7+s8] =	stream.linear.scatter @!p0 [tilespmem:s4], [sflag:$0x3], $0x800, $0x38;
	[tilespmem:$0x1C480] =	vst v63  }
0x17c: {  	s10 =	simm.s32 @p0 $0x1;
	p0 =	seq.s32 s14, $0x0  }
0x17d: {  	s4 =	sand.u32 @!p0 $0xFFFFF800, s30  }
0x17e: {  	s7 =	sadd.s32 @!p0 s2, s4  }
0x17f: {  	s4 =	sadd.s32 @!p0 s4, s23;
	s7 =	sshrl.u32 @!p0 s7, $0x3  }
0x180: {  	s8 =	simm.s32 @!p0 $0x0;
	s4 =	sadd.s32 @!p0 $0x8000, s4;
	s7 =	sadd.s32 @!p0 s3, s7  }
0x181: {  	[hbm4b:s7+s8] =	stream.linear.scatter @!p0 [tilespmem:s4], [sflag:$0x3], $0x400, $0x38;
	[tilespmem:$0x1C480] =	vst v63  }
0x182: {  	[smem:$0x7F5] =	sst s10;
	s10 =	simm.s32 @!p0 $0x0;
	s7 =	sand.u32 $0x200, s30  }
0x183: {  	s10 =	simm.s32 @p0 $0x1;
	p0 =	seq.s32 s7, $0x0  }
0x184: {  	s4 =	sand.u32 @!p0 $0xFFFFFC00, s30  }
0x185: {  	s7 =	sadd.s32 @!p0 s2, s4  }
0x186: {  	s4 =	sadd.s32 @!p0 s4, s23;
	s7 =	sshrl.u32 @!p0 s7, $0x3  }
0x187: {  	s8 =	simm.s32 @!p0 $0x0;
	s4 =	sadd.s32 @!p0 $0x8000, s4;
	s7 =	sadd.s32 @!p0 s3, s7  }
0x188: {  	[hbm4b:s7+s8] =	stream.linear.scatter @!p0 [tilespmem:s4], [sflag:$0x3], $0x200, $0x38;
	[tilespmem:$0x1C480] =	vst v63  }
0x189: {  	[smem:$0x7F6] =	sst s10;
	s10 =	simm.s32 @!p0 $0x0;
	s8 =	sand.u32 $0x100, s30  }
0x18a: {  	s10 =	simm.s32 @p0 $0x1;
	p0 =	seq.s32 s8, $0x0  }
0x18b: {  	[smem:$0x7F7] =	sst s10;
	s4 =	sand.u32 @!p0 $0xFFFFFE00, s30;
	s8 =	simm.s32 @!p0 $0x0  }
0x18c: {  	s10 =	simm.s32 @!p0 $0x0;
	s7 =	sadd.s32 @!p0 s2, s4;
	s4 =	sadd.s32 @!p0 s4, s23  }
0x18d: {  	s10 =	simm.s32 @p0 $0x1;
	s7 =	sshrl.u32 @!p0 s7, $0x3;
	s4 =	sadd.s32 @!p0 $0x8000, s4  }
0x18e: {  	[smem:$0x7F8] =	sst s10;
	s10 =	sand.u32 $0x80, s30;
	s7 =	sadd.s32 @!p0 s3, s7  }
0x18f: {  	[hbm4b:s7+s8] =	stream.linear.scatter @!p0 [tilespmem:s4], [sflag:$0x3], $0x100, $0x38;
	[tilespmem:$0x1C480] =	vst v63  }
0x190: {  	p0 =	seq.s32 s10, $0x0  }
0x191: {  	s4 =	sand.u32 @!p0 $0xFFFFFF00, s30  }
0x192: {  	s14 =	sand.u32 $0x40, s30;
	s7 =	sadd.s32 @!p0 s2, s4  }
0x193: {  	s8 =	simm.s32 @!p0 $0x0;
	s4 =	sadd.s32 @!p0 s4, s23;
	s7 =	sshrl.u32 @!p0 s7, $0x3  }
0x194: {  	s10 =	simm.s32 @!p0 $0x0;
	s4 =	sadd.s32 @!p0 $0x8000, s4;
	s7 =	sadd.s32 @!p0 s3, s7  }
0x195: {  	[hbm4b:s7+s8] =	stream.linear.scatter @!p0 [tilespmem:s4], [sflag:$0x3], $0x80, $0x38;
	[tilespmem:$0x1C480] =	vst v63  }
0x196: {  	s10 =	simm.s32 @p0 $0x1;
	p0 =	seq.s32 s14, $0x0  }
0x197: {  	s4 =	sand.u32 @!p0 $0xFFFFFF80, s30  }
0x198: {  	s7 =	sadd.s32 @!p0 s2, s4  }
0x199: {  	s4 =	sadd.s32 @!p0 s4, s23;
	s7 =	sshrl.u32 @!p0 s7, $0x3  }
0x19a: {  	s8 =	simm.s32 @!p0 $0x0;
	s4 =	sadd.s32 @!p0 $0x8000, s4;
	s7 =	sadd.s32 @!p0 s3, s7  }
0x19b: {  	[hbm4b:s7+s8] =	stream.linear.scatter @!p0 [tilespmem:s4], [sflag:$0x3], $0x40, $0x38;
	[tilespmem:$0x1C480] =	vst v63  }
0x19c: {  	[smem:$0x7F9] =	sst s10;
	s10 =	simm.s32 @!p0 $0x0;
	s7 =	sand.u32 $0x20, s30  }
0x19d: {  	s10 =	simm.s32 @p0 $0x1;
	p0 =	seq.s32 s7, $0x0  }
0x19e: {  	s4 =	sand.u32 @!p0 $0xFFFFFFC0, s30  }
0x19f: {  	s7 =	sadd.s32 @!p0 s2, s4  }
0x1a0: {  	s4 =	sadd.s32 @!p0 s4, s23;
	s7 =	sshrl.u32 @!p0 s7, $0x3  }
0x1a1: {  	s8 =	simm.s32 @!p0 $0x0;
	s4 =	sadd.s32 @!p0 $0x8000, s4;
	s7 =	sadd.s32 @!p0 s3, s7  }
0x1a2: {  	[hbm4b:s7+s8] =	stream.linear.scatter @!p0 [tilespmem:s4], [sflag:$0x3], $0x20, $0x38;
	[tilespmem:$0x1C480] =	vst v63  }
0x1a3: {  	[smem:$0x7FA] =	sst s10;
	s10 =	simm.s32 @!p0 $0x0;
	s8 =	sand.u32 $0x10, s30  }
0x1a4: {  	s10 =	simm.s32 @p0 $0x1;
	p0 =	seq.s32 s8, $0x0  }
0x1a5: {  	[smem:$0x7FB] =	sst s10;
	s4 =	sand.u32 @!p0 $0xFFFFFFE0, s30;
	s8 =	simm.s32 @!p0 $0x0  }
0x1a6: {  	s10 =	simm.s32 @!p0 $0x0;
	s7 =	sadd.s32 @!p0 s2, s4;
	s4 =	sadd.s32 @!p0 s4, s23  }
0x1a7: {  	s10 =	simm.s32 @p0 $0x1;
	s7 =	sshrl.u32 @!p0 s7, $0x3;
	s4 =	sadd.s32 @!p0 $0x8000, s4  }
0x1a8: {  	[smem:$0x7FC] =	sst s10;
	s10 =	sand.u32 $0x8, s30;
	s7 =	sadd.s32 @!p0 s3, s7  }
0x1a9: {  	[hbm4b:s7+s8] =	stream.linear.scatter @!p0 [tilespmem:s4], [sflag:$0x3], $0x10, $0x38;
	[tilespmem:$0x1C480] =	vst v63  }
0x1aa: {  	p0 =	seq.s32 s10, $0x0  }
0x1ab: {  	s4 =	sand.u32 @!p0 $0xFFFFFFF0, s30  }
0x1ac: {  	s2 =	sadd.s32 @!p0 s2, s4  }
0x1ad: {  	s7 =	simm.s32 @!p0 $0x0;
	s4 =	sadd.s32 @!p0 s4, s23;
	s2 =	sshrl.u32 @!p0 s2, $0x3  }
0x1ae: {  	s8 =	simm.s32 @!p0 $0x0;
	s4 =	sadd.s32 @!p0 $0x8000, s4;
	s2 =	sadd.s32 @!p0 s3, s2  }
0x1af: {  	[hbm4b:s2+s7] =	stream.linear.scatter @!p0 [tilespmem:s4], [sflag:$0x3], $0x8, $0x38;
	[tilespmem:$0x1C480] =	vst v63  }
0x1b0: {  	s8 =	simm.s32 @p0 $0x1;
	p0 =	slt.s32 s31, $0x1  }
0x1b1: {  	[smem:$0x7FD] =	sst s8;
	s2 =	simm.s32 @!p0 $0x4  }
0x1b2: {  	s14 =	sand.u32 $0x8000, s29;
	_ =	swait.ge @!p0 [sflag:s2], $0x10  }
0x1b3: {  	p1 =	seq.s32 s14, $0x0;
	[sflag:s2] =	ssyncset.done @!p0 $0x0  }
0x1b4: {  	[sflag:s2] =	ssyncadd.s32 @!p0 $0xFFFFFFF0;
	s2 =	simm.s32 @!p1 $0x4  }
0x1b5: {  	s23 =	sand.u32 $0x4000, s29;
	_ =	swait.ge @!p1 [sflag:s2], $0x8000  }
0x1b6: {  	p0 =	seq.s32 s23, $0x0;
	[sflag:s2] =	ssyncset.done @!p1 $0x0  }
0x1b7: {  	[sflag:s2] =	ssyncadd.s32 @!p1 $0xFFFF8000;
	s2 =	simm.s32 @!p0 $0x4  }
0x1b8: {  	s31 =	sand.u32 $0x2000, s29;
	_ =	swait.ge @!p0 [sflag:s2], $0x4000  }
0x1b9: {  	p1 =	seq.s32 s31, $0x0;
	[sflag:s2] =	ssyncset.done @!p0 $0x0  }
0x1ba: {  	[sflag:s2] =	ssyncadd.s32 @!p0 $0xFFFFC000;
	s2 =	simm.s32 @!p1 $0x4  }
0x1bb: {  	s7 =	sand.u32 $0x1000, s29;
	_ =	swait.ge @!p1 [sflag:s2], $0x2000  }
0x1bc: {  	p0 =	seq.s32 s7, $0x0;
	[sflag:s2] =	ssyncset.done @!p1 $0x0  }
0x1bd: {  	[sflag:s2] =	ssyncadd.s32 @!p1 $0xFFFFE000;
	s2 =	simm.s32 @!p0 $0x4  }
0x1be: {  	s8 =	sand.u32 $0x800, s29;
	_ =	swait.ge @!p0 [sflag:s2], $0x1000  }
0x1bf: {  	p1 =	seq.s32 s8, $0x0;
	[sflag:s2] =	ssyncset.done @!p0 $0x0  }
0x1c0: {  	[sflag:s2] =	ssyncadd.s32 @!p0 $0xFFFFF000;
	s2 =	simm.s32 @!p1 $0x4  }
0x1c1: {  	s10 =	sand.u32 $0x400, s29;
	_ =	swait.ge @!p1 [sflag:s2], $0x800  }
0x1c2: {  	p0 =	seq.s32 s10, $0x0;
	[sflag:s2] =	ssyncset.done @!p1 $0x0  }
0x1c3: {  	[sflag:s2] =	ssyncadd.s32 @!p1 $0xFFFFF800;
	s2 =	simm.s32 @!p0 $0x4  }
0x1c4: {  	s14 =	sand.u32 $0x200, s29;
	_ =	swait.ge @!p0 [sflag:s2], $0x400  }
0x1c5: {  	p1 =	seq.s32 s14, $0x0;
	[sflag:s2] =	ssyncset.done @!p0 $0x0  }
0x1c6: {  	[sflag:s2] =	ssyncadd.s32 @!p0 $0xFFFFFC00;
	s2 =	simm.s32 @!p1 $0x4  }
0x1c7: {  	s23 =	sand.u32 $0x100, s29;
	_ =	swait.ge @!p1 [sflag:s2], $0x200  }
0x1c8: {  	p0 =	seq.s32 s23, $0x0;
	[sflag:s2] =	ssyncset.done @!p1 $0x0  }
0x1c9: {  	[sflag:s2] =	ssyncadd.s32 @!p1 $0xFFFFFE00;
	s2 =	simm.s32 @!p0 $0x4  }
0x1ca: {  	s31 =	sand.u32 $0x80, s29;
	_ =	swait.ge @!p0 [sflag:s2], $0x100  }
0x1cb: {  	p1 =	seq.s32 s31, $0x0;
	[sflag:s2] =	ssyncset.done @!p0 $0x0  }
0x1cc: {  	[sflag:s2] =	ssyncadd.s32 @!p0 $0xFFFFFF00;
	s2 =	simm.s32 @!p1 $0x4  }
0x1cd: {  	s7 =	sand.u32 $0x40, s29;
	_ =	swait.ge @!p1 [sflag:s2], $0x80  }
0x1ce: {  	p0 =	seq.s32 s7, $0x0;
	[sflag:s2] =	ssyncset.done @!p1 $0x0  }
0x1cf: {  	[sflag:s2] =	ssyncadd.s32 @!p1 $0xFFFFFF80;
	s2 =	simm.s32 @!p0 $0x4  }
0x1d0: {  	s8 =	sand.u32 $0x20, s29;
	_ =	swait.ge @!p0 [sflag:s2], $0x40  }
0x1d1: {  	p1 =	seq.s32 s8, $0x0;
	[sflag:s2] =	ssyncset.done @!p0 $0x0  }
0x1d2: {  	[sflag:s2] =	ssyncadd.s32 @!p0 $0xFFFFFFC0;
	s2 =	simm.s32 @!p1 $0x4  }
0x1d3: {  	s10 =	sand.u32 $0x10, s29;
	_ =	swait.ge @!p1 [sflag:s2], $0x20  }
0x1d4: {  	p0 =	seq.s32 s10, $0x0;
	[sflag:s2] =	ssyncset.done @!p1 $0x0  }
0x1d5: {  	[sflag:s2] =	ssyncadd.s32 @!p1 $0xFFFFFFE0;
	s2 =	simm.s32 @!p0 $0x4  }
0x1d6: {  	s14 =	sand.u32 $0x8, s29;
	_ =	swait.ge @!p0 [sflag:s2], $0x10  }
0x1d7: {  	p1 =	seq.s32 s14, $0x0;
	[sflag:s2] =	ssyncset.done @!p0 $0x0  }
0x1d8: {  	[sflag:s2] =	ssyncadd.s32 @!p0 $0xFFFFFFF0;
	s2 =	simm.s32 @!p1 $0x4  }
0x1d9: {  	_ =	swait.ge @!p1 [sflag:s2], $0x8  }
0x1da: {  	[sflag:s2] =	ssyncset.done @!p1 $0x0  }
0x1db: {  	[sflag:s2] =	ssyncadd.s32 @!p1 $0xFFFFFFF8  }
0x1dc: {  	_ =	swait.ge [sflag:s17], $0x4000  }
0x1dd: {  	[sflag:s17] =	ssyncset.done $0x0  }
0x1de: {  	s23 =	simm.s32 $0x40;
	[sflag:s17] =	ssyncadd.s32 $0xFFFFC000  }
0x1df: {  	v15 =	vld [tilespmem:s23+$0xFFFFFFC0]  }
0x1e0: {  	v17 =	vld [tilespmem:s23+$0xFFFFFFD0]  }
0x1e1: {  	v18 =	vld [tilespmem:s23+$0x20]  }
0x1e2: {  	v16 =	vld [tilespmem:s23+$0xFFFFFFE0]  }
0x1e3: {  	v7 =	vld [tilespmem:s23+$0x0]  }
0x1e4: {  	v20 =	vld [tilespmem:s23+$0x10]  }
0x1e5: {  	v21 =	vld [tilespmem:s23+$0xFFFFFFF0]  }
0x1e6: {  	s2 =	sand.u32 $0x7, s22  }
0x1e7: {  	vm8 =	vmmov vm10;
	v6 =	vmov s2  }
0x1e8: {  	vm2 =	vge.f32 v15, $5.000000000e-01;
	vm4 =	vge.f32 v17, $5.000000000e-01;
	vm1 =	vge.f32 v18, $5.000000000e-01  }
0x1e9: {  	vm5 =	vge.f32 v16, $5.000000000e-01;
	vm3 =	vge.f32 v7, $5.000000000e-01;
	vm8 =	vge.f32 v20, $5.000000000e-01  }
0x1ea: {  	vm9 =	vge.f32 v21, $5.000000000e-01;
	v9 =	vsel vm2, $0x1, v4;
	v8 =	vmpcnt.ones.xlane vm2  }
0x1eb: {  	v10 =	vsel vm2, $0xFFFFFFFF, v4;
	v11 =	vmpcnt.ones.xlane vm4;
	v13 =	vmpcnt.ones.xlane vm5  }
0x1ec: {  	v14 =	vsel vm3, $0x1, v4;
	v19 =	vmpcnt.ones.xlane vm8;
	v12 =	vadd.s32 v6, v8;
	v8 =	vld [tilespmem:s23+$0x30]  }
0x1ed: {  	v22 =	vsel vm5, $0x1, v4;
	v23 =	vsel vm8, $0x1, v4;
	v24 =	vsel vm9, $0x1, v4;
	(xrf0) =	vadd.scan.msk.s32 $0xffff, v9  }
0x1ee: {  	v25 =	vsel vm4, $0x1, v4;
	v27 =	vsel vm1, $0x1, v4;
	v28 =	vsel vm8, $0xFFFFFFFF, v4;
	(xrf0) =	vadd.scan.msk.s32 $0xffff, v14  }
0x1ef: {  	vm10 =	vmmov vm4;
	v11 =	vadd.s32 v12, v11;
	(xrf0) =	vadd.scan.msk.s32 $0xffff, v22;
	v22 =	vmpcnt.ones.xlane vm9  }
0x1f0: {  	vm11 =	vmmov vm1;
	v14 =	vmpcnt.ones.xlane vm3;
	v13 =	vadd.s32 v11, v13  }
0x1f1: {  	v9 =	vsel vm5, $0xFFFFFFFF, v4;
	(xrf0) =	vadd.scan.msk.s32 $0xffff, v23;
	v22 =	vadd.s32 v13, v22;
	vm6 =	vge.f32 v8, $5.000000000e-01  }
0x1f2: {  	v9 =	vadd.s32 v9, v11;
	(xrf0) =	vadd.scan.msk.s32 $0xffff, v24;
	v14 =	vadd.s32 v22, v14;
	v11 =	vsel vm6, $0x1, v4  }
0x1f3: {  	v10 =	vadd.s32 v10, v6;
	v23 =	vmpcnt.ones.xlane vm1;
	v26, _, _ =	vpop (xrf0);
	v19 =	vadd.s32 v14, v19;
	(xrf0) =	vadd.scan.msk.s32 $0xffff, v11  }
0x1f4: {  	s31 =	simm.s32 $0xC0;
	v24 =	vmpcnt.ones.xlane vm6;
	v29, _, _ =	vpop (xrf0);
	v11 =	vsel vm4, $0xFFFFFFFF, v4;
	(xrf0) =	vadd.scan.msk.s32 $0xffff, v25;
	v25 =	vsel vm1, $0xFFFFFFFF, v4  }
0x1f5: {  	v23 =	vadd.s32 v19, v23;
	v30 =	vadd.s32 v11, v12;
	v11 =	vld [tilespmem:s31+$0xFFFFFFC0];
	v12, _, _ =	vpop (xrf0);
	v25 =	vadd.s32 v25, v19  }
0x1f6: {  	v19 =	vadd.s32 v26, v10;
	v10 =	vsel vm9, $0xFFFFFFFF, v4;
	v31 =	vadd.s32 v12, v9;
	v9 =	vld [tilespmem:s31+$0xFFFFFFD0]  }
0x1f7: {  	v54 =	vsel vm6, $0xFFFFFFFF, v4;
	v26, _, _ =	vpop (xrf0);
	v12 =	vadd.s32 v28, v14;
	v13 =	vadd.s32 v10, v13;
	v10 =	vld [tilespmem:s31+$0x20]  }
0x1f8: {  	vm4 =	vmmov vm3;
	vm3 =	vmmov vm6;
	v14, _, _ =	vpop (xrf0);
	(xrf0) =	vadd.scan.msk.s32 $0xffff, v27;
	v26 =	vadd.s32 v26, v12;
	v12 =	vld [tilespmem:s31+$0x10]  }
0x1f9: {  	v24 =	vadd.s32 v23, v24;
	v55 =	vsel vm4, $0xFFFFFFFF, v4;
	v27 =	vadd.s32 v14, v13;
	v14 =	vld [tilespmem:s31+$0xFFFFFFE0]  }
0x1fa: {  	v23 =	vadd.s32 v54, v23;
	v22 =	vadd.s32 v55, v22;
	v28, _, _ =	vpop (xrf0);
	vm1 =	vge.f32 v11, $5.000000000e-01  }
0x1fb: {  	v13, _, _ =	vpop (xrf0);
	v56 =	vsel vm1, $0x1, v4;
	v57 =	vmpcnt.ones.xlane vm1;
	v58 =	vsel vm1, $0xFFFFFFFF, v4  }
0x1fc: {  	vm7 =	vge.f32 v9, $5.000000000e-01;
	[tilespmem:v19+s20+$0x0] =	vst.idx.msk vm2, v15;
	v30 =	vadd.s32 v13, v30;
	v13 =	vld [tilespmem:s31+$0x0];
	vm6 =	vge.f32 v10, $5.000000000e-01  }
0x1fd: {  	v15 =	vld [tilespmem:s31+$0xFFFFFFF0];
	[tilespmem:v31+s20+$0x0] =	vst.idx.msk vm5, v16;
	v19 =	vadd.s32 v58, v24;
	v59 =	vmpcnt.ones.xlane vm7;
	vm2 =	vge.f32 v12, $5.000000000e-01  }
0x1fe: {  	[tilespmem:v26+s20+$0x0] =	vst.idx.msk vm8, v20;
	v60, _, _ =	vpop (xrf0);
	v35 =	vadd.s32 v24, v57;
	vm5 =	vge.f32 v14, $5.000000000e-01;
	v20 =	vmpcnt.ones.xlane vm2  }
0x1ff: {  	v16 =	vld [tilespmem:s31+$0x30];
	v61 =	vmpcnt.ones.xlane vm6;
	v36 =	vadd.s32 v60, v25;
	v25 =	vmpcnt.ones.xlane vm5  }
0x200: {  	[tilespmem:v27+s20+$0x0] =	vst.idx.msk vm9, v21;
	v63 =	vsel vm6, $0xFFFFFFFF, v4;
	v24 =	vadd.s32 v35, v59;
	v27 =	vsel vm5, $0xFFFFFFFF, v4  }
0x201: {  	v21 =	vadd.s32 v24, v25;
	v24 =	vadd.s32 v27, v24;
	vm9 =	vge.f32 v13, $5.000000000e-01  }
0x202: {  	(xrf0) =	vadd.scan.msk.s32 $0xffff, v56;
	vm8 =	vge.f32 v15, $5.000000000e-01;
	v27 =	vadd.s32 v29, v22;
	v25 =	vsel vm9, $0x1, v4  }
0x203: {  	[tilespmem:v30+s20+$0x0] =	vst.idx.msk vm10, v17;
	v17 =	vsel vm5, $0x1, v4;
	v30 =	vmpcnt.ones.xlane vm8;
	(xrf0) =	vadd.scan.msk.s32 $0xffff, v25  }
0x204: {  	vm10 =	vge.f32 v16, $5.000000000e-01;
	v31 =	vsel vm8, $0x1, v4;
	v25 =	vsel vm2, $0x1, v4;
	(xrf0) =	vadd.scan.msk.s32 $0xffff, v17  }
0x205: {  	v26 =	vmpcnt.ones.xlane vm9;
	v62 =	vsel vm10, $0x1, v4;
	v22 =	vadd.s32 v21, v30;
	(xrf0) =	vadd.scan.msk.s32 $0xffff, v25  }
0x206: {  	[tilespmem:v36+s20+$0x0] =	vst.idx.msk vm11, v18;
	v18 =	vsel vm7, $0xFFFFFFFF, v4;
	v25 =	vadd.s32 v28, v23;
	(xrf0) =	vadd.scan.msk.s32 $0xffff, v31  }
0x207: {  	v17 =	vmpcnt.ones.xlane vm10;
	v30 =	vadd.s32 v22, v26;
	v23 =	vsel vm7, $0x1, v4;
	(xrf0) =	vadd.scan.msk.s32 $0xffff, v62  }
0x208: {  	v29, _, _ =	vpop (xrf0);
	v26 =	vadd.s32 v18, v35;
	v28 =	vsel vm6, $0x1, v4;
	v20 =	vadd.s32 v30, v20;
	(xrf0) =	vadd.scan.msk.s32 $0xffff, v23  }
0x209: {  	s29 =	simm.s32 $0x140;
	s23 =	simm.s32 $0x8;
	v31 =	vsel vm2, $0xFFFFFFFF, v4;
	v23 =	vadd.s32 v63, v20;
	v20 =	vadd.s32 v20, v61;
	v18, _, _ =	vpop (xrf0)  }
.LBB2_11:
0x20a: {  	v32 =	vld [tilespmem:s29+$0xFFFFFFC0];
	s23 =	sadd.s32 $0x8, s23;
	v19 =	vadd.s32 v29, v19;
	v29, _, _ =	vpop (xrf0);
	[tilespmem:v27+s20+$0x0] =	vst.idx.msk vm4, v7;
	v7 =	vmov v13;
	vm12 =	vmmov vm7  }
0x20b: {  	v13 =	vsel vm8, $0xFFFFFFFF, v4;
	v31 =	vadd.s32 v31, v30;
	v33 =	vld [tilespmem:s29+$0x20];
	p0 =	slt.u32 s23, $0x3F8;
	v24 =	vadd.s32 v29, v24;
	v29, _, _ =	vpop (xrf0);
	[tilespmem:v25+s20+$0x0] =	vst.idx.msk vm3, v8  }
0x20c: {  	v13 =	vadd.s32 v13, v21;
	v8 =	vmov v16;
	v25 =	vld [tilespmem:s29+$0xFFFFFFD0];
	v21 =	vadd.s32 v29, v31;
	v27, _, _ =	vpop (xrf0);
	(xrf0) =	vadd.scan.msk.s32 $0xffff, v28  }
0x20d: {  	vm11 =	vmmov vm6;
	vm4 =	vmmov vm9;
	v28 =	vld [tilespmem:s29+$0x10];
	v16 =	vadd.s32 v27, v13;
	v30, _, _ =	vpop (xrf0)  }
0x20e: {  	v17 =	vadd.s32 v20, v17;
	vm3 =	vmmov vm10;
	v29 =	vsel vm10, $0xFFFFFFFF, v4;
	v27 =	vld [tilespmem:s29+$0xFFFFFFE0];
	v31, _, _ =	vpop (xrf0)  }
0x20f: {  	v13 =	vld [tilespmem:s29+$0x0];
	[tilespmem:v19+s20+$0x0] =	vst.idx.msk vm1, v11;
	vm1 =	vge.f32 v32, $5.000000000e-01;
	v26 =	vadd.s32 v31, v26;
	v19 =	vsel vm4, $0xFFFFFFFF, v4;
	v11 =	vmovc v32  }
0x210: {  	v31 =	vsel vm1, $0x1, v4;
	v32 =	vmpcnt.ones.xlane vm1;
	v34 =	vld [tilespmem:s29+$0xFFFFFFF0];
	[tilespmem:v24+s20+$0x0] =	vst.idx.msk vm5, v14;
	v22 =	vadd.s32 v19, v22  }
0x211: {  	v14 =	vsel vm1, $0xFFFFFFFF, v4;
	vm6 =	vge.f32 v33, $5.000000000e-01;
	vm7 =	vge.f32 v25, $5.000000000e-01;
	(xrf0) =	vadd.scan.msk.s32 $0xffff, v31  }
0x212: {  	v19 =	vadd.s32 v14, v17;
	v32 =	vadd.s32 v17, v32;
	v31 =	vmpcnt.ones.xlane vm7;
	[tilespmem:v16+s20+$0x0] =	vst.idx.msk vm8, v15;
	v15, _, _ =	vpop (xrf0)  }
0x213: {  	v20 =	vadd.s32 v29, v20;
	vm5 =	vge.f32 v27, $5.000000000e-01;
	v16 =	vld [tilespmem:s29+$0x30];
	[tilespmem:v21+s20+$0x0] =	vst.idx.msk vm2, v12;
	v23 =	vadd.s32 v15, v23  }
0x214: {  	vm2 =	vge.f32 v28, $5.000000000e-01;
	v17 =	vadd.s32 v32, v31;
	v36 =	vmpcnt.ones.xlane vm5;
	[tilespmem:v26+s20+$0x0] =	vst.idx.msk vm12, v9;
	v9 =	vmovc v25  }
0x215: {  	v12 =	vmovc v28;
	v14 =	vmovc v27;
	v24 =	vsel vm5, $0xFFFFFFFF, v4;
	vm9 =	vge.f32 v13, $5.000000000e-01;
	v26 =	vmpcnt.ones.xlane vm2  }
0x216: {  	v35 =	vmpcnt.ones.xlane vm6;
	v31 =	vmpcnt.ones.xlane vm9;
	v15 =	vmovc v34;
	v21 =	vadd.s32 v17, v36  }
0x217: {  	v25 =	vsel vm5, $0x1, v4;
	v24 =	vadd.s32 v24, v17;
	v17 =	vsel vm9, $0x1, v4;
	v29, _, _ =	vpop (xrf0)  }
0x218: {  	v27 =	vsel vm2, $0x1, v4;
	vm8 =	vge.f32 v15, $5.000000000e-01;
	vm10 =	vge.f32 v16, $5.000000000e-01;
	(xrf0) =	vadd.scan.msk.s32 $0xffff, v17  }
0x219: {  	v28 =	vmpcnt.ones.xlane vm8;
	v34 =	vsel vm10, $0x1, v4;
	v17 =	vmpcnt.ones.xlane vm10;
	(xrf0) =	vadd.scan.msk.s32 $0xffff, v25  }
.Ltmp6:
0x21a: {  	v36 =	vsel vm8, $0x1, v4;
	v25 =	vadd.s32 v30, v20;
	(xrf0) =	vadd.scan.msk.s32 $0xffff, v27;
	v27 =	vadd.s32 v18, v22;
	(pc) =	sbr.rel @p0 .LBB2_11-.Ltmp6, $4  }
0x21b: {  	v18 =	vsel vm7, $0x1, v4;
	v22 =	vadd.s32 v21, v28;
	v28 =	vsel vm6, $0x1, v4;
	(xrf0) =	vadd.scan.msk.s32 $0xffff, v36  }
0x21c: {  	v30 =	vadd.s32 v22, v31;
	v31 =	vsel vm2, $0xFFFFFFFF, v4;
	(xrf0) =	vadd.scan.msk.s32 $0xffff, v34;
	[tilespmem:v23+s20+$0x0] =	vst.idx.msk vm11, v10;
	v10 =	vmovc v33  }
0x21d: {  	v20 =	vsel vm7, $0xFFFFFFFF, v4;
	v33 =	vadd.s32 v30, v26;
	v23 =	vsel vm6, $0xFFFFFFFF, v4;
	(xrf0) =	vadd.scan.msk.s32 $0xffff, v18  }
0x21e: {  	s29 =	sadd.s32 $0x80, s29;
	v26 =	vadd.s32 v20, v32;
	v23 =	vadd.s32 v23, v33;
	v20 =	vadd.s32 v33, v35;
	v18, _, _ =	vpop (xrf0)  }
0x21f: {  	_ =	sdelay $0x3  }
0x220: {  	(xrf0) =	vadd.scan.msk.s32 $0xffff, v28;
	v28, _, _ =	vpop (xrf0);
	v19 =	vadd.s32 v29, v19  }
0x221: {  	v29 =	vsel vm8, $0xFFFFFFFF, v4;
	[tilespmem:v27+s20+$0x0] =	vst.idx.msk vm4, v7;
	vm4 =	vmmov vm7;
	v32, _, _ =	vpop (xrf0)  }
0x222: {  	v24 =	vadd.s32 v28, v24;
	v21 =	vadd.s32 v29, v21;
	v29 =	vadd.s32 v31, v30;
	v28, _, _ =	vpop (xrf0)  }
0x223: {  	vm7 =	vmmov vm9;
	v7 =	vadd.s32 v32, v29;
	v21 =	vadd.s32 v28, v21;
	v28, _, _ =	vpop (xrf0)  }
0x224: {  	[tilespmem:v25+s20+$0x0] =	vst.idx.msk vm3, v8;
	v25 =	vsel vm7, $0xFFFFFFFF, v4;
	v27, _, _ =	vpop (xrf0)  }
0x225: {  	v8 =	vadd.s32 v27, v26;
	[tilespmem:v19+s20+$0x0] =	vst.idx.msk vm1, v11;
	v11 =	vadd.s32 v25, v22  }
0x226: {  	v27 =	vsel vm10, $0xFFFFFFFF, v4;
	v26, _, _ =	vpop (xrf0);
	v11 =	vadd.s32 v18, v11  }
0x227: {  	[tilespmem:v24+s20+$0x0] =	vst.idx.msk vm5, v14;
	v14 =	vadd.s32 v27, v20;
	v19 =	vadd.s32 v26, v23  }
0x228: {  	v14 =	vadd.s32 v28, v14;
	[tilespmem:v7+s20+$0x0] =	vst.idx.msk vm2, v12  }
0x229: {  	[tilespmem:v21+s20+$0x0] =	vst.idx.msk vm8, v15  }
0x22a: {  	p2 =	seq.s32 s26, $0x7;
	[tilespmem:v8+s20+$0x0] =	vst.idx.msk vm4, v9  }
0x22b: {  	s4 =	sadd.s32 @!p2 s28, s11;
	[tilespmem:v11+s20+$0x0] =	vst.idx.msk vm9, v13  }
0x22c: {  	s4 =	sshrl.u32 @!p2 s4, $0x3;
	[tilespmem:v19+s20+$0x0] =	vst.idx.msk vm6, v10  }
0x22d: {  	s7 =	simm.s32 @!p2 $0x0;
	s4 =	sadd.s32 @!p2 s1, s4;
	[tilespmem:v14+s20+$0x0] =	vst.idx.msk vm10, v16  }
0x22e: {  	[tilespmem:s7], [sflag:$0x1] =	stream.linear.gather @!p2 [hbm4b:s4+s7], $0x4000, $0x38;
	[tilespmem:$0x1C480] =	vst v63  }
0x22f: {  	_ =	swait.ge [sflag:s19], $0x4000  }
0x230: {  	[sflag:s19] =	ssyncset.done $0x0  }
0x231: {  	s23 =	simm.s32 $0x4040;
	[sflag:s19] =	ssyncadd.s32 $0xFFFFC000  }
0x232: {  	v15 =	vld [tilespmem:s23+$0xFFFFFFC0]  }
0x233: {  	v22 =	vld [tilespmem:s23+$0xFFFFFFD0]  }
0x234: {  	v19 =	vld [tilespmem:s23+$0x20]  }
0x235: {  	v16 =	vld [tilespmem:s23+$0xFFFFFFE0]  }
0x236: {  	v7 =	vld [tilespmem:s23+$0x0]  }
0x237: {  	v8 =	vadd.s32 v20, v17;
	v17 =	vld [tilespmem:s23+$0x10]  }
0x238: {  	v20 =	vld [tilespmem:s23+$0xFFFFFFF0];
	_ =	sdelay $0x1  }
0x239: {  	vm3 =	vmmov vm6;
	vm1 =	vmmov vm10  }
0x23a: {  	vm2 =	vge.f32 v15, $5.000000000e-01;
	vm5 =	vge.f32 v22, $5.000000000e-01;
	vm1 =	vge.f32 v19, $5.000000000e-01  }
0x23b: {  	vm3 =	vge.f32 v16, $5.000000000e-01;
	vm4 =	vge.f32 v7, $5.000000000e-01;
	vm7 =	vge.f32 v17, $5.000000000e-01  }
0x23c: {  	vm9 =	vge.f32 v20, $5.000000000e-01;
	v9 =	vsel vm2, $0x1, v4;
	v10 =	vmpcnt.ones.xlane vm2  }
0x23d: {  	v11 =	vsel vm2, $0xFFFFFFFF, v4;
	v12 =	vmpcnt.ones.xlane vm5;
	v14 =	vsel vm4, $0x1, v4  }
0x23e: {  	v18 =	vmpcnt.ones.xlane vm7;
	v13 =	vadd.s32 v11, v8;
	v10 =	vadd.s32 v8, v10;
	v8 =	vld [tilespmem:s23+$0x30]  }
0x23f: {  	v21 =	vsel vm3, $0x1, v4;
	v23 =	vsel vm7, $0x1, v4;
	v24 =	vsel vm9, $0x1, v4;
	(xrf0) =	vadd.scan.msk.s32 $0xffff, v9  }
0x240: {  	v25 =	vsel vm5, $0x1, v4;
	(xrf0) =	vadd.scan.msk.s32 $0xffff, v14;
	v11 =	vadd.s32 v10, v12;
	v12 =	vmpcnt.ones.xlane vm3  }
0x241: {  	v27 =	vsel vm1, $0x1, v4;
	v28 =	vsel vm7, $0xFFFFFFFF, v4;
	(xrf0) =	vadd.scan.msk.s32 $0xffff, v21;
	v21 =	vmpcnt.ones.xlane vm9  }
0x242: {  	v9 =	vsel vm3, $0xFFFFFFFF, v4;
	v14 =	vmpcnt.ones.xlane vm4;
	v12 =	vadd.s32 v11, v12  }
0x243: {  	(xrf0) =	vadd.scan.msk.s32 $0xffff, v23;
	v23 =	vmpcnt.ones.xlane vm1;
	v21 =	vadd.s32 v12, v21;
	vm6 =	vge.f32 v8, $5.000000000e-01  }
0x244: {  	v9 =	vadd.s32 v9, v11;
	(xrf0) =	vadd.scan.msk.s32 $0xffff, v24;
	v14 =	vadd.s32 v21, v14;
	v11 =	vsel vm6, $0x1, v4  }
0x245: {  	s31 =	simm.s32 $0x40C0;
	vm10 =	vmmov vm5;
	v26, _, _ =	vpop (xrf0);
	v18 =	vadd.s32 v14, v18;
	(xrf0) =	vadd.scan.msk.s32 $0xffff, v11;
	v11 =	vsel vm5, $0xFFFFFFFF, v4  }
0x246: {  	v29, _, _ =	vpop (xrf0);
	v23 =	vadd.s32 v18, v23;
	(xrf0) =	vadd.scan.msk.s32 $0xffff, v25;
	v25 =	vsel vm1, $0xFFFFFFFF, v4;
	v30 =	vadd.s32 v11, v10;
	v11 =	vld [tilespmem:s31+$0xFFFFFFC0]  }
0x247: {  	v10, _, _ =	vpop (xrf0);
	v25 =	vadd.s32 v25, v18;
	v18 =	vadd.s32 v26, v13;
	v13 =	vsel vm9, $0xFFFFFFFF, v4  }
0x248: {  	vm11 =	vmmov vm1;
	v24 =	vmpcnt.ones.xlane vm6;
	v31 =	vadd.s32 v10, v9;
	v9 =	vld [tilespmem:s31+$0xFFFFFFD0]  }
0x249: {  	v14 =	vadd.s32 v28, v14;
	v59 =	vsel vm6, $0xFFFFFFFF, v4;
	vm5 =	vmmov vm4;
	v26, _, _ =	vpop (xrf0);
	v10 =	vld [tilespmem:s31+$0x20]  }
0x24a: {  	vm4 =	vmmov vm6;
	v12 =	vadd.s32 v13, v12;
	v26 =	vadd.s32 v26, v14;
	v14 =	vld [tilespmem:s31+$0xFFFFFFE0];
	v13, _, _ =	vpop (xrf0)  }
0x24b: {  	v24 =	vadd.s32 v23, v24;
	v33 =	vsel vm5, $0xFFFFFFFF, v4;
	(xrf0) =	vadd.scan.msk.s32 $0xffff, v27;
	v28, _, _ =	vpop (xrf0);
	vm1 =	vge.f32 v11, $5.000000000e-01  }
0x24c: {  	v33 =	vadd.s32 v33, v21;
	v27 =	vadd.s32 v13, v12;
	v12 =	vld [tilespmem:s31+$0x10];
	v13, _, _ =	vpop (xrf0);
	v34 =	vsel vm1, $0x1, v4  }
0x24d: {  	v35 =	vmpcnt.ones.xlane vm1;
	v21 =	vsel vm1, $0xFFFFFFFF, v4;
	v30 =	vadd.s32 v13, v30;
	v13 =	vld [tilespmem:s31+$0x0]  }
0x24e: {  	vm8 =	vge.f32 v9, $5.000000000e-01;
	[tilespmem:v18+s20+$0x0] =	vst.idx.msk vm2, v15;
	v15 =	vld [tilespmem:s31+$0xFFFFFFF0];
	vm6 =	vge.f32 v10, $5.000000000e-01;
	v18 =	vadd.s32 v21, v24  }
0x24f: {  	[tilespmem:v31+s20+$0x0] =	vst.idx.msk vm3, v16;
	v21 =	vmpcnt.ones.xlane vm8;
	vm3 =	vge.f32 v14, $5.000000000e-01;
	v61 =	vmpcnt.ones.xlane vm6  }
0x250: {  	v63 =	vsel vm8, $0x1, v4;
	v35 =	vadd.s32 v24, v35;
	v24 =	vadd.s32 v59, v23  }
0x251: {  	[tilespmem:v26+s20+$0x0] =	vst.idx.msk vm7, v17;
	v23 =	vadd.s32 v35, v21;
	v21 =	vmpcnt.ones.xlane vm3;
	v36, _, _ =	vpop (xrf0);
	vm2 =	vge.f32 v12, $5.000000000e-01  }
0x252: {  	v16 =	vld [tilespmem:s31+$0x30];
	[tilespmem:v27+s20+$0x0] =	vst.idx.msk vm9, v20;
	v20 =	vsel vm3, $0xFFFFFFFF, v4;
	v25 =	vadd.s32 v36, v25;
	vm9 =	vge.f32 v13, $5.000000000e-01  }
0x253: {  	(xrf0) =	vadd.scan.msk.s32 $0xffff, v34;
	v21 =	vadd.s32 v23, v21;
	vm7 =	vge.f32 v15, $5.000000000e-01;
	v26 =	vsel vm9, $0x1, v4  }
0x254: {  	[tilespmem:v30+s20+$0x0] =	vst.idx.msk vm10, v22;
	v22 =	vsel vm3, $0x1, v4;
	v30 =	vmpcnt.ones.xlane vm7;
	(xrf0) =	vadd.scan.msk.s32 $0xffff, v26  }
0x255: {  	v23 =	vadd.s32 v20, v23;
	v20 =	vsel vm2, $0x1, v4;
	v60 =	vmpcnt.ones.xlane vm9;
	(xrf0) =	vadd.scan.msk.s32 $0xffff, v22  }
0x256: {  	v27 =	vadd.s32 v29, v33;
	v17 =	vmpcnt.ones.xlane vm2;
	(xrf0) =	vadd.scan.msk.s32 $0xffff, v20;
	v20 =	vadd.s32 v21, v30  }
0x257: {  	vm10 =	vge.f32 v16, $5.000000000e-01;
	v22 =	vsel vm7, $0x1, v4;
	v29 =	vadd.s32 v20, v60  }
0x258: {  	v24 =	vadd.s32 v28, v24;
	v62 =	vsel vm10, $0x1, v4;
	(xrf0) =	vadd.scan.msk.s32 $0xffff, v22;
	v17 =	vadd.s32 v29, v17  }
0x259: {  	v31 =	vsel vm6, $0x1, v4;
	v26 =	vmpcnt.ones.xlane vm10;
	v30 =	vsel vm2, $0xFFFFFFFF, v4;
	(xrf0) =	vadd.scan.msk.s32 $0xffff, v62  }
0x25a: {  	v28, _, _ =	vpop (xrf0);
	[tilespmem:v25+s20+$0x0] =	vst.idx.msk vm11, v19;
	v19 =	vsel vm8, $0xFFFFFFFF, v4;
	v22 =	vsel vm6, $0xFFFFFFFF, v4;
	(xrf0) =	vadd.scan.msk.s32 $0xffff, v63  }
0x25b: {  	s29 =	simm.s32 $0x4140;
	s23 =	simm.s32 $0x8;
	v25 =	vadd.s32 v19, v35;
	v22 =	vadd.s32 v22, v17;
	v19 =	vadd.s32 v17, v61;
	v17, _, _ =	vpop (xrf0)  }
.LBB2_13:
0x25c: {  	v32 =	vld [tilespmem:s29+$0xFFFFFFC0];
	s23 =	sadd.s32 $0x8, s23;
	v18 =	vadd.s32 v28, v18;
	v28, _, _ =	vpop (xrf0);
	[tilespmem:v27+s20+$0x0] =	vst.idx.msk vm5, v7;
	v7 =	vmov v13;
	vm12 =	vmmov vm8  }
0x25d: {  	v13 =	vsel vm7, $0xFFFFFFFF, v4;
	v30 =	vadd.s32 v30, v29;
	v33 =	vld [tilespmem:s29+$0x20];
	p0 =	slt.u32 s23, $0x3F8;
	v23 =	vadd.s32 v28, v23;
	v28, _, _ =	vpop (xrf0);
	[tilespmem:v24+s20+$0x0] =	vst.idx.msk vm4, v8  }
0x25e: {  	v13 =	vadd.s32 v13, v21;
	v8 =	vmov v16;
	v24 =	vld [tilespmem:s29+$0xFFFFFFD0];
	v21 =	vadd.s32 v28, v30;
	v27, _, _ =	vpop (xrf0);
	(xrf0) =	vadd.scan.msk.s32 $0xffff, v31  }
0x25f: {  	vm11 =	vmmov vm6;
	vm5 =	vmmov vm9;
	v28 =	vld [tilespmem:s29+$0x10];
	v16 =	vadd.s32 v27, v13;
	v29, _, _ =	vpop (xrf0)  }
0x260: {  	v26 =	vadd.s32 v19, v26;
	vm4 =	vmmov vm10;
	v30 =	vsel vm10, $0xFFFFFFFF, v4;
	v27 =	vld [tilespmem:s29+$0xFFFFFFE0];
	v31, _, _ =	vpop (xrf0)  }
0x261: {  	v13 =	vld [tilespmem:s29+$0x0];
	[tilespmem:v18+s20+$0x0] =	vst.idx.msk vm1, v11;
	vm1 =	vge.f32 v32, $5.000000000e-01;
	v25 =	vadd.s32 v31, v25;
	v18 =	vsel vm5, $0xFFFFFFFF, v4;
	v11 =	vmovc v32  }
0x262: {  	v31 =	vsel vm1, $0x1, v4;
	v32 =	vmpcnt.ones.xlane vm1;
	v34 =	vld [tilespmem:s29+$0xFFFFFFF0];
	[tilespmem:v23+s20+$0x0] =	vst.idx.msk vm3, v14;
	v20 =	vadd.s32 v18, v20  }
0x263: {  	v14 =	vsel vm1, $0xFFFFFFFF, v4;
	vm6 =	vge.f32 v33, $5.000000000e-01;
	vm8 =	vge.f32 v24, $5.000000000e-01;
	(xrf0) =	vadd.scan.msk.s32 $0xffff, v31  }
0x264: {  	v18 =	vadd.s32 v14, v26;
	v32 =	vadd.s32 v26, v32;
	v26 =	vmpcnt.ones.xlane vm8;
	[tilespmem:v16+s20+$0x0] =	vst.idx.msk vm7, v15;
	v15, _, _ =	vpop (xrf0)  }
0x265: {  	v19 =	vadd.s32 v30, v19;
	vm3 =	vge.f32 v27, $5.000000000e-01;
	v16 =	vld [tilespmem:s29+$0x30];
	[tilespmem:v21+s20+$0x0] =	vst.idx.msk vm2, v12;
	v22 =	vadd.s32 v15, v22  }
0x266: {  	vm2 =	vge.f32 v28, $5.000000000e-01;
	v23 =	vadd.s32 v32, v26;
	v26 =	vmpcnt.ones.xlane vm3;
	[tilespmem:v25+s20+$0x0] =	vst.idx.msk vm12, v9;
	v9 =	vmovc v24  }
0x267: {  	v12 =	vmovc v28;
	v14 =	vmovc v27;
	v24 =	vsel vm3, $0xFFFFFFFF, v4;
	vm9 =	vge.f32 v13, $5.000000000e-01;
	v25 =	vmpcnt.ones.xlane vm2  }
0x268: {  	v35 =	vmpcnt.ones.xlane vm6;
	v30 =	vmpcnt.ones.xlane vm9;
	v15 =	vmovc v34;
	v21 =	vadd.s32 v23, v26  }
0x269: {  	v27 =	vsel vm3, $0x1, v4;
	v23 =	vadd.s32 v24, v23;
	v24 =	vsel vm9, $0x1, v4;
	v28, _, _ =	vpop (xrf0)  }
0x26a: {  	v31 =	vsel vm2, $0x1, v4;
	vm7 =	vge.f32 v15, $5.000000000e-01;
	vm10 =	vge.f32 v16, $5.000000000e-01;
	(xrf0) =	vadd.scan.msk.s32 $0xffff, v24  }
0x26b: {  	v34 =	vmpcnt.ones.xlane vm7;
	v36 =	vsel vm10, $0x1, v4;
	v26 =	vmpcnt.ones.xlane vm10;
	(xrf0) =	vadd.scan.msk.s32 $0xffff, v27  }
.Ltmp7:
0x26c: {  	v37 =	vsel vm7, $0x1, v4;
	v24 =	vadd.s32 v29, v19;
	v27 =	vadd.s32 v17, v20;
	(xrf0) =	vadd.scan.msk.s32 $0xffff, v31;
	(pc) =	sbr.rel @p0 .LBB2_13-.Ltmp7, $4  }
0x26d: {  	v17 =	vsel vm8, $0x1, v4;
	v20 =	vadd.s32 v21, v34;
	v31 =	vsel vm6, $0x1, v4;
	(xrf0) =	vadd.scan.msk.s32 $0xffff, v37  }
0x26e: {  	v29 =	vadd.s32 v20, v30;
	v30 =	vsel vm2, $0xFFFFFFFF, v4;
	(xrf0) =	vadd.scan.msk.s32 $0xffff, v36;
	[tilespmem:v22+s20+$0x0] =	vst.idx.msk vm11, v10;
	v10 =	vmovc v33  }
0x26f: {  	v19 =	vsel vm8, $0xFFFFFFFF, v4;
	v33 =	vadd.s32 v29, v25;
	v22 =	vsel vm6, $0xFFFFFFFF, v4;
	(xrf0) =	vadd.scan.msk.s32 $0xffff, v17  }
0x270: {  	s29 =	sadd.s32 $0x80, s29;
	v25 =	vadd.s32 v19, v32;
	v22 =	vadd.s32 v22, v33;
	v19 =	vadd.s32 v33, v35;
	v17, _, _ =	vpop (xrf0)  }
0x271: {  	v26 =	vadd.s32 v19, v26  }
0x272: {  	(xrf0) =	vadd.scan.msk.s32 $0xffff, v31;
	v26 =	vxor.u32 $0x80000000, v26  }
0x273: {  	v56, _, _ =	vpop (xrf0);
	(xrf0) =	vmax.scan.msk.u32 $0xffff, v26  }
0x274: {  	v57, _, _ =	vpop (xrf0)  }
0x275: {  	v32, _, _ =	vpop (xrf0)  }
0x276: {  	v33, _, _ =	vpop (xrf0)  }
0x277: {  	v34, _, _ =	vpop (xrf0)  }
0x278: {  	v35, _, _ =	vpop (xrf0)  }
0x279: {  	v36, _, _ =	vpop (xrf0)  }
0x27a: {  	(v2sf) =	vpush v36, $0xF;
	_ =	sdelay $0xe  }
0x27b: {  	s4 =	spop (v2sf)  }
0x27c: {  	s7 =	ssub.s32 $0x0, s22;
	s4 =	sxor.u32 $0x80000000, s4  }
0x27d: {  	s14 =	sand.u32 $0x7, s7;
	s31 =	ssub.s32 s4, s2  }
0x27e: {  	v18 =	vadd.s32 v28, v18;
	v58 =	vsel vm7, $0xFFFFFFFF, v4;
	s4 =	sadd.s32 s22, s14;
	s23 =	sadd.s32 s22, s31  }
0x27f: {  	v23 =	vadd.s32 v56, v23;
	v21 =	vadd.s32 v58, v21;
	p0 =	slt.s32 s4, s23;
	s2 =	smov.u32 s23  }
0x280: {  	v29 =	vadd.s32 v30, v29;
	vm12 =	vmmov vm8;
	v21 =	vadd.s32 v32, v21;
	s2 =	smov.u32 @p0 s4;
	s4 =	sand.u32 $0xFFFFFFF8, s23  }
0x281: {  	[tilespmem:v27+s20+$0x0] =	vst.idx.msk vm5, v7;
	vm14 =	vmmov vm9;
	v59 =	vsel vm10, $0xFFFFFFFF, v4;
	v7 =	vadd.s32 v57, v29;
	p0 =	sgt.s32 s4, s2;
	s7 =	smov.u32 s2  }
0x282: {  	[tilespmem:v24+s20+$0x0] =	vst.idx.msk vm4, v8;
	v61 =	vsel vm14, $0xFFFFFFFF, v4;
	v8 =	vadd.s32 v59, v19;
	v60 =	vadd.s32 v34, v25;
	p3 =	slt.s32 s31, $0x1;
	s7 =	smov.u32 @p0 s4  }
0x283: {  	vm13 =	vmmov vm6;
	v8 =	vadd.s32 v33, v8;
	[tilespmem:v18+s20+$0x0] =	vst.idx.msk vm1, v11;
	v18 =	vadd.s32 v61, v20;
	s8 =	ssub.s32 @!p3 s2, s22;
	s4 =	ssub.s32 @!p3 s23, s7  }
0x284: {  	[tilespmem:v23+s20+$0x0] =	vst.idx.msk vm3, v14;
	v63 =	vadd.s32 v17, v18;
	v18 =	vlaneseq.u32 @!p3;
	v17 =	vmov @!p3 s8;
	s4 =	sadd.s32 @!p3 s8, s4  }
0x285: {  	v62 =	vadd.s32 v35, v22;
	[tilespmem:v21+s20+$0x0] =	vst.idx.msk vm7, v15;
	v17 =	vsub.s32 @!p3 v18, v17;
	v15 =	vmov @!p3 s4;
	s4 =	ssub.s32 @!p3 s7, s21  }
0x286: {  	[tilespmem:v7+s20+$0x0] =	vst.idx.msk vm2, v12;
	vm1 =	vgt.s32 @!p3 v15, v18;
	v7 =	vadd.s32 @!p3 s4, v17  }
0x287: {  	[tilespmem:v60+s20+$0x0] =	vst.idx.msk vm12, v9;
	v9 =	vadd.s32 @!p3 v18, v6;
	vm2 =	vlt.s32 @!p3 v18, s8;
	v6 =	vsel @!p3 vm1, v7, v6  }
0x288: {  	[tilespmem:v8+s20+$0x0] =	vst.idx.msk vm10, v16;
	s4 =	sadd.s32 @!p2 s28, s12;
	v6 =	vsel @!p3 vm2, v9, v6  }
0x289: {  	[tilespmem:v63+s20+$0x0] =	vst.idx.msk vm9, v13;
	s4 =	sshrl.u32 @!p2 s4, $0x3;
	v7 =	vadd.s32 @!p3 s7, v17  }
0x28a: {  	s10 =	simm.s32 @!p2 $0x4000;
	[tilespmem:v62+s20+$0x0] =	vst.idx.msk vm13, v10;
	v8 =	vadd.s32 @!p3 s22, v18;
	s8 =	simm.s32 @!p2 $0x0;
	s4 =	sadd.s32 @!p2 s1, s4;
	v7 =	vnsel @!p3 vm1, s22, v7  }
0x28b: {  	[tilespmem:s10], [sflag:$0x2] =	stream.linear.gather @!p2 [hbm4b:s4+s8], $0x4000, $0x38;
	v7 =	vsel @!p3 vm2, v8, v7;
	[tilespmem:$0x1C480] =	vst v63  }
0x28c: {  	s4 =	simm.s32 @!p3 $0x10080;
	[tilespmem:$0x1C300] =	vst @!p3 v7  }
0x28d: {  	v6 =	vld.idx.msk @!p3 [tilespmem:v6+s4+$0x0], $0xffff;
	_ =	sdelay $0x1  }
0x28e: {  	s29 =	ssub.s32 s7, s2  }
0x28f: {  	s28 =	sand.u32 $0x8000, s29  }
0x290: {  	p0 =	seq.s32 s28, $0x0  }
0x291: {  	s8 =	simm.s32 @!p3 $0x1C300;
	s10 =	simm.s32 @!p3 $0x1C380;
	s4 =	simm.s32 @!p3 $0x10;
	[tilespmem:$0x1C380] =	vst @!p3 v6  }
0x292: {  	[hbm4b:s3+s4] =	stream.indirect.scatter @!p3 [tilespmem:s10], [sflag:$0x4], $0x1, s8, s4, $0xb8;
	[tilespmem:$0x1C480] =	vst v63  }
0x293: {  	s4 =	sand.u32 @!p0 $0xFFFF0000, s29  }
0x294: {  	s21 =	ssub.s32 s2, s21;
	s7 =	sadd.s32 @!p0 s2, s4  }
0x295: {  	s4 =	sadd.s32 @!p0 s4, s21;
	s7 =	sshrl.u32 @!p0 s7, $0x3  }
0x296: {  	s8 =	simm.s32 @!p0 $0x0;
	s4 =	sadd.s32 @!p0 $0x10080, s4;
	s7 =	sadd.s32 @!p0 s3, s7  }
0x297: {  	[hbm4b:s7+s8] =	stream.linear.scatter @!p0 [tilespmem:s4], [sflag:$0x4], $0x8000, $0x38;
	[tilespmem:$0x1C480] =	vst v63  }
0x298: {  	s10 =	simm.s32 @!p0 $0x0;
	s7 =	sand.u32 $0x4000, s29  }
0x299: {  	s10 =	simm.s32 @p0 $0x1;
	p0 =	seq.s32 s7, $0x0  }
0x29a: {  	s4 =	sand.u32 @!p0 $0xFFFF8000, s29  }
0x29b: {  	s7 =	sadd.s32 @!p0 s2, s4  }
0x29c: {  	s4 =	sadd.s32 @!p0 s4, s21;
	s7 =	sshrl.u32 @!p0 s7, $0x3  }
0x29d: {  	s8 =	simm.s32 @!p0 $0x0;
	s4 =	sadd.s32 @!p0 $0x10080, s4;
	s7 =	sadd.s32 @!p0 s3, s7  }
0x29e: {  	[hbm4b:s7+s8] =	stream.linear.scatter @!p0 [tilespmem:s4], [sflag:$0x4], $0x4000, $0x38;
	[tilespmem:$0x1C480] =	vst v63  }
0x29f: {  	[smem:$0x7E8] =	sst s10;
	s10 =	simm.s32 @!p0 $0x0;
	s8 =	sand.u32 $0x2000, s29  }
0x2a0: {  	s10 =	simm.s32 @p0 $0x1;
	p0 =	seq.s32 s8, $0x0  }
0x2a1: {  	[smem:$0x7E9] =	sst s10;
	s4 =	sand.u32 @!p0 $0xFFFFC000, s29;
	s8 =	simm.s32 @!p0 $0x0  }
0x2a2: {  	s10 =	simm.s32 @!p0 $0x0;
	s7 =	sadd.s32 @!p0 s2, s4;
	s4 =	sadd.s32 @!p0 s4, s21  }
0x2a3: {  	s10 =	simm.s32 @p0 $0x1;
	s7 =	sshrl.u32 @!p0 s7, $0x3;
	s4 =	sadd.s32 @!p0 $0x10080, s4  }
0x2a4: {  	[smem:$0x7EA] =	sst s10;
	s10 =	sand.u32 $0x1000, s29;
	s7 =	sadd.s32 @!p0 s3, s7  }
0x2a5: {  	[hbm4b:s7+s8] =	stream.linear.scatter @!p0 [tilespmem:s4], [sflag:$0x4], $0x2000, $0x38;
	[tilespmem:$0x1C480] =	vst v63  }
0x2a6: {  	p0 =	seq.s32 s10, $0x0  }
0x2a7: {  	s4 =	sand.u32 @!p0 $0xFFFFE000, s29  }
0x2a8: {  	s14 =	sand.u32 $0x800, s29;
	s7 =	sadd.s32 @!p0 s2, s4  }
0x2a9: {  	s8 =	simm.s32 @!p0 $0x0;
	s4 =	sadd.s32 @!p0 s4, s21;
	s7 =	sshrl.u32 @!p0 s7, $0x3  }
0x2aa: {  	s10 =	simm.s32 @!p0 $0x0;
	s4 =	sadd.s32 @!p0 $0x10080, s4;
	s7 =	sadd.s32 @!p0 s3, s7  }
0x2ab: {  	[hbm4b:s7+s8] =	stream.linear.scatter @!p0 [tilespmem:s4], [sflag:$0x4], $0x1000, $0x38;
	[tilespmem:$0x1C480] =	vst v63  }
0x2ac: {  	s10 =	simm.s32 @p0 $0x1;
	p0 =	seq.s32 s14, $0x0  }
0x2ad: {  	s4 =	sand.u32 @!p0 $0xFFFFF000, s29  }
0x2ae: {  	s22 =	sand.u32 $0x400, s29;
	[smem:$0x7EB] =	sst s10;
	s7 =	sadd.s32 @!p0 s2, s4  }
0x2af: {  	s8 =	simm.s32 @!p0 $0x0;
	s4 =	sadd.s32 @!p0 s4, s21;
	s7 =	sshrl.u32 @!p0 s7, $0x3  }
0x2b0: {  	s10 =	simm.s32 @!p0 $0x0;
	s4 =	sadd.s32 @!p0 $0x10080, s4;
	s7 =	sadd.s32 @!p0 s3, s7  }
0x2b1: {  	[hbm4b:s7+s8] =	stream.linear.scatter @!p0 [tilespmem:s4], [sflag:$0x4], $0x800, $0x38;
	[tilespmem:$0x1C480] =	vst v63  }
0x2b2: {  	s10 =	simm.s32 @p0 $0x1;
	p0 =	seq.s32 s22, $0x0  }
0x2b3: {  	s4 =	sand.u32 @!p0 $0xFFFFF800, s29  }
0x2b4: {  	s28 =	sand.u32 $0x200, s29;
	[smem:$0x7EC] =	sst s10;
	s7 =	sadd.s32 @!p0 s2, s4  }
0x2b5: {  	s8 =	simm.s32 @!p0 $0x0;
	s4 =	sadd.s32 @!p0 s4, s21;
	s7 =	sshrl.u32 @!p0 s7, $0x3  }
0x2b6: {  	s10 =	simm.s32 @!p0 $0x0;
	s4 =	sadd.s32 @!p0 $0x10080, s4;
	s7 =	sadd.s32 @!p0 s3, s7  }
0x2b7: {  	[hbm4b:s7+s8] =	stream.linear.scatter @!p0 [tilespmem:s4], [sflag:$0x4], $0x400, $0x38;
	[tilespmem:$0x1C480] =	vst v63  }
0x2b8: {  	s10 =	simm.s32 @p0 $0x1;
	p0 =	seq.s32 s28, $0x0  }
0x2b9: {  	s4 =	sand.u32 @!p0 $0xFFFFFC00, s29  }
0x2ba: {  	s7 =	sadd.s32 @!p0 s2, s4  }
0x2bb: {  	s4 =	sadd.s32 @!p0 s4, s21;
	s7 =	sshrl.u32 @!p0 s7, $0x3  }
0x2bc: {  	s8 =	simm.s32 @!p0 $0x0;
	s4 =	sadd.s32 @!p0 $0x10080, s4;
	s7 =	sadd.s32 @!p0 s3, s7  }
0x2bd: {  	[hbm4b:s7+s8] =	stream.linear.scatter @!p0 [tilespmem:s4], [sflag:$0x4], $0x200, $0x38;
	[tilespmem:$0x1C480] =	vst v63  }
0x2be: {  	[smem:$0x7ED] =	sst s10;
	s10 =	simm.s32 @!p0 $0x0;
	s7 =	sand.u32 $0x100, s29  }
0x2bf: {  	s10 =	simm.s32 @p0 $0x1;
	p0 =	seq.s32 s7, $0x0  }
0x2c0: {  	s4 =	sand.u32 @!p0 $0xFFFFFE00, s29  }
0x2c1: {  	s7 =	sadd.s32 @!p0 s2, s4  }
0x2c2: {  	s4 =	sadd.s32 @!p0 s4, s21;
	s7 =	sshrl.u32 @!p0 s7, $0x3  }
0x2c3: {  	s8 =	simm.s32 @!p0 $0x0;
	s4 =	sadd.s32 @!p0 $0x10080, s4;
	s7 =	sadd.s32 @!p0 s3, s7  }
0x2c4: {  	[hbm4b:s7+s8] =	stream.linear.scatter @!p0 [tilespmem:s4], [sflag:$0x4], $0x100, $0x38;
	[tilespmem:$0x1C480] =	vst v63  }
0x2c5: {  	s8 =	sand.u32 $0x80, s29  }
0x2c6: {  	[smem:$0x7EE] =	sst s10;
	s10 =	simm.s32 @!p0 $0x0;
	p5 =	seq.s32 s8, $0x0  }
0x2c7: {  	s10 =	simm.s32 @p0 $0x1;
	s4 =	sand.u32 @!p5 $0xFFFFFF00, s29  }
0x2c8: {  	[smem:$0x7EF] =	sst s10;
	s10 =	sand.u32 $0x40, s29;
	s7 =	sadd.s32 @!p5 s2, s4  }
0x2c9: {  	p6 =	seq.s32 s10, $0x0;
	s4 =	sadd.s32 @!p5 s4, s21;
	s7 =	sshrl.u32 @!p5 s7, $0x3  }
0x2ca: {  	s8 =	simm.s32 @!p5 $0x0;
	s4 =	sadd.s32 @!p5 $0x10080, s4;
	s7 =	sadd.s32 @!p5 s3, s7  }
0x2cb: {  	[hbm4b:s7+s8] =	stream.linear.scatter @!p5 [tilespmem:s4], [sflag:$0x4], $0x80, $0x38;
	[tilespmem:$0x1C480] =	vst v63  }
0x2cc: {  	s4 =	sand.u32 @!p6 $0xFFFFFF80, s29  }
0x2cd: {  	s14 =	sand.u32 $0x20, s29;
	s7 =	sadd.s32 @!p6 s2, s4  }
0x2ce: {  	p1 =	seq.s32 s14, $0x0;
	s4 =	sadd.s32 @!p6 s4, s21;
	s7 =	sshrl.u32 @!p6 s7, $0x3  }
0x2cf: {  	s8 =	simm.s32 @!p6 $0x0;
	s4 =	sadd.s32 @!p6 $0x10080, s4;
	s7 =	sadd.s32 @!p6 s3, s7  }
0x2d0: {  	[hbm4b:s7+s8] =	stream.linear.scatter @!p6 [tilespmem:s4], [sflag:$0x4], $0x40, $0x38;
	[tilespmem:$0x1C480] =	vst v63  }
0x2d1: {  	s4 =	sand.u32 @!p1 $0xFFFFFFC0, s29  }
0x2d2: {  	s22 =	sand.u32 $0x10, s29;
	s7 =	sadd.s32 @!p1 s2, s4  }
0x2d3: {  	p0 =	seq.s32 s22, $0x0;
	s4 =	sadd.s32 @!p1 s4, s21;
	s7 =	sshrl.u32 @!p1 s7, $0x3  }
0x2d4: {  	s8 =	simm.s32 @!p1 $0x0;
	s4 =	sadd.s32 @!p1 $0x10080, s4;
	s7 =	sadd.s32 @!p1 s3, s7  }
0x2d5: {  	[hbm4b:s7+s8] =	stream.linear.scatter @!p1 [tilespmem:s4], [sflag:$0x4], $0x20, $0x38;
	[tilespmem:$0x1C480] =	vst v63  }
0x2d6: {  	s26 =	sadd.s32 $0x1, s26;
	s4 =	sand.u32 @!p0 $0xFFFFFFE0, s29  }
0x2d7: {  	p4 =	sne.s32 s26, $0x8;
	s28 =	sand.u32 $0x8, s29;
	s7 =	sadd.s32 @!p0 s2, s4  }
0x2d8: {  	p2 =	seq.s32 s28, $0x0;
	s4 =	sadd.s32 @!p0 s4, s21;
	s7 =	sshrl.u32 @!p0 s7, $0x3  }
0x2d9: {  	s8 =	simm.s32 @!p0 $0x0;
	s4 =	sadd.s32 @!p0 $0x10080, s4;
	s7 =	sadd.s32 @!p0 s3, s7  }
0x2da: {  	[hbm4b:s7+s8] =	stream.linear.scatter @!p0 [tilespmem:s4], [sflag:$0x4], $0x10, $0x38;
	[tilespmem:$0x1C480] =	vst v63  }
.Ltmp8:
0x2db: {  	s4 =	sand.u32 @!p2 $0xFFFFFFF0, s29;
	(pc) =	sbr.rel @p4 .LBB2_6-.Ltmp8, $4  }
0x2dc: {  	s2 =	sadd.s32 @!p2 s2, s4  }
0x2dd: {  	s4 =	sadd.s32 @!p2 s4, s21;
	s2 =	sshrl.u32 @!p2 s2, $0x3  }
0x2de: {  	s7 =	simm.s32 @!p2 $0x0;
	s4 =	sadd.s32 @!p2 $0x10080, s4;
	s2 =	sadd.s32 @!p2 s3, s2  }
0x2df: {  	vm15 =	vmmov vm10;
	[hbm4b:s2+s7] =	stream.linear.scatter @!p2 [tilespmem:s4], [sflag:$0x4], $0x8, $0x38;
	[tilespmem:$0x1C480] =	vst v63  }
0x2e0: {  	(xrf0) =	vadd.scan.msk.s32 $0xffff, v5;
	_ =	sdelay $0x5  }
0x2e1: {  	v5, _, _ =	vpop (xrf0)  }
0x2e2: {  	(v2sf) =	vpush v5, $0xF;
	_ =	sdelay $0xa  }
0x2e3: {  	s2 =	sld [smem:$0x7F0];
	_ =	sdelay $0x2  }
0x2e4: {  	p4 =	seq.s32 s2, $0x1  }
0x2e5: {  	s2 =	simm.s32 @!p4 $0x3;
	s0 =	spop (v2sf)  }
0x2e6: {  	_ =	swait.ge @!p4 [sflag:s2], $0x10  }
0x2e7: {  	s21 =	sld [smem:$0x7F1];
	_ =	sdelay $0x1  }
0x2e8: {  	[sflag:s2] =	ssyncset.done @!p4 $0x0  }
0x2e9: {  	[sflag:s2] =	ssyncadd.s32 @!p4 $0xFFFFFFF0;
	p4 =	seq.s32 s21, $0x1  }
0x2ea: {  	s2 =	simm.s32 @!p4 $0x3  }
0x2eb: {  	_ =	swait.ge @!p4 [sflag:s2], $0x8000  }
0x2ec: {  	s22 =	sld [smem:$0x7F2];
	_ =	sdelay $0x1  }
0x2ed: {  	[sflag:s2] =	ssyncset.done @!p4 $0x0  }
0x2ee: {  	[sflag:s2] =	ssyncadd.s32 @!p4 $0xFFFF8000;
	p4 =	seq.s32 s22, $0x1  }
0x2ef: {  	s2 =	simm.s32 @!p4 $0x3  }
0x2f0: {  	_ =	swait.ge @!p4 [sflag:s2], $0x4000  }
0x2f1: {  	s23 =	sld [smem:$0x7F3];
	_ =	sdelay $0x1  }
0x2f2: {  	[sflag:s2] =	ssyncset.done @!p4 $0x0  }
0x2f3: {  	[sflag:s2] =	ssyncadd.s32 @!p4 $0xFFFFC000;
	p4 =	seq.s32 s23, $0x1  }
0x2f4: {  	s2 =	simm.s32 @!p4 $0x3  }
0x2f5: {  	_ =	swait.ge @!p4 [sflag:s2], $0x2000  }
0x2f6: {  	s26 =	sld [smem:$0x7F4];
	_ =	sdelay $0x1  }
0x2f7: {  	[sflag:s2] =	ssyncset.done @!p4 $0x0  }
0x2f8: {  	[sflag:s2] =	ssyncadd.s32 @!p4 $0xFFFFE000;
	p4 =	seq.s32 s26, $0x1  }
0x2f9: {  	s2 =	simm.s32 @!p4 $0x3  }
0x2fa: {  	_ =	swait.ge @!p4 [sflag:s2], $0x1000  }
0x2fb: {  	s28 =	sld [smem:$0x7F5];
	_ =	sdelay $0x1  }
0x2fc: {  	[sflag:s2] =	ssyncset.done @!p4 $0x0  }
0x2fd: {  	[sflag:s2] =	ssyncadd.s32 @!p4 $0xFFFFF000;
	p4 =	seq.s32 s28, $0x1  }
0x2fe: {  	s2 =	simm.s32 @!p4 $0x3  }
0x2ff: {  	_ =	swait.ge @!p4 [sflag:s2], $0x800  }
0x300: {  	s29 =	sld [smem:$0x7F6];
	_ =	sdelay $0x1  }
0x301: {  	[sflag:s2] =	ssyncset.done @!p4 $0x0  }
0x302: {  	[sflag:s2] =	ssyncadd.s32 @!p4 $0xFFFFF800;
	p4 =	seq.s32 s29, $0x1  }
0x303: {  	s2 =	simm.s32 @!p4 $0x3  }
0x304: {  	_ =	swait.ge @!p4 [sflag:s2], $0x400  }
0x305: {  	s30 =	sld [smem:$0x7F7];
	_ =	sdelay $0x1  }
0x306: {  	[sflag:s2] =	ssyncset.done @!p4 $0x0  }
0x307: {  	[sflag:s2] =	ssyncadd.s32 @!p4 $0xFFFFFC00;
	p4 =	seq.s32 s30, $0x1  }
0x308: {  	s2 =	simm.s32 @!p4 $0x3  }
0x309: {  	_ =	swait.ge @!p4 [sflag:s2], $0x200  }
0x30a: {  	s31 =	sld [smem:$0x7F8];
	_ =	sdelay $0x1  }
0x30b: {  	[sflag:s2] =	ssyncset.done @!p4 $0x0  }
0x30c: {  	[sflag:s2] =	ssyncadd.s32 @!p4 $0xFFFFFE00;
	p4 =	seq.s32 s31, $0x1  }
0x30d: {  	s2 =	simm.s32 @!p4 $0x3  }
0x30e: {  	_ =	swait.ge @!p4 [sflag:s2], $0x100  }
0x30f: {  	s4 =	sld [smem:$0x7F9];
	_ =	sdelay $0x1  }
0x310: {  	[sflag:s2] =	ssyncset.done @!p4 $0x0  }
0x311: {  	[sflag:s2] =	ssyncadd.s32 @!p4 $0xFFFFFF00;
	p4 =	seq.s32 s4, $0x1  }
0x312: {  	s2 =	simm.s32 @!p4 $0x3  }
0x313: {  	_ =	swait.ge @!p4 [sflag:s2], $0x80  }
0x314: {  	s7 =	sld [smem:$0x7FA];
	_ =	sdelay $0x1  }
0x315: {  	[sflag:s2] =	ssyncset.done @!p4 $0x0  }
0x316: {  	[sflag:s2] =	ssyncadd.s32 @!p4 $0xFFFFFF80;
	p4 =	seq.s32 s7, $0x1  }
0x317: {  	s2 =	simm.s32 @!p4 $0x3  }
0x318: {  	_ =	swait.ge @!p4 [sflag:s2], $0x40  }
0x319: {  	s8 =	sld [smem:$0x7FB];
	_ =	sdelay $0x1  }
0x31a: {  	[sflag:s2] =	ssyncset.done @!p4 $0x0  }
0x31b: {  	[sflag:s2] =	ssyncadd.s32 @!p4 $0xFFFFFFC0;
	p4 =	seq.s32 s8, $0x1  }
0x31c: {  	s2 =	simm.s32 @!p4 $0x3  }
0x31d: {  	_ =	swait.ge @!p4 [sflag:s2], $0x20  }
0x31e: {  	s10 =	sld [smem:$0x7FC];
	_ =	sdelay $0x1  }
0x31f: {  	[sflag:s2] =	ssyncset.done @!p4 $0x0  }
0x320: {  	[sflag:s2] =	ssyncadd.s32 @!p4 $0xFFFFFFE0;
	p4 =	seq.s32 s10, $0x1  }
0x321: {  	s2 =	simm.s32 @!p4 $0x3  }
0x322: {  	_ =	swait.ge @!p4 [sflag:s2], $0x10  }
0x323: {  	s14 =	sld [smem:$0x7FD];
	_ =	sdelay $0x1  }
0x324: {  	[sflag:s2] =	ssyncset.done @!p4 $0x0  }
0x325: {  	[sflag:s2] =	ssyncadd.s32 @!p4 $0xFFFFFFF0;
	p4 =	seq.s32 s14, $0x1  }
0x326: {  	s2 =	simm.s32 @!p4 $0x3  }
0x327: {  	_ =	swait.ge @!p4 [sflag:s2], $0x8  }
0x328: {  	[sflag:s2] =	ssyncset.done @!p4 $0x0  }
0x329: {  	[sflag:s2] =	ssyncadd.s32 @!p4 $0xFFFFFFF8;
	s2 =	simm.s32 @!p3 $0x4  }
0x32a: {  	_ =	swait.ge @!p3 [sflag:s2], $0x10  }
0x32b: {  	s21 =	sld [smem:$0x7E8];
	_ =	sdelay $0x1  }
0x32c: {  	[sflag:s2] =	ssyncset.done @!p3 $0x0  }
0x32d: {  	[sflag:s2] =	ssyncadd.s32 @!p3 $0xFFFFFFF0;
	p3 =	seq.s32 s21, $0x1  }
0x32e: {  	s2 =	simm.s32 @!p3 $0x4  }
0x32f: {  	_ =	swait.ge @!p3 [sflag:s2], $0x8000  }
0x330: {  	s22 =	sld [smem:$0x7E9];
	_ =	sdelay $0x1  }
0x331: {  	[sflag:s2] =	ssyncset.done @!p3 $0x0  }
0x332: {  	[sflag:s2] =	ssyncadd.s32 @!p3 $0xFFFF8000;
	p3 =	seq.s32 s22, $0x1  }
0x333: {  	s2 =	simm.s32 @!p3 $0x4  }
0x334: {  	_ =	swait.ge @!p3 [sflag:s2], $0x4000  }
0x335: {  	s23 =	sld [smem:$0x7EA];
	_ =	sdelay $0x1  }
0x336: {  	[sflag:s2] =	ssyncset.done @!p3 $0x0  }
0x337: {  	[sflag:s2] =	ssyncadd.s32 @!p3 $0xFFFFC000;
	p3 =	seq.s32 s23, $0x1  }
0x338: {  	s2 =	simm.s32 @!p3 $0x4  }
0x339: {  	_ =	swait.ge @!p3 [sflag:s2], $0x2000  }
0x33a: {  	s26 =	sld [smem:$0x7EB];
	_ =	sdelay $0x1  }
0x33b: {  	[sflag:s2] =	ssyncset.done @!p3 $0x0  }
0x33c: {  	[sflag:s2] =	ssyncadd.s32 @!p3 $0xFFFFE000;
	p3 =	seq.s32 s26, $0x1  }
0x33d: {  	s2 =	simm.s32 @!p3 $0x4  }
0x33e: {  	_ =	swait.ge @!p3 [sflag:s2], $0x1000  }
0x33f: {  	s28 =	sld [smem:$0x7EC];
	_ =	sdelay $0x1  }
0x340: {  	[sflag:s2] =	ssyncset.done @!p3 $0x0  }
0x341: {  	[sflag:s2] =	ssyncadd.s32 @!p3 $0xFFFFF000;
	p3 =	seq.s32 s28, $0x1  }
0x342: {  	s2 =	simm.s32 @!p3 $0x4  }
0x343: {  	_ =	swait.ge @!p3 [sflag:s2], $0x800  }
0x344: {  	s29 =	sld [smem:$0x7ED];
	_ =	sdelay $0x1  }
0x345: {  	[sflag:s2] =	ssyncset.done @!p3 $0x0  }
0x346: {  	[sflag:s2] =	ssyncadd.s32 @!p3 $0xFFFFF800;
	p3 =	seq.s32 s29, $0x1  }
0x347: {  	s2 =	simm.s32 @!p3 $0x4  }
0x348: {  	_ =	swait.ge @!p3 [sflag:s2], $0x400  }
0x349: {  	s30 =	sld [smem:$0x7EE];
	_ =	sdelay $0x1  }
0x34a: {  	[sflag:s2] =	ssyncset.done @!p3 $0x0  }
0x34b: {  	[sflag:s2] =	ssyncadd.s32 @!p3 $0xFFFFFC00;
	p3 =	seq.s32 s30, $0x1  }
0x34c: {  	s2 =	simm.s32 @!p3 $0x4  }
0x34d: {  	_ =	swait.ge @!p3 [sflag:s2], $0x200  }
0x34e: {  	s31 =	sld [smem:$0x7EF];
	_ =	sdelay $0x1  }
0x34f: {  	[sflag:s2] =	ssyncset.done @!p3 $0x0  }
0x350: {  	[sflag:s2] =	ssyncadd.s32 @!p3 $0xFFFFFE00;
	p3 =	seq.s32 s31, $0x1  }
0x351: {  	s2 =	simm.s32 @!p3 $0x4  }
0x352: {  	_ =	swait.ge @!p3 [sflag:s2], $0x100  }
0x353: {  	[sflag:s2] =	ssyncset.done @!p3 $0x0  }
0x354: {  	[sflag:s2] =	ssyncadd.s32 @!p3 $0xFFFFFF00;
	s2 =	simm.s32 @!p5 $0x4  }
0x355: {  	_ =	swait.ge @!p5 [sflag:s2], $0x80  }
0x356: {  	[sflag:s2] =	ssyncset.done @!p5 $0x0  }
0x357: {  	[sflag:s2] =	ssyncadd.s32 @!p5 $0xFFFFFF80;
	s2 =	simm.s32 @!p6 $0x4  }
0x358: {  	_ =	swait.ge @!p6 [sflag:s2], $0x40  }
0x359: {  	[sflag:s2] =	ssyncset.done @!p6 $0x0  }
0x35a: {  	[sflag:s2] =	ssyncadd.s32 @!p6 $0xFFFFFFC0;
	s2 =	simm.s32 @!p1 $0x4  }
0x35b: {  	_ =	swait.ge @!p1 [sflag:s2], $0x20  }
0x35c: {  	[sflag:s2] =	ssyncset.done @!p1 $0x0  }
0x35d: {  	[sflag:s2] =	ssyncadd.s32 @!p1 $0xFFFFFFE0;
	s2 =	simm.s32 @!p0 $0x4  }
0x35e: {  	_ =	swait.ge @!p0 [sflag:s2], $0x10  }
0x35f: {  	[sflag:s2] =	ssyncset.done @!p0 $0x0  }
0x360: {  	[sflag:s2] =	ssyncadd.s32 @!p0 $0xFFFFFFF0;
	p0 =	sge.s32 s0, s13  }
.Ltmp9:
0x361: {  	_ = 	snop;
	(pc) =	sbr.rel @p0 .LBB2_21-.Ltmp9, $4  }
0x362: {  	s2 =	simm.s32 @!p2 $0x4  }
0x363: {  	_ =	swait.ge @!p2 [sflag:s2], $0x8  }
0x364: {  	[sflag:s2] =	ssyncset.done @!p2 $0x0  }
0x365: {  	[sflag:s2] =	ssyncadd.s32 @!p2 $0xFFFFFFF8  }
0x366: {  	p0 =	sgt.s32 s0, s9;
	s2 =	smov.u32 s9  }
0x367: {  	s2 =	smov.u32 @p0 s0  }
0x368: {  	s0 =	ssub.s32 $0x0, s2  }
0x369: {  	s0 =	sand.u32 $0x7, s0  }
0x36a: {  	v6 =	vmov s0  }
0x36b: {  	vm1 =	vgt.u32 v6, v1;
	v6 =	vadd.s32 s2, v1  }
0x36c: {  	[tilespmem:$0x1C280] =	vst v3;
	s4 =	simm.s32 $0x10;
	v6 =	vnsel vm1, s2, v6  }
0x36d: {  	s7 =	simm.s32 $0x1C200;
	s8 =	simm.s32 $0x1C280;
	s2 =	sadd.s32 s2, s0;
	[tilespmem:$0x1C200] =	vst v6  }
0x36e: {  	[hbm4b:s3+s4] =	stream.indirect.scatter [tilespmem:s8], [sflag:$0x5], $0x1, s7, s4, $0xb8;
	[tilespmem:$0x1C480] =	vst v63  }
0x36f: {  	s0 =	ssub.s32 s13, s2;
	p0 =	sne.s32 s13, s2;
	s4 =	simm.s32 $0x1  }
0x370: {  	s29 =	sshra.s32 s0, $0x1F;
	s4 =	simm.s32 @!p0 $0x0  }
0x371: {  	s30 =	sand.u32 $0x3FFF, s0;
	s4 =	sor.u32 s4, s29  }
0x372: {  	p1 =	sne.s32 s30, $0x0;
	p6 =	sne.s32 s4, $0x1  }
0x373: {  	s31 =	sshrl.u32 s29, $0x12;
	p0 =	por !p1, !p6  }
0x374: {  	s7 =	simm.s32 $0x1;
	s4 =	sadd.s32 s31, s0;
	p0 =	por !p0, !p0  }
0x375: {  	s4 =	sshra.s32 s4, $0xE;
	s7 =	simm.s32 @!p0 $0x0  }
0x376: {  	s21 =	ssub.s32 s4, s7  }
0x377: {  	p0 =	slt.s32 s21, $0x1  }
.Ltmp10:
0x378: {  	_ = 	snop;
	(pc) =	sbr.rel @p0 .LBB2_20-.Ltmp10, $4  }
0x379: {  	_ = 	snop  }
0x37a: {  	_ =	swait.ge [sflag:s16], $0x10  }
0x37b: {  	[sflag:s16] =	ssyncset.done $0x0  }
0x37c: {  	[sflag:s16] =	ssyncadd.s32 $0xFFFFFFF0  }
0x37d: {  	p0 =	sne.s32 s21, $0x1  }
.Ltmp11:
0x37e: {  	s4 =	sshrl.u32 s2, $0x3;
	(pc) =	sbr.rel @!p0 .LBB2_19-.Ltmp11, $4  }
0x37f: {  	s22 =	sadd.s32 s4, s3  }
0x380: {  	[hbm4b:s22+s5] =	stream.linear.scatter [tilespmem:s24], [sflag:$0x5], $0x4000, $0x38;
	[tilespmem:$0x1C480] =	vst v63  }
0x381: {  	_ =	swait.ge [sflag:s16], $0x4000  }
0x382: {  	s23 =	sadd.s32 $0xFFFFFFFF, s21;
	[sflag:s16] =	ssyncset.done $0x0  }
.LBB2_18:
0x383: {  	p0 =	sne.s32 s23, $0x1;
	[sflag:s16] =	ssyncadd.s32 $0xFFFFC000;
	s22 =	sadd.s32 $0x800, s22  }
.Ltmp12:
0x384: {  	s23 =	sadd.s32 $0xFFFFFFFF, s23;
	(pc) =	sbr.rel @p0 .LBB2_18-.Ltmp12, $4  }
0x385: {  	_ = 	snop  }
0x386: {  	[hbm4b:s22+s5] =	stream.linear.scatter [tilespmem:s24], [sflag:$0x5], $0x4000, $0x38;
	[tilespmem:$0x1C480] =	vst v63  }
0x387: {  	_ =	swait.ge [sflag:s16], $0x4000  }
0x388: {  	[sflag:s16] =	ssyncset.done $0x0  }
.Ltmp13:
0x389: {  	_ = 	snop;
	(pc) =	sbr.rel .LBB2_19-.Ltmp13, $1  }
0x38a: {  	_ =	sdelay $0x3  }
.LBB2_22:
0x38b: {  	_ =	sfence.sel $0x180000  }
0x38c: {  	[bflag:$0x0] =	sbarrier.arrive $0xFFFF  }
0x38d: {  	_ =	strace $0x9000004A  }
0x38e: {  	s0 =	stileid.u32;
	[bflag:$0x2] =	sbarrier.arrive $0xFFFF  }
0x38f: {  	p0 =	sne.s32 s0, $0x0;
	s0 =	rddreg [dreg:$0x4]  }
0x390: {  	s0 =	sadd.s32 @!p0 $0x100000, s0  }
0x391: {  	[sflag:s0] =	ssyncadd.tile.s32 @!p0 $0x1;
	_ =	shalt  }
.Lfunc_end2:
_tile_overlayer_lowered:
.L_overlay_start_2:
0x392: {  	(tag) =	ssettag $0x2  }
0x393: {  	s0 =	rddreg [dreg:$0x0];
	s2 =	stileid.u32  }
0x394: {  	s1 =	rddreg [dreg:$0x1];
	p0 =	sne.s32 s2, $0x0  }
0x395: {  	s3 =	rddreg [dreg:$0x2];
	[bflag:$0x3] =	sbarrier.arrive $0xFFFF;
	s2 =	simm.s32 @!p0 $0x1C05  }
0x396: {  	[timem:s3], [sflag:s2] =	dma.local @!p0 [hbm:s0], s1  }
0x397: {  	s0 =	simm.s32 @!p0 $0x5  }
0x398: {  	_ =	swait.ge @!p0 [sflag:s0], s1  }
0x399: {  	s1 =	ssub.s32 @!p0 $0x0, s1;
	[sflag:s0] =	ssyncset.done @!p0 $0x0  }
0x39a: {  	[sflag:s0] =	ssyncadd.s32 @!p0 s1  }
0x39b: {  	[bflag:$0x3] =	sbarrier.arrive $0xFFFF  }
0x39c: {  	_ =	shalt  }

</sc_bundles>
